<compile_context>
chip_gen: v7x
topology: tpu7x:2x2x1
jax: 0.10.2.dev20260603
libtpu: 0.0.44.dev20260713+nightly
codegen_flags: <defaults>
</compile_context>

<pallas_src>
import functools

import jax
import jax.numpy as jnp
from jax import lax
from jax.experimental import pallas as pl
from jax.experimental.pallas import tpu as pltpu
from jax.experimental.pallas import tpu_sc as plsc

N = 10000
E = 160000
D = 256
H = D // 2

NC = 2
NS = 16
L = 16
CHUNK = 128
NCHUNK = E // CHUNK
MAXK = -(-NCHUNK // NS)
NROW = 3
NIDX = 6
UNROLL = 6
TRIPS = -(-(MAXK + 2) // UNROLL)
ROWS_PER_TILE = 624
TAIL_ROWS = N - NS * ROWS_PER_TILE


@functools.cache
def _make_sc_gather_scatter():
    mesh = plsc.VectorSubcoreMesh(
        core_axis_name="c", subcore_axis_name="s",
        num_cores=NC, num_subcores=NS)

    @functools.partial(
        pl.kernel,
        out_type=jax.ShapeDtypeStruct((NC, N, H), jnp.float32),
        mesh=mesh,
        scratch_types=[
            pltpu.VMEM((NIDX, 2, CHUNK), jnp.int32),
            pltpu.VMEM((NROW, CHUNK, H), jnp.float32),
            pltpu.VMEM_SHARED((N, H), jnp.float32),
        ] + [pltpu.SemaphoreType.DMA] * (NIDX + 2 * NROW),
    )
    def sc_gather_scatter(xv, ei_hbm, out_hbm, idx_v, rows_v, h_sp, *sems):
        cid = lax.axis_index("c")
        tid = lax.axis_index("s")
        isem = sems[:NIDX]
        gsem = sems[NIDX:NIDX + NROW]
        ssem = sems[NIDX + NROW:]
        def unit(i):
            return i * 2 + cid

        def valid(j):
            return tid + NS * j < NCHUNK

        def off(j):
            return (tid + NS * j) * CHUNK

        def fire_idx(j, u):
            pltpu.async_copy(ei_hbm.at[0, pl.ds(off(j), CHUNK)],
                             idx_v.at[u % NIDX, 0], isem[u % NIDX])
            pltpu.async_copy(ei_hbm.at[1, pl.ds(off(j), CHUNK)],
                             idx_v.at[u % NIDX, 1], isem[u % NIDX])

        def drain_idx(j, u):
            pltpu.make_async_copy(ei_hbm.at[0, pl.ds(off(j), CHUNK)],
                                  idx_v.at[u % NIDX, 0], isem[u % NIDX]).wait()
            pltpu.make_async_copy(ei_hbm.at[1, pl.ds(off(j), CHUNK)],
                                  idx_v.at[u % NIDX, 1], isem[u % NIDX]).wait()
            for c in range(CHUNK // L):
                sl = pl.ds(c * L, L)
                idx_v[u % NIDX, 0, sl] = unit(idx_v[u % NIDX, 0, sl])

        GS = CHUNK // 2

        def fire_gather(j, u):
            for g in range(2):
                pltpu.async_copy(
                    xv.at[idx_v.at[u % NIDX, 0, pl.ds(g * GS, GS)]],
                    rows_v.at[u % NROW, pl.ds(g * GS, GS)], gsem[u % NROW])

        def drain_gather(j, u):
            for g in range(2):
                pltpu.make_async_copy(
                    xv.at[idx_v.at[u % NIDX, 0, pl.ds(g * GS, GS)]],
                    rows_v.at[u % NROW, pl.ds(g * GS, GS)],
                    gsem[u % NROW]).wait()

        def fire_scatter(j, u):
            for g in range(2):
                pltpu.async_copy(
                    rows_v.at[u % NROW, pl.ds(g * GS, GS)],
                    h_sp.at[idx_v.at[u % NIDX, 1, pl.ds(g * GS, GS)]],
                    ssem[u % NROW], add=True)

        def drain_scatter(j, u):
            for g in range(2):
                pltpu.make_async_copy(
                    rows_v.at[u % NROW, pl.ds(g * GS, GS)],
                    h_sp.at[idx_v.at[u % NIDX, 1, pl.ds(g * GS, GS)]],
                    ssem[u % NROW]).wait()

        fire_idx(0, 0)
        fire_idx(1, 1)
        fire_idx(2, 2)

        def zbody(i, carry):
            for c in range(H // L):
                rows_v[0, i, pl.ds(c * L, L)] = jnp.zeros((L,), jnp.float32)
            return carry

        lax.fori_loop(0, CHUNK, zbody, 0)
        r0 = tid * ROWS_PER_TILE
        for p in range(ROWS_PER_TILE // CHUNK):
            pltpu.sync_copy(rows_v.at[0], h_sp.at[pl.ds(r0 + p * CHUNK, CHUNK)])
        rem = ROWS_PER_TILE % CHUNK
        pltpu.sync_copy(rows_v.at[0, pl.ds(0, rem)],
                        h_sp.at[pl.ds(r0 + ROWS_PER_TILE - rem, rem)])

        @pl.when(tid == NS - 1)
        def _():
            t0 = NS * ROWS_PER_TILE
            pltpu.sync_copy(rows_v.at[0, pl.ds(0, TAIL_ROWS)],
                            h_sp.at[pl.ds(t0, TAIL_ROWS)])

        plsc.subcore_barrier()

        drain_idx(0, 0)
        fire_gather(0, 0)
        drain_idx(1, 1)
        fire_gather(1, 1)

        def outer(q, carry):
            for u in range(UNROLL):
                j = q * UNROLL + u
                pl.when((j >= 1) & valid(j - 1))(
                    functools.partial(drain_scatter, j - 1, u - 1))
                pl.when(valid(j + 2))(
                    functools.partial(drain_idx, j + 2, u + 2))
                pl.when(valid(j + 2))(
                    functools.partial(fire_gather, j + 2, u + 2))
                pl.when(valid(j + 3))(
                    functools.partial(fire_idx, j + 3, u + 3))
                pl.when(valid(j))(
                    functools.partial(drain_gather, j, u))
                pl.when(valid(j))(
                    functools.partial(fire_scatter, j, u))
            return carry

        lax.fori_loop(0, TRIPS, outer, 0)
        plsc.subcore_barrier()
        pltpu.sync_copy(h_sp.at[pl.ds(r0, ROWS_PER_TILE)],
                        out_hbm.at[cid, pl.ds(r0, ROWS_PER_TILE)])

        @pl.when(tid == NS - 1)
        def _():
            t0 = NS * ROWS_PER_TILE
            pltpu.sync_copy(h_sp.at[pl.ds(t0, TAIL_ROWS)],
                            out_hbm.at[cid, pl.ds(t0, TAIL_ROWS)])

    return sc_gather_scatter


ROWS_BLK = 2000


def _mlp_body(x_ref, h2_ref, w1_ref, b1_ref, w2_ref, b2_ref, out_ref):
    h = x_ref[...] + jnp.concatenate([h2_ref[0], h2_ref[1]], axis=-1)
    z = lax.dot_general(h, w1_ref[...], (((1,), (1,)), ((), ())),
                        preferred_element_type=jnp.float32) + b1_ref[...]
    z = jnp.maximum(z, 0.0)
    out_ref[...] = lax.dot_general(z, w2_ref[...], (((1,), (1,)), ((), ())),
                                   preferred_element_type=jnp.float32) + b2_ref[...]


_mlp = pl.pallas_call(
    _mlp_body,
    grid=(N // ROWS_BLK,),
    in_specs=[
        pl.BlockSpec((ROWS_BLK, D), lambda i: (i, 0)),
        pl.BlockSpec((NC, ROWS_BLK, H), lambda i: (0, i, 0)),
        pl.BlockSpec((D, D), lambda i: (0, 0)),
        pl.BlockSpec((1, D), lambda i: (0, 0)),
        pl.BlockSpec((D, D), lambda i: (0, 0)),
        pl.BlockSpec((1, D), lambda i: (0, 0)),
    ],
    out_specs=pl.BlockSpec((ROWS_BLK, D), lambda i: (i, 0)),
    out_shape=jax.ShapeDtypeStruct((N, D), jnp.float32),
)


def kernel(x, edge_index, W1, b1, W2, b2):
    x2 = x.reshape(NC * N, H)
    h2 = _make_sc_gather_scatter()(x2, edge_index)
    return _mlp(x, h2, W1, b1.reshape(1, D), W2, b2.reshape(1, D))

# --- scband reference (transcript-rebuilt; emitter-appended) ---
"""Pipeline reference for scband-fallback-sumlayer-79474074845434 (READ-ONLY COPY).

The authoritative reference and input builder live on the scoring server;
editing this copy changes nothing except your own understanding.
"""

import jax, jax.numpy as jnp
import numpy as np

N_NODES = 10000
N_EDGES = 160000
D = 256

def setup_inputs(seed: int = 0) -> dict:
    key = jax.random.key(seed)
    ks = jax.random.split(key, 6)
    x = jax.random.normal(ks[0], (N_NODES, D), dtype=jnp.float32)
    edge_index = jax.random.randint(ks[1], (2, N_EDGES), 0, N_NODES, dtype=jnp.int32)
    # MLP params (Linear(D,D) -> ReLU -> Linear(D,D)); torch Linear: y = x @ W.T + b
    W1 = jax.random.normal(ks[2], (D, D), dtype=jnp.float32) * 0.05
    b1 = jnp.zeros((D,), dtype=jnp.float32)
    W2 = jax.random.normal(ks[3], (D, D), dtype=jnp.float32) * 0.05
    b2 = jnp.zeros((D,), dtype=jnp.float32)
    return {"x": x, "edge_index": edge_index, "W1": W1, "b1": b1, "W2": W2, "b2": b2}

def reference(x, edge_index, W1, b1, W2, b2):
    src = edge_index[0]
    dst = edge_index[1]
    # SUM aggregation: agg[dst] += x[src]
    agg = jnp.zeros_like(x).at[dst].add(x[src])
    h = x + agg
    h = jnp.maximum(h @ W1.T + b1, 0.0)
    out = h @ W2.T + b2
    return out

if __name__ == "__main__":
    import jax
    _d = setup_inputs()
    print(jax.jit(kernel)(*tuple(_d.values())))

</pallas_src>

<mosaic_0001>
#map = affine_map<(d0, d1) -> (0, 0)>
#map1 = affine_map<(d0, d1) -> (0, 0, 0)>
module attributes {stable_mosaic.version = 14 : i64} {
  func.func @sc_gather_scatter(%arg0: i32, %arg1: i32, %arg2: memref<20000x128xf32, #tpu.memory_space<hbm>>, %arg3: memref<2x160000xi32, #tpu.memory_space<hbm>>, %arg4: memref<2x10000x128xf32, #tpu.memory_space<hbm>>, %arg5: memref<6x2x128xi32, #tpu.memory_space<vmem>>, %arg6: memref<3x128x128xf32, #tpu.memory_space<vmem>>, %arg7: memref<10000x128xf32, #tpu.memory_space<vmem_shared>>, %arg8: memref<!tpu.dma_semaphore, #tpu.memory_space<semaphore_mem>>, %arg9: memref<!tpu.dma_semaphore, #tpu.memory_space<semaphore_mem>>, %arg10: memref<!tpu.dma_semaphore, #tpu.memory_space<semaphore_mem>>, %arg11: memref<!tpu.dma_semaphore, #tpu.memory_space<semaphore_mem>>, %arg12: memref<!tpu.dma_semaphore, #tpu.memory_space<semaphore_mem>>, %arg13: memref<!tpu.dma_semaphore, #tpu.memory_space<semaphore_mem>>, %arg14: memref<!tpu.dma_semaphore, #tpu.memory_space<semaphore_mem>>, %arg15: memref<!tpu.dma_semaphore, #tpu.memory_space<semaphore_mem>>, %arg16: memref<!tpu.dma_semaphore, #tpu.memory_space<semaphore_mem>>, %arg17: memref<!tpu.dma_semaphore, #tpu.memory_space<semaphore_mem>>, %arg18: memref<!tpu.dma_semaphore, #tpu.memory_space<semaphore_mem>>, %arg19: memref<!tpu.dma_semaphore, #tpu.memory_space<semaphore_mem>>) attributes {dimension_semantics = [#tpu.dimension_semantics<core_parallel>, #tpu.dimension_semantics<subcore_parallel>], iteration_bounds = array<i64: 2, 16>, scalar_prefetch = 0 : i64, scratch_operands = 15 : i64, tpu.core_type = #tpu.core_type<sc_vector_subcore>, window_params = [{transform_indices = #map}, {transform_indices = #map}, {transform_indices = #map1}]} {
    %add3A = arith.constant 0 : i32
    %add3A_0 = arith.addi %arg1, %add3A : i32
    %mul3A = arith.constant 128 : i32
    %mul3A_1 = arith.muli %add3A_0, %mul3A : i32
    %dma_start3A = arith.constant 0 : i32
    %dma_start3A_2 = arith.constant 0 : i32
    %dma_start3A_3 = arith.constant 0 : i32
    %dma_start3A_4 = arith.constant 0 : i32
    %dma_start3A_5 = tpu.memref_slice %arg5[%dma_start3A_2, %dma_start3A_3, %dma_start3A_4] : memref<6x2x128xi32, #tpu.memory_space<vmem>> -> memref<1x1x128xi32, #tpu.memory_space<vmem>>
    %dma_start3A_6 = tpu.memref_squeeze %dma_start3A_5 : memref<1x1x128xi32, #tpu.memory_space<vmem>> -> memref<128xi32, #tpu.memory_space<vmem>>
    %dma_start3A_7 = tpu.memref_slice %arg3[%dma_start3A, %mul3A_1] : memref<2x160000xi32, #tpu.memory_space<hbm>> -> memref<1x128xi32, #tpu.memory_space<hbm>>
    %dma_start3A_8 = tpu.memref_squeeze %dma_start3A_7 : memref<1x128xi32, #tpu.memory_space<hbm>> -> memref<128xi32, #tpu.memory_space<hbm>>
    %dma_start3A_9 = arith.constant 0 : i32
    %dma_start3A_10 = tpu.memref_slice %arg5[%dma_start3A_2, %dma_start3A_3, %dma_start3A_9] : memref<6x2x128xi32, #tpu.memory_space<vmem>> -> memref<1x1x128xi32, #tpu.memory_space<vmem>>
    %dma_start3A_11 = tpu.memref_squeeze %dma_start3A_10 : memref<1x1x128xi32, #tpu.memory_space<vmem>> -> memref<128xi32, #tpu.memory_space<vmem>>
    %dma_start3A_12 = tpu.memref_slice %arg3[%dma_start3A, %mul3A_1] : memref<2x160000xi32, #tpu.memory_space<hbm>> -> memref<1x128xi32, #tpu.memory_space<hbm>>
    %dma_start3A_13 = tpu.memref_squeeze %dma_start3A_12 : memref<1x128xi32, #tpu.memory_space<hbm>> -> memref<128xi32, #tpu.memory_space<hbm>>
    tpu.enqueue_dma source(%dma_start3A_13 : memref<128xi32, #tpu.memory_space<hbm>>) target(%dma_start3A_11 : memref<128xi32, #tpu.memory_space<vmem>>) target_semaphore(%arg8 : memref<!tpu.dma_semaphore, #tpu.memory_space<semaphore_mem>>)
    %add3A_14 = arith.constant 0 : i32
    %add3A_15 = arith.addi %arg1, %add3A_14 : i32
    %mul3A_16 = arith.constant 128 : i32
    %mul3A_17 = arith.muli %add3A_15, %mul3A_16 : i32
    %dma_start3A_18 = arith.constant 1 : i32
    %dma_start3A_19 = arith.constant 0 : i32
    %dma_start3A_20 = arith.constant 1 : i32
    %dma_start3A_21 = arith.constant 0 : i32
    %dma_start3A_22 = tpu.memref_slice %arg5[%dma_start3A_19, %dma_start3A_20, %dma_start3A_21] : memref<6x2x128xi32, #tpu.memory_space<vmem>> -> memref<1x1x128xi32, #tpu.memory_space<vmem>>
    %dma_start3A_23 = tpu.memref_squeeze %dma_start3A_22 : memref<1x1x128xi32, #tpu.memory_space<vmem>> -> memref<128xi32, #tpu.memory_space<vmem>>
    %dma_start3A_24 = tpu.memref_slice %arg3[%dma_start3A_18, %mul3A_17] : memref<2x160000xi32, #tpu.memory_space<hbm>> -> memref<1x128xi32, #tpu.memory_space<hbm>>
    %dma_start3A_25 = tpu.memref_squeeze %dma_start3A_24 : memref<1x128xi32, #tpu.memory_space<hbm>> -> memref<128xi32, #tpu.memory_space<hbm>>
    %dma_start3A_26 = arith.constant 0 : i32
    %dma_start3A_27 = tpu.memref_slice %arg5[%dma_start3A_19, %dma_start3A_20, %dma_start3A_26] : memref<6x2x128xi32, #tpu.memory_space<vmem>> -> memref<1x1x128xi32, #tpu.memory_space<vmem>>
    %dma_start3A_28 = tpu.memref_squeeze %dma_start3A_27 : memref<1x1x128xi32, #tpu.memory_space<vmem>> -> memref<128xi32, #tpu.memory_space<vmem>>
    %dma_start3A_29 = tpu.memref_slice %arg3[%dma_start3A_18, %mul3A_17] : memref<2x160000xi32, #tpu.memory_space<hbm>> -> memref<1x128xi32, #tpu.memory_space<hbm>>
    %dma_start3A_30 = tpu.memref_squeeze %dma_start3A_29 : memref<1x128xi32, #tpu.memory_space<hbm>> -> memref<128xi32, #tpu.memory_space<hbm>>
    tpu.enqueue_dma source(%dma_start3A_30 : memref<128xi32, #tpu.memory_space<hbm>>) target(%dma_start3A_28 : memref<128xi32, #tpu.memory_space<vmem>>) target_semaphore(%arg8 : memref<!tpu.dma_semaphore, #tpu.memory_space<semaphore_mem>>)
    %add3A_31 = arith.constant 16 : i32
    %add3A_32 = arith.addi %arg1, %add3A_31 : i32
    %mul3A_33 = arith.constant 128 : i32
    %mul3A_34 = arith.muli %add3A_32, %mul3A_33 : i32
    %dma_start3A_35 = arith.constant 0 : i32
    %dma_start3A_36 = arith.constant 1 : i32
    %dma_start3A_37 = arith.constant 0 : i32
    %dma_start3A_38 = arith.constant 0 : i32
    %dma_start3A_39 = tpu.memref_slice %arg5[%dma_start3A_36, %dma_start3A_37, %dma_start3A_38] : memref<6x2x128xi32, #tpu.memory_space<vmem>> -> memref<1x1x128xi32, #tpu.memory_space<vmem>>
    %dma_start3A_40 = tpu.memref_squeeze %dma_start3A_39 : memref<1x1x128xi32, #tpu.memory_space<vmem>> -> memref<128xi32, #tpu.memory_space<vmem>>
    %dma_start3A_41 = tpu.memref_slice %arg3[%dma_start3A_35, %mul3A_34] : memref<2x160000xi32, #tpu.memory_space<hbm>> -> memref<1x128xi32, #tpu.memory_space<hbm>>
    %dma_start3A_42 = tpu.memref_squeeze %dma_start3A_41 : memref<1x128xi32, #tpu.memory_space<hbm>> -> memref<128xi32, #tpu.memory_space<hbm>>
    %dma_start3A_43 = arith.constant 0 : i32
    %dma_start3A_44 = tpu.memref_slice %arg5[%dma_start3A_36, %dma_start3A_37, %dma_start3A_43] : memref<6x2x128xi32, #tpu.memory_space<vmem>> -> memref<1x1x128xi32, #tpu.memory_space<vmem>>
    %dma_start3A_45 = tpu.memref_squeeze %dma_start3A_44 : memref<1x1x128xi32, #tpu.memory_space<vmem>> -> memref<128xi32, #tpu.memory_space<vmem>>
    %dma_start3A_46 = tpu.memref_slice %arg3[%dma_start3A_35, %mul3A_34] : memref<2x160000xi32, #tpu.memory_space<hbm>> -> memref<1x128xi32, #tpu.memory_space<hbm>>
    %dma_start3A_47 = tpu.memref_squeeze %dma_start3A_46 : memref<1x128xi32, #tpu.memory_space<hbm>> -> memref<128xi32, #tpu.memory_space<hbm>>
    tpu.enqueue_dma source(%dma_start3A_47 : memref<128xi32, #tpu.memory_space<hbm>>) target(%dma_start3A_45 : memref<128xi32, #tpu.memory_space<vmem>>) target_semaphore(%arg9 : memref<!tpu.dma_semaphore, #tpu.memory_space<semaphore_mem>>)
    %add3A_48 = arith.constant 16 : i32
    %add3A_49 = arith.addi %arg1, %add3A_48 : i32
    %mul3A_50 = arith.constant 128 : i32
    %mul3A_51 = arith.muli %add3A_49, %mul3A_50 : i32
    %dma_start3A_52 = arith.constant 1 : i32
    %dma_start3A_53 = arith.constant 1 : i32
    %dma_start3A_54 = arith.constant 1 : i32
    %dma_start3A_55 = arith.constant 0 : i32
    %dma_start3A_56 = tpu.memref_slice %arg5[%dma_start3A_53, %dma_start3A_54, %dma_start3A_55] : memref<6x2x128xi32, #tpu.memory_space<vmem>> -> memref<1x1x128xi32, #tpu.memory_space<vmem>>
    %dma_start3A_57 = tpu.memref_squeeze %dma_start3A_56 : memref<1x1x128xi32, #tpu.memory_space<vmem>> -> memref<128xi32, #tpu.memory_space<vmem>>
    %dma_start3A_58 = tpu.memref_slice %arg3[%dma_start3A_52, %mul3A_51] : memref<2x160000xi32, #tpu.memory_space<hbm>> -> memref<1x128xi32, #tpu.memory_space<hbm>>
    %dma_start3A_59 = tpu.memref_squeeze %dma_start3A_58 : memref<1x128xi32, #tpu.memory_space<hbm>> -> memref<128xi32, #tpu.memory_space<hbm>>
    %dma_start3A_60 = arith.constant 0 : i32
    %dma_start3A_61 = tpu.memref_slice %arg5[%dma_start3A_53, %dma_start3A_54, %dma_start3A_60] : memref<6x2x128xi32, #tpu.memory_space<vmem>> -> memref<1x1x128xi32, #tpu.memory_space<vmem>>
    %dma_start3A_62 = tpu.memref_squeeze %dma_start3A_61 : memref<1x1x128xi32, #tpu.memory_space<vmem>> -> memref<128xi32, #tpu.memory_space<vmem>>
    %dma_start3A_63 = tpu.memref_slice %arg3[%dma_start3A_52, %mul3A_51] : memref<2x160000xi32, #tpu.memory_space<hbm>> -> memref<1x128xi32, #tpu.memory_space<hbm>>
    %dma_start3A_64 = tpu.memref_squeeze %dma_start3A_63 : memref<1x128xi32, #tpu.memory_space<hbm>> -> memref<128xi32, #tpu.memory_space<hbm>>
    tpu.enqueue_dma source(%dma_start3A_64 : memref<128xi32, #tpu.memory_space<hbm>>) target(%dma_start3A_62 : memref<128xi32, #tpu.memory_space<vmem>>) target_semaphore(%arg9 : memref<!tpu.dma_semaphore, #tpu.memory_space<semaphore_mem>>)
    %add3A_65 = arith.constant 32 : i32
    %add3A_66 = arith.addi %arg1, %add3A_65 : i32
    %mul3A_67 = arith.constant 128 : i32
    %mul3A_68 = arith.muli %add3A_66, %mul3A_67 : i32
    %dma_start3A_69 = arith.constant 0 : i32
    %dma_start3A_70 = arith.constant 2 : i32
    %dma_start3A_71 = arith.constant 0 : i32
    %dma_start3A_72 = arith.constant 0 : i32
    %dma_start3A_73 = tpu.memref_slice %arg5[%dma_start3A_70, %dma_start3A_71, %dma_start3A_72] : memref<6x2x128xi32, #tpu.memory_space<vmem>> -> memref<1x1x128xi32, #tpu.memory_space<vmem>>
    %dma_start3A_74 = tpu.memref_squeeze %dma_start3A_73 : memref<1x1x128xi32, #tpu.memory_space<vmem>> -> memref<128xi32, #tpu.memory_space<vmem>>
    %dma_start3A_75 = tpu.memref_slice %arg3[%dma_start3A_69, %mul3A_68] : memref<2x160000xi32, #tpu.memory_space<hbm>> -> memref<1x128xi32, #tpu.memory_space<hbm>>
    %dma_start3A_76 = tpu.memref_squeeze %dma_start3A_75 : memref<1x128xi32, #tpu.memory_space<hbm>> -> memref<128xi32, #tpu.memory_space<hbm>>
    %dma_start3A_77 = arith.constant 0 : i32
    %dma_start3A_78 = tpu.memref_slice %arg5[%dma_start3A_70, %dma_start3A_71, %dma_start3A_77] : memref<6x2x128xi32, #tpu.memory_space<vmem>> -> memref<1x1x128xi32, #tpu.memory_space<vmem>>
    %dma_start3A_79 = tpu.memref_squeeze %dma_start3A_78 : memref<1x1x128xi32, #tpu.memory_space<vmem>> -> memref<128xi32, #tpu.memory_space<vmem>>
    %dma_start3A_80 = tpu.memref_slice %arg3[%dma_start3A_69, %mul3A_68] : memref<2x160000xi32, #tpu.memory_space<hbm>> -> memref<1x128xi32, #tpu.memory_space<hbm>>
    %dma_start3A_81 = tpu.memref_squeeze %dma_start3A_80 : memref<1x128xi32, #tpu.memory_space<hbm>> -> memref<128xi32, #tpu.memory_space<hbm>>
    tpu.enqueue_dma source(%dma_start3A_81 : memref<128xi32, #tpu.memory_space<hbm>>) target(%dma_start3A_79 : memref<128xi32, #tpu.memory_space<vmem>>) target_semaphore(%arg10 : memref<!tpu.dma_semaphore, #tpu.memory_space<semaphore_mem>>)
    %add3A_82 = arith.constant 32 : i32
    %add3A_83 = arith.addi %arg1, %add3A_82 : i32
    %mul3A_84 = arith.constant 128 : i32
    %mul3A_85 = arith.muli %add3A_83, %mul3A_84 : i32
    %dma_start3A_86 = arith.constant 1 : i32
    %dma_start3A_87 = arith.constant 2 : i32
    %dma_start3A_88 = arith.constant 1 : i32
    %dma_start3A_89 = arith.constant 0 : i32
    %dma_start3A_90 = tpu.memref_slice %arg5[%dma_start3A_87, %dma_start3A_88, %dma_start3A_89] : memref<6x2x128xi32, #tpu.memory_space<vmem>> -> memref<1x1x128xi32, #tpu.memory_space<vmem>>
    %dma_start3A_91 = tpu.memref_squeeze %dma_start3A_90 : memref<1x1x128xi32, #tpu.memory_space<vmem>> -> memref<128xi32, #tpu.memory_space<vmem>>
    %dma_start3A_92 = tpu.memref_slice %arg3[%dma_start3A_86, %mul3A_85] : memref<2x160000xi32, #tpu.memory_space<hbm>> -> memref<1x128xi32, #tpu.memory_space<hbm>>
    %dma_start3A_93 = tpu.memref_squeeze %dma_start3A_92 : memref<1x128xi32, #tpu.memory_space<hbm>> -> memref<128xi32, #tpu.memory_space<hbm>>
    %dma_start3A_94 = arith.constant 0 : i32
    %dma_start3A_95 = tpu.memref_slice %arg5[%dma_start3A_87, %dma_start3A_88, %dma_start3A_94] : memref<6x2x128xi32, #tpu.memory_space<vmem>> -> memref<1x1x128xi32, #tpu.memory_space<vmem>>
    %dma_start3A_96 = tpu.memref_squeeze %dma_start3A_95 : memref<1x1x128xi32, #tpu.memory_space<vmem>> -> memref<128xi32, #tpu.memory_space<vmem>>
    %dma_start3A_97 = tpu.memref_slice %arg3[%dma_start3A_86, %mul3A_85] : memref<2x160000xi32, #tpu.memory_space<hbm>> -> memref<1x128xi32, #tpu.memory_space<hbm>>
    %dma_start3A_98 = tpu.memref_squeeze %dma_start3A_97 : memref<1x128xi32, #tpu.memory_space<hbm>> -> memref<128xi32, #tpu.memory_space<hbm>>
    tpu.enqueue_dma source(%dma_start3A_98 : memref<128xi32, #tpu.memory_space<hbm>>) target(%dma_start3A_96 : memref<128xi32, #tpu.memory_space<vmem>>) target_semaphore(%arg10 : memref<!tpu.dma_semaphore, #tpu.memory_space<semaphore_mem>>)
    %scan3A = arith.constant 0 : i32
    %scan3A_99 = arith.constant 0 : i32
    %scan3A_100 = arith.constant 128 : i32
    %scan3A_101 = arith.addi %scan3A_99, %scan3A_100 : i32
    %scan3A_102 = arith.constant 1 : i32
    scf.for %scan3A_572 = %scan3A_99 to %scan3A_101 step %scan3A_102  : i32 {
      %broadcast_in_dim3A = arith.constant 0.000000e+00 : f32
      %broadcast_in_dim3A_573 = vector.broadcast %broadcast_in_dim3A : f32 to vector<16xf32>
      %swap3A_574 = arith.constant 0 : i32
      %swap3A_575 = arith.index_cast %swap3A_574 : i32 to index
      %swap3A_576 = arith.index_cast %scan3A_572 : i32 to index
      %swap3A_577 = arith.constant 0 : index
      %swap3A_578 = tpu.vector_load %arg6[%swap3A_575, %swap3A_576, %swap3A_577] {strides = array<i32>} : memref<3x128x128xf32, #tpu.memory_space<vmem>>, vector<1x1x16xf32>,
      %swap3A_579 = vector.shape_cast %swap3A_578 : vector<1x1x16xf32> to vector<16xf32>
      %swap3A_580 = vector.shape_cast %broadcast_in_dim3A_573 : vector<16xf32> to vector<1x1x16xf32>
      tpu.vector_store %arg6[%swap3A_575, %swap3A_576, %swap3A_577], %swap3A_580 {strides = array<i32>} : memref<3x128x128xf32, #tpu.memory_space<vmem>>, vector<1x1x16xf32>,
      %broadcast_in_dim3A_581 = arith.constant 0.000000e+00 : f32
      %broadcast_in_dim3A_582 = vector.broadcast %broadcast_in_dim3A_581 : f32 to vector<16xf32>
      %swap3A_583 = arith.constant 0 : i32
      %swap3A_584 = arith.index_cast %swap3A_583 : i32 to index
      %swap3A_585 = arith.index_cast %scan3A_572 : i32 to index
      %swap3A_586 = arith.constant 16 : index
      %swap3A_587 = tpu.vector_load %arg6[%swap3A_584, %swap3A_585, %swap3A_586] {strides = array<i32>} : memref<3x128x128xf32, #tpu.memory_space<vmem>>, vector<1x1x16xf32>,
      %swap3A_588 = vector.shape_cast %swap3A_587 : vector<1x1x16xf32> to vector<16xf32>
      %swap3A_589 = vector.shape_cast %broadcast_in_dim3A_582 : vector<16xf32> to vector<1x1x16xf32>
      tpu.vector_store %arg6[%swap3A_584, %swap3A_585, %swap3A_586], %swap3A_589 {strides = array<i32>} : memref<3x128x128xf32, #tpu.memory_space<vmem>>, vector<1x1x16xf32>,
      %broadcast_in_dim3A_590 = arith.constant 0.000000e+00 : f32
      %broadcast_in_dim3A_591 = vector.broadcast %broadcast_in_dim3A_590 : f32 to vector<16xf32>
      %swap3A_592 = arith.constant 0 : i32
      %swap3A_593 = arith.index_cast %swap3A_592 : i32 to index
      %swap3A_594 = arith.index_cast %scan3A_572 : i32 to index
      %swap3A_595 = arith.constant 32 : index
      %swap3A_596 = tpu.vector_load %arg6[%swap3A_593, %swap3A_594, %swap3A_595] {strides = array<i32>} : memref<3x128x128xf32, #tpu.memory_space<vmem>>, vector<1x1x16xf32>,
      %swap3A_597 = vector.shape_cast %swap3A_596 : vector<1x1x16xf32> to vector<16xf32>
      %swap3A_598 = vector.shape_cast %broadcast_in_dim3A_591 : vector<16xf32> to vector<1x1x16xf32>
      tpu.vector_store %arg6[%swap3A_593, %swap3A_594, %swap3A_595], %swap3A_598 {strides = array<i32>} : memref<3x128x128xf32, #tpu.memory_space<vmem>>, vector<1x1x16xf32>,
      %broadcast_in_dim3A_599 = arith.constant 0.000000e+00 : f32
      %broadcast_in_dim3A_600 = vector.broadcast %broadcast_in_dim3A_599 : f32 to vector<16xf32>
      %swap3A_601 = arith.constant 0 : i32
      %swap3A_602 = arith.index_cast %swap3A_601 : i32 to index
      %swap3A_603 = arith.index_cast %scan3A_572 : i32 to index
      %swap3A_604 = arith.constant 48 : index
      %swap3A_605 = tpu.vector_load %arg6[%swap3A_602, %swap3A_603, %swap3A_604] {strides = array<i32>} : memref<3x128x128xf32, #tpu.memory_space<vmem>>, vector<1x1x16xf32>,
      %swap3A_606 = vector.shape_cast %swap3A_605 : vector<1x1x16xf32> to vector<16xf32>
      %swap3A_607 = vector.shape_cast %broadcast_in_dim3A_600 : vector<16xf32> to vector<1x1x16xf32>
      tpu.vector_store %arg6[%swap3A_602, %swap3A_603, %swap3A_604], %swap3A_607 {strides = array<i32>} : memref<3x128x128xf32, #tpu.memory_space<vmem>>, vector<1x1x16xf32>,
      %broadcast_in_dim3A_608 = arith.constant 0.000000e+00 : f32
      %broadcast_in_dim3A_609 = vector.broadcast %broadcast_in_dim3A_608 : f32 to vector<16xf32>
      %swap3A_610 = arith.constant 0 : i32
      %swap3A_611 = arith.index_cast %swap3A_610 : i32 to index
      %swap3A_612 = arith.index_cast %scan3A_572 : i32 to index
      %swap3A_613 = arith.constant 64 : index
      %swap3A_614 = tpu.vector_load %arg6[%swap3A_611, %swap3A_612, %swap3A_613] {strides = array<i32>} : memref<3x128x128xf32, #tpu.memory_space<vmem>>, vector<1x1x16xf32>,
      %swap3A_615 = vector.shape_cast %swap3A_614 : vector<1x1x16xf32> to vector<16xf32>
      %swap3A_616 = vector.shape_cast %broadcast_in_dim3A_609 : vector<16xf32> to vector<1x1x16xf32>
      tpu.vector_store %arg6[%swap3A_611, %swap3A_612, %swap3A_613], %swap3A_616 {strides = array<i32>} : memref<3x128x128xf32, #tpu.memory_space<vmem>>, vector<1x1x16xf32>,
      %broadcast_in_dim3A_617 = arith.constant 0.000000e+00 : f32
      %broadcast_in_dim3A_618 = vector.broadcast %broadcast_in_dim3A_617 : f32 to vector<16xf32>
      %swap3A_619 = arith.constant 0 : i32
      %swap3A_620 = arith.index_cast %swap3A_619 : i32 to index
      %swap3A_621 = arith.index_cast %scan3A_572 : i32 to index
      %swap3A_622 = arith.constant 80 : index
      %swap3A_623 = tpu.vector_load %arg6[%swap3A_620, %swap3A_621, %swap3A_622] {strides = array<i32>} : memref<3x128x128xf32, #tpu.memory_space<vmem>>, vector<1x1x16xf32>,
      %swap3A_624 = vector.shape_cast %swap3A_623 : vector<1x1x16xf32> to vector<16xf32>
      %swap3A_625 = vector.shape_cast %broadcast_in_dim3A_618 : vector<16xf32> to vector<1x1x16xf32>
      tpu.vector_store %arg6[%swap3A_620, %swap3A_621, %swap3A_622], %swap3A_625 {strides = array<i32>} : memref<3x128x128xf32, #tpu.memory_space<vmem>>, vector<1x1x16xf32>,
      %broadcast_in_dim3A_626 = arith.constant 0.000000e+00 : f32
      %broadcast_in_dim3A_627 = vector.broadcast %broadcast_in_dim3A_626 : f32 to vector<16xf32>
      %swap3A_628 = arith.constant 0 : i32
      %swap3A_629 = arith.index_cast %swap3A_628 : i32 to index
      %swap3A_630 = arith.index_cast %scan3A_572 : i32 to index
      %swap3A_631 = arith.constant 96 : index
      %swap3A_632 = tpu.vector_load %arg6[%swap3A_629, %swap3A_630, %swap3A_631] {strides = array<i32>} : memref<3x128x128xf32, #tpu.memory_space<vmem>>, vector<1x1x16xf32>,
      %swap3A_633 = vector.shape_cast %swap3A_632 : vector<1x1x16xf32> to vector<16xf32>
      %swap3A_634 = vector.shape_cast %broadcast_in_dim3A_627 : vector<16xf32> to vector<1x1x16xf32>
      tpu.vector_store %arg6[%swap3A_629, %swap3A_630, %swap3A_631], %swap3A_634 {strides = array<i32>} : memref<3x128x128xf32, #tpu.memory_space<vmem>>, vector<1x1x16xf32>,
      %broadcast_in_dim3A_635 = arith.constant 0.000000e+00 : f32
      %broadcast_in_dim3A_636 = vector.broadcast %broadcast_in_dim3A_635 : f32 to vector<16xf32>
      %swap3A_637 = arith.constant 0 : i32
      %swap3A_638 = arith.index_cast %swap3A_637 : i32 to index
      %swap3A_639 = arith.index_cast %scan3A_572 : i32 to index
      %swap3A_640 = arith.constant 112 : index
      %swap3A_641 = tpu.vector_load %arg6[%swap3A_638, %swap3A_639, %swap3A_640] {strides = array<i32>} : memref<3x128x128xf32, #tpu.memory_space<vmem>>, vector<1x1x16xf32>,
      %swap3A_642 = vector.shape_cast %swap3A_641 : vector<1x1x16xf32> to vector<16xf32>
      %swap3A_643 = vector.shape_cast %broadcast_in_dim3A_636 : vector<16xf32> to vector<1x1x16xf32>
      tpu.vector_store %arg6[%swap3A_638, %swap3A_639, %swap3A_640], %swap3A_643 {strides = array<i32>} : memref<3x128x128xf32, #tpu.memory_space<vmem>>, vector<1x1x16xf32>,
    }
    %scan3A_103 = arith.constant 128 : i32
    %mul3A_104 = arith.constant 624 : i32
    %mul3A_105 = arith.muli %arg1, %mul3A_104 : i32
    %add3A_106 = arith.constant 0 : i32
    %add3A_107 = arith.addi %mul3A_105, %add3A_106 : i32
    %run_scoped3A = arith.constant 0 : i32
    "tpu.region"() ({
      %run_scoped3A_572 = tpu.sem_alloc : memref<!tpu.dma_semaphore, #tpu.memory_space<semaphore_mem>>
      %dma_start3A_573 = arith.constant 0 : i32
      %dma_start3A_574 = arith.constant 0 : i32
      %dma_start3A_575 = tpu.memref_slice %arg6[%run_scoped3A, %dma_start3A_573, %dma_start3A_574] : memref<3x128x128xf32, #tpu.memory_space<vmem>> -> memref<1x128x128xf32, #tpu.memory_space<vmem>>
      %dma_start3A_576 = tpu.memref_squeeze %dma_start3A_575 : memref<1x128x128xf32, #tpu.memory_space<vmem>> -> memref<128x128xf32, #tpu.memory_space<vmem>>
      %dma_start3A_577 = arith.constant 0 : i32
      %dma_start3A_578 = tpu.memref_slice %arg7[%add3A_107, %dma_start3A_577] : memref<10000x128xf32, #tpu.memory_space<vmem_shared>> -> memref<128x128xf32, #tpu.memory_space<vmem_shared>>
      %dma_start3A_579 = arith.constant 0 : i32
      %dma_start3A_580 = tpu.memref_slice %arg7[%add3A_107, %dma_start3A_579] : memref<10000x128xf32, #tpu.memory_space<vmem_shared>> -> memref<128x128xf32, #tpu.memory_space<vmem_shared>>
      %dma_start3A_581 = arith.constant 0 : i32
      %dma_start3A_582 = arith.constant 0 : i32
      %dma_start3A_583 = tpu.memref_slice %arg6[%run_scoped3A, %dma_start3A_581, %dma_start3A_582] : memref<3x128x128xf32, #tpu.memory_space<vmem>> -> memref<1x128x128xf32, #tpu.memory_space<vmem>>
      %dma_start3A_584 = tpu.memref_squeeze %dma_start3A_583 : memref<1x128x128xf32, #tpu.memory_space<vmem>> -> memref<128x128xf32, #tpu.memory_space<vmem>>
      tpu.enqueue_dma source(%dma_start3A_584 : memref<128x128xf32, #tpu.memory_space<vmem>>) target(%dma_start3A_580 : memref<128x128xf32, #tpu.memory_space<vmem_shared>>) target_semaphore(%run_scoped3A_572 : memref<!tpu.dma_semaphore, #tpu.memory_space<semaphore_mem>>)
      %dma_wait3A_585 = arith.constant 0 : i32
      %dma_wait3A_586 = arith.constant 0 : i32
      %dma_wait3A_587 = tpu.memref_slice %arg6[%run_scoped3A, %dma_wait3A_585, %dma_wait3A_586] : memref<3x128x128xf32, #tpu.memory_space<vmem>> -> memref<1x128x128xf32, #tpu.memory_space<vmem>>
      %dma_wait3A_588 = tpu.memref_squeeze %dma_wait3A_587 : memref<1x128x128xf32, #tpu.memory_space<vmem>> -> memref<128x128xf32, #tpu.memory_space<vmem>>
      %dma_wait3A_589 = arith.constant 0 : i32
      %dma_wait3A_590 = tpu.memref_slice %arg7[%add3A_107, %dma_wait3A_589] : memref<10000x128xf32, #tpu.memory_space<vmem_shared>> -> memref<128x128xf32, #tpu.memory_space<vmem_shared>>
      %dma_wait3A_591 = arith.constant 0 : i32
      %dma_wait3A_592 = tpu.memref_slice %arg7[%add3A_107, %dma_wait3A_591] : memref<10000x128xf32, #tpu.memory_space<vmem_shared>> -> memref<128x128xf32, #tpu.memory_space<vmem_shared>>
      %dma_wait3A_593 = arith.constant 0 : i32
      %dma_wait3A_594 = arith.constant 0 : i32
      %dma_wait3A_595 = tpu.memref_slice %arg6[%run_scoped3A, %dma_wait3A_593, %dma_wait3A_594] : memref<3x128x128xf32, #tpu.memory_space<vmem>> -> memref<1x128x128xf32, #tpu.memory_space<vmem>>
      %dma_wait3A_596 = tpu.memref_squeeze %dma_wait3A_595 : memref<1x128x128xf32, #tpu.memory_space<vmem>> -> memref<128x128xf32, #tpu.memory_space<vmem>>
      tpu.wait_dma2 semaphore(%run_scoped3A_572 : memref<!tpu.dma_semaphore, #tpu.memory_space<semaphore_mem>>) src(%dma_wait3A_596 : memref<128x128xf32, #tpu.memory_space<vmem>>) dst(%dma_wait3A_592 : memref<128x128xf32, #tpu.memory_space<vmem_shared>>)
      tpu.yield
    }) : () -> ()
    %add3A_108 = arith.constant 128 : i32
    %add3A_109 = arith.addi %mul3A_105, %add3A_108 : i32
    %run_scoped3A_110 = arith.constant 0 : i32
    "tpu.region"() ({
      %run_scoped3A_572 = tpu.sem_alloc : memref<!tpu.dma_semaphore, #tpu.memory_space<semaphore_mem>>
      %dma_start3A_573 = arith.constant 0 : i32
      %dma_start3A_574 = arith.constant 0 : i32
      %dma_start3A_575 = tpu.memref_slice %arg6[%run_scoped3A_110, %dma_start3A_573, %dma_start3A_574] : memref<3x128x128xf32, #tpu.memory_space<vmem>> -> memref<1x128x128xf32, #tpu.memory_space<vmem>>
      %dma_start3A_576 = tpu.memref_squeeze %dma_start3A_575 : memref<1x128x128xf32, #tpu.memory_space<vmem>> -> memref<128x128xf32, #tpu.memory_space<vmem>>
      %dma_start3A_577 = arith.constant 0 : i32
      %dma_start3A_578 = tpu.memref_slice %arg7[%add3A_109, %dma_start3A_577] : memref<10000x128xf32, #tpu.memory_space<vmem_shared>> -> memref<128x128xf32, #tpu.memory_space<vmem_shared>>
      %dma_start3A_579 = arith.constant 0 : i32
      %dma_start3A_580 = tpu.memref_slice %arg7[%add3A_109, %dma_start3A_579] : memref<10000x128xf32, #tpu.memory_space<vmem_shared>> -> memref<128x128xf32, #tpu.memory_space<vmem_shared>>
      %dma_start3A_581 = arith.constant 0 : i32
      %dma_start3A_582 = arith.constant 0 : i32
      %dma_start3A_583 = tpu.memref_slice %arg6[%run_scoped3A_110, %dma_start3A_581, %dma_start3A_582] : memref<3x128x128xf32, #tpu.memory_space<vmem>> -> memref<1x128x128xf32, #tpu.memory_space<vmem>>
      %dma_start3A_584 = tpu.memref_squeeze %dma_start3A_583 : memref<1x128x128xf32, #tpu.memory_space<vmem>> -> memref<128x128xf32, #tpu.memory_space<vmem>>
      tpu.enqueue_dma source(%dma_start3A_584 : memref<128x128xf32, #tpu.memory_space<vmem>>) target(%dma_start3A_580 : memref<128x128xf32, #tpu.memory_space<vmem_shared>>) target_semaphore(%run_scoped3A_572 : memref<!tpu.dma_semaphore, #tpu.memory_space<semaphore_mem>>)
      %dma_wait3A_585 = arith.constant 0 : i32
      %dma_wait3A_586 = arith.constant 0 : i32
      %dma_wait3A_587 = tpu.memref_slice %arg6[%run_scoped3A_110, %dma_wait3A_585, %dma_wait3A_586] : memref<3x128x128xf32, #tpu.memory_space<vmem>> -> memref<1x128x128xf32, #tpu.memory_space<vmem>>
      %dma_wait3A_588 = tpu.memref_squeeze %dma_wait3A_587 : memref<1x128x128xf32, #tpu.memory_space<vmem>> -> memref<128x128xf32, #tpu.memory_space<vmem>>
      %dma_wait3A_589 = arith.constant 0 : i32
      %dma_wait3A_590 = tpu.memref_slice %arg7[%add3A_109, %dma_wait3A_589] : memref<10000x128xf32, #tpu.memory_space<vmem_shared>> -> memref<128x128xf32, #tpu.memory_space<vmem_shared>>
      %dma_wait3A_591 = arith.constant 0 : i32
      %dma_wait3A_592 = tpu.memref_slice %arg7[%add3A_109, %dma_wait3A_591] : memref<10000x128xf32, #tpu.memory_space<vmem_shared>> -> memref<128x128xf32, #tpu.memory_space<vmem_shared>>
      %dma_wait3A_593 = arith.constant 0 : i32
      %dma_wait3A_594 = arith.constant 0 : i32
      %dma_wait3A_595 = tpu.memref_slice %arg6[%run_scoped3A_110, %dma_wait3A_593, %dma_wait3A_594] : memref<3x128x128xf32, #tpu.memory_space<vmem>> -> memref<1x128x128xf32, #tpu.memory_space<vmem>>
      %dma_wait3A_596 = tpu.memref_squeeze %dma_wait3A_595 : memref<1x128x128xf32, #tpu.memory_space<vmem>> -> memref<128x128xf32, #tpu.memory_space<vmem>>
      tpu.wait_dma2 semaphore(%run_scoped3A_572 : memref<!tpu.dma_semaphore, #tpu.memory_space<semaphore_mem>>) src(%dma_wait3A_596 : memref<128x128xf32, #tpu.memory_space<vmem>>) dst(%dma_wait3A_592 : memref<128x128xf32, #tpu.memory_space<vmem_shared>>)
      tpu.yield
    }) : () -> ()
    %add3A_111 = arith.constant 256 : i32
    %add3A_112 = arith.addi %mul3A_105, %add3A_111 : i32
    %run_scoped3A_113 = arith.constant 0 : i32
    "tpu.region"() ({
      %run_scoped3A_572 = tpu.sem_alloc : memref<!tpu.dma_semaphore, #tpu.memory_space<semaphore_mem>>
      %dma_start3A_573 = arith.constant 0 : i32
      %dma_start3A_574 = arith.constant 0 : i32
      %dma_start3A_575 = tpu.memref_slice %arg6[%run_scoped3A_113, %dma_start3A_573, %dma_start3A_574] : memref<3x128x128xf32, #tpu.memory_space<vmem>> -> memref<1x128x128xf32, #tpu.memory_space<vmem>>
      %dma_start3A_576 = tpu.memref_squeeze %dma_start3A_575 : memref<1x128x128xf32, #tpu.memory_space<vmem>> -> memref<128x128xf32, #tpu.memory_space<vmem>>
      %dma_start3A_577 = arith.constant 0 : i32
      %dma_start3A_578 = tpu.memref_slice %arg7[%add3A_112, %dma_start3A_577] : memref<10000x128xf32, #tpu.memory_space<vmem_shared>> -> memref<128x128xf32, #tpu.memory_space<vmem_shared>>
      %dma_start3A_579 = arith.constant 0 : i32
      %dma_start3A_580 = tpu.memref_slice %arg7[%add3A_112, %dma_start3A_579] : memref<10000x128xf32, #tpu.memory_space<vmem_shared>> -> memref<128x128xf32, #tpu.memory_space<vmem_shared>>
      %dma_start3A_581 = arith.constant 0 : i32
      %dma_start3A_582 = arith.constant 0 : i32
      %dma_start3A_583 = tpu.memref_slice %arg6[%run_scoped3A_113, %dma_start3A_581, %dma_start3A_582] : memref<3x128x128xf32, #tpu.memory_space<vmem>> -> memref<1x128x128xf32, #tpu.memory_space<vmem>>
      %dma_start3A_584 = tpu.memref_squeeze %dma_start3A_583 : memref<1x128x128xf32, #tpu.memory_space<vmem>> -> memref<128x128xf32, #tpu.memory_space<vmem>>
      tpu.enqueue_dma source(%dma_start3A_584 : memref<128x128xf32, #tpu.memory_space<vmem>>) target(%dma_start3A_580 : memref<128x128xf32, #tpu.memory_space<vmem_shared>>) target_semaphore(%run_scoped3A_572 : memref<!tpu.dma_semaphore, #tpu.memory_space<semaphore_mem>>)
      %dma_wait3A_585 = arith.constant 0 : i32
      %dma_wait3A_586 = arith.constant 0 : i32
      %dma_wait3A_587 = tpu.memref_slice %arg6[%run_scoped3A_113, %dma_wait3A_585, %dma_wait3A_586] : memref<3x128x128xf32, #tpu.memory_space<vmem>> -> memref<1x128x128xf32, #tpu.memory_space<vmem>>
      %dma_wait3A_588 = tpu.memref_squeeze %dma_wait3A_587 : memref<1x128x128xf32, #tpu.memory_space<vmem>> -> memref<128x128xf32, #tpu.memory_space<vmem>>
      %dma_wait3A_589 = arith.constant 0 : i32
      %dma_wait3A_590 = tpu.memref_slice %arg7[%add3A_112, %dma_wait3A_589] : memref<10000x128xf32, #tpu.memory_space<vmem_shared>> -> memref<128x128xf32, #tpu.memory_space<vmem_shared>>
      %dma_wait3A_591 = arith.constant 0 : i32
      %dma_wait3A_592 = tpu.memref_slice %arg7[%add3A_112, %dma_wait3A_591] : memref<10000x128xf32, #tpu.memory_space<vmem_shared>> -> memref<128x128xf32, #tpu.memory_space<vmem_shared>>
      %dma_wait3A_593 = arith.constant 0 : i32
      %dma_wait3A_594 = arith.constant 0 : i32
      %dma_wait3A_595 = tpu.memref_slice %arg6[%run_scoped3A_113, %dma_wait3A_593, %dma_wait3A_594] : memref<3x128x128xf32, #tpu.memory_space<vmem>> -> memref<1x128x128xf32, #tpu.memory_space<vmem>>
      %dma_wait3A_596 = tpu.memref_squeeze %dma_wait3A_595 : memref<1x128x128xf32, #tpu.memory_space<vmem>> -> memref<128x128xf32, #tpu.memory_space<vmem>>
      tpu.wait_dma2 semaphore(%run_scoped3A_572 : memref<!tpu.dma_semaphore, #tpu.memory_space<semaphore_mem>>) src(%dma_wait3A_596 : memref<128x128xf32, #tpu.memory_space<vmem>>) dst(%dma_wait3A_592 : memref<128x128xf32, #tpu.memory_space<vmem_shared>>)
      tpu.yield
    }) : () -> ()
    %add3A_114 = arith.constant 384 : i32
    %add3A_115 = arith.addi %mul3A_105, %add3A_114 : i32
    %run_scoped3A_116 = arith.constant 0 : i32
    "tpu.region"() ({
      %run_scoped3A_572 = tpu.sem_alloc : memref<!tpu.dma_semaphore, #tpu.memory_space<semaphore_mem>>
      %dma_start3A_573 = arith.constant 0 : i32
      %dma_start3A_574 = arith.constant 0 : i32
      %dma_start3A_575 = tpu.memref_slice %arg6[%run_scoped3A_116, %dma_start3A_573, %dma_start3A_574] : memref<3x128x128xf32, #tpu.memory_space<vmem>> -> memref<1x128x128xf32, #tpu.memory_space<vmem>>
      %dma_start3A_576 = tpu.memref_squeeze %dma_start3A_575 : memref<1x128x128xf32, #tpu.memory_space<vmem>> -> memref<128x128xf32, #tpu.memory_space<vmem>>
      %dma_start3A_577 = arith.constant 0 : i32
      %dma_start3A_578 = tpu.memref_slice %arg7[%add3A_115, %dma_start3A_577] : memref<10000x128xf32, #tpu.memory_space<vmem_shared>> -> memref<128x128xf32, #tpu.memory_space<vmem_shared>>
      %dma_start3A_579 = arith.constant 0 : i32
      %dma_start3A_580 = tpu.memref_slice %arg7[%add3A_115, %dma_start3A_579] : memref<10000x128xf32, #tpu.memory_space<vmem_shared>> -> memref<128x128xf32, #tpu.memory_space<vmem_shared>>
      %dma_start3A_581 = arith.constant 0 : i32
      %dma_start3A_582 = arith.constant 0 : i32
      %dma_start3A_583 = tpu.memref_slice %arg6[%run_scoped3A_116, %dma_start3A_581, %dma_start3A_582] : memref<3x128x128xf32, #tpu.memory_space<vmem>> -> memref<1x128x128xf32, #tpu.memory_space<vmem>>
      %dma_start3A_584 = tpu.memref_squeeze %dma_start3A_583 : memref<1x128x128xf32, #tpu.memory_space<vmem>> -> memref<128x128xf32, #tpu.memory_space<vmem>>
      tpu.enqueue_dma source(%dma_start3A_584 : memref<128x128xf32, #tpu.memory_space<vmem>>) target(%dma_start3A_580 : memref<128x128xf32, #tpu.memory_space<vmem_shared>>) target_semaphore(%run_scoped3A_572 : memref<!tpu.dma_semaphore, #tpu.memory_space<semaphore_mem>>)
      %dma_wait3A_585 = arith.constant 0 : i32
      %dma_wait3A_586 = arith.constant 0 : i32
      %dma_wait3A_587 = tpu.memref_slice %arg6[%run_scoped3A_116, %dma_wait3A_585, %dma_wait3A_586] : memref<3x128x128xf32, #tpu.memory_space<vmem>> -> memref<1x128x128xf32, #tpu.memory_space<vmem>>
      %dma_wait3A_588 = tpu.memref_squeeze %dma_wait3A_587 : memref<1x128x128xf32, #tpu.memory_space<vmem>> -> memref<128x128xf32, #tpu.memory_space<vmem>>
      %dma_wait3A_589 = arith.constant 0 : i32
      %dma_wait3A_590 = tpu.memref_slice %arg7[%add3A_115, %dma_wait3A_589] : memref<10000x128xf32, #tpu.memory_space<vmem_shared>> -> memref<128x128xf32, #tpu.memory_space<vmem_shared>>
      %dma_wait3A_591 = arith.constant 0 : i32
      %dma_wait3A_592 = tpu.memref_slice %arg7[%add3A_115, %dma_wait3A_591] : memref<10000x128xf32, #tpu.memory_space<vmem_shared>> -> memref<128x128xf32, #tpu.memory_space<vmem_shared>>
      %dma_wait3A_593 = arith.constant 0 : i32
      %dma_wait3A_594 = arith.constant 0 : i32
      %dma_wait3A_595 = tpu.memref_slice %arg6[%run_scoped3A_116, %dma_wait3A_593, %dma_wait3A_594] : memref<3x128x128xf32, #tpu.memory_space<vmem>> -> memref<1x128x128xf32, #tpu.memory_space<vmem>>
      %dma_wait3A_596 = tpu.memref_squeeze %dma_wait3A_595 : memref<1x128x128xf32, #tpu.memory_space<vmem>> -> memref<128x128xf32, #tpu.memory_space<vmem>>
      tpu.wait_dma2 semaphore(%run_scoped3A_572 : memref<!tpu.dma_semaphore, #tpu.memory_space<semaphore_mem>>) src(%dma_wait3A_596 : memref<128x128xf32, #tpu.memory_space<vmem>>) dst(%dma_wait3A_592 : memref<128x128xf32, #tpu.memory_space<vmem_shared>>)
      tpu.yield
    }) : () -> ()
    %add3A_117 = arith.constant 624 : i32
    %add3A_118 = arith.addi %mul3A_105, %add3A_117 : i32
    %sub3A = arith.constant 112 : i32
    %sub3A_119 = arith.subi %add3A_118, %sub3A : i32
    %run_scoped3A_120 = arith.constant 0 : i32
    "tpu.region"() ({
      %run_scoped3A_572 = tpu.sem_alloc : memref<!tpu.dma_semaphore, #tpu.memory_space<semaphore_mem>>
      %dma_start3A_573 = arith.constant 0 : i32
      %dma_start3A_574 = arith.constant 0 : i32
      %dma_start3A_575 = tpu.memref_slice %arg6[%run_scoped3A_120, %dma_start3A_573, %dma_start3A_574] : memref<3x128x128xf32, #tpu.memory_space<vmem>> -> memref<1x112x128xf32, #tpu.memory_space<vmem>>
      %dma_start3A_576 = tpu.memref_squeeze %dma_start3A_575 : memref<1x112x128xf32, #tpu.memory_space<vmem>> -> memref<112x128xf32, #tpu.memory_space<vmem>>
      %dma_start3A_577 = arith.constant 0 : i32
      %dma_start3A_578 = tpu.memref_slice %arg7[%sub3A_119, %dma_start3A_577] : memref<10000x128xf32, #tpu.memory_space<vmem_shared>> -> memref<112x128xf32, #tpu.memory_space<vmem_shared>>
      %dma_start3A_579 = arith.constant 0 : i32
      %dma_start3A_580 = tpu.memref_slice %arg7[%sub3A_119, %dma_start3A_579] : memref<10000x128xf32, #tpu.memory_space<vmem_shared>> -> memref<112x128xf32, #tpu.memory_space<vmem_shared>>
      %dma_start3A_581 = arith.constant 0 : i32
      %dma_start3A_582 = arith.constant 0 : i32
      %dma_start3A_583 = tpu.memref_slice %arg6[%run_scoped3A_120, %dma_start3A_581, %dma_start3A_582] : memref<3x128x128xf32, #tpu.memory_space<vmem>> -> memref<1x112x128xf32, #tpu.memory_space<vmem>>
      %dma_start3A_584 = tpu.memref_squeeze %dma_start3A_583 : memref<1x112x128xf32, #tpu.memory_space<vmem>> -> memref<112x128xf32, #tpu.memory_space<vmem>>
      tpu.enqueue_dma source(%dma_start3A_584 : memref<112x128xf32, #tpu.memory_space<vmem>>) target(%dma_start3A_580 : memref<112x128xf32, #tpu.memory_space<vmem_shared>>) target_semaphore(%run_scoped3A_572 : memref<!tpu.dma_semaphore, #tpu.memory_space<semaphore_mem>>)
      %dma_wait3A_585 = arith.constant 0 : i32
      %dma_wait3A_586 = arith.constant 0 : i32
      %dma_wait3A_587 = tpu.memref_slice %arg6[%run_scoped3A_120, %dma_wait3A_585, %dma_wait3A_586] : memref<3x128x128xf32, #tpu.memory_space<vmem>> -> memref<1x112x128xf32, #tpu.memory_space<vmem>>
      %dma_wait3A_588 = tpu.memref_squeeze %dma_wait3A_587 : memref<1x112x128xf32, #tpu.memory_space<vmem>> -> memref<112x128xf32, #tpu.memory_space<vmem>>
      %dma_wait3A_589 = arith.constant 0 : i32
      %dma_wait3A_590 = tpu.memref_slice %arg7[%sub3A_119, %dma_wait3A_589] : memref<10000x128xf32, #tpu.memory_space<vmem_shared>> -> memref<112x128xf32, #tpu.memory_space<vmem_shared>>
      %dma_wait3A_591 = arith.constant 0 : i32
      %dma_wait3A_592 = tpu.memref_slice %arg7[%sub3A_119, %dma_wait3A_591] : memref<10000x128xf32, #tpu.memory_space<vmem_shared>> -> memref<112x128xf32, #tpu.memory_space<vmem_shared>>
      %dma_wait3A_593 = arith.constant 0 : i32
      %dma_wait3A_594 = arith.constant 0 : i32
      %dma_wait3A_595 = tpu.memref_slice %arg6[%run_scoped3A_120, %dma_wait3A_593, %dma_wait3A_594] : memref<3x128x128xf32, #tpu.memory_space<vmem>> -> memref<1x112x128xf32, #tpu.memory_space<vmem>>
      %dma_wait3A_596 = tpu.memref_squeeze %dma_wait3A_595 : memref<1x112x128xf32, #tpu.memory_space<vmem>> -> memref<112x128xf32, #tpu.memory_space<vmem>>
      tpu.wait_dma2 semaphore(%run_scoped3A_572 : memref<!tpu.dma_semaphore, #tpu.memory_space<semaphore_mem>>) src(%dma_wait3A_596 : memref<112x128xf32, #tpu.memory_space<vmem>>) dst(%dma_wait3A_592 : memref<112x128xf32, #tpu.memory_space<vmem_shared>>)
      tpu.yield
    }) : () -> ()
    %eq3A = arith.constant 15 : i32
    %eq3A_121 = arith.cmpi eq, %arg1, %eq3A : i32
    %convert_element_type3A = arith.extui %eq3A_121 : i1 to i32
    %cond3A = arith.constant 0 : i32
    %cond3A_122 = arith.cmpi ne, %convert_element_type3A, %cond3A : i32
    scf.if %cond3A_122 {
      %run_scoped3A_572 = arith.constant 0 : i32
      "tpu.region"() ({
        %run_scoped3A_573 = tpu.sem_alloc : memref<!tpu.dma_semaphore, #tpu.memory_space<semaphore_mem>>
        %dma_start3A_574 = arith.constant 0 : i32
        %dma_start3A_575 = arith.constant 0 : i32
        %dma_start3A_576 = tpu.memref_slice %arg6[%run_scoped3A_572, %dma_start3A_574, %dma_start3A_575] : memref<3x128x128xf32, #tpu.memory_space<vmem>> -> memref<1x16x128xf32, #tpu.memory_space<vmem>>
        %dma_start3A_577 = tpu.memref_squeeze %dma_start3A_576 : memref<1x16x128xf32, #tpu.memory_space<vmem>> -> memref<16x128xf32, #tpu.memory_space<vmem>>
        %dma_start3A_578 = arith.constant 9984 : i32
        %dma_start3A_579 = arith.constant 0 : i32
        %dma_start3A_580 = tpu.memref_slice %arg7[%dma_start3A_578, %dma_start3A_579] : memref<10000x128xf32, #tpu.memory_space<vmem_shared>> -> memref<16x128xf32, #tpu.memory_space<vmem_shared>>
        %dma_start3A_581 = arith.constant 9984 : i32
        %dma_start3A_582 = arith.constant 0 : i32
        %dma_start3A_583 = tpu.memref_slice %arg7[%dma_start3A_581, %dma_start3A_582] : memref<10000x128xf32, #tpu.memory_space<vmem_shared>> -> memref<16x128xf32, #tpu.memory_space<vmem_shared>>
        %dma_start3A_584 = arith.constant 0 : i32
        %dma_start3A_585 = arith.constant 0 : i32
        %dma_start3A_586 = tpu.memref_slice %arg6[%run_scoped3A_572, %dma_start3A_584, %dma_start3A_585] : memref<3x128x128xf32, #tpu.memory_space<vmem>> -> memref<1x16x128xf32, #tpu.memory_space<vmem>>
        %dma_start3A_587 = tpu.memref_squeeze %dma_start3A_586 : memref<1x16x128xf32, #tpu.memory_space<vmem>> -> memref<16x128xf32, #tpu.memory_space<vmem>>
        tpu.enqueue_dma source(%dma_start3A_587 : memref<16x128xf32, #tpu.memory_space<vmem>>) target(%dma_start3A_583 : memref<16x128xf32, #tpu.memory_space<vmem_shared>>) target_semaphore(%run_scoped3A_573 : memref<!tpu.dma_semaphore, #tpu.memory_space<semaphore_mem>>)
        %dma_wait3A_588 = arith.constant 0 : i32
        %dma_wait3A_589 = arith.constant 0 : i32
        %dma_wait3A_590 = tpu.memref_slice %arg6[%run_scoped3A_572, %dma_wait3A_588, %dma_wait3A_589] : memref<3x128x128xf32, #tpu.memory_space<vmem>> -> memref<1x16x128xf32, #tpu.memory_space<vmem>>
        %dma_wait3A_591 = tpu.memref_squeeze %dma_wait3A_590 : memref<1x16x128xf32, #tpu.memory_space<vmem>> -> memref<16x128xf32, #tpu.memory_space<vmem>>
        %dma_wait3A_592 = arith.constant 9984 : i32
        %dma_wait3A_593 = arith.constant 0 : i32
        %dma_wait3A_594 = tpu.memref_slice %arg7[%dma_wait3A_592, %dma_wait3A_593] : memref<10000x128xf32, #tpu.memory_space<vmem_shared>> -> memref<16x128xf32, #tpu.memory_space<vmem_shared>>
        %dma_wait3A_595 = arith.constant 9984 : i32
        %dma_wait3A_596 = arith.constant 0 : i32
        %dma_wait3A_597 = tpu.memref_slice %arg7[%dma_wait3A_595, %dma_wait3A_596] : memref<10000x128xf32, #tpu.memory_space<vmem_shared>> -> memref<16x128xf32, #tpu.memory_space<vmem_shared>>
        %dma_wait3A_598 = arith.constant 0 : i32
        %dma_wait3A_599 = arith.constant 0 : i32
        %dma_wait3A_600 = tpu.memref_slice %arg6[%run_scoped3A_572, %dma_wait3A_598, %dma_wait3A_599] : memref<3x128x128xf32, #tpu.memory_space<vmem>> -> memref<1x16x128xf32, #tpu.memory_space<vmem>>
        %dma_wait3A_601 = tpu.memref_squeeze %dma_wait3A_600 : memref<1x16x128xf32, #tpu.memory_space<vmem>> -> memref<16x128xf32, #tpu.memory_space<vmem>>
        tpu.wait_dma2 semaphore(%run_scoped3A_573 : memref<!tpu.dma_semaphore, #tpu.memory_space<semaphore_mem>>) src(%dma_wait3A_601 : memref<16x128xf32, #tpu.memory_space<vmem>>) dst(%dma_wait3A_597 : memref<16x128xf32, #tpu.memory_space<vmem_shared>>)
        tpu.yield
      }) : () -> ()
    } else {
    }
    %barrier3A = arith.constant 0 : index
    tpu.barrier barrier_id(%barrier3A)
    %add3A_123 = arith.constant 0 : i32
    %add3A_124 = arith.addi %arg1, %add3A_123 : i32
    %mul3A_125 = arith.constant 128 : i32
    %mul3A_126 = arith.muli %add3A_124, %mul3A_125 : i32
    %dma_wait3A = arith.constant 0 : i32
    %dma_wait3A_127 = arith.constant 0 : i32
    %dma_wait3A_128 = arith.constant 0 : i32
    %dma_wait3A_129 = arith.constant 0 : i32
    %dma_wait3A_130 = tpu.memref_slice %arg5[%dma_wait3A_127, %dma_wait3A_128, %dma_wait3A_129] : memref<6x2x128xi32, #tpu.memory_space<vmem>> -> memref<1x1x128xi32, #tpu.memory_space<vmem>>
    %dma_wait3A_131 = tpu.memref_squeeze %dma_wait3A_130 : memref<1x1x128xi32, #tpu.memory_space<vmem>> -> memref<128xi32, #tpu.memory_space<vmem>>
    %dma_wait3A_132 = tpu.memref_slice %arg3[%dma_wait3A, %mul3A_126] : memref<2x160000xi32, #tpu.memory_space<hbm>> -> memref<1x128xi32, #tpu.memory_space<hbm>>
    %dma_wait3A_133 = tpu.memref_squeeze %dma_wait3A_132 : memref<1x128xi32, #tpu.memory_space<hbm>> -> memref<128xi32, #tpu.memory_space<hbm>>
    %dma_wait3A_134 = arith.constant 0 : i32
    %dma_wait3A_135 = tpu.memref_slice %arg5[%dma_wait3A_127, %dma_wait3A_128, %dma_wait3A_134] : memref<6x2x128xi32, #tpu.memory_space<vmem>> -> memref<1x1x128xi32, #tpu.memory_space<vmem>>
    %dma_wait3A_136 = tpu.memref_squeeze %dma_wait3A_135 : memref<1x1x128xi32, #tpu.memory_space<vmem>> -> memref<128xi32, #tpu.memory_space<vmem>>
    %dma_wait3A_137 = tpu.memref_slice %arg3[%dma_wait3A, %mul3A_126] : memref<2x160000xi32, #tpu.memory_space<hbm>> -> memref<1x128xi32, #tpu.memory_space<hbm>>
    %dma_wait3A_138 = tpu.memref_squeeze %dma_wait3A_137 : memref<1x128xi32, #tpu.memory_space<hbm>> -> memref<128xi32, #tpu.memory_space<hbm>>
    tpu.wait_dma2 semaphore(%arg8 : memref<!tpu.dma_semaphore, #tpu.memory_space<semaphore_mem>>) src(%dma_wait3A_138 : memref<128xi32, #tpu.memory_space<hbm>>) dst(%dma_wait3A_136 : memref<128xi32, #tpu.memory_space<vmem>>)
    %add3A_139 = arith.constant 0 : i32
    %add3A_140 = arith.addi %arg1, %add3A_139 : i32
    %mul3A_141 = arith.constant 128 : i32
    %mul3A_142 = arith.muli %add3A_140, %mul3A_141 : i32
    %dma_wait3A_143 = arith.constant 1 : i32
    %dma_wait3A_144 = arith.constant 0 : i32
    %dma_wait3A_145 = arith.constant 1 : i32
    %dma_wait3A_146 = arith.constant 0 : i32
    %dma_wait3A_147 = tpu.memref_slice %arg5[%dma_wait3A_144, %dma_wait3A_145, %dma_wait3A_146] : memref<6x2x128xi32, #tpu.memory_space<vmem>> -> memref<1x1x128xi32, #tpu.memory_space<vmem>>
    %dma_wait3A_148 = tpu.memref_squeeze %dma_wait3A_147 : memref<1x1x128xi32, #tpu.memory_space<vmem>> -> memref<128xi32, #tpu.memory_space<vmem>>
    %dma_wait3A_149 = tpu.memref_slice %arg3[%dma_wait3A_143, %mul3A_142] : memref<2x160000xi32, #tpu.memory_space<hbm>> -> memref<1x128xi32, #tpu.memory_space<hbm>>
    %dma_wait3A_150 = tpu.memref_squeeze %dma_wait3A_149 : memref<1x128xi32, #tpu.memory_space<hbm>> -> memref<128xi32, #tpu.memory_space<hbm>>
    %dma_wait3A_151 = arith.constant 0 : i32
    %dma_wait3A_152 = tpu.memref_slice %arg5[%dma_wait3A_144, %dma_wait3A_145, %dma_wait3A_151] : memref<6x2x128xi32, #tpu.memory_space<vmem>> -> memref<1x1x128xi32, #tpu.memory_space<vmem>>
    %dma_wait3A_153 = tpu.memref_squeeze %dma_wait3A_152 : memref<1x1x128xi32, #tpu.memory_space<vmem>> -> memref<128xi32, #tpu.memory_space<vmem>>
    %dma_wait3A_154 = tpu.memref_slice %arg3[%dma_wait3A_143, %mul3A_142] : memref<2x160000xi32, #tpu.memory_space<hbm>> -> memref<1x128xi32, #tpu.memory_space<hbm>>
    %dma_wait3A_155 = tpu.memref_squeeze %dma_wait3A_154 : memref<1x128xi32, #tpu.memory_space<hbm>> -> memref<128xi32, #tpu.memory_space<hbm>>
    tpu.wait_dma2 semaphore(%arg8 : memref<!tpu.dma_semaphore, #tpu.memory_space<semaphore_mem>>) src(%dma_wait3A_155 : memref<128xi32, #tpu.memory_space<hbm>>) dst(%dma_wait3A_153 : memref<128xi32, #tpu.memory_space<vmem>>)
    %get3A = arith.constant 0 : i32
    %get3A_156 = arith.constant 0 : i32
    %get3A_157 = arith.index_cast %get3A : i32 to index
    %get3A_158 = arith.index_cast %get3A_156 : i32 to index
    %get3A_159 = arith.constant 0 : index
    %get3A_160 = tpu.vector_load %arg5[%get3A_157, %get3A_158, %get3A_159] {strides = array<i32>} : memref<6x2x128xi32, #tpu.memory_space<vmem>>, vector<1x1x16xi32>,
    %get3A_161 = vector.shape_cast %get3A_160 : vector<1x1x16xi32> to vector<16xi32>
    %mul3A_162 = arith.constant 2 : i32
    %mul3A_163 = vector.broadcast %mul3A_162 : i32 to vector<16xi32>
    %mul3A_164 = arith.muli %get3A_161, %mul3A_163 : vector<16xi32>
    %add3A_165 = vector.broadcast %arg0 : i32 to vector<16xi32>
    %add3A_166 = arith.addi %mul3A_164, %add3A_165 : vector<16xi32>
    %swap3A = arith.constant 0 : i32
    %swap3A_167 = arith.constant 0 : i32
    %swap3A_168 = arith.index_cast %swap3A : i32 to index
    %swap3A_169 = arith.index_cast %swap3A_167 : i32 to index
    %swap3A_170 = arith.constant 0 : index
    %swap3A_171 = tpu.vector_load %arg5[%swap3A_168, %swap3A_169, %swap3A_170] {strides = array<i32>} : memref<6x2x128xi32, #tpu.memory_space<vmem>>, vector<1x1x16xi32>,
    %swap3A_172 = vector.shape_cast %swap3A_171 : vector<1x1x16xi32> to vector<16xi32>
    %swap3A_173 = vector.shape_cast %add3A_166 : vector<16xi32> to vector<1x1x16xi32>
    tpu.vector_store %arg5[%swap3A_168, %swap3A_169, %swap3A_170], %swap3A_173 {strides = array<i32>} : memref<6x2x128xi32, #tpu.memory_space<vmem>>, vector<1x1x16xi32>,
    %get3A_174 = arith.constant 0 : i32
    %get3A_175 = arith.constant 0 : i32
    %get3A_176 = arith.index_cast %get3A_174 : i32 to index
    %get3A_177 = arith.index_cast %get3A_175 : i32 to index
    %get3A_178 = arith.constant 16 : index
    %get3A_179 = tpu.vector_load %arg5[%get3A_176, %get3A_177, %get3A_178] {strides = array<i32>} : memref<6x2x128xi32, #tpu.memory_space<vmem>>, vector<1x1x16xi32>,
    %get3A_180 = vector.shape_cast %get3A_179 : vector<1x1x16xi32> to vector<16xi32>
    %mul3A_181 = arith.constant 2 : i32
    %mul3A_182 = vector.broadcast %mul3A_181 : i32 to vector<16xi32>
    %mul3A_183 = arith.muli %get3A_180, %mul3A_182 : vector<16xi32>
    %add3A_184 = vector.broadcast %arg0 : i32 to vector<16xi32>
    %add3A_185 = arith.addi %mul3A_183, %add3A_184 : vector<16xi32>
    %swap3A_186 = arith.constant 0 : i32
    %swap3A_187 = arith.constant 0 : i32
    %swap3A_188 = arith.index_cast %swap3A_186 : i32 to index
    %swap3A_189 = arith.index_cast %swap3A_187 : i32 to index
    %swap3A_190 = arith.constant 16 : index
    %swap3A_191 = tpu.vector_load %arg5[%swap3A_188, %swap3A_189, %swap3A_190] {strides = array<i32>} : memref<6x2x128xi32, #tpu.memory_space<vmem>>, vector<1x1x16xi32>,
    %swap3A_192 = vector.shape_cast %swap3A_191 : vector<1x1x16xi32> to vector<16xi32>
    %swap3A_193 = vector.shape_cast %add3A_185 : vector<16xi32> to vector<1x1x16xi32>
    tpu.vector_store %arg5[%swap3A_188, %swap3A_189, %swap3A_190], %swap3A_193 {strides = array<i32>} : memref<6x2x128xi32, #tpu.memory_space<vmem>>, vector<1x1x16xi32>,
    %get3A_194 = arith.constant 0 : i32
    %get3A_195 = arith.constant 0 : i32
    %get3A_196 = arith.index_cast %get3A_194 : i32 to index
    %get3A_197 = arith.index_cast %get3A_195 : i32 to index
    %get3A_198 = arith.constant 32 : index
    %get3A_199 = tpu.vector_load %arg5[%get3A_196, %get3A_197, %get3A_198] {strides = array<i32>} : memref<6x2x128xi32, #tpu.memory_space<vmem>>, vector<1x1x16xi32>,
    %get3A_200 = vector.shape_cast %get3A_199 : vector<1x1x16xi32> to vector<16xi32>
    %mul3A_201 = arith.constant 2 : i32
    %mul3A_202 = vector.broadcast %mul3A_201 : i32 to vector<16xi32>
    %mul3A_203 = arith.muli %get3A_200, %mul3A_202 : vector<16xi32>
    %add3A_204 = vector.broadcast %arg0 : i32 to vector<16xi32>
    %add3A_205 = arith.addi %mul3A_203, %add3A_204 : vector<16xi32>
    %swap3A_206 = arith.constant 0 : i32
    %swap3A_207 = arith.constant 0 : i32
    %swap3A_208 = arith.index_cast %swap3A_206 : i32 to index
    %swap3A_209 = arith.index_cast %swap3A_207 : i32 to index
    %swap3A_210 = arith.constant 32 : index
    %swap3A_211 = tpu.vector_load %arg5[%swap3A_208, %swap3A_209, %swap3A_210] {strides = array<i32>} : memref<6x2x128xi32, #tpu.memory_space<vmem>>, vector<1x1x16xi32>,
    %swap3A_212 = vector.shape_cast %swap3A_211 : vector<1x1x16xi32> to vector<16xi32>
    %swap3A_213 = vector.shape_cast %add3A_205 : vector<16xi32> to vector<1x1x16xi32>
    tpu.vector_store %arg5[%swap3A_208, %swap3A_209, %swap3A_210], %swap3A_213 {strides = array<i32>} : memref<6x2x128xi32, #tpu.memory_space<vmem>>, vector<1x1x16xi32>,
    %get3A_214 = arith.constant 0 : i32
    %get3A_215 = arith.constant 0 : i32
    %get3A_216 = arith.index_cast %get3A_214 : i32 to index
    %get3A_217 = arith.index_cast %get3A_215 : i32 to index
    %get3A_218 = arith.constant 48 : index
    %get3A_219 = tpu.vector_load %arg5[%get3A_216, %get3A_217, %get3A_218] {strides = array<i32>} : memref<6x2x128xi32, #tpu.memory_space<vmem>>, vector<1x1x16xi32>,
    %get3A_220 = vector.shape_cast %get3A_219 : vector<1x1x16xi32> to vector<16xi32>
    %mul3A_221 = arith.constant 2 : i32
    %mul3A_222 = vector.broadcast %mul3A_221 : i32 to vector<16xi32>
    %mul3A_223 = arith.muli %get3A_220, %mul3A_222 : vector<16xi32>
    %add3A_224 = vector.broadcast %arg0 : i32 to vector<16xi32>
    %add3A_225 = arith.addi %mul3A_223, %add3A_224 : vector<16xi32>
    %swap3A_226 = arith.constant 0 : i32
    %swap3A_227 = arith.constant 0 : i32
    %swap3A_228 = arith.index_cast %swap3A_226 : i32 to index
    %swap3A_229 = arith.index_cast %swap3A_227 : i32 to index
    %swap3A_230 = arith.constant 48 : index
    %swap3A_231 = tpu.vector_load %arg5[%swap3A_228, %swap3A_229, %swap3A_230] {strides = array<i32>} : memref<6x2x128xi32, #tpu.memory_space<vmem>>, vector<1x1x16xi32>,
    %swap3A_232 = vector.shape_cast %swap3A_231 : vector<1x1x16xi32> to vector<16xi32>
    %swap3A_233 = vector.shape_cast %add3A_225 : vector<16xi32> to vector<1x1x16xi32>
    tpu.vector_store %arg5[%swap3A_228, %swap3A_229, %swap3A_230], %swap3A_233 {strides = array<i32>} : memref<6x2x128xi32, #tpu.memory_space<vmem>>, vector<1x1x16xi32>,
    %get3A_234 = arith.constant 0 : i32
    %get3A_235 = arith.constant 0 : i32
    %get3A_236 = arith.index_cast %get3A_234 : i32 to index
    %get3A_237 = arith.index_cast %get3A_235 : i32 to index
    %get3A_238 = arith.constant 64 : index
    %get3A_239 = tpu.vector_load %arg5[%get3A_236, %get3A_237, %get3A_238] {strides = array<i32>} : memref<6x2x128xi32, #tpu.memory_space<vmem>>, vector<1x1x16xi32>,
    %get3A_240 = vector.shape_cast %get3A_239 : vector<1x1x16xi32> to vector<16xi32>
    %mul3A_241 = arith.constant 2 : i32
    %mul3A_242 = vector.broadcast %mul3A_241 : i32 to vector<16xi32>
    %mul3A_243 = arith.muli %get3A_240, %mul3A_242 : vector<16xi32>
    %add3A_244 = vector.broadcast %arg0 : i32 to vector<16xi32>
    %add3A_245 = arith.addi %mul3A_243, %add3A_244 : vector<16xi32>
    %swap3A_246 = arith.constant 0 : i32
    %swap3A_247 = arith.constant 0 : i32
    %swap3A_248 = arith.index_cast %swap3A_246 : i32 to index
    %swap3A_249 = arith.index_cast %swap3A_247 : i32 to index
    %swap3A_250 = arith.constant 64 : index
    %swap3A_251 = tpu.vector_load %arg5[%swap3A_248, %swap3A_249, %swap3A_250] {strides = array<i32>} : memref<6x2x128xi32, #tpu.memory_space<vmem>>, vector<1x1x16xi32>,
    %swap3A_252 = vector.shape_cast %swap3A_251 : vector<1x1x16xi32> to vector<16xi32>
    %swap3A_253 = vector.shape_cast %add3A_245 : vector<16xi32> to vector<1x1x16xi32>
    tpu.vector_store %arg5[%swap3A_248, %swap3A_249, %swap3A_250], %swap3A_253 {strides = array<i32>} : memref<6x2x128xi32, #tpu.memory_space<vmem>>, vector<1x1x16xi32>,
    %get3A_254 = arith.constant 0 : i32
    %get3A_255 = arith.constant 0 : i32
    %get3A_256 = arith.index_cast %get3A_254 : i32 to index
    %get3A_257 = arith.index_cast %get3A_255 : i32 to index
    %get3A_258 = arith.constant 80 : index
    %get3A_259 = tpu.vector_load %arg5[%get3A_256, %get3A_257, %get3A_258] {strides = array<i32>} : memref<6x2x128xi32, #tpu.memory_space<vmem>>, vector<1x1x16xi32>,
    %get3A_260 = vector.shape_cast %get3A_259 : vector<1x1x16xi32> to vector<16xi32>
    %mul3A_261 = arith.constant 2 : i32
    %mul3A_262 = vector.broadcast %mul3A_261 : i32 to vector<16xi32>
    %mul3A_263 = arith.muli %get3A_260, %mul3A_262 : vector<16xi32>
    %add3A_264 = vector.broadcast %arg0 : i32 to vector<16xi32>
    %add3A_265 = arith.addi %mul3A_263, %add3A_264 : vector<16xi32>
    %swap3A_266 = arith.constant 0 : i32
    %swap3A_267 = arith.constant 0 : i32
    %swap3A_268 = arith.index_cast %swap3A_266 : i32 to index
    %swap3A_269 = arith.index_cast %swap3A_267 : i32 to index
    %swap3A_270 = arith.constant 80 : index
    %swap3A_271 = tpu.vector_load %arg5[%swap3A_268, %swap3A_269, %swap3A_270] {strides = array<i32>} : memref<6x2x128xi32, #tpu.memory_space<vmem>>, vector<1x1x16xi32>,
    %swap3A_272 = vector.shape_cast %swap3A_271 : vector<1x1x16xi32> to vector<16xi32>
    %swap3A_273 = vector.shape_cast %add3A_265 : vector<16xi32> to vector<1x1x16xi32>
    tpu.vector_store %arg5[%swap3A_268, %swap3A_269, %swap3A_270], %swap3A_273 {strides = array<i32>} : memref<6x2x128xi32, #tpu.memory_space<vmem>>, vector<1x1x16xi32>,
    %get3A_274 = arith.constant 0 : i32
    %get3A_275 = arith.constant 0 : i32
    %get3A_276 = arith.index_cast %get3A_274 : i32 to index
    %get3A_277 = arith.index_cast %get3A_275 : i32 to index
    %get3A_278 = arith.constant 96 : index
    %get3A_279 = tpu.vector_load %arg5[%get3A_276, %get3A_277, %get3A_278] {strides = array<i32>} : memref<6x2x128xi32, #tpu.memory_space<vmem>>, vector<1x1x16xi32>,
    %get3A_280 = vector.shape_cast %get3A_279 : vector<1x1x16xi32> to vector<16xi32>
    %mul3A_281 = arith.constant 2 : i32
    %mul3A_282 = vector.broadcast %mul3A_281 : i32 to vector<16xi32>
    %mul3A_283 = arith.muli %get3A_280, %mul3A_282 : vector<16xi32>
    %add3A_284 = vector.broadcast %arg0 : i32 to vector<16xi32>
    %add3A_285 = arith.addi %mul3A_283, %add3A_284 : vector<16xi32>
    %swap3A_286 = arith.constant 0 : i32
    %swap3A_287 = arith.constant 0 : i32
    %swap3A_288 = arith.index_cast %swap3A_286 : i32 to index
    %swap3A_289 = arith.index_cast %swap3A_287 : i32 to index
    %swap3A_290 = arith.constant 96 : index
    %swap3A_291 = tpu.vector_load %arg5[%swap3A_288, %swap3A_289, %swap3A_290] {strides = array<i32>} : memref<6x2x128xi32, #tpu.memory_space<vmem>>, vector<1x1x16xi32>,
    %swap3A_292 = vector.shape_cast %swap3A_291 : vector<1x1x16xi32> to vector<16xi32>
    %swap3A_293 = vector.shape_cast %add3A_285 : vector<16xi32> to vector<1x1x16xi32>
    tpu.vector_store %arg5[%swap3A_288, %swap3A_289, %swap3A_290], %swap3A_293 {strides = array<i32>} : memref<6x2x128xi32, #tpu.memory_space<vmem>>, vector<1x1x16xi32>,
    %get3A_294 = arith.constant 0 : i32
    %get3A_295 = arith.constant 0 : i32
    %get3A_296 = arith.index_cast %get3A_294 : i32 to index
    %get3A_297 = arith.index_cast %get3A_295 : i32 to index
    %get3A_298 = arith.constant 112 : index
    %get3A_299 = tpu.vector_load %arg5[%get3A_296, %get3A_297, %get3A_298] {strides = array<i32>} : memref<6x2x128xi32, #tpu.memory_space<vmem>>, vector<1x1x16xi32>,
    %get3A_300 = vector.shape_cast %get3A_299 : vector<1x1x16xi32> to vector<16xi32>
    %mul3A_301 = arith.constant 2 : i32
    %mul3A_302 = vector.broadcast %mul3A_301 : i32 to vector<16xi32>
    %mul3A_303 = arith.muli %get3A_300, %mul3A_302 : vector<16xi32>
    %add3A_304 = vector.broadcast %arg0 : i32 to vector<16xi32>
    %add3A_305 = arith.addi %mul3A_303, %add3A_304 : vector<16xi32>
    %swap3A_306 = arith.constant 0 : i32
    %swap3A_307 = arith.constant 0 : i32
    %swap3A_308 = arith.index_cast %swap3A_306 : i32 to index
    %swap3A_309 = arith.index_cast %swap3A_307 : i32 to index
    %swap3A_310 = arith.constant 112 : index
    %swap3A_311 = tpu.vector_load %arg5[%swap3A_308, %swap3A_309, %swap3A_310] {strides = array<i32>} : memref<6x2x128xi32, #tpu.memory_space<vmem>>, vector<1x1x16xi32>,
    %swap3A_312 = vector.shape_cast %swap3A_311 : vector<1x1x16xi32> to vector<16xi32>
    %swap3A_313 = vector.shape_cast %add3A_305 : vector<16xi32> to vector<1x1x16xi32>
    tpu.vector_store %arg5[%swap3A_308, %swap3A_309, %swap3A_310], %swap3A_313 {strides = array<i32>} : memref<6x2x128xi32, #tpu.memory_space<vmem>>, vector<1x1x16xi32>,
    %dma_start3A_314 = arith.constant 0 : i32
    %dma_start3A_315 = arith.constant 0 : i32
    %dma_start3A_316 = arith.constant 0 : i32
    %dma_start3A_317 = arith.constant 0 : i32
    %dma_start3A_318 = arith.constant 0 : i32
    %dma_start3A_319 = tpu.memref_slice %arg6[%dma_start3A_316, %dma_start3A_317, %dma_start3A_318] : memref<3x128x128xf32, #tpu.memory_space<vmem>> -> memref<1x64x128xf32, #tpu.memory_space<vmem>>
    %dma_start3A_320 = tpu.memref_squeeze %dma_start3A_319 : memref<1x64x128xf32, #tpu.memory_space<vmem>> -> memref<64x128xf32, #tpu.memory_space<vmem>>
    %dma_start3A_321 = arith.constant 0 : i32
    %dma_start3A_322 = tpu.memref_slice %arg5[%dma_start3A_314, %dma_start3A_315, %dma_start3A_321] : memref<6x2x128xi32, #tpu.memory_space<vmem>> -> memref<1x1x64xi32, #tpu.memory_space<vmem>>
    %dma_start3A_323 = tpu.memref_squeeze %dma_start3A_322 : memref<1x1x64xi32, #tpu.memory_space<vmem>> -> memref<64xi32, #tpu.memory_space<vmem>>
    %dma_start3A_324 = arith.constant 0 : i32
    %dma_start3A_325 = arith.constant 0 : i32
    %dma_start3A_326 = tpu.memref_slice %arg2[%dma_start3A_324, %dma_start3A_325] : memref<20000x128xf32, #tpu.memory_space<hbm>> -> memref<20000x128xf32, #tpu.memory_space<hbm>>
    tpu.enqueue_indirect_dma source(%dma_start3A_326 : memref<20000x128xf32, #tpu.memory_space<hbm>>) target(%dma_start3A_320 : memref<64x128xf32, #tpu.memory_space<vmem>>) offsets(%dma_start3A_323 : memref<64xi32, #tpu.memory_space<vmem>>) semaphore(%arg14 : memref<!tpu.dma_semaphore, #tpu.memory_space<semaphore_mem>>)
    %dma_start3A_327 = arith.constant 0 : i32
    %dma_start3A_328 = arith.constant 0 : i32
    %dma_start3A_329 = arith.constant 0 : i32
    %dma_start3A_330 = arith.constant 64 : i32
    %dma_start3A_331 = arith.constant 0 : i32
    %dma_start3A_332 = tpu.memref_slice %arg6[%dma_start3A_329, %dma_start3A_330, %dma_start3A_331] : memref<3x128x128xf32, #tpu.memory_space<vmem>> -> memref<1x64x128xf32, #tpu.memory_space<vmem>>
    %dma_start3A_333 = tpu.memref_squeeze %dma_start3A_332 : memref<1x64x128xf32, #tpu.memory_space<vmem>> -> memref<64x128xf32, #tpu.memory_space<vmem>>
    %dma_start3A_334 = arith.constant 64 : i32
    %dma_start3A_335 = tpu.memref_slice %arg5[%dma_start3A_327, %dma_start3A_328, %dma_start3A_334] : memref<6x2x128xi32, #tpu.memory_space<vmem>> -> memref<1x1x64xi32, #tpu.memory_space<vmem>>
    %dma_start3A_336 = tpu.memref_squeeze %dma_start3A_335 : memref<1x1x64xi32, #tpu.memory_space<vmem>> -> memref<64xi32, #tpu.memory_space<vmem>>
    %dma_start3A_337 = arith.constant 0 : i32
    %dma_start3A_338 = arith.constant 0 : i32
    %dma_start3A_339 = tpu.memref_slice %arg2[%dma_start3A_337, %dma_start3A_338] : memref<20000x128xf32, #tpu.memory_space<hbm>> -> memref<20000x128xf32, #tpu.memory_space<hbm>>
    tpu.enqueue_indirect_dma source(%dma_start3A_339 : memref<20000x128xf32, #tpu.memory_space<hbm>>) target(%dma_start3A_333 : memref<64x128xf32, #tpu.memory_space<vmem>>) offsets(%dma_start3A_336 : memref<64xi32, #tpu.memory_space<vmem>>) semaphore(%arg14 : memref<!tpu.dma_semaphore, #tpu.memory_space<semaphore_mem>>)
    %add3A_340 = arith.constant 16 : i32
    %add3A_341 = arith.addi %arg1, %add3A_340 : i32
    %mul3A_342 = arith.constant 128 : i32
    %mul3A_343 = arith.muli %add3A_341, %mul3A_342 : i32
    %dma_wait3A_344 = arith.constant 0 : i32
    %dma_wait3A_345 = arith.constant 1 : i32
    %dma_wait3A_346 = arith.constant 0 : i32
    %dma_wait3A_347 = arith.constant 0 : i32
    %dma_wait3A_348 = tpu.memref_slice %arg5[%dma_wait3A_345, %dma_wait3A_346, %dma_wait3A_347] : memref<6x2x128xi32, #tpu.memory_space<vmem>> -> memref<1x1x128xi32, #tpu.memory_space<vmem>>
    %dma_wait3A_349 = tpu.memref_squeeze %dma_wait3A_348 : memref<1x1x128xi32, #tpu.memory_space<vmem>> -> memref<128xi32, #tpu.memory_space<vmem>>
    %dma_wait3A_350 = tpu.memref_slice %arg3[%dma_wait3A_344, %mul3A_343] : memref<2x160000xi32, #tpu.memory_space<hbm>> -> memref<1x128xi32, #tpu.memory_space<hbm>>
    %dma_wait3A_351 = tpu.memref_squeeze %dma_wait3A_350 : memref<1x128xi32, #tpu.memory_space<hbm>> -> memref<128xi32, #tpu.memory_space<hbm>>
    %dma_wait3A_352 = arith.constant 0 : i32
    %dma_wait3A_353 = tpu.memref_slice %arg5[%dma_wait3A_345, %dma_wait3A_346, %dma_wait3A_352] : memref<6x2x128xi32, #tpu.memory_space<vmem>> -> memref<1x1x128xi32, #tpu.memory_space<vmem>>
    %dma_wait3A_354 = tpu.memref_squeeze %dma_wait3A_353 : memref<1x1x128xi32, #tpu.memory_space<vmem>> -> memref<128xi32, #tpu.memory_space<vmem>>
    %dma_wait3A_355 = tpu.memref_slice %arg3[%dma_wait3A_344, %mul3A_343] : memref<2x160000xi32, #tpu.memory_space<hbm>> -> memref<1x128xi32, #tpu.memory_space<hbm>>
    %dma_wait3A_356 = tpu.memref_squeeze %dma_wait3A_355 : memref<1x128xi32, #tpu.memory_space<hbm>> -> memref<128xi32, #tpu.memory_space<hbm>>
    tpu.wait_dma2 semaphore(%arg9 : memref<!tpu.dma_semaphore, #tpu.memory_space<semaphore_mem>>) src(%dma_wait3A_356 : memref<128xi32, #tpu.memory_space<hbm>>) dst(%dma_wait3A_354 : memref<128xi32, #tpu.memory_space<vmem>>)
    %add3A_357 = arith.constant 16 : i32
    %add3A_358 = arith.addi %arg1, %add3A_357 : i32
    %mul3A_359 = arith.constant 128 : i32
    %mul3A_360 = arith.muli %add3A_358, %mul3A_359 : i32
    %dma_wait3A_361 = arith.constant 1 : i32
    %dma_wait3A_362 = arith.constant 1 : i32
    %dma_wait3A_363 = arith.constant 1 : i32
    %dma_wait3A_364 = arith.constant 0 : i32
    %dma_wait3A_365 = tpu.memref_slice %arg5[%dma_wait3A_362, %dma_wait3A_363, %dma_wait3A_364] : memref<6x2x128xi32, #tpu.memory_space<vmem>> -> memref<1x1x128xi32, #tpu.memory_space<vmem>>
    %dma_wait3A_366 = tpu.memref_squeeze %dma_wait3A_365 : memref<1x1x128xi32, #tpu.memory_space<vmem>> -> memref<128xi32, #tpu.memory_space<vmem>>
    %dma_wait3A_367 = tpu.memref_slice %arg3[%dma_wait3A_361, %mul3A_360] : memref<2x160000xi32, #tpu.memory_space<hbm>> -> memref<1x128xi32, #tpu.memory_space<hbm>>
    %dma_wait3A_368 = tpu.memref_squeeze %dma_wait3A_367 : memref<1x128xi32, #tpu.memory_space<hbm>> -> memref<128xi32, #tpu.memory_space<hbm>>
    %dma_wait3A_369 = arith.constant 0 : i32
    %dma_wait3A_370 = tpu.memref_slice %arg5[%dma_wait3A_362, %dma_wait3A_363, %dma_wait3A_369] : memref<6x2x128xi32, #tpu.memory_space<vmem>> -> memref<1x1x128xi32, #tpu.memory_space<vmem>>
    %dma_wait3A_371 = tpu.memref_squeeze %dma_wait3A_370 : memref<1x1x128xi32, #tpu.memory_space<vmem>> -> memref<128xi32, #tpu.memory_space<vmem>>
    %dma_wait3A_372 = tpu.memref_slice %arg3[%dma_wait3A_361, %mul3A_360] : memref<2x160000xi32, #tpu.memory_space<hbm>> -> memref<1x128xi32, #tpu.memory_space<hbm>>
    %dma_wait3A_373 = tpu.memref_squeeze %dma_wait3A_372 : memref<1x128xi32, #tpu.memory_space<hbm>> -> memref<128xi32, #tpu.memory_space<hbm>>
    tpu.wait_dma2 semaphore(%arg9 : memref<!tpu.dma_semaphore, #tpu.memory_space<semaphore_mem>>) src(%dma_wait3A_373 : memref<128xi32, #tpu.memory_space<hbm>>) dst(%dma_wait3A_371 : memref<128xi32, #tpu.memory_space<vmem>>)
    %get3A_374 = arith.constant 1 : i32
    %get3A_375 = arith.constant 0 : i32
    %get3A_376 = arith.index_cast %get3A_374 : i32 to index
    %get3A_377 = arith.index_cast %get3A_375 : i32 to index
    %get3A_378 = arith.constant 0 : index
    %get3A_379 = tpu.vector_load %arg5[%get3A_376, %get3A_377, %get3A_378] {strides = array<i32>} : memref<6x2x128xi32, #tpu.memory_space<vmem>>, vector<1x1x16xi32>,
    %get3A_380 = vector.shape_cast %get3A_379 : vector<1x1x16xi32> to vector<16xi32>
    %mul3A_381 = arith.constant 2 : i32
    %mul3A_382 = vector.broadcast %mul3A_381 : i32 to vector<16xi32>
    %mul3A_383 = arith.muli %get3A_380, %mul3A_382 : vector<16xi32>
    %add3A_384 = vector.broadcast %arg0 : i32 to vector<16xi32>
    %add3A_385 = arith.addi %mul3A_383, %add3A_384 : vector<16xi32>
    %swap3A_386 = arith.constant 1 : i32
    %swap3A_387 = arith.constant 0 : i32
    %swap3A_388 = arith.index_cast %swap3A_386 : i32 to index
    %swap3A_389 = arith.index_cast %swap3A_387 : i32 to index
    %swap3A_390 = arith.constant 0 : index
    %swap3A_391 = tpu.vector_load %arg5[%swap3A_388, %swap3A_389, %swap3A_390] {strides = array<i32>} : memref<6x2x128xi32, #tpu.memory_space<vmem>>, vector<1x1x16xi32>,
    %swap3A_392 = vector.shape_cast %swap3A_391 : vector<1x1x16xi32> to vector<16xi32>
    %swap3A_393 = vector.shape_cast %add3A_385 : vector<16xi32> to vector<1x1x16xi32>
    tpu.vector_store %arg5[%swap3A_388, %swap3A_389, %swap3A_390], %swap3A_393 {strides = array<i32>} : memref<6x2x128xi32, #tpu.memory_space<vmem>>, vector<1x1x16xi32>,
    %get3A_394 = arith.constant 1 : i32
    %get3A_395 = arith.constant 0 : i32
    %get3A_396 = arith.index_cast %get3A_394 : i32 to index
    %get3A_397 = arith.index_cast %get3A_395 : i32 to index
    %get3A_398 = arith.constant 16 : index
    %get3A_399 = tpu.vector_load %arg5[%get3A_396, %get3A_397, %get3A_398] {strides = array<i32>} : memref<6x2x128xi32, #tpu.memory_space<vmem>>, vector<1x1x16xi32>,
    %get3A_400 = vector.shape_cast %get3A_399 : vector<1x1x16xi32> to vector<16xi32>
    %mul3A_401 = arith.constant 2 : i32
    %mul3A_402 = vector.broadcast %mul3A_401 : i32 to vector<16xi32>
    %mul3A_403 = arith.muli %get3A_400, %mul3A_402 : vector<16xi32>
    %add3A_404 = vector.broadcast %arg0 : i32 to vector<16xi32>
    %add3A_405 = arith.addi %mul3A_403, %add3A_404 : vector<16xi32>
    %swap3A_406 = arith.constant 1 : i32
    %swap3A_407 = arith.constant 0 : i32
    %swap3A_408 = arith.index_cast %swap3A_406 : i32 to index
    %swap3A_409 = arith.index_cast %swap3A_407 : i32 to index
    %swap3A_410 = arith.constant 16 : index
    %swap3A_411 = tpu.vector_load %arg5[%swap3A_408, %swap3A_409, %swap3A_410] {strides = array<i32>} : memref<6x2x128xi32, #tpu.memory_space<vmem>>, vector<1x1x16xi32>,
    %swap3A_412 = vector.shape_cast %swap3A_411 : vector<1x1x16xi32> to vector<16xi32>
    %swap3A_413 = vector.shape_cast %add3A_405 : vector<16xi32> to vector<1x1x16xi32>
    tpu.vector_store %arg5[%swap3A_408, %swap3A_409, %swap3A_410], %swap3A_413 {strides = array<i32>} : memref<6x2x128xi32, #tpu.memory_space<vmem>>, vector<1x1x16xi32>,
    %get3A_414 = arith.constant 1 : i32
    %get3A_415 = arith.constant 0 : i32
    %get3A_416 = arith.index_cast %get3A_414 : i32 to index
    %get3A_417 = arith.index_cast %get3A_415 : i32 to index
    %get3A_418 = arith.constant 32 : index
    %get3A_419 = tpu.vector_load %arg5[%get3A_416, %get3A_417, %get3A_418] {strides = array<i32>} : memref<6x2x128xi32, #tpu.memory_space<vmem>>, vector<1x1x16xi32>,
    %get3A_420 = vector.shape_cast %get3A_419 : vector<1x1x16xi32> to vector<16xi32>
    %mul3A_421 = arith.constant 2 : i32
    %mul3A_422 = vector.broadcast %mul3A_421 : i32 to vector<16xi32>
    %mul3A_423 = arith.muli %get3A_420, %mul3A_422 : vector<16xi32>
    %add3A_424 = vector.broadcast %arg0 : i32 to vector<16xi32>
    %add3A_425 = arith.addi %mul3A_423, %add3A_424 : vector<16xi32>
    %swap3A_426 = arith.constant 1 : i32
    %swap3A_427 = arith.constant 0 : i32
    %swap3A_428 = arith.index_cast %swap3A_426 : i32 to index
    %swap3A_429 = arith.index_cast %swap3A_427 : i32 to index
    %swap3A_430 = arith.constant 32 : index
    %swap3A_431 = tpu.vector_load %arg5[%swap3A_428, %swap3A_429, %swap3A_430] {strides = array<i32>} : memref<6x2x128xi32, #tpu.memory_space<vmem>>, vector<1x1x16xi32>,
    %swap3A_432 = vector.shape_cast %swap3A_431 : vector<1x1x16xi32> to vector<16xi32>
    %swap3A_433 = vector.shape_cast %add3A_425 : vector<16xi32> to vector<1x1x16xi32>
    tpu.vector_store %arg5[%swap3A_428, %swap3A_429, %swap3A_430], %swap3A_433 {strides = array<i32>} : memref<6x2x128xi32, #tpu.memory_space<vmem>>, vector<1x1x16xi32>,
    %get3A_434 = arith.constant 1 : i32
    %get3A_435 = arith.constant 0 : i32
    %get3A_436 = arith.index_cast %get3A_434 : i32 to index
    %get3A_437 = arith.index_cast %get3A_435 : i32 to index
    %get3A_438 = arith.constant 48 : index
    %get3A_439 = tpu.vector_load %arg5[%get3A_436, %get3A_437, %get3A_438] {strides = array<i32>} : memref<6x2x128xi32, #tpu.memory_space<vmem>>, vector<1x1x16xi32>,
    %get3A_440 = vector.shape_cast %get3A_439 : vector<1x1x16xi32> to vector<16xi32>
    %mul3A_441 = arith.constant 2 : i32
    %mul3A_442 = vector.broadcast %mul3A_441 : i32 to vector<16xi32>
    %mul3A_443 = arith.muli %get3A_440, %mul3A_442 : vector<16xi32>
    %add3A_444 = vector.broadcast %arg0 : i32 to vector<16xi32>
    %add3A_445 = arith.addi %mul3A_443, %add3A_444 : vector<16xi32>
    %swap3A_446 = arith.constant 1 : i32
    %swap3A_447 = arith.constant 0 : i32
    %swap3A_448 = arith.index_cast %swap3A_446 : i32 to index
    %swap3A_449 = arith.index_cast %swap3A_447 : i32 to index
    %swap3A_450 = arith.constant 48 : index
    %swap3A_451 = tpu.vector_load %arg5[%swap3A_448, %swap3A_449, %swap3A_450] {strides = array<i32>} : memref<6x2x128xi32, #tpu.memory_space<vmem>>, vector<1x1x16xi32>,
    %swap3A_452 = vector.shape_cast %swap3A_451 : vector<1x1x16xi32> to vector<16xi32>
    %swap3A_453 = vector.shape_cast %add3A_445 : vector<16xi32> to vector<1x1x16xi32>
    tpu.vector_store %arg5[%swap3A_448, %swap3A_449, %swap3A_450], %swap3A_453 {strides = array<i32>} : memref<6x2x128xi32, #tpu.memory_space<vmem>>, vector<1x1x16xi32>,
    %get3A_454 = arith.constant 1 : i32
    %get3A_455 = arith.constant 0 : i32
    %get3A_456 = arith.index_cast %get3A_454 : i32 to index
    %get3A_457 = arith.index_cast %get3A_455 : i32 to index
    %get3A_458 = arith.constant 64 : index
    %get3A_459 = tpu.vector_load %arg5[%get3A_456, %get3A_457, %get3A_458] {strides = array<i32>} : memref<6x2x128xi32, #tpu.memory_space<vmem>>, vector<1x1x16xi32>,
    %get3A_460 = vector.shape_cast %get3A_459 : vector<1x1x16xi32> to vector<16xi32>
    %mul3A_461 = arith.constant 2 : i32
    %mul3A_462 = vector.broadcast %mul3A_461 : i32 to vector<16xi32>
    %mul3A_463 = arith.muli %get3A_460, %mul3A_462 : vector<16xi32>
    %add3A_464 = vector.broadcast %arg0 : i32 to vector<16xi32>
    %add3A_465 = arith.addi %mul3A_463, %add3A_464 : vector<16xi32>
    %swap3A_466 = arith.constant 1 : i32
    %swap3A_467 = arith.constant 0 : i32
    %swap3A_468 = arith.index_cast %swap3A_466 : i32 to index
    %swap3A_469 = arith.index_cast %swap3A_467 : i32 to index
    %swap3A_470 = arith.constant 64 : index
    %swap3A_471 = tpu.vector_load %arg5[%swap3A_468, %swap3A_469, %swap3A_470] {strides = array<i32>} : memref<6x2x128xi32, #tpu.memory_space<vmem>>, vector<1x1x16xi32>,
    %swap3A_472 = vector.shape_cast %swap3A_471 : vector<1x1x16xi32> to vector<16xi32>
    %swap3A_473 = vector.shape_cast %add3A_465 : vector<16xi32> to vector<1x1x16xi32>
    tpu.vector_store %arg5[%swap3A_468, %swap3A_469, %swap3A_470], %swap3A_473 {strides = array<i32>} : memref<6x2x128xi32, #tpu.memory_space<vmem>>, vector<1x1x16xi32>,
    %get3A_474 = arith.constant 1 : i32
    %get3A_475 = arith.constant 0 : i32
    %get3A_476 = arith.index_cast %get3A_474 : i32 to index
    %get3A_477 = arith.index_cast %get3A_475 : i32 to index
    %get3A_478 = arith.constant 80 : index
    %get3A_479 = tpu.vector_load %arg5[%get3A_476, %get3A_477, %get3A_478] {strides = array<i32>} : memref<6x2x128xi32, #tpu.memory_space<vmem>>, vector<1x1x16xi32>,
    %get3A_480 = vector.shape_cast %get3A_479 : vector<1x1x16xi32> to vector<16xi32>
    %mul3A_481 = arith.constant 2 : i32
    %mul3A_482 = vector.broadcast %mul3A_481 : i32 to vector<16xi32>
    %mul3A_483 = arith.muli %get3A_480, %mul3A_482 : vector<16xi32>
    %add3A_484 = vector.broadcast %arg0 : i32 to vector<16xi32>
    %add3A_485 = arith.addi %mul3A_483, %add3A_484 : vector<16xi32>
    %swap3A_486 = arith.constant 1 : i32
    %swap3A_487 = arith.constant 0 : i32
    %swap3A_488 = arith.index_cast %swap3A_486 : i32 to index
    %swap3A_489 = arith.index_cast %swap3A_487 : i32 to index
    %swap3A_490 = arith.constant 80 : index
    %swap3A_491 = tpu.vector_load %arg5[%swap3A_488, %swap3A_489, %swap3A_490] {strides = array<i32>} : memref<6x2x128xi32, #tpu.memory_space<vmem>>, vector<1x1x16xi32>,
    %swap3A_492 = vector.shape_cast %swap3A_491 : vector<1x1x16xi32> to vector<16xi32>
    %swap3A_493 = vector.shape_cast %add3A_485 : vector<16xi32> to vector<1x1x16xi32>
    tpu.vector_store %arg5[%swap3A_488, %swap3A_489, %swap3A_490], %swap3A_493 {strides = array<i32>} : memref<6x2x128xi32, #tpu.memory_space<vmem>>, vector<1x1x16xi32>,
    %get3A_494 = arith.constant 1 : i32
    %get3A_495 = arith.constant 0 : i32
    %get3A_496 = arith.index_cast %get3A_494 : i32 to index
    %get3A_497 = arith.index_cast %get3A_495 : i32 to index
    %get3A_498 = arith.constant 96 : index
    %get3A_499 = tpu.vector_load %arg5[%get3A_496, %get3A_497, %get3A_498] {strides = array<i32>} : memref<6x2x128xi32, #tpu.memory_space<vmem>>, vector<1x1x16xi32>,
    %get3A_500 = vector.shape_cast %get3A_499 : vector<1x1x16xi32> to vector<16xi32>
    %mul3A_501 = arith.constant 2 : i32
    %mul3A_502 = vector.broadcast %mul3A_501 : i32 to vector<16xi32>
    %mul3A_503 = arith.muli %get3A_500, %mul3A_502 : vector<16xi32>
    %add3A_504 = vector.broadcast %arg0 : i32 to vector<16xi32>
    %add3A_505 = arith.addi %mul3A_503, %add3A_504 : vector<16xi32>
    %swap3A_506 = arith.constant 1 : i32
    %swap3A_507 = arith.constant 0 : i32
    %swap3A_508 = arith.index_cast %swap3A_506 : i32 to index
    %swap3A_509 = arith.index_cast %swap3A_507 : i32 to index
    %swap3A_510 = arith.constant 96 : index
    %swap3A_511 = tpu.vector_load %arg5[%swap3A_508, %swap3A_509, %swap3A_510] {strides = array<i32>} : memref<6x2x128xi32, #tpu.memory_space<vmem>>, vector<1x1x16xi32>,
    %swap3A_512 = vector.shape_cast %swap3A_511 : vector<1x1x16xi32> to vector<16xi32>
    %swap3A_513 = vector.shape_cast %add3A_505 : vector<16xi32> to vector<1x1x16xi32>
    tpu.vector_store %arg5[%swap3A_508, %swap3A_509, %swap3A_510], %swap3A_513 {strides = array<i32>} : memref<6x2x128xi32, #tpu.memory_space<vmem>>, vector<1x1x16xi32>,
    %get3A_514 = arith.constant 1 : i32
    %get3A_515 = arith.constant 0 : i32
    %get3A_516 = arith.index_cast %get3A_514 : i32 to index
    %get3A_517 = arith.index_cast %get3A_515 : i32 to index
    %get3A_518 = arith.constant 112 : index
    %get3A_519 = tpu.vector_load %arg5[%get3A_516, %get3A_517, %get3A_518] {strides = array<i32>} : memref<6x2x128xi32, #tpu.memory_space<vmem>>, vector<1x1x16xi32>,
    %get3A_520 = vector.shape_cast %get3A_519 : vector<1x1x16xi32> to vector<16xi32>
    %mul3A_521 = arith.constant 2 : i32
    %mul3A_522 = vector.broadcast %mul3A_521 : i32 to vector<16xi32>
    %mul3A_523 = arith.muli %get3A_520, %mul3A_522 : vector<16xi32>
    %add3A_524 = vector.broadcast %arg0 : i32 to vector<16xi32>
    %add3A_525 = arith.addi %mul3A_523, %add3A_524 : vector<16xi32>
    %swap3A_526 = arith.constant 1 : i32
    %swap3A_527 = arith.constant 0 : i32
    %swap3A_528 = arith.index_cast %swap3A_526 : i32 to index
    %swap3A_529 = arith.index_cast %swap3A_527 : i32 to index
    %swap3A_530 = arith.constant 112 : index
    %swap3A_531 = tpu.vector_load %arg5[%swap3A_528, %swap3A_529, %swap3A_530] {strides = array<i32>} : memref<6x2x128xi32, #tpu.memory_space<vmem>>, vector<1x1x16xi32>,
    %swap3A_532 = vector.shape_cast %swap3A_531 : vector<1x1x16xi32> to vector<16xi32>
    %swap3A_533 = vector.shape_cast %add3A_525 : vector<16xi32> to vector<1x1x16xi32>
    tpu.vector_store %arg5[%swap3A_528, %swap3A_529, %swap3A_530], %swap3A_533 {strides = array<i32>} : memref<6x2x128xi32, #tpu.memory_space<vmem>>, vector<1x1x16xi32>,
    %dma_start3A_534 = arith.constant 1 : i32
    %dma_start3A_535 = arith.constant 0 : i32
    %dma_start3A_536 = arith.constant 1 : i32
    %dma_start3A_537 = arith.constant 0 : i32
    %dma_start3A_538 = arith.constant 0 : i32
    %dma_start3A_539 = tpu.memref_slice %arg6[%dma_start3A_536, %dma_start3A_537, %dma_start3A_538] : memref<3x128x128xf32, #tpu.memory_space<vmem>> -> memref<1x64x128xf32, #tpu.memory_space<vmem>>
    %dma_start3A_540 = tpu.memref_squeeze %dma_start3A_539 : memref<1x64x128xf32, #tpu.memory_space<vmem>> -> memref<64x128xf32, #tpu.memory_space<vmem>>
    %dma_start3A_541 = arith.constant 0 : i32
    %dma_start3A_542 = tpu.memref_slice %arg5[%dma_start3A_534, %dma_start3A_535, %dma_start3A_541] : memref<6x2x128xi32, #tpu.memory_space<vmem>> -> memref<1x1x64xi32, #tpu.memory_space<vmem>>
    %dma_start3A_543 = tpu.memref_squeeze %dma_start3A_542 : memref<1x1x64xi32, #tpu.memory_space<vmem>> -> memref<64xi32, #tpu.memory_space<vmem>>
    %dma_start3A_544 = arith.constant 0 : i32
    %dma_start3A_545 = arith.constant 0 : i32
    %dma_start3A_546 = tpu.memref_slice %arg2[%dma_start3A_544, %dma_start3A_545] : memref<20000x128xf32, #tpu.memory_space<hbm>> -> memref<20000x128xf32, #tpu.memory_space<hbm>>
    tpu.enqueue_indirect_dma source(%dma_start3A_546 : memref<20000x128xf32, #tpu.memory_space<hbm>>) target(%dma_start3A_540 : memref<64x128xf32, #tpu.memory_space<vmem>>) offsets(%dma_start3A_543 : memref<64xi32, #tpu.memory_space<vmem>>) semaphore(%arg15 : memref<!tpu.dma_semaphore, #tpu.memory_space<semaphore_mem>>)
    %dma_start3A_547 = arith.constant 1 : i32
    %dma_start3A_548 = arith.constant 0 : i32
    %dma_start3A_549 = arith.constant 1 : i32
    %dma_start3A_550 = arith.constant 64 : i32
    %dma_start3A_551 = arith.constant 0 : i32
    %dma_start3A_552 = tpu.memref_slice %arg6[%dma_start3A_549, %dma_start3A_550, %dma_start3A_551] : memref<3x128x128xf32, #tpu.memory_space<vmem>> -> memref<1x64x128xf32, #tpu.memory_space<vmem>>
    %dma_start3A_553 = tpu.memref_squeeze %dma_start3A_552 : memref<1x64x128xf32, #tpu.memory_space<vmem>> -> memref<64x128xf32, #tpu.memory_space<vmem>>
    %dma_start3A_554 = arith.constant 64 : i32
    %dma_start3A_555 = tpu.memref_slice %arg5[%dma_start3A_547, %dma_start3A_548, %dma_start3A_554] : memref<6x2x128xi32, #tpu.memory_space<vmem>> -> memref<1x1x64xi32, #tpu.memory_space<vmem>>
    %dma_start3A_556 = tpu.memref_squeeze %dma_start3A_555 : memref<1x1x64xi32, #tpu.memory_space<vmem>> -> memref<64xi32, #tpu.memory_space<vmem>>
    %dma_start3A_557 = arith.constant 0 : i32
    %dma_start3A_558 = arith.constant 0 : i32
    %dma_start3A_559 = tpu.memref_slice %arg2[%dma_start3A_557, %dma_start3A_558] : memref<20000x128xf32, #tpu.memory_space<hbm>> -> memref<20000x128xf32, #tpu.memory_space<hbm>>
    tpu.enqueue_indirect_dma source(%dma_start3A_559 : memref<20000x128xf32, #tpu.memory_space<hbm>>) target(%dma_start3A_553 : memref<64x128xf32, #tpu.memory_space<vmem>>) offsets(%dma_start3A_556 : memref<64xi32, #tpu.memory_space<vmem>>) semaphore(%arg15 : memref<!tpu.dma_semaphore, #tpu.memory_space<semaphore_mem>>)
    %scan3A_560 = arith.constant 0 : i32
    %scan3A_561 = arith.constant 0 : i32
    %scan3A_562 = arith.constant 14 : i32
    %scan3A_563 = arith.addi %scan3A_561, %scan3A_562 : i32
    %scan3A_564 = arith.constant 1 : i32
    scf.for %scan3A_572 = %scan3A_561 to %scan3A_563 step %scan3A_564  : i32 {
      %mul3A_573 = arith.constant 6 : i32
      %mul3A_574 = arith.muli %scan3A_572, %mul3A_573 : i32
      %add3A_575 = arith.constant 0 : i32
      %add3A_576 = arith.addi %mul3A_574, %add3A_575 : i32
      %ge3A = arith.constant 1 : i32
      %ge3A_577 = arith.cmpi sge, %add3A_576, %ge3A : i32
      %sub3A_578 = arith.constant 1 : i32
      %sub3A_579 = arith.subi %add3A_576, %sub3A_578 : i32
      %mul3A_580 = arith.constant 16 : i32
      %mul3A_581 = arith.muli %mul3A_580, %sub3A_579 : i32
      %add3A_582 = arith.addi %arg1, %mul3A_581 : i32
      %lt3A = arith.constant 1250 : i32
      %lt3A_583 = arith.cmpi slt, %add3A_582, %lt3A : i32
      %and3A = arith.andi %ge3A_577, %lt3A_583 : i1
      %sub3A_584 = arith.constant 1 : i32
      %sub3A_585 = arith.subi %add3A_576, %sub3A_584 : i32
      %convert_element_type3A_586 = arith.extui %and3A : i1 to i32
      %cond3A_587 = arith.constant 0 : i32
      %cond3A_588 = arith.cmpi ne, %convert_element_type3A_586, %cond3A_587 : i32
      scf.if %cond3A_588 {
        %dma_wait3A_996 = arith.constant 2 : i32
        %dma_wait3A_997 = arith.constant 5 : i32
        %dma_wait3A_998 = arith.constant 1 : i32
        %dma_wait3A_999 = arith.constant 0 : i32
        %dma_wait3A_1000 = arith.constant 0 : i32
        %dma_wait3A_1001 = tpu.memref_slice %arg6[%dma_wait3A_996, %dma_wait3A_999, %dma_wait3A_1000] : memref<3x128x128xf32, #tpu.memory_space<vmem>> -> memref<1x64x128xf32, #tpu.memory_space<vmem>>
        %dma_wait3A_1002 = tpu.memref_squeeze %dma_wait3A_1001 : memref<1x64x128xf32, #tpu.memory_space<vmem>> -> memref<64x128xf32, #tpu.memory_space<vmem>>
        %dma_wait3A_1003 = arith.constant 0 : i32
        %dma_wait3A_1004 = tpu.memref_slice %arg5[%dma_wait3A_997, %dma_wait3A_998, %dma_wait3A_1003] : memref<6x2x128xi32, #tpu.memory_space<vmem>> -> memref<1x1x64xi32, #tpu.memory_space<vmem>>
        %dma_wait3A_1005 = tpu.memref_squeeze %dma_wait3A_1004 : memref<1x1x64xi32, #tpu.memory_space<vmem>> -> memref<64xi32, #tpu.memory_space<vmem>>
        %dma_wait3A_1006 = arith.constant 0 : i32
        %dma_wait3A_1007 = arith.constant 0 : i32
        %dma_wait3A_1008 = tpu.memref_slice %arg7[%dma_wait3A_1006, %dma_wait3A_1007] : memref<10000x128xf32, #tpu.memory_space<vmem_shared>> -> memref<10000x128xf32, #tpu.memory_space<vmem_shared>>
        tpu.wait_indirect_dma semaphore(%arg19 : memref<!tpu.dma_semaphore, #tpu.memory_space<semaphore_mem>>) src(%dma_wait3A_1002 : memref<64x128xf32, #tpu.memory_space<vmem>>) dst(%dma_wait3A_1008 : memref<10000x128xf32, #tpu.memory_space<vmem_shared>>)
        %dma_wait3A_1009 = arith.constant 2 : i32
        %dma_wait3A_1010 = arith.constant 5 : i32
        %dma_wait3A_1011 = arith.constant 1 : i32
        %dma_wait3A_1012 = arith.constant 64 : i32
        %dma_wait3A_1013 = arith.constant 0 : i32
        %dma_wait3A_1014 = tpu.memref_slice %arg6[%dma_wait3A_1009, %dma_wait3A_1012, %dma_wait3A_1013] : memref<3x128x128xf32, #tpu.memory_space<vmem>> -> memref<1x64x128xf32, #tpu.memory_space<vmem>>
        %dma_wait3A_1015 = tpu.memref_squeeze %dma_wait3A_1014 : memref<1x64x128xf32, #tpu.memory_space<vmem>> -> memref<64x128xf32, #tpu.memory_space<vmem>>
        %dma_wait3A_1016 = arith.constant 64 : i32
        %dma_wait3A_1017 = tpu.memref_slice %arg5[%dma_wait3A_1010, %dma_wait3A_1011, %dma_wait3A_1016] : memref<6x2x128xi32, #tpu.memory_space<vmem>> -> memref<1x1x64xi32, #tpu.memory_space<vmem>>
        %dma_wait3A_1018 = tpu.memref_squeeze %dma_wait3A_1017 : memref<1x1x64xi32, #tpu.memory_space<vmem>> -> memref<64xi32, #tpu.memory_space<vmem>>
        %dma_wait3A_1019 = arith.constant 0 : i32
        %dma_wait3A_1020 = arith.constant 0 : i32
        %dma_wait3A_1021 = tpu.memref_slice %arg7[%dma_wait3A_1019, %dma_wait3A_1020] : memref<10000x128xf32, #tpu.memory_space<vmem_shared>> -> memref<10000x128xf32, #tpu.memory_space<vmem_shared>>
        tpu.wait_indirect_dma semaphore(%arg19 : memref<!tpu.dma_semaphore, #tpu.memory_space<semaphore_mem>>) src(%dma_wait3A_1015 : memref<64x128xf32, #tpu.memory_space<vmem>>) dst(%dma_wait3A_1021 : memref<10000x128xf32, #tpu.memory_space<vmem_shared>>)
      } else {
      }
      %add3A_589 = arith.constant 2 : i32
      %add3A_590 = arith.addi %add3A_576, %add3A_589 : i32
      %mul3A_591 = arith.constant 16 : i32
      %mul3A_592 = arith.muli %mul3A_591, %add3A_590 : i32
      %add3A_593 = arith.addi %arg1, %mul3A_592 : i32
      %lt3A_594 = arith.constant 1250 : i32
      %lt3A_595 = arith.cmpi slt, %add3A_593, %lt3A_594 : i32
      %add3A_596 = arith.constant 2 : i32
      %add3A_597 = arith.addi %add3A_576, %add3A_596 : i32
      %convert_element_type3A_598 = arith.extui %lt3A_595 : i1 to i32
      %cond3A_599 = arith.constant 0 : i32
      %cond3A_600 = arith.cmpi ne, %convert_element_type3A_598, %cond3A_599 : i32
      scf.if %cond3A_600 {
        %mul3A_996 = arith.constant 16 : i32
        %mul3A_997 = arith.muli %mul3A_996, %add3A_597 : i32
        %add3A_998 = arith.addi %arg1, %mul3A_997 : i32
        %mul3A_999 = arith.constant 128 : i32
        %mul3A_1000 = arith.muli %add3A_998, %mul3A_999 : i32
        %dma_wait3A_1001 = arith.constant 0 : i32
        %dma_wait3A_1002 = arith.constant 2 : i32
        %dma_wait3A_1003 = arith.constant 0 : i32
        %dma_wait3A_1004 = arith.constant 0 : i32
        %dma_wait3A_1005 = tpu.memref_slice %arg5[%dma_wait3A_1002, %dma_wait3A_1003, %dma_wait3A_1004] : memref<6x2x128xi32, #tpu.memory_space<vmem>> -> memref<1x1x128xi32, #tpu.memory_space<vmem>>
        %dma_wait3A_1006 = tpu.memref_squeeze %dma_wait3A_1005 : memref<1x1x128xi32, #tpu.memory_space<vmem>> -> memref<128xi32, #tpu.memory_space<vmem>>
        %dma_wait3A_1007 = tpu.memref_slice %arg3[%dma_wait3A_1001, %mul3A_1000] : memref<2x160000xi32, #tpu.memory_space<hbm>> -> memref<1x128xi32, #tpu.memory_space<hbm>>
        %dma_wait3A_1008 = tpu.memref_squeeze %dma_wait3A_1007 : memref<1x128xi32, #tpu.memory_space<hbm>> -> memref<128xi32, #tpu.memory_space<hbm>>
        %dma_wait3A_1009 = arith.constant 0 : i32
        %dma_wait3A_1010 = tpu.memref_slice %arg5[%dma_wait3A_1002, %dma_wait3A_1003, %dma_wait3A_1009] : memref<6x2x128xi32, #tpu.memory_space<vmem>> -> memref<1x1x128xi32, #tpu.memory_space<vmem>>
        %dma_wait3A_1011 = tpu.memref_squeeze %dma_wait3A_1010 : memref<1x1x128xi32, #tpu.memory_space<vmem>> -> memref<128xi32, #tpu.memory_space<vmem>>
        %dma_wait3A_1012 = tpu.memref_slice %arg3[%dma_wait3A_1001, %mul3A_1000] : memref<2x160000xi32, #tpu.memory_space<hbm>> -> memref<1x128xi32, #tpu.memory_space<hbm>>
        %dma_wait3A_1013 = tpu.memref_squeeze %dma_wait3A_1012 : memref<1x128xi32, #tpu.memory_space<hbm>> -> memref<128xi32, #tpu.memory_space<hbm>>
        tpu.wait_dma2 semaphore(%arg10 : memref<!tpu.dma_semaphore, #tpu.memory_space<semaphore_mem>>) src(%dma_wait3A_1013 : memref<128xi32, #tpu.memory_space<hbm>>) dst(%dma_wait3A_1011 : memref<128xi32, #tpu.memory_space<vmem>>)
        %mul3A_1014 = arith.constant 16 : i32
        %mul3A_1015 = arith.muli %mul3A_1014, %add3A_597 : i32
        %add3A_1016 = arith.addi %arg1, %mul3A_1015 : i32
        %mul3A_1017 = arith.constant 128 : i32
        %mul3A_1018 = arith.muli %add3A_1016, %mul3A_1017 : i32
        %dma_wait3A_1019 = arith.constant 1 : i32
        %dma_wait3A_1020 = arith.constant 2 : i32
        %dma_wait3A_1021 = arith.constant 1 : i32
        %dma_wait3A_1022 = arith.constant 0 : i32
        %dma_wait3A_1023 = tpu.memref_slice %arg5[%dma_wait3A_1020, %dma_wait3A_1021, %dma_wait3A_1022] : memref<6x2x128xi32, #tpu.memory_space<vmem>> -> memref<1x1x128xi32, #tpu.memory_space<vmem>>
        %dma_wait3A_1024 = tpu.memref_squeeze %dma_wait3A_1023 : memref<1x1x128xi32, #tpu.memory_space<vmem>> -> memref<128xi32, #tpu.memory_space<vmem>>
        %dma_wait3A_1025 = tpu.memref_slice %arg3[%dma_wait3A_1019, %mul3A_1018] : memref<2x160000xi32, #tpu.memory_space<hbm>> -> memref<1x128xi32, #tpu.memory_space<hbm>>
        %dma_wait3A_1026 = tpu.memref_squeeze %dma_wait3A_1025 : memref<1x128xi32, #tpu.memory_space<hbm>> -> memref<128xi32, #tpu.memory_space<hbm>>
        %dma_wait3A_1027 = arith.constant 0 : i32
        %dma_wait3A_1028 = tpu.memref_slice %arg5[%dma_wait3A_1020, %dma_wait3A_1021, %dma_wait3A_1027] : memref<6x2x128xi32, #tpu.memory_space<vmem>> -> memref<1x1x128xi32, #tpu.memory_space<vmem>>
        %dma_wait3A_1029 = tpu.memref_squeeze %dma_wait3A_1028 : memref<1x1x128xi32, #tpu.memory_space<vmem>> -> memref<128xi32, #tpu.memory_space<vmem>>
        %dma_wait3A_1030 = tpu.memref_slice %arg3[%dma_wait3A_1019, %mul3A_1018] : memref<2x160000xi32, #tpu.memory_space<hbm>> -> memref<1x128xi32, #tpu.memory_space<hbm>>
        %dma_wait3A_1031 = tpu.memref_squeeze %dma_wait3A_1030 : memref<1x128xi32, #tpu.memory_space<hbm>> -> memref<128xi32, #tpu.memory_space<hbm>>
        tpu.wait_dma2 semaphore(%arg10 : memref<!tpu.dma_semaphore, #tpu.memory_space<semaphore_mem>>) src(%dma_wait3A_1031 : memref<128xi32, #tpu.memory_space<hbm>>) dst(%dma_wait3A_1029 : memref<128xi32, #tpu.memory_space<vmem>>)
        %get3A_1032 = arith.constant 2 : i32
        %get3A_1033 = arith.constant 0 : i32
        %get3A_1034 = arith.index_cast %get3A_1032 : i32 to index
        %get3A_1035 = arith.index_cast %get3A_1033 : i32 to index
        %get3A_1036 = arith.constant 0 : index
        %get3A_1037 = tpu.vector_load %arg5[%get3A_1034, %get3A_1035, %get3A_1036] {strides = array<i32>} : memref<6x2x128xi32, #tpu.memory_space<vmem>>, vector<1x1x16xi32>,
        %get3A_1038 = vector.shape_cast %get3A_1037 : vector<1x1x16xi32> to vector<16xi32>
        %mul3A_1039 = arith.constant 2 : i32
        %mul3A_1040 = vector.broadcast %mul3A_1039 : i32 to vector<16xi32>
        %mul3A_1041 = arith.muli %get3A_1038, %mul3A_1040 : vector<16xi32>
        %add3A_1042 = vector.broadcast %arg0 : i32 to vector<16xi32>
        %add3A_1043 = arith.addi %mul3A_1041, %add3A_1042 : vector<16xi32>
        %swap3A_1044 = arith.constant 2 : i32
        %swap3A_1045 = arith.constant 0 : i32
        %swap3A_1046 = arith.index_cast %swap3A_1044 : i32 to index
        %swap3A_1047 = arith.index_cast %swap3A_1045 : i32 to index
        %swap3A_1048 = arith.constant 0 : index
        %swap3A_1049 = tpu.vector_load %arg5[%swap3A_1046, %swap3A_1047, %swap3A_1048] {strides = array<i32>} : memref<6x2x128xi32, #tpu.memory_space<vmem>>, vector<1x1x16xi32>,
        %swap3A_1050 = vector.shape_cast %swap3A_1049 : vector<1x1x16xi32> to vector<16xi32>
        %swap3A_1051 = vector.shape_cast %add3A_1043 : vector<16xi32> to vector<1x1x16xi32>
        tpu.vector_store %arg5[%swap3A_1046, %swap3A_1047, %swap3A_1048], %swap3A_1051 {strides = array<i32>} : memref<6x2x128xi32, #tpu.memory_space<vmem>>, vector<1x1x16xi32>,
        %get3A_1052 = arith.constant 2 : i32
        %get3A_1053 = arith.constant 0 : i32
        %get3A_1054 = arith.index_cast %get3A_1052 : i32 to index
        %get3A_1055 = arith.index_cast %get3A_1053 : i32 to index
        %get3A_1056 = arith.constant 16 : index
        %get3A_1057 = tpu.vector_load %arg5[%get3A_1054, %get3A_1055, %get3A_1056] {strides = array<i32>} : memref<6x2x128xi32, #tpu.memory_space<vmem>>, vector<1x1x16xi32>,
        %get3A_1058 = vector.shape_cast %get3A_1057 : vector<1x1x16xi32> to vector<16xi32>
        %mul3A_1059 = arith.constant 2 : i32
        %mul3A_1060 = vector.broadcast %mul3A_1059 : i32 to vector<16xi32>
        %mul3A_1061 = arith.muli %get3A_1058, %mul3A_1060 : vector<16xi32>
        %add3A_1062 = vector.broadcast %arg0 : i32 to vector<16xi32>
        %add3A_1063 = arith.addi %mul3A_1061, %add3A_1062 : vector<16xi32>
        %swap3A_1064 = arith.constant 2 : i32
        %swap3A_1065 = arith.constant 0 : i32
        %swap3A_1066 = arith.index_cast %swap3A_1064 : i32 to index
        %swap3A_1067 = arith.index_cast %swap3A_1065 : i32 to index
        %swap3A_1068 = arith.constant 16 : index
        %swap3A_1069 = tpu.vector_load %arg5[%swap3A_1066, %swap3A_1067, %swap3A_1068] {strides = array<i32>} : memref<6x2x128xi32, #tpu.memory_space<vmem>>, vector<1x1x16xi32>,
        %swap3A_1070 = vector.shape_cast %swap3A_1069 : vector<1x1x16xi32> to vector<16xi32>
        %swap3A_1071 = vector.shape_cast %add3A_1063 : vector<16xi32> to vector<1x1x16xi32>
        tpu.vector_store %arg5[%swap3A_1066, %swap3A_1067, %swap3A_1068], %swap3A_1071 {strides = array<i32>} : memref<6x2x128xi32, #tpu.memory_space<vmem>>, vector<1x1x16xi32>,
        %get3A_1072 = arith.constant 2 : i32
        %get3A_1073 = arith.constant 0 : i32
        %get3A_1074 = arith.index_cast %get3A_1072 : i32 to index
        %get3A_1075 = arith.index_cast %get3A_1073 : i32 to index
        %get3A_1076 = arith.constant 32 : index
        %get3A_1077 = tpu.vector_load %arg5[%get3A_1074, %get3A_1075, %get3A_1076] {strides = array<i32>} : memref<6x2x128xi32, #tpu.memory_space<vmem>>, vector<1x1x16xi32>,
        %get3A_1078 = vector.shape_cast %get3A_1077 : vector<1x1x16xi32> to vector<16xi32>
        %mul3A_1079 = arith.constant 2 : i32
        %mul3A_1080 = vector.broadcast %mul3A_1079 : i32 to vector<16xi32>
        %mul3A_1081 = arith.muli %get3A_1078, %mul3A_1080 : vector<16xi32>
        %add3A_1082 = vector.broadcast %arg0 : i32 to vector<16xi32>
        %add3A_1083 = arith.addi %mul3A_1081, %add3A_1082 : vector<16xi32>
        %swap3A_1084 = arith.constant 2 : i32
        %swap3A_1085 = arith.constant 0 : i32
        %swap3A_1086 = arith.index_cast %swap3A_1084 : i32 to index
        %swap3A_1087 = arith.index_cast %swap3A_1085 : i32 to index
        %swap3A_1088 = arith.constant 32 : index
        %swap3A_1089 = tpu.vector_load %arg5[%swap3A_1086, %swap3A_1087, %swap3A_1088] {strides = array<i32>} : memref<6x2x128xi32, #tpu.memory_space<vmem>>, vector<1x1x16xi32>,
        %swap3A_1090 = vector.shape_cast %swap3A_1089 : vector<1x1x16xi32> to vector<16xi32>
        %swap3A_1091 = vector.shape_cast %add3A_1083 : vector<16xi32> to vector<1x1x16xi32>
        tpu.vector_store %arg5[%swap3A_1086, %swap3A_1087, %swap3A_1088], %swap3A_1091 {strides = array<i32>} : memref<6x2x128xi32, #tpu.memory_space<vmem>>, vector<1x1x16xi32>,
        %get3A_1092 = arith.constant 2 : i32
        %get3A_1093 = arith.constant 0 : i32
        %get3A_1094 = arith.index_cast %get3A_1092 : i32 to index
        %get3A_1095 = arith.index_cast %get3A_1093 : i32 to index
        %get3A_1096 = arith.constant 48 : index
        %get3A_1097 = tpu.vector_load %arg5[%get3A_1094, %get3A_1095, %get3A_1096] {strides = array<i32>} : memref<6x2x128xi32, #tpu.memory_space<vmem>>, vector<1x1x16xi32>,
        %get3A_1098 = vector.shape_cast %get3A_1097 : vector<1x1x16xi32> to vector<16xi32>
        %mul3A_1099 = arith.constant 2 : i32
        %mul3A_1100 = vector.broadcast %mul3A_1099 : i32 to vector<16xi32>
        %mul3A_1101 = arith.muli %get3A_1098, %mul3A_1100 : vector<16xi32>
        %add3A_1102 = vector.broadcast %arg0 : i32 to vector<16xi32>
        %add3A_1103 = arith.addi %mul3A_1101, %add3A_1102 : vector<16xi32>
        %swap3A_1104 = arith.constant 2 : i32
        %swap3A_1105 = arith.constant 0 : i32
        %swap3A_1106 = arith.index_cast %swap3A_1104 : i32 to index
        %swap3A_1107 = arith.index_cast %swap3A_1105 : i32 to index
        %swap3A_1108 = arith.constant 48 : index
        %swap3A_1109 = tpu.vector_load %arg5[%swap3A_1106, %swap3A_1107, %swap3A_1108] {strides = array<i32>} : memref<6x2x128xi32, #tpu.memory_space<vmem>>, vector<1x1x16xi32>,
        %swap3A_1110 = vector.shape_cast %swap3A_1109 : vector<1x1x16xi32> to vector<16xi32>
        %swap3A_1111 = vector.shape_cast %add3A_1103 : vector<16xi32> to vector<1x1x16xi32>
        tpu.vector_store %arg5[%swap3A_1106, %swap3A_1107, %swap3A_1108], %swap3A_1111 {strides = array<i32>} : memref<6x2x128xi32, #tpu.memory_space<vmem>>, vector<1x1x16xi32>,
        %get3A_1112 = arith.constant 2 : i32
        %get3A_1113 = arith.constant 0 : i32
        %get3A_1114 = arith.index_cast %get3A_1112 : i32 to index
        %get3A_1115 = arith.index_cast %get3A_1113 : i32 to index
        %get3A_1116 = arith.constant 64 : index
        %get3A_1117 = tpu.vector_load %arg5[%get3A_1114, %get3A_1115, %get3A_1116] {strides = array<i32>} : memref<6x2x128xi32, #tpu.memory_space<vmem>>, vector<1x1x16xi32>,
        %get3A_1118 = vector.shape_cast %get3A_1117 : vector<1x1x16xi32> to vector<16xi32>
        %mul3A_1119 = arith.constant 2 : i32
        %mul3A_1120 = vector.broadcast %mul3A_1119 : i32 to vector<16xi32>
        %mul3A_1121 = arith.muli %get3A_1118, %mul3A_1120 : vector<16xi32>
        %add3A_1122 = vector.broadcast %arg0 : i32 to vector<16xi32>
        %add3A_1123 = arith.addi %mul3A_1121, %add3A_1122 : vector<16xi32>
        %swap3A_1124 = arith.constant 2 : i32
        %swap3A_1125 = arith.constant 0 : i32
        %swap3A_1126 = arith.index_cast %swap3A_1124 : i32 to index
        %swap3A_1127 = arith.index_cast %swap3A_1125 : i32 to index
        %swap3A_1128 = arith.constant 64 : index
        %swap3A_1129 = tpu.vector_load %arg5[%swap3A_1126, %swap3A_1127, %swap3A_1128] {strides = array<i32>} : memref<6x2x128xi32, #tpu.memory_space<vmem>>, vector<1x1x16xi32>,
        %swap3A_1130 = vector.shape_cast %swap3A_1129 : vector<1x1x16xi32> to vector<16xi32>
        %swap3A_1131 = vector.shape_cast %add3A_1123 : vector<16xi32> to vector<1x1x16xi32>
        tpu.vector_store %arg5[%swap3A_1126, %swap3A_1127, %swap3A_1128], %swap3A_1131 {strides = array<i32>} : memref<6x2x128xi32, #tpu.memory_space<vmem>>, vector<1x1x16xi32>,
        %get3A_1132 = arith.constant 2 : i32
        %get3A_1133 = arith.constant 0 : i32
        %get3A_1134 = arith.index_cast %get3A_1132 : i32 to index
        %get3A_1135 = arith.index_cast %get3A_1133 : i32 to index
        %get3A_1136 = arith.constant 80 : index
        %get3A_1137 = tpu.vector_load %arg5[%get3A_1134, %get3A_1135, %get3A_1136] {strides = array<i32>} : memref<6x2x128xi32, #tpu.memory_space<vmem>>, vector<1x1x16xi32>,
        %get3A_1138 = vector.shape_cast %get3A_1137 : vector<1x1x16xi32> to vector<16xi32>
        %mul3A_1139 = arith.constant 2 : i32
        %mul3A_1140 = vector.broadcast %mul3A_1139 : i32 to vector<16xi32>
        %mul3A_1141 = arith.muli %get3A_1138, %mul3A_1140 : vector<16xi32>
        %add3A_1142 = vector.broadcast %arg0 : i32 to vector<16xi32>
        %add3A_1143 = arith.addi %mul3A_1141, %add3A_1142 : vector<16xi32>
        %swap3A_1144 = arith.constant 2 : i32
        %swap3A_1145 = arith.constant 0 : i32
        %swap3A_1146 = arith.index_cast %swap3A_1144 : i32 to index
        %swap3A_1147 = arith.index_cast %swap3A_1145 : i32 to index
        %swap3A_1148 = arith.constant 80 : index
        %swap3A_1149 = tpu.vector_load %arg5[%swap3A_1146, %swap3A_1147, %swap3A_1148] {strides = array<i32>} : memref<6x2x128xi32, #tpu.memory_space<vmem>>, vector<1x1x16xi32>,
        %swap3A_1150 = vector.shape_cast %swap3A_1149 : vector<1x1x16xi32> to vector<16xi32>
        %swap3A_1151 = vector.shape_cast %add3A_1143 : vector<16xi32> to vector<1x1x16xi32>
        tpu.vector_store %arg5[%swap3A_1146, %swap3A_1147, %swap3A_1148], %swap3A_1151 {strides = array<i32>} : memref<6x2x128xi32, #tpu.memory_space<vmem>>, vector<1x1x16xi32>,
        %get3A_1152 = arith.constant 2 : i32
        %get3A_1153 = arith.constant 0 : i32
        %get3A_1154 = arith.index_cast %get3A_1152 : i32 to index
        %get3A_1155 = arith.index_cast %get3A_1153 : i32 to index
        %get3A_1156 = arith.constant 96 : index
        %get3A_1157 = tpu.vector_load %arg5[%get3A_1154, %get3A_1155, %get3A_1156] {strides = array<i32>} : memref<6x2x128xi32, #tpu.memory_space<vmem>>, vector<1x1x16xi32>,
        %get3A_1158 = vector.shape_cast %get3A_1157 : vector<1x1x16xi32> to vector<16xi32>
        %mul3A_1159 = arith.constant 2 : i32
        %mul3A_1160 = vector.broadcast %mul3A_1159 : i32 to vector<16xi32>
        %mul3A_1161 = arith.muli %get3A_1158, %mul3A_1160 : vector<16xi32>
        %add3A_1162 = vector.broadcast %arg0 : i32 to vector<16xi32>
        %add3A_1163 = arith.addi %mul3A_1161, %add3A_1162 : vector<16xi32>
        %swap3A_1164 = arith.constant 2 : i32
        %swap3A_1165 = arith.constant 0 : i32
        %swap3A_1166 = arith.index_cast %swap3A_1164 : i32 to index
        %swap3A_1167 = arith.index_cast %swap3A_1165 : i32 to index
        %swap3A_1168 = arith.constant 96 : index
        %swap3A_1169 = tpu.vector_load %arg5[%swap3A_1166, %swap3A_1167, %swap3A_1168] {strides = array<i32>} : memref<6x2x128xi32, #tpu.memory_space<vmem>>, vector<1x1x16xi32>,
        %swap3A_1170 = vector.shape_cast %swap3A_1169 : vector<1x1x16xi32> to vector<16xi32>
        %swap3A_1171 = vector.shape_cast %add3A_1163 : vector<16xi32> to vector<1x1x16xi32>
        tpu.vector_store %arg5[%swap3A_1166, %swap3A_1167, %swap3A_1168], %swap3A_1171 {strides = array<i32>} : memref<6x2x128xi32, #tpu.memory_space<vmem>>, vector<1x1x16xi32>,
        %get3A_1172 = arith.constant 2 : i32
        %get3A_1173 = arith.constant 0 : i32
        %get3A_1174 = arith.index_cast %get3A_1172 : i32 to index
        %get3A_1175 = arith.index_cast %get3A_1173 : i32 to index
        %get3A_1176 = arith.constant 112 : index
        %get3A_1177 = tpu.vector_load %arg5[%get3A_1174, %get3A_1175, %get3A_1176] {strides = array<i32>} : memref<6x2x128xi32, #tpu.memory_space<vmem>>, vector<1x1x16xi32>,
        %get3A_1178 = vector.shape_cast %get3A_1177 : vector<1x1x16xi32> to vector<16xi32>
        %mul3A_1179 = arith.constant 2 : i32
        %mul3A_1180 = vector.broadcast %mul3A_1179 : i32 to vector<16xi32>
        %mul3A_1181 = arith.muli %get3A_1178, %mul3A_1180 : vector<16xi32>
        %add3A_1182 = vector.broadcast %arg0 : i32 to vector<16xi32>
        %add3A_1183 = arith.addi %mul3A_1181, %add3A_1182 : vector<16xi32>
        %swap3A_1184 = arith.constant 2 : i32
        %swap3A_1185 = arith.constant 0 : i32
        %swap3A_1186 = arith.index_cast %swap3A_1184 : i32 to index
        %swap3A_1187 = arith.index_cast %swap3A_1185 : i32 to index
        %swap3A_1188 = arith.constant 112 : index
        %swap3A_1189 = tpu.vector_load %arg5[%swap3A_1186, %swap3A_1187, %swap3A_1188] {strides = array<i32>} : memref<6x2x128xi32, #tpu.memory_space<vmem>>, vector<1x1x16xi32>,
        %swap3A_1190 = vector.shape_cast %swap3A_1189 : vector<1x1x16xi32> to vector<16xi32>
        %swap3A_1191 = vector.shape_cast %add3A_1183 : vector<16xi32> to vector<1x1x16xi32>
        tpu.vector_store %arg5[%swap3A_1186, %swap3A_1187, %swap3A_1188], %swap3A_1191 {strides = array<i32>} : memref<6x2x128xi32, #tpu.memory_space<vmem>>, vector<1x1x16xi32>,
      } else {
      }
      %add3A_601 = arith.constant 2 : i32
      %add3A_602 = arith.addi %add3A_576, %add3A_601 : i32
      %mul3A_603 = arith.constant 16 : i32
      %mul3A_604 = arith.muli %mul3A_603, %add3A_602 : i32
      %add3A_605 = arith.addi %arg1, %mul3A_604 : i32
      %lt3A_606 = arith.constant 1250 : i32
      %lt3A_607 = arith.cmpi slt, %add3A_605, %lt3A_606 : i32
      %add3A_608 = arith.constant 2 : i32
      %add3A_609 = arith.addi %add3A_576, %add3A_608 : i32
      %convert_element_type3A_610 = arith.extui %lt3A_607 : i1 to i32
      %cond3A_611 = arith.constant 0 : i32
      %cond3A_612 = arith.cmpi ne, %convert_element_type3A_610, %cond3A_611 : i32
      scf.if %cond3A_612 {
        %dma_start3A_996 = arith.constant 2 : i32
        %dma_start3A_997 = arith.constant 0 : i32
        %dma_start3A_998 = arith.constant 2 : i32
        %dma_start3A_999 = arith.constant 0 : i32
        %dma_start3A_1000 = arith.constant 0 : i32
        %dma_start3A_1001 = tpu.memref_slice %arg6[%dma_start3A_998, %dma_start3A_999, %dma_start3A_1000] : memref<3x128x128xf32, #tpu.memory_space<vmem>> -> memref<1x64x128xf32, #tpu.memory_space<vmem>>
        %dma_start3A_1002 = tpu.memref_squeeze %dma_start3A_1001 : memref<1x64x128xf32, #tpu.memory_space<vmem>> -> memref<64x128xf32, #tpu.memory_space<vmem>>
        %dma_start3A_1003 = arith.constant 0 : i32
        %dma_start3A_1004 = tpu.memref_slice %arg5[%dma_start3A_996, %dma_start3A_997, %dma_start3A_1003] : memref<6x2x128xi32, #tpu.memory_space<vmem>> -> memref<1x1x64xi32, #tpu.memory_space<vmem>>
        %dma_start3A_1005 = tpu.memref_squeeze %dma_start3A_1004 : memref<1x1x64xi32, #tpu.memory_space<vmem>> -> memref<64xi32, #tpu.memory_space<vmem>>
        %dma_start3A_1006 = arith.constant 0 : i32
        %dma_start3A_1007 = arith.constant 0 : i32
        %dma_start3A_1008 = tpu.memref_slice %arg2[%dma_start3A_1006, %dma_start3A_1007] : memref<20000x128xf32, #tpu.memory_space<hbm>> -> memref<20000x128xf32, #tpu.memory_space<hbm>>
        tpu.enqueue_indirect_dma source(%dma_start3A_1008 : memref<20000x128xf32, #tpu.memory_space<hbm>>) target(%dma_start3A_1002 : memref<64x128xf32, #tpu.memory_space<vmem>>) offsets(%dma_start3A_1005 : memref<64xi32, #tpu.memory_space<vmem>>) semaphore(%arg16 : memref<!tpu.dma_semaphore, #tpu.memory_space<semaphore_mem>>)
        %dma_start3A_1009 = arith.constant 2 : i32
        %dma_start3A_1010 = arith.constant 0 : i32
        %dma_start3A_1011 = arith.constant 2 : i32
        %dma_start3A_1012 = arith.constant 64 : i32
        %dma_start3A_1013 = arith.constant 0 : i32
        %dma_start3A_1014 = tpu.memref_slice %arg6[%dma_start3A_1011, %dma_start3A_1012, %dma_start3A_1013] : memref<3x128x128xf32, #tpu.memory_space<vmem>> -> memref<1x64x128xf32, #tpu.memory_space<vmem>>
        %dma_start3A_1015 = tpu.memref_squeeze %dma_start3A_1014 : memref<1x64x128xf32, #tpu.memory_space<vmem>> -> memref<64x128xf32, #tpu.memory_space<vmem>>
        %dma_start3A_1016 = arith.constant 64 : i32
        %dma_start3A_1017 = tpu.memref_slice %arg5[%dma_start3A_1009, %dma_start3A_1010, %dma_start3A_1016] : memref<6x2x128xi32, #tpu.memory_space<vmem>> -> memref<1x1x64xi32, #tpu.memory_space<vmem>>
        %dma_start3A_1018 = tpu.memref_squeeze %dma_start3A_1017 : memref<1x1x64xi32, #tpu.memory_space<vmem>> -> memref<64xi32, #tpu.memory_space<vmem>>
        %dma_start3A_1019 = arith.constant 0 : i32
        %dma_start3A_1020 = arith.constant 0 : i32
        %dma_start3A_1021 = tpu.memref_slice %arg2[%dma_start3A_1019, %dma_start3A_1020] : memref<20000x128xf32, #tpu.memory_space<hbm>> -> memref<20000x128xf32, #tpu.memory_space<hbm>>
        tpu.enqueue_indirect_dma source(%dma_start3A_1021 : memref<20000x128xf32, #tpu.memory_space<hbm>>) target(%dma_start3A_1015 : memref<64x128xf32, #tpu.memory_space<vmem>>) offsets(%dma_start3A_1018 : memref<64xi32, #tpu.memory_space<vmem>>) semaphore(%arg16 : memref<!tpu.dma_semaphore, #tpu.memory_space<semaphore_mem>>)
      } else {
      }
      %add3A_613 = arith.constant 3 : i32
      %add3A_614 = arith.addi %add3A_576, %add3A_613 : i32
      %mul3A_615 = arith.constant 16 : i32
      %mul3A_616 = arith.muli %mul3A_615, %add3A_614 : i32
      %add3A_617 = arith.addi %arg1, %mul3A_616 : i32
      %lt3A_618 = arith.constant 1250 : i32
      %lt3A_619 = arith.cmpi slt, %add3A_617, %lt3A_618 : i32
      %add3A_620 = arith.constant 3 : i32
      %add3A_621 = arith.addi %add3A_576, %add3A_620 : i32
      %convert_element_type3A_622 = arith.extui %lt3A_619 : i1 to i32
      %cond3A_623 = arith.constant 0 : i32
      %cond3A_624 = arith.cmpi ne, %convert_element_type3A_622, %cond3A_623 : i32
      scf.if %cond3A_624 {
        %mul3A_996 = arith.constant 16 : i32
        %mul3A_997 = arith.muli %mul3A_996, %add3A_621 : i32
        %add3A_998 = arith.addi %arg1, %mul3A_997 : i32
        %mul3A_999 = arith.constant 128 : i32
        %mul3A_1000 = arith.muli %add3A_998, %mul3A_999 : i32
        %dma_start3A_1001 = arith.constant 0 : i32
        %dma_start3A_1002 = arith.constant 3 : i32
        %dma_start3A_1003 = arith.constant 0 : i32
        %dma_start3A_1004 = arith.constant 0 : i32
        %dma_start3A_1005 = tpu.memref_slice %arg5[%dma_start3A_1002, %dma_start3A_1003, %dma_start3A_1004] : memref<6x2x128xi32, #tpu.memory_space<vmem>> -> memref<1x1x128xi32, #tpu.memory_space<vmem>>
        %dma_start3A_1006 = tpu.memref_squeeze %dma_start3A_1005 : memref<1x1x128xi32, #tpu.memory_space<vmem>> -> memref<128xi32, #tpu.memory_space<vmem>>
        %dma_start3A_1007 = tpu.memref_slice %arg3[%dma_start3A_1001, %mul3A_1000] : memref<2x160000xi32, #tpu.memory_space<hbm>> -> memref<1x128xi32, #tpu.memory_space<hbm>>
        %dma_start3A_1008 = tpu.memref_squeeze %dma_start3A_1007 : memref<1x128xi32, #tpu.memory_space<hbm>> -> memref<128xi32, #tpu.memory_space<hbm>>
        %dma_start3A_1009 = arith.constant 0 : i32
        %dma_start3A_1010 = tpu.memref_slice %arg5[%dma_start3A_1002, %dma_start3A_1003, %dma_start3A_1009] : memref<6x2x128xi32, #tpu.memory_space<vmem>> -> memref<1x1x128xi32, #tpu.memory_space<vmem>>
        %dma_start3A_1011 = tpu.memref_squeeze %dma_start3A_1010 : memref<1x1x128xi32, #tpu.memory_space<vmem>> -> memref<128xi32, #tpu.memory_space<vmem>>
        %dma_start3A_1012 = tpu.memref_slice %arg3[%dma_start3A_1001, %mul3A_1000] : memref<2x160000xi32, #tpu.memory_space<hbm>> -> memref<1x128xi32, #tpu.memory_space<hbm>>
        %dma_start3A_1013 = tpu.memref_squeeze %dma_start3A_1012 : memref<1x128xi32, #tpu.memory_space<hbm>> -> memref<128xi32, #tpu.memory_space<hbm>>
        tpu.enqueue_dma source(%dma_start3A_1013 : memref<128xi32, #tpu.memory_space<hbm>>) target(%dma_start3A_1011 : memref<128xi32, #tpu.memory_space<vmem>>) target_semaphore(%arg11 : memref<!tpu.dma_semaphore, #tpu.memory_space<semaphore_mem>>)
        %mul3A_1014 = arith.constant 16 : i32
        %mul3A_1015 = arith.muli %mul3A_1014, %add3A_621 : i32
        %add3A_1016 = arith.addi %arg1, %mul3A_1015 : i32
        %mul3A_1017 = arith.constant 128 : i32
        %mul3A_1018 = arith.muli %add3A_1016, %mul3A_1017 : i32
        %dma_start3A_1019 = arith.constant 1 : i32
        %dma_start3A_1020 = arith.constant 3 : i32
        %dma_start3A_1021 = arith.constant 1 : i32
        %dma_start3A_1022 = arith.constant 0 : i32
        %dma_start3A_1023 = tpu.memref_slice %arg5[%dma_start3A_1020, %dma_start3A_1021, %dma_start3A_1022] : memref<6x2x128xi32, #tpu.memory_space<vmem>> -> memref<1x1x128xi32, #tpu.memory_space<vmem>>
        %dma_start3A_1024 = tpu.memref_squeeze %dma_start3A_1023 : memref<1x1x128xi32, #tpu.memory_space<vmem>> -> memref<128xi32, #tpu.memory_space<vmem>>
        %dma_start3A_1025 = tpu.memref_slice %arg3[%dma_start3A_1019, %mul3A_1018] : memref<2x160000xi32, #tpu.memory_space<hbm>> -> memref<1x128xi32, #tpu.memory_space<hbm>>
        %dma_start3A_1026 = tpu.memref_squeeze %dma_start3A_1025 : memref<1x128xi32, #tpu.memory_space<hbm>> -> memref<128xi32, #tpu.memory_space<hbm>>
        %dma_start3A_1027 = arith.constant 0 : i32
        %dma_start3A_1028 = tpu.memref_slice %arg5[%dma_start3A_1020, %dma_start3A_1021, %dma_start3A_1027] : memref<6x2x128xi32, #tpu.memory_space<vmem>> -> memref<1x1x128xi32, #tpu.memory_space<vmem>>
        %dma_start3A_1029 = tpu.memref_squeeze %dma_start3A_1028 : memref<1x1x128xi32, #tpu.memory_space<vmem>> -> memref<128xi32, #tpu.memory_space<vmem>>
        %dma_start3A_1030 = tpu.memref_slice %arg3[%dma_start3A_1019, %mul3A_1018] : memref<2x160000xi32, #tpu.memory_space<hbm>> -> memref<1x128xi32, #tpu.memory_space<hbm>>
        %dma_start3A_1031 = tpu.memref_squeeze %dma_start3A_1030 : memref<1x128xi32, #tpu.memory_space<hbm>> -> memref<128xi32, #tpu.memory_space<hbm>>
        tpu.enqueue_dma source(%dma_start3A_1031 : memref<128xi32, #tpu.memory_space<hbm>>) target(%dma_start3A_1029 : memref<128xi32, #tpu.memory_space<vmem>>) target_semaphore(%arg11 : memref<!tpu.dma_semaphore, #tpu.memory_space<semaphore_mem>>)
      } else {
      }
      %mul3A_625 = arith.constant 16 : i32
      %mul3A_626 = arith.muli %mul3A_625, %add3A_576 : i32
      %add3A_627 = arith.addi %arg1, %mul3A_626 : i32
      %lt3A_628 = arith.constant 1250 : i32
      %lt3A_629 = arith.cmpi slt, %add3A_627, %lt3A_628 : i32
      %convert_element_type3A_630 = arith.extui %lt3A_629 : i1 to i32
      %cond3A_631 = arith.constant 0 : i32
      %cond3A_632 = arith.cmpi ne, %convert_element_type3A_630, %cond3A_631 : i32
      scf.if %cond3A_632 {
        %dma_wait3A_996 = arith.constant 0 : i32
        %dma_wait3A_997 = arith.constant 0 : i32
        %dma_wait3A_998 = arith.constant 0 : i32
        %dma_wait3A_999 = arith.constant 0 : i32
        %dma_wait3A_1000 = arith.constant 0 : i32
        %dma_wait3A_1001 = tpu.memref_slice %arg6[%dma_wait3A_998, %dma_wait3A_999, %dma_wait3A_1000] : memref<3x128x128xf32, #tpu.memory_space<vmem>> -> memref<1x64x128xf32, #tpu.memory_space<vmem>>
        %dma_wait3A_1002 = tpu.memref_squeeze %dma_wait3A_1001 : memref<1x64x128xf32, #tpu.memory_space<vmem>> -> memref<64x128xf32, #tpu.memory_space<vmem>>
        %dma_wait3A_1003 = arith.constant 0 : i32
        %dma_wait3A_1004 = tpu.memref_slice %arg5[%dma_wait3A_996, %dma_wait3A_997, %dma_wait3A_1003] : memref<6x2x128xi32, #tpu.memory_space<vmem>> -> memref<1x1x64xi32, #tpu.memory_space<vmem>>
        %dma_wait3A_1005 = tpu.memref_squeeze %dma_wait3A_1004 : memref<1x1x64xi32, #tpu.memory_space<vmem>> -> memref<64xi32, #tpu.memory_space<vmem>>
        %dma_wait3A_1006 = arith.constant 0 : i32
        %dma_wait3A_1007 = arith.constant 0 : i32
        %dma_wait3A_1008 = tpu.memref_slice %arg2[%dma_wait3A_1006, %dma_wait3A_1007] : memref<20000x128xf32, #tpu.memory_space<hbm>> -> memref<20000x128xf32, #tpu.memory_space<hbm>>
        tpu.wait_indirect_dma semaphore(%arg14 : memref<!tpu.dma_semaphore, #tpu.memory_space<semaphore_mem>>) src(%dma_wait3A_1008 : memref<20000x128xf32, #tpu.memory_space<hbm>>) dst(%dma_wait3A_1002 : memref<64x128xf32, #tpu.memory_space<vmem>>)
        %dma_wait3A_1009 = arith.constant 0 : i32
        %dma_wait3A_1010 = arith.constant 0 : i32
        %dma_wait3A_1011 = arith.constant 0 : i32
        %dma_wait3A_1012 = arith.constant 64 : i32
        %dma_wait3A_1013 = arith.constant 0 : i32
        %dma_wait3A_1014 = tpu.memref_slice %arg6[%dma_wait3A_1011, %dma_wait3A_1012, %dma_wait3A_1013] : memref<3x128x128xf32, #tpu.memory_space<vmem>> -> memref<1x64x128xf32, #tpu.memory_space<vmem>>
        %dma_wait3A_1015 = tpu.memref_squeeze %dma_wait3A_1014 : memref<1x64x128xf32, #tpu.memory_space<vmem>> -> memref<64x128xf32, #tpu.memory_space<vmem>>
        %dma_wait3A_1016 = arith.constant 64 : i32
        %dma_wait3A_1017 = tpu.memref_slice %arg5[%dma_wait3A_1009, %dma_wait3A_1010, %dma_wait3A_1016] : memref<6x2x128xi32, #tpu.memory_space<vmem>> -> memref<1x1x64xi32, #tpu.memory_space<vmem>>
        %dma_wait3A_1018 = tpu.memref_squeeze %dma_wait3A_1017 : memref<1x1x64xi32, #tpu.memory_space<vmem>> -> memref<64xi32, #tpu.memory_space<vmem>>
        %dma_wait3A_1019 = arith.constant 0 : i32
        %dma_wait3A_1020 = arith.constant 0 : i32
        %dma_wait3A_1021 = tpu.memref_slice %arg2[%dma_wait3A_1019, %dma_wait3A_1020] : memref<20000x128xf32, #tpu.memory_space<hbm>> -> memref<20000x128xf32, #tpu.memory_space<hbm>>
        tpu.wait_indirect_dma semaphore(%arg14 : memref<!tpu.dma_semaphore, #tpu.memory_space<semaphore_mem>>) src(%dma_wait3A_1021 : memref<20000x128xf32, #tpu.memory_space<hbm>>) dst(%dma_wait3A_1015 : memref<64x128xf32, #tpu.memory_space<vmem>>)
      } else {
      }
      %mul3A_633 = arith.constant 16 : i32
      %mul3A_634 = arith.muli %mul3A_633, %add3A_576 : i32
      %add3A_635 = arith.addi %arg1, %mul3A_634 : i32
      %lt3A_636 = arith.constant 1250 : i32
      %lt3A_637 = arith.cmpi slt, %add3A_635, %lt3A_636 : i32
      %convert_element_type3A_638 = arith.extui %lt3A_637 : i1 to i32
      %cond3A_639 = arith.constant 0 : i32
      %cond3A_640 = arith.cmpi ne, %convert_element_type3A_638, %cond3A_639 : i32
      scf.if %cond3A_640 {
        %dma_start3A_996 = arith.constant 0 : i32
        %dma_start3A_997 = arith.constant 0 : i32
        %dma_start3A_998 = arith.constant 1 : i32
        %dma_start3A_999 = arith.constant 0 : i32
        %dma_start3A_1000 = arith.constant 0 : i32
        %dma_start3A_1001 = tpu.memref_slice %arg6[%dma_start3A_996, %dma_start3A_999, %dma_start3A_1000] : memref<3x128x128xf32, #tpu.memory_space<vmem>> -> memref<1x64x128xf32, #tpu.memory_space<vmem>>
        %dma_start3A_1002 = tpu.memref_squeeze %dma_start3A_1001 : memref<1x64x128xf32, #tpu.memory_space<vmem>> -> memref<64x128xf32, #tpu.memory_space<vmem>>
        %dma_start3A_1003 = arith.constant 0 : i32
        %dma_start3A_1004 = tpu.memref_slice %arg5[%dma_start3A_997, %dma_start3A_998, %dma_start3A_1003] : memref<6x2x128xi32, #tpu.memory_space<vmem>> -> memref<1x1x64xi32, #tpu.memory_space<vmem>>
        %dma_start3A_1005 = tpu.memref_squeeze %dma_start3A_1004 : memref<1x1x64xi32, #tpu.memory_space<vmem>> -> memref<64xi32, #tpu.memory_space<vmem>>
        %dma_start3A_1006 = arith.constant 0 : i32
        %dma_start3A_1007 = arith.constant 0 : i32
        %dma_start3A_1008 = tpu.memref_slice %arg7[%dma_start3A_1006, %dma_start3A_1007] : memref<10000x128xf32, #tpu.memory_space<vmem_shared>> -> memref<10000x128xf32, #tpu.memory_space<vmem_shared>>
        tpu.enqueue_indirect_dma source(%dma_start3A_1002 : memref<64x128xf32, #tpu.memory_space<vmem>>) target(%dma_start3A_1008 : memref<10000x128xf32, #tpu.memory_space<vmem_shared>>) offsets(%dma_start3A_1005 : memref<64xi32, #tpu.memory_space<vmem>>) semaphore(%arg17 : memref<!tpu.dma_semaphore, #tpu.memory_space<semaphore_mem>>) {add = true}
        %dma_start3A_1009 = arith.constant 0 : i32
        %dma_start3A_1010 = arith.constant 0 : i32
        %dma_start3A_1011 = arith.constant 1 : i32
        %dma_start3A_1012 = arith.constant 64 : i32
        %dma_start3A_1013 = arith.constant 0 : i32
        %dma_start3A_1014 = tpu.memref_slice %arg6[%dma_start3A_1009, %dma_start3A_1012, %dma_start3A_1013] : memref<3x128x128xf32, #tpu.memory_space<vmem>> -> memref<1x64x128xf32, #tpu.memory_space<vmem>>
        %dma_start3A_1015 = tpu.memref_squeeze %dma_start3A_1014 : memref<1x64x128xf32, #tpu.memory_space<vmem>> -> memref<64x128xf32, #tpu.memory_space<vmem>>
        %dma_start3A_1016 = arith.constant 64 : i32
        %dma_start3A_1017 = tpu.memref_slice %arg5[%dma_start3A_1010, %dma_start3A_1011, %dma_start3A_1016] : memref<6x2x128xi32, #tpu.memory_space<vmem>> -> memref<1x1x64xi32, #tpu.memory_space<vmem>>
        %dma_start3A_1018 = tpu.memref_squeeze %dma_start3A_1017 : memref<1x1x64xi32, #tpu.memory_space<vmem>> -> memref<64xi32, #tpu.memory_space<vmem>>
        %dma_start3A_1019 = arith.constant 0 : i32
        %dma_start3A_1020 = arith.constant 0 : i32
        %dma_start3A_1021 = tpu.memref_slice %arg7[%dma_start3A_1019, %dma_start3A_1020] : memref<10000x128xf32, #tpu.memory_space<vmem_shared>> -> memref<10000x128xf32, #tpu.memory_space<vmem_shared>>
        tpu.enqueue_indirect_dma source(%dma_start3A_1015 : memref<64x128xf32, #tpu.memory_space<vmem>>) target(%dma_start3A_1021 : memref<10000x128xf32, #tpu.memory_space<vmem_shared>>) offsets(%dma_start3A_1018 : memref<64xi32, #tpu.memory_space<vmem>>) semaphore(%arg17 : memref<!tpu.dma_semaphore, #tpu.memory_space<semaphore_mem>>) {add = true}
      } else {
      }
      %mul3A_641 = arith.constant 6 : i32
      %mul3A_642 = arith.muli %scan3A_572, %mul3A_641 : i32
      %add3A_643 = arith.constant 1 : i32
      %add3A_644 = arith.addi %mul3A_642, %add3A_643 : i32
      %ge3A_645 = arith.constant 1 : i32
      %ge3A_646 = arith.cmpi sge, %add3A_644, %ge3A_645 : i32
      %sub3A_647 = arith.constant 1 : i32
      %sub3A_648 = arith.subi %add3A_644, %sub3A_647 : i32
      %mul3A_649 = arith.constant 16 : i32
      %mul3A_650 = arith.muli %mul3A_649, %sub3A_648 : i32
      %add3A_651 = arith.addi %arg1, %mul3A_650 : i32
      %lt3A_652 = arith.constant 1250 : i32
      %lt3A_653 = arith.cmpi slt, %add3A_651, %lt3A_652 : i32
      %and3A_654 = arith.andi %ge3A_646, %lt3A_653 : i1
      %sub3A_655 = arith.constant 1 : i32
      %sub3A_656 = arith.subi %add3A_644, %sub3A_655 : i32
      %convert_element_type3A_657 = arith.extui %and3A_654 : i1 to i32
      %cond3A_658 = arith.constant 0 : i32
      %cond3A_659 = arith.cmpi ne, %convert_element_type3A_657, %cond3A_658 : i32
      scf.if %cond3A_659 {
        %dma_wait3A_996 = arith.constant 0 : i32
        %dma_wait3A_997 = arith.constant 0 : i32
        %dma_wait3A_998 = arith.constant 1 : i32
        %dma_wait3A_999 = arith.constant 0 : i32
        %dma_wait3A_1000 = arith.constant 0 : i32
        %dma_wait3A_1001 = tpu.memref_slice %arg6[%dma_wait3A_996, %dma_wait3A_999, %dma_wait3A_1000] : memref<3x128x128xf32, #tpu.memory_space<vmem>> -> memref<1x64x128xf32, #tpu.memory_space<vmem>>
        %dma_wait3A_1002 = tpu.memref_squeeze %dma_wait3A_1001 : memref<1x64x128xf32, #tpu.memory_space<vmem>> -> memref<64x128xf32, #tpu.memory_space<vmem>>
        %dma_wait3A_1003 = arith.constant 0 : i32
        %dma_wait3A_1004 = tpu.memref_slice %arg5[%dma_wait3A_997, %dma_wait3A_998, %dma_wait3A_1003] : memref<6x2x128xi32, #tpu.memory_space<vmem>> -> memref<1x1x64xi32, #tpu.memory_space<vmem>>
        %dma_wait3A_1005 = tpu.memref_squeeze %dma_wait3A_1004 : memref<1x1x64xi32, #tpu.memory_space<vmem>> -> memref<64xi32, #tpu.memory_space<vmem>>
        %dma_wait3A_1006 = arith.constant 0 : i32
        %dma_wait3A_1007 = arith.constant 0 : i32
        %dma_wait3A_1008 = tpu.memref_slice %arg7[%dma_wait3A_1006, %dma_wait3A_1007] : memref<10000x128xf32, #tpu.memory_space<vmem_shared>> -> memref<10000x128xf32, #tpu.memory_space<vmem_shared>>
        tpu.wait_indirect_dma semaphore(%arg17 : memref<!tpu.dma_semaphore, #tpu.memory_space<semaphore_mem>>) src(%dma_wait3A_1002 : memref<64x128xf32, #tpu.memory_space<vmem>>) dst(%dma_wait3A_1008 : memref<10000x128xf32, #tpu.memory_space<vmem_shared>>)
        %dma_wait3A_1009 = arith.constant 0 : i32
        %dma_wait3A_1010 = arith.constant 0 : i32
        %dma_wait3A_1011 = arith.constant 1 : i32
        %dma_wait3A_1012 = arith.constant 64 : i32
        %dma_wait3A_1013 = arith.constant 0 : i32
        %dma_wait3A_1014 = tpu.memref_slice %arg6[%dma_wait3A_1009, %dma_wait3A_1012, %dma_wait3A_1013] : memref<3x128x128xf32, #tpu.memory_space<vmem>> -> memref<1x64x128xf32, #tpu.memory_space<vmem>>
        %dma_wait3A_1015 = tpu.memref_squeeze %dma_wait3A_1014 : memref<1x64x128xf32, #tpu.memory_space<vmem>> -> memref<64x128xf32, #tpu.memory_space<vmem>>
        %dma_wait3A_1016 = arith.constant 64 : i32
        %dma_wait3A_1017 = tpu.memref_slice %arg5[%dma_wait3A_1010, %dma_wait3A_1011, %dma_wait3A_1016] : memref<6x2x128xi32, #tpu.memory_space<vmem>> -> memref<1x1x64xi32, #tpu.memory_space<vmem>>
        %dma_wait3A_1018 = tpu.memref_squeeze %dma_wait3A_1017 : memref<1x1x64xi32, #tpu.memory_space<vmem>> -> memref<64xi32, #tpu.memory_space<vmem>>
        %dma_wait3A_1019 = arith.constant 0 : i32
        %dma_wait3A_1020 = arith.constant 0 : i32
        %dma_wait3A_1021 = tpu.memref_slice %arg7[%dma_wait3A_1019, %dma_wait3A_1020] : memref<10000x128xf32, #tpu.memory_space<vmem_shared>> -> memref<10000x128xf32, #tpu.memory_space<vmem_shared>>
        tpu.wait_indirect_dma semaphore(%arg17 : memref<!tpu.dma_semaphore, #tpu.memory_space<semaphore_mem>>) src(%dma_wait3A_1015 : memref<64x128xf32, #tpu.memory_space<vmem>>) dst(%dma_wait3A_1021 : memref<10000x128xf32, #tpu.memory_space<vmem_shared>>)
      } else {
      }
      %add3A_660 = arith.constant 2 : i32
      %add3A_661 = arith.addi %add3A_644, %add3A_660 : i32
      %mul3A_662 = arith.constant 16 : i32
      %mul3A_663 = arith.muli %mul3A_662, %add3A_661 : i32
      %add3A_664 = arith.addi %arg1, %mul3A_663 : i32
      %lt3A_665 = arith.constant 1250 : i32
      %lt3A_666 = arith.cmpi slt, %add3A_664, %lt3A_665 : i32
      %add3A_667 = arith.constant 2 : i32
      %add3A_668 = arith.addi %add3A_644, %add3A_667 : i32
      %convert_element_type3A_669 = arith.extui %lt3A_666 : i1 to i32
      %cond3A_670 = arith.constant 0 : i32
      %cond3A_671 = arith.cmpi ne, %convert_element_type3A_669, %cond3A_670 : i32
      scf.if %cond3A_671 {
        %mul3A_996 = arith.constant 16 : i32
        %mul3A_997 = arith.muli %mul3A_996, %add3A_668 : i32
        %add3A_998 = arith.addi %arg1, %mul3A_997 : i32
        %mul3A_999 = arith.constant 128 : i32
        %mul3A_1000 = arith.muli %add3A_998, %mul3A_999 : i32
        %dma_wait3A_1001 = arith.constant 0 : i32
        %dma_wait3A_1002 = arith.constant 3 : i32
        %dma_wait3A_1003 = arith.constant 0 : i32
        %dma_wait3A_1004 = arith.constant 0 : i32
        %dma_wait3A_1005 = tpu.memref_slice %arg5[%dma_wait3A_1002, %dma_wait3A_1003, %dma_wait3A_1004] : memref<6x2x128xi32, #tpu.memory_space<vmem>> -> memref<1x1x128xi32, #tpu.memory_space<vmem>>
        %dma_wait3A_1006 = tpu.memref_squeeze %dma_wait3A_1005 : memref<1x1x128xi32, #tpu.memory_space<vmem>> -> memref<128xi32, #tpu.memory_space<vmem>>
        %dma_wait3A_1007 = tpu.memref_slice %arg3[%dma_wait3A_1001, %mul3A_1000] : memref<2x160000xi32, #tpu.memory_space<hbm>> -> memref<1x128xi32, #tpu.memory_space<hbm>>
        %dma_wait3A_1008 = tpu.memref_squeeze %dma_wait3A_1007 : memref<1x128xi32, #tpu.memory_space<hbm>> -> memref<128xi32, #tpu.memory_space<hbm>>
        %dma_wait3A_1009 = arith.constant 0 : i32
        %dma_wait3A_1010 = tpu.memref_slice %arg5[%dma_wait3A_1002, %dma_wait3A_1003, %dma_wait3A_1009] : memref<6x2x128xi32, #tpu.memory_space<vmem>> -> memref<1x1x128xi32, #tpu.memory_space<vmem>>
        %dma_wait3A_1011 = tpu.memref_squeeze %dma_wait3A_1010 : memref<1x1x128xi32, #tpu.memory_space<vmem>> -> memref<128xi32, #tpu.memory_space<vmem>>
        %dma_wait3A_1012 = tpu.memref_slice %arg3[%dma_wait3A_1001, %mul3A_1000] : memref<2x160000xi32, #tpu.memory_space<hbm>> -> memref<1x128xi32, #tpu.memory_space<hbm>>
        %dma_wait3A_1013 = tpu.memref_squeeze %dma_wait3A_1012 : memref<1x128xi32, #tpu.memory_space<hbm>> -> memref<128xi32, #tpu.memory_space<hbm>>
        tpu.wait_dma2 semaphore(%arg11 : memref<!tpu.dma_semaphore, #tpu.memory_space<semaphore_mem>>) src(%dma_wait3A_1013 : memref<128xi32, #tpu.memory_space<hbm>>) dst(%dma_wait3A_1011 : memref<128xi32, #tpu.memory_space<vmem>>)
        %mul3A_1014 = arith.constant 16 : i32
        %mul3A_1015 = arith.muli %mul3A_1014, %add3A_668 : i32
        %add3A_1016 = arith.addi %arg1, %mul3A_1015 : i32
        %mul3A_1017 = arith.constant 128 : i32
        %mul3A_1018 = arith.muli %add3A_1016, %mul3A_1017 : i32
        %dma_wait3A_1019 = arith.constant 1 : i32
        %dma_wait3A_1020 = arith.constant 3 : i32
        %dma_wait3A_1021 = arith.constant 1 : i32
        %dma_wait3A_1022 = arith.constant 0 : i32
        %dma_wait3A_1023 = tpu.memref_slice %arg5[%dma_wait3A_1020, %dma_wait3A_1021, %dma_wait3A_1022] : memref<6x2x128xi32, #tpu.memory_space<vmem>> -> memref<1x1x128xi32, #tpu.memory_space<vmem>>
        %dma_wait3A_1024 = tpu.memref_squeeze %dma_wait3A_1023 : memref<1x1x128xi32, #tpu.memory_space<vmem>> -> memref<128xi32, #tpu.memory_space<vmem>>
        %dma_wait3A_1025 = tpu.memref_slice %arg3[%dma_wait3A_1019, %mul3A_1018] : memref<2x160000xi32, #tpu.memory_space<hbm>> -> memref<1x128xi32, #tpu.memory_space<hbm>>
        %dma_wait3A_1026 = tpu.memref_squeeze %dma_wait3A_1025 : memref<1x128xi32, #tpu.memory_space<hbm>> -> memref<128xi32, #tpu.memory_space<hbm>>
        %dma_wait3A_1027 = arith.constant 0 : i32
        %dma_wait3A_1028 = tpu.memref_slice %arg5[%dma_wait3A_1020, %dma_wait3A_1021, %dma_wait3A_1027] : memref<6x2x128xi32, #tpu.memory_space<vmem>> -> memref<1x1x128xi32, #tpu.memory_space<vmem>>
        %dma_wait3A_1029 = tpu.memref_squeeze %dma_wait3A_1028 : memref<1x1x128xi32, #tpu.memory_space<vmem>> -> memref<128xi32, #tpu.memory_space<vmem>>
        %dma_wait3A_1030 = tpu.memref_slice %arg3[%dma_wait3A_1019, %mul3A_1018] : memref<2x160000xi32, #tpu.memory_space<hbm>> -> memref<1x128xi32, #tpu.memory_space<hbm>>
        %dma_wait3A_1031 = tpu.memref_squeeze %dma_wait3A_1030 : memref<1x128xi32, #tpu.memory_space<hbm>> -> memref<128xi32, #tpu.memory_space<hbm>>
        tpu.wait_dma2 semaphore(%arg11 : memref<!tpu.dma_semaphore, #tpu.memory_space<semaphore_mem>>) src(%dma_wait3A_1031 : memref<128xi32, #tpu.memory_space<hbm>>) dst(%dma_wait3A_1029 : memref<128xi32, #tpu.memory_space<vmem>>)
        %get3A_1032 = arith.constant 3 : i32
        %get3A_1033 = arith.constant 0 : i32
        %get3A_1034 = arith.index_cast %get3A_1032 : i32 to index
        %get3A_1035 = arith.index_cast %get3A_1033 : i32 to index
        %get3A_1036 = arith.constant 0 : index
        %get3A_1037 = tpu.vector_load %arg5[%get3A_1034, %get3A_1035, %get3A_1036] {strides = array<i32>} : memref<6x2x128xi32, #tpu.memory_space<vmem>>, vector<1x1x16xi32>,
        %get3A_1038 = vector.shape_cast %get3A_1037 : vector<1x1x16xi32> to vector<16xi32>
        %mul3A_1039 = arith.constant 2 : i32
        %mul3A_1040 = vector.broadcast %mul3A_1039 : i32 to vector<16xi32>
        %mul3A_1041 = arith.muli %get3A_1038, %mul3A_1040 : vector<16xi32>
        %add3A_1042 = vector.broadcast %arg0 : i32 to vector<16xi32>
        %add3A_1043 = arith.addi %mul3A_1041, %add3A_1042 : vector<16xi32>
        %swap3A_1044 = arith.constant 3 : i32
        %swap3A_1045 = arith.constant 0 : i32
        %swap3A_1046 = arith.index_cast %swap3A_1044 : i32 to index
        %swap3A_1047 = arith.index_cast %swap3A_1045 : i32 to index
        %swap3A_1048 = arith.constant 0 : index
        %swap3A_1049 = tpu.vector_load %arg5[%swap3A_1046, %swap3A_1047, %swap3A_1048] {strides = array<i32>} : memref<6x2x128xi32, #tpu.memory_space<vmem>>, vector<1x1x16xi32>,
        %swap3A_1050 = vector.shape_cast %swap3A_1049 : vector<1x1x16xi32> to vector<16xi32>
        %swap3A_1051 = vector.shape_cast %add3A_1043 : vector<16xi32> to vector<1x1x16xi32>
        tpu.vector_store %arg5[%swap3A_1046, %swap3A_1047, %swap3A_1048], %swap3A_1051 {strides = array<i32>} : memref<6x2x128xi32, #tpu.memory_space<vmem>>, vector<1x1x16xi32>,
        %get3A_1052 = arith.constant 3 : i32
        %get3A_1053 = arith.constant 0 : i32
        %get3A_1054 = arith.index_cast %get3A_1052 : i32 to index
        %get3A_1055 = arith.index_cast %get3A_1053 : i32 to index
        %get3A_1056 = arith.constant 16 : index
        %get3A_1057 = tpu.vector_load %arg5[%get3A_1054, %get3A_1055, %get3A_1056] {strides = array<i32>} : memref<6x2x128xi32, #tpu.memory_space<vmem>>, vector<1x1x16xi32>,
        %get3A_1058 = vector.shape_cast %get3A_1057 : vector<1x1x16xi32> to vector<16xi32>
        %mul3A_1059 = arith.constant 2 : i32
        %mul3A_1060 = vector.broadcast %mul3A_1059 : i32 to vector<16xi32>
        %mul3A_1061 = arith.muli %get3A_1058, %mul3A_1060 : vector<16xi32>
        %add3A_1062 = vector.broadcast %arg0 : i32 to vector<16xi32>
        %add3A_1063 = arith.addi %mul3A_1061, %add3A_1062 : vector<16xi32>
        %swap3A_1064 = arith.constant 3 : i32
        %swap3A_1065 = arith.constant 0 : i32
        %swap3A_1066 = arith.index_cast %swap3A_1064 : i32 to index
        %swap3A_1067 = arith.index_cast %swap3A_1065 : i32 to index
        %swap3A_1068 = arith.constant 16 : index
        %swap3A_1069 = tpu.vector_load %arg5[%swap3A_1066, %swap3A_1067, %swap3A_1068] {strides = array<i32>} : memref<6x2x128xi32, #tpu.memory_space<vmem>>, vector<1x1x16xi32>,
        %swap3A_1070 = vector.shape_cast %swap3A_1069 : vector<1x1x16xi32> to vector<16xi32>
        %swap3A_1071 = vector.shape_cast %add3A_1063 : vector<16xi32> to vector<1x1x16xi32>
        tpu.vector_store %arg5[%swap3A_1066, %swap3A_1067, %swap3A_1068], %swap3A_1071 {strides = array<i32>} : memref<6x2x128xi32, #tpu.memory_space<vmem>>, vector<1x1x16xi32>,
        %get3A_1072 = arith.constant 3 : i32
        %get3A_1073 = arith.constant 0 : i32
        %get3A_1074 = arith.index_cast %get3A_1072 : i32 to index
        %get3A_1075 = arith.index_cast %get3A_1073 : i32 to index
        %get3A_1076 = arith.constant 32 : index
        %get3A_1077 = tpu.vector_load %arg5[%get3A_1074, %get3A_1075, %get3A_1076] {strides = array<i32>} : memref<6x2x128xi32, #tpu.memory_space<vmem>>, vector<1x1x16xi32>,
        %get3A_1078 = vector.shape_cast %get3A_1077 : vector<1x1x16xi32> to vector<16xi32>
        %mul3A_1079 = arith.constant 2 : i32
        %mul3A_1080 = vector.broadcast %mul3A_1079 : i32 to vector<16xi32>
        %mul3A_1081 = arith.muli %get3A_1078, %mul3A_1080 : vector<16xi32>
        %add3A_1082 = vector.broadcast %arg0 : i32 to vector<16xi32>
        %add3A_1083 = arith.addi %mul3A_1081, %add3A_1082 : vector<16xi32>
        %swap3A_1084 = arith.constant 3 : i32
        %swap3A_1085 = arith.constant 0 : i32
        %swap3A_1086 = arith.index_cast %swap3A_1084 : i32 to index
        %swap3A_1087 = arith.index_cast %swap3A_1085 : i32 to index
        %swap3A_1088 = arith.constant 32 : index
        %swap3A_1089 = tpu.vector_load %arg5[%swap3A_1086, %swap3A_1087, %swap3A_1088] {strides = array<i32>} : memref<6x2x128xi32, #tpu.memory_space<vmem>>, vector<1x1x16xi32>,
        %swap3A_1090 = vector.shape_cast %swap3A_1089 : vector<1x1x16xi32> to vector<16xi32>
        %swap3A_1091 = vector.shape_cast %add3A_1083 : vector<16xi32> to vector<1x1x16xi32>
        tpu.vector_store %arg5[%swap3A_1086, %swap3A_1087, %swap3A_1088], %swap3A_1091 {strides = array<i32>} : memref<6x2x128xi32, #tpu.memory_space<vmem>>, vector<1x1x16xi32>,
        %get3A_1092 = arith.constant 3 : i32
        %get3A_1093 = arith.constant 0 : i32
        %get3A_1094 = arith.index_cast %get3A_1092 : i32 to index
        %get3A_1095 = arith.index_cast %get3A_1093 : i32 to index
        %get3A_1096 = arith.constant 48 : index
        %get3A_1097 = tpu.vector_load %arg5[%get3A_1094, %get3A_1095, %get3A_1096] {strides = array<i32>} : memref<6x2x128xi32, #tpu.memory_space<vmem>>, vector<1x1x16xi32>,
        %get3A_1098 = vector.shape_cast %get3A_1097 : vector<1x1x16xi32> to vector<16xi32>
        %mul3A_1099 = arith.constant 2 : i32
        %mul3A_1100 = vector.broadcast %mul3A_1099 : i32 to vector<16xi32>
        %mul3A_1101 = arith.muli %get3A_1098, %mul3A_1100 : vector<16xi32>
        %add3A_1102 = vector.broadcast %arg0 : i32 to vector<16xi32>
        %add3A_1103 = arith.addi %mul3A_1101, %add3A_1102 : vector<16xi32>
        %swap3A_1104 = arith.constant 3 : i32
        %swap3A_1105 = arith.constant 0 : i32
        %swap3A_1106 = arith.index_cast %swap3A_1104 : i32 to index
        %swap3A_1107 = arith.index_cast %swap3A_1105 : i32 to index
        %swap3A_1108 = arith.constant 48 : index
        %swap3A_1109 = tpu.vector_load %arg5[%swap3A_1106, %swap3A_1107, %swap3A_1108] {strides = array<i32>} : memref<6x2x128xi32, #tpu.memory_space<vmem>>, vector<1x1x16xi32>,
        %swap3A_1110 = vector.shape_cast %swap3A_1109 : vector<1x1x16xi32> to vector<16xi32>
        %swap3A_1111 = vector.shape_cast %add3A_1103 : vector<16xi32> to vector<1x1x16xi32>
        tpu.vector_store %arg5[%swap3A_1106, %swap3A_1107, %swap3A_1108], %swap3A_1111 {strides = array<i32>} : memref<6x2x128xi32, #tpu.memory_space<vmem>>, vector<1x1x16xi32>,
        %get3A_1112 = arith.constant 3 : i32
        %get3A_1113 = arith.constant 0 : i32
        %get3A_1114 = arith.index_cast %get3A_1112 : i32 to index
        %get3A_1115 = arith.index_cast %get3A_1113 : i32 to index
        %get3A_1116 = arith.constant 64 : index
        %get3A_1117 = tpu.vector_load %arg5[%get3A_1114, %get3A_1115, %get3A_1116] {strides = array<i32>} : memref<6x2x128xi32, #tpu.memory_space<vmem>>, vector<1x1x16xi32>,
        %get3A_1118 = vector.shape_cast %get3A_1117 : vector<1x1x16xi32> to vector<16xi32>
        %mul3A_1119 = arith.constant 2 : i32
        %mul3A_1120 = vector.broadcast %mul3A_1119 : i32 to vector<16xi32>
        %mul3A_1121 = arith.muli %get3A_1118, %mul3A_1120 : vector<16xi32>
        %add3A_1122 = vector.broadcast %arg0 : i32 to vector<16xi32>
        %add3A_1123 = arith.addi %mul3A_1121, %add3A_1122 : vector<16xi32>
        %swap3A_1124 = arith.constant 3 : i32
        %swap3A_1125 = arith.constant 0 : i32
        %swap3A_1126 = arith.index_cast %swap3A_1124 : i32 to index
        %swap3A_1127 = arith.index_cast %swap3A_1125 : i32 to index
        %swap3A_1128 = arith.constant 64 : index
        %swap3A_1129 = tpu.vector_load %arg5[%swap3A_1126, %swap3A_1127, %swap3A_1128] {strides = array<i32>} : memref<6x2x128xi32, #tpu.memory_space<vmem>>, vector<1x1x16xi32>,
        %swap3A_1130 = vector.shape_cast %swap3A_1129 : vector<1x1x16xi32> to vector<16xi32>
        %swap3A_1131 = vector.shape_cast %add3A_1123 : vector<16xi32> to vector<1x1x16xi32>
        tpu.vector_store %arg5[%swap3A_1126, %swap3A_1127, %swap3A_1128], %swap3A_1131 {strides = array<i32>} : memref<6x2x128xi32, #tpu.memory_space<vmem>>, vector<1x1x16xi32>,
        %get3A_1132 = arith.constant 3 : i32
        %get3A_1133 = arith.constant 0 : i32
        %get3A_1134 = arith.index_cast %get3A_1132 : i32 to index
        %get3A_1135 = arith.index_cast %get3A_1133 : i32 to index
        %get3A_1136 = arith.constant 80 : index
        %get3A_1137 = tpu.vector_load %arg5[%get3A_1134, %get3A_1135, %get3A_1136] {strides = array<i32>} : memref<6x2x128xi32, #tpu.memory_space<vmem>>, vector<1x1x16xi32>,
        %get3A_1138 = vector.shape_cast %get3A_1137 : vector<1x1x16xi32> to vector<16xi32>
        %mul3A_1139 = arith.constant 2 : i32
        %mul3A_1140 = vector.broadcast %mul3A_1139 : i32 to vector<16xi32>
        %mul3A_1141 = arith.muli %get3A_1138, %mul3A_1140 : vector<16xi32>
        %add3A_1142 = vector.broadcast %arg0 : i32 to vector<16xi32>
        %add3A_1143 = arith.addi %mul3A_1141, %add3A_1142 : vector<16xi32>
        %swap3A_1144 = arith.constant 3 : i32
        %swap3A_1145 = arith.constant 0 : i32
        %swap3A_1146 = arith.index_cast %swap3A_1144 : i32 to index
        %swap3A_1147 = arith.index_cast %swap3A_1145 : i32 to index
        %swap3A_1148 = arith.constant 80 : index
        %swap3A_1149 = tpu.vector_load %arg5[%swap3A_1146, %swap3A_1147, %swap3A_1148] {strides = array<i32>} : memref<6x2x128xi32, #tpu.memory_space<vmem>>, vector<1x1x16xi32>,
        %swap3A_1150 = vector.shape_cast %swap3A_1149 : vector<1x1x16xi32> to vector<16xi32>
        %swap3A_1151 = vector.shape_cast %add3A_1143 : vector<16xi32> to vector<1x1x16xi32>
        tpu.vector_store %arg5[%swap3A_1146, %swap3A_1147, %swap3A_1148], %swap3A_1151 {strides = array<i32>} : memref<6x2x128xi32, #tpu.memory_space<vmem>>, vector<1x1x16xi32>,
        %get3A_1152 = arith.constant 3 : i32
        %get3A_1153 = arith.constant 0 : i32
        %get3A_1154 = arith.index_cast %get3A_1152 : i32 to index
        %get3A_1155 = arith.index_cast %get3A_1153 : i32 to index
        %get3A_1156 = arith.constant 96 : index
        %get3A_1157 = tpu.vector_load %arg5[%get3A_1154, %get3A_1155, %get3A_1156] {strides = array<i32>} : memref<6x2x128xi32, #tpu.memory_space<vmem>>, vector<1x1x16xi32>,
        %get3A_1158 = vector.shape_cast %get3A_1157 : vector<1x1x16xi32> to vector<16xi32>
        %mul3A_1159 = arith.constant 2 : i32
        %mul3A_1160 = vector.broadcast %mul3A_1159 : i32 to vector<16xi32>
        %mul3A_1161 = arith.muli %get3A_1158, %mul3A_1160 : vector<16xi32>
        %add3A_1162 = vector.broadcast %arg0 : i32 to vector<16xi32>
        %add3A_1163 = arith.addi %mul3A_1161, %add3A_1162 : vector<16xi32>
        %swap3A_1164 = arith.constant 3 : i32
        %swap3A_1165 = arith.constant 0 : i32
        %swap3A_1166 = arith.index_cast %swap3A_1164 : i32 to index
        %swap3A_1167 = arith.index_cast %swap3A_1165 : i32 to index
        %swap3A_1168 = arith.constant 96 : index
        %swap3A_1169 = tpu.vector_load %arg5[%swap3A_1166, %swap3A_1167, %swap3A_1168] {strides = array<i32>} : memref<6x2x128xi32, #tpu.memory_space<vmem>>, vector<1x1x16xi32>,
        %swap3A_1170 = vector.shape_cast %swap3A_1169 : vector<1x1x16xi32> to vector<16xi32>
        %swap3A_1171 = vector.shape_cast %add3A_1163 : vector<16xi32> to vector<1x1x16xi32>
        tpu.vector_store %arg5[%swap3A_1166, %swap3A_1167, %swap3A_1168], %swap3A_1171 {strides = array<i32>} : memref<6x2x128xi32, #tpu.memory_space<vmem>>, vector<1x1x16xi32>,
        %get3A_1172 = arith.constant 3 : i32
        %get3A_1173 = arith.constant 0 : i32
        %get3A_1174 = arith.index_cast %get3A_1172 : i32 to index
        %get3A_1175 = arith.index_cast %get3A_1173 : i32 to index
        %get3A_1176 = arith.constant 112 : index
        %get3A_1177 = tpu.vector_load %arg5[%get3A_1174, %get3A_1175, %get3A_1176] {strides = array<i32>} : memref<6x2x128xi32, #tpu.memory_space<vmem>>, vector<1x1x16xi32>,
        %get3A_1178 = vector.shape_cast %get3A_1177 : vector<1x1x16xi32> to vector<16xi32>
        %mul3A_1179 = arith.constant 2 : i32
        %mul3A_1180 = vector.broadcast %mul3A_1179 : i32 to vector<16xi32>
        %mul3A_1181 = arith.muli %get3A_1178, %mul3A_1180 : vector<16xi32>
        %add3A_1182 = vector.broadcast %arg0 : i32 to vector<16xi32>
        %add3A_1183 = arith.addi %mul3A_1181, %add3A_1182 : vector<16xi32>
        %swap3A_1184 = arith.constant 3 : i32
        %swap3A_1185 = arith.constant 0 : i32
        %swap3A_1186 = arith.index_cast %swap3A_1184 : i32 to index
        %swap3A_1187 = arith.index_cast %swap3A_1185 : i32 to index
        %swap3A_1188 = arith.constant 112 : index
        %swap3A_1189 = tpu.vector_load %arg5[%swap3A_1186, %swap3A_1187, %swap3A_1188] {strides = array<i32>} : memref<6x2x128xi32, #tpu.memory_space<vmem>>, vector<1x1x16xi32>,
        %swap3A_1190 = vector.shape_cast %swap3A_1189 : vector<1x1x16xi32> to vector<16xi32>
        %swap3A_1191 = vector.shape_cast %add3A_1183 : vector<16xi32> to vector<1x1x16xi32>
        tpu.vector_store %arg5[%swap3A_1186, %swap3A_1187, %swap3A_1188], %swap3A_1191 {strides = array<i32>} : memref<6x2x128xi32, #tpu.memory_space<vmem>>, vector<1x1x16xi32>,
      } else {
      }
      %add3A_672 = arith.constant 2 : i32
      %add3A_673 = arith.addi %add3A_644, %add3A_672 : i32
      %mul3A_674 = arith.constant 16 : i32
      %mul3A_675 = arith.muli %mul3A_674, %add3A_673 : i32
      %add3A_676 = arith.addi %arg1, %mul3A_675 : i32
      %lt3A_677 = arith.constant 1250 : i32
      %lt3A_678 = arith.cmpi slt, %add3A_676, %lt3A_677 : i32
      %add3A_679 = arith.constant 2 : i32
      %add3A_680 = arith.addi %add3A_644, %add3A_679 : i32
      %convert_element_type3A_681 = arith.extui %lt3A_678 : i1 to i32
      %cond3A_682 = arith.constant 0 : i32
      %cond3A_683 = arith.cmpi ne, %convert_element_type3A_681, %cond3A_682 : i32
      scf.if %cond3A_683 {
        %dma_start3A_996 = arith.constant 3 : i32
        %dma_start3A_997 = arith.constant 0 : i32
        %dma_start3A_998 = arith.constant 0 : i32
        %dma_start3A_999 = arith.constant 0 : i32
        %dma_start3A_1000 = arith.constant 0 : i32
        %dma_start3A_1001 = tpu.memref_slice %arg6[%dma_start3A_998, %dma_start3A_999, %dma_start3A_1000] : memref<3x128x128xf32, #tpu.memory_space<vmem>> -> memref<1x64x128xf32, #tpu.memory_space<vmem>>
        %dma_start3A_1002 = tpu.memref_squeeze %dma_start3A_1001 : memref<1x64x128xf32, #tpu.memory_space<vmem>> -> memref<64x128xf32, #tpu.memory_space<vmem>>
        %dma_start3A_1003 = arith.constant 0 : i32
        %dma_start3A_1004 = tpu.memref_slice %arg5[%dma_start3A_996, %dma_start3A_997, %dma_start3A_1003] : memref<6x2x128xi32, #tpu.memory_space<vmem>> -> memref<1x1x64xi32, #tpu.memory_space<vmem>>
        %dma_start3A_1005 = tpu.memref_squeeze %dma_start3A_1004 : memref<1x1x64xi32, #tpu.memory_space<vmem>> -> memref<64xi32, #tpu.memory_space<vmem>>
        %dma_start3A_1006 = arith.constant 0 : i32
        %dma_start3A_1007 = arith.constant 0 : i32
        %dma_start3A_1008 = tpu.memref_slice %arg2[%dma_start3A_1006, %dma_start3A_1007] : memref<20000x128xf32, #tpu.memory_space<hbm>> -> memref<20000x128xf32, #tpu.memory_space<hbm>>
        tpu.enqueue_indirect_dma source(%dma_start3A_1008 : memref<20000x128xf32, #tpu.memory_space<hbm>>) target(%dma_start3A_1002 : memref<64x128xf32, #tpu.memory_space<vmem>>) offsets(%dma_start3A_1005 : memref<64xi32, #tpu.memory_space<vmem>>) semaphore(%arg14 : memref<!tpu.dma_semaphore, #tpu.memory_space<semaphore_mem>>)
        %dma_start3A_1009 = arith.constant 3 : i32
        %dma_start3A_1010 = arith.constant 0 : i32
        %dma_start3A_1011 = arith.constant 0 : i32
        %dma_start3A_1012 = arith.constant 64 : i32
        %dma_start3A_1013 = arith.constant 0 : i32
        %dma_start3A_1014 = tpu.memref_slice %arg6[%dma_start3A_1011, %dma_start3A_1012, %dma_start3A_1013] : memref<3x128x128xf32, #tpu.memory_space<vmem>> -> memref<1x64x128xf32, #tpu.memory_space<vmem>>
        %dma_start3A_1015 = tpu.memref_squeeze %dma_start3A_1014 : memref<1x64x128xf32, #tpu.memory_space<vmem>> -> memref<64x128xf32, #tpu.memory_space<vmem>>
        %dma_start3A_1016 = arith.constant 64 : i32
        %dma_start3A_1017 = tpu.memref_slice %arg5[%dma_start3A_1009, %dma_start3A_1010, %dma_start3A_1016] : memref<6x2x128xi32, #tpu.memory_space<vmem>> -> memref<1x1x64xi32, #tpu.memory_space<vmem>>
        %dma_start3A_1018 = tpu.memref_squeeze %dma_start3A_1017 : memref<1x1x64xi32, #tpu.memory_space<vmem>> -> memref<64xi32, #tpu.memory_space<vmem>>
        %dma_start3A_1019 = arith.constant 0 : i32
        %dma_start3A_1020 = arith.constant 0 : i32
        %dma_start3A_1021 = tpu.memref_slice %arg2[%dma_start3A_1019, %dma_start3A_1020] : memref<20000x128xf32, #tpu.memory_space<hbm>> -> memref<20000x128xf32, #tpu.memory_space<hbm>>
        tpu.enqueue_indirect_dma source(%dma_start3A_1021 : memref<20000x128xf32, #tpu.memory_space<hbm>>) target(%dma_start3A_1015 : memref<64x128xf32, #tpu.memory_space<vmem>>) offsets(%dma_start3A_1018 : memref<64xi32, #tpu.memory_space<vmem>>) semaphore(%arg14 : memref<!tpu.dma_semaphore, #tpu.memory_space<semaphore_mem>>)
      } else {
      }
      %add3A_684 = arith.constant 3 : i32
      %add3A_685 = arith.addi %add3A_644, %add3A_684 : i32
      %mul3A_686 = arith.constant 16 : i32
      %mul3A_687 = arith.muli %mul3A_686, %add3A_685 : i32
      %add3A_688 = arith.addi %arg1, %mul3A_687 : i32
      %lt3A_689 = arith.constant 1250 : i32
      %lt3A_690 = arith.cmpi slt, %add3A_688, %lt3A_689 : i32
      %add3A_691 = arith.constant 3 : i32
      %add3A_692 = arith.addi %add3A_644, %add3A_691 : i32
      %convert_element_type3A_693 = arith.extui %lt3A_690 : i1 to i32
      %cond3A_694 = arith.constant 0 : i32
      %cond3A_695 = arith.cmpi ne, %convert_element_type3A_693, %cond3A_694 : i32
      scf.if %cond3A_695 {
        %mul3A_996 = arith.constant 16 : i32
        %mul3A_997 = arith.muli %mul3A_996, %add3A_692 : i32
        %add3A_998 = arith.addi %arg1, %mul3A_997 : i32
        %mul3A_999 = arith.constant 128 : i32
        %mul3A_1000 = arith.muli %add3A_998, %mul3A_999 : i32
        %dma_start3A_1001 = arith.constant 0 : i32
        %dma_start3A_1002 = arith.constant 4 : i32
        %dma_start3A_1003 = arith.constant 0 : i32
        %dma_start3A_1004 = arith.constant 0 : i32
        %dma_start3A_1005 = tpu.memref_slice %arg5[%dma_start3A_1002, %dma_start3A_1003, %dma_start3A_1004] : memref<6x2x128xi32, #tpu.memory_space<vmem>> -> memref<1x1x128xi32, #tpu.memory_space<vmem>>
        %dma_start3A_1006 = tpu.memref_squeeze %dma_start3A_1005 : memref<1x1x128xi32, #tpu.memory_space<vmem>> -> memref<128xi32, #tpu.memory_space<vmem>>
        %dma_start3A_1007 = tpu.memref_slice %arg3[%dma_start3A_1001, %mul3A_1000] : memref<2x160000xi32, #tpu.memory_space<hbm>> -> memref<1x128xi32, #tpu.memory_space<hbm>>
        %dma_start3A_1008 = tpu.memref_squeeze %dma_start3A_1007 : memref<1x128xi32, #tpu.memory_space<hbm>> -> memref<128xi32, #tpu.memory_space<hbm>>
        %dma_start3A_1009 = arith.constant 0 : i32
        %dma_start3A_1010 = tpu.memref_slice %arg5[%dma_start3A_1002, %dma_start3A_1003, %dma_start3A_1009] : memref<6x2x128xi32, #tpu.memory_space<vmem>> -> memref<1x1x128xi32, #tpu.memory_space<vmem>>
        %dma_start3A_1011 = tpu.memref_squeeze %dma_start3A_1010 : memref<1x1x128xi32, #tpu.memory_space<vmem>> -> memref<128xi32, #tpu.memory_space<vmem>>
        %dma_start3A_1012 = tpu.memref_slice %arg3[%dma_start3A_1001, %mul3A_1000] : memref<2x160000xi32, #tpu.memory_space<hbm>> -> memref<1x128xi32, #tpu.memory_space<hbm>>
        %dma_start3A_1013 = tpu.memref_squeeze %dma_start3A_1012 : memref<1x128xi32, #tpu.memory_space<hbm>> -> memref<128xi32, #tpu.memory_space<hbm>>
        tpu.enqueue_dma source(%dma_start3A_1013 : memref<128xi32, #tpu.memory_space<hbm>>) target(%dma_start3A_1011 : memref<128xi32, #tpu.memory_space<vmem>>) target_semaphore(%arg12 : memref<!tpu.dma_semaphore, #tpu.memory_space<semaphore_mem>>)
        %mul3A_1014 = arith.constant 16 : i32
        %mul3A_1015 = arith.muli %mul3A_1014, %add3A_692 : i32
        %add3A_1016 = arith.addi %arg1, %mul3A_1015 : i32
        %mul3A_1017 = arith.constant 128 : i32
        %mul3A_1018 = arith.muli %add3A_1016, %mul3A_1017 : i32
        %dma_start3A_1019 = arith.constant 1 : i32
        %dma_start3A_1020 = arith.constant 4 : i32
        %dma_start3A_1021 = arith.constant 1 : i32
        %dma_start3A_1022 = arith.constant 0 : i32
        %dma_start3A_1023 = tpu.memref_slice %arg5[%dma_start3A_1020, %dma_start3A_1021, %dma_start3A_1022] : memref<6x2x128xi32, #tpu.memory_space<vmem>> -> memref<1x1x128xi32, #tpu.memory_space<vmem>>
        %dma_start3A_1024 = tpu.memref_squeeze %dma_start3A_1023 : memref<1x1x128xi32, #tpu.memory_space<vmem>> -> memref<128xi32, #tpu.memory_space<vmem>>
        %dma_start3A_1025 = tpu.memref_slice %arg3[%dma_start3A_1019, %mul3A_1018] : memref<2x160000xi32, #tpu.memory_space<hbm>> -> memref<1x128xi32, #tpu.memory_space<hbm>>
        %dma_start3A_1026 = tpu.memref_squeeze %dma_start3A_1025 : memref<1x128xi32, #tpu.memory_space<hbm>> -> memref<128xi32, #tpu.memory_space<hbm>>
        %dma_start3A_1027 = arith.constant 0 : i32
        %dma_start3A_1028 = tpu.memref_slice %arg5[%dma_start3A_1020, %dma_start3A_1021, %dma_start3A_1027] : memref<6x2x128xi32, #tpu.memory_space<vmem>> -> memref<1x1x128xi32, #tpu.memory_space<vmem>>
        %dma_start3A_1029 = tpu.memref_squeeze %dma_start3A_1028 : memref<1x1x128xi32, #tpu.memory_space<vmem>> -> memref<128xi32, #tpu.memory_space<vmem>>
        %dma_start3A_1030 = tpu.memref_slice %arg3[%dma_start3A_1019, %mul3A_1018] : memref<2x160000xi32, #tpu.memory_space<hbm>> -> memref<1x128xi32, #tpu.memory_space<hbm>>
        %dma_start3A_1031 = tpu.memref_squeeze %dma_start3A_1030 : memref<1x128xi32, #tpu.memory_space<hbm>> -> memref<128xi32, #tpu.memory_space<hbm>>
        tpu.enqueue_dma source(%dma_start3A_1031 : memref<128xi32, #tpu.memory_space<hbm>>) target(%dma_start3A_1029 : memref<128xi32, #tpu.memory_space<vmem>>) target_semaphore(%arg12 : memref<!tpu.dma_semaphore, #tpu.memory_space<semaphore_mem>>)
      } else {
      }
      %mul3A_696 = arith.constant 16 : i32
      %mul3A_697 = arith.muli %mul3A_696, %add3A_644 : i32
      %add3A_698 = arith.addi %arg1, %mul3A_697 : i32
      %lt3A_699 = arith.constant 1250 : i32
      %lt3A_700 = arith.cmpi slt, %add3A_698, %lt3A_699 : i32
      %convert_element_type3A_701 = arith.extui %lt3A_700 : i1 to i32
      %cond3A_702 = arith.constant 0 : i32
      %cond3A_703 = arith.cmpi ne, %convert_element_type3A_701, %cond3A_702 : i32
      scf.if %cond3A_703 {
        %dma_wait3A_996 = arith.constant 1 : i32
        %dma_wait3A_997 = arith.constant 0 : i32
        %dma_wait3A_998 = arith.constant 1 : i32
        %dma_wait3A_999 = arith.constant 0 : i32
        %dma_wait3A_1000 = arith.constant 0 : i32
        %dma_wait3A_1001 = tpu.memref_slice %arg6[%dma_wait3A_998, %dma_wait3A_999, %dma_wait3A_1000] : memref<3x128x128xf32, #tpu.memory_space<vmem>> -> memref<1x64x128xf32, #tpu.memory_space<vmem>>
        %dma_wait3A_1002 = tpu.memref_squeeze %dma_wait3A_1001 : memref<1x64x128xf32, #tpu.memory_space<vmem>> -> memref<64x128xf32, #tpu.memory_space<vmem>>
        %dma_wait3A_1003 = arith.constant 0 : i32
        %dma_wait3A_1004 = tpu.memref_slice %arg5[%dma_wait3A_996, %dma_wait3A_997, %dma_wait3A_1003] : memref<6x2x128xi32, #tpu.memory_space<vmem>> -> memref<1x1x64xi32, #tpu.memory_space<vmem>>
        %dma_wait3A_1005 = tpu.memref_squeeze %dma_wait3A_1004 : memref<1x1x64xi32, #tpu.memory_space<vmem>> -> memref<64xi32, #tpu.memory_space<vmem>>
        %dma_wait3A_1006 = arith.constant 0 : i32
        %dma_wait3A_1007 = arith.constant 0 : i32
        %dma_wait3A_1008 = tpu.memref_slice %arg2[%dma_wait3A_1006, %dma_wait3A_1007] : memref<20000x128xf32, #tpu.memory_space<hbm>> -> memref<20000x128xf32, #tpu.memory_space<hbm>>
        tpu.wait_indirect_dma semaphore(%arg15 : memref<!tpu.dma_semaphore, #tpu.memory_space<semaphore_mem>>) src(%dma_wait3A_1008 : memref<20000x128xf32, #tpu.memory_space<hbm>>) dst(%dma_wait3A_1002 : memref<64x128xf32, #tpu.memory_space<vmem>>)
        %dma_wait3A_1009 = arith.constant 1 : i32
        %dma_wait3A_1010 = arith.constant 0 : i32
        %dma_wait3A_1011 = arith.constant 1 : i32
        %dma_wait3A_1012 = arith.constant 64 : i32
        %dma_wait3A_1013 = arith.constant 0 : i32
        %dma_wait3A_1014 = tpu.memref_slice %arg6[%dma_wait3A_1011, %dma_wait3A_1012, %dma_wait3A_1013] : memref<3x128x128xf32, #tpu.memory_space<vmem>> -> memref<1x64x128xf32, #tpu.memory_space<vmem>>
        %dma_wait3A_1015 = tpu.memref_squeeze %dma_wait3A_1014 : memref<1x64x128xf32, #tpu.memory_space<vmem>> -> memref<64x128xf32, #tpu.memory_space<vmem>>
        %dma_wait3A_1016 = arith.constant 64 : i32
        %dma_wait3A_1017 = tpu.memref_slice %arg5[%dma_wait3A_1009, %dma_wait3A_1010, %dma_wait3A_1016] : memref<6x2x128xi32, #tpu.memory_space<vmem>> -> memref<1x1x64xi32, #tpu.memory_space<vmem>>
        %dma_wait3A_1018 = tpu.memref_squeeze %dma_wait3A_1017 : memref<1x1x64xi32, #tpu.memory_space<vmem>> -> memref<64xi32, #tpu.memory_space<vmem>>
        %dma_wait3A_1019 = arith.constant 0 : i32
        %dma_wait3A_1020 = arith.constant 0 : i32
        %dma_wait3A_1021 = tpu.memref_slice %arg2[%dma_wait3A_1019, %dma_wait3A_1020] : memref<20000x128xf32, #tpu.memory_space<hbm>> -> memref<20000x128xf32, #tpu.memory_space<hbm>>
        tpu.wait_indirect_dma semaphore(%arg15 : memref<!tpu.dma_semaphore, #tpu.memory_space<semaphore_mem>>) src(%dma_wait3A_1021 : memref<20000x128xf32, #tpu.memory_space<hbm>>) dst(%dma_wait3A_1015 : memref<64x128xf32, #tpu.memory_space<vmem>>)
      } else {
      }
      %mul3A_704 = arith.constant 16 : i32
      %mul3A_705 = arith.muli %mul3A_704, %add3A_644 : i32
      %add3A_706 = arith.addi %arg1, %mul3A_705 : i32
      %lt3A_707 = arith.constant 1250 : i32
      %lt3A_708 = arith.cmpi slt, %add3A_706, %lt3A_707 : i32
      %convert_element_type3A_709 = arith.extui %lt3A_708 : i1 to i32
      %cond3A_710 = arith.constant 0 : i32
      %cond3A_711 = arith.cmpi ne, %convert_element_type3A_709, %cond3A_710 : i32
      scf.if %cond3A_711 {
        %dma_start3A_996 = arith.constant 1 : i32
        %dma_start3A_997 = arith.constant 1 : i32
        %dma_start3A_998 = arith.constant 1 : i32
        %dma_start3A_999 = arith.constant 0 : i32
        %dma_start3A_1000 = arith.constant 0 : i32
        %dma_start3A_1001 = tpu.memref_slice %arg6[%dma_start3A_996, %dma_start3A_999, %dma_start3A_1000] : memref<3x128x128xf32, #tpu.memory_space<vmem>> -> memref<1x64x128xf32, #tpu.memory_space<vmem>>
        %dma_start3A_1002 = tpu.memref_squeeze %dma_start3A_1001 : memref<1x64x128xf32, #tpu.memory_space<vmem>> -> memref<64x128xf32, #tpu.memory_space<vmem>>
        %dma_start3A_1003 = arith.constant 0 : i32
        %dma_start3A_1004 = tpu.memref_slice %arg5[%dma_start3A_997, %dma_start3A_998, %dma_start3A_1003] : memref<6x2x128xi32, #tpu.memory_space<vmem>> -> memref<1x1x64xi32, #tpu.memory_space<vmem>>
        %dma_start3A_1005 = tpu.memref_squeeze %dma_start3A_1004 : memref<1x1x64xi32, #tpu.memory_space<vmem>> -> memref<64xi32, #tpu.memory_space<vmem>>
        %dma_start3A_1006 = arith.constant 0 : i32
        %dma_start3A_1007 = arith.constant 0 : i32
        %dma_start3A_1008 = tpu.memref_slice %arg7[%dma_start3A_1006, %dma_start3A_1007] : memref<10000x128xf32, #tpu.memory_space<vmem_shared>> -> memref<10000x128xf32, #tpu.memory_space<vmem_shared>>
        tpu.enqueue_indirect_dma source(%dma_start3A_1002 : memref<64x128xf32, #tpu.memory_space<vmem>>) target(%dma_start3A_1008 : memref<10000x128xf32, #tpu.memory_space<vmem_shared>>) offsets(%dma_start3A_1005 : memref<64xi32, #tpu.memory_space<vmem>>) semaphore(%arg18 : memref<!tpu.dma_semaphore, #tpu.memory_space<semaphore_mem>>) {add = true}
        %dma_start3A_1009 = arith.constant 1 : i32
        %dma_start3A_1010 = arith.constant 1 : i32
        %dma_start3A_1011 = arith.constant 1 : i32
        %dma_start3A_1012 = arith.constant 64 : i32
        %dma_start3A_1013 = arith.constant 0 : i32
        %dma_start3A_1014 = tpu.memref_slice %arg6[%dma_start3A_1009, %dma_start3A_1012, %dma_start3A_1013] : memref<3x128x128xf32, #tpu.memory_space<vmem>> -> memref<1x64x128xf32, #tpu.memory_space<vmem>>
        %dma_start3A_1015 = tpu.memref_squeeze %dma_start3A_1014 : memref<1x64x128xf32, #tpu.memory_space<vmem>> -> memref<64x128xf32, #tpu.memory_space<vmem>>
        %dma_start3A_1016 = arith.constant 64 : i32
        %dma_start3A_1017 = tpu.memref_slice %arg5[%dma_start3A_1010, %dma_start3A_1011, %dma_start3A_1016] : memref<6x2x128xi32, #tpu.memory_space<vmem>> -> memref<1x1x64xi32, #tpu.memory_space<vmem>>
        %dma_start3A_1018 = tpu.memref_squeeze %dma_start3A_1017 : memref<1x1x64xi32, #tpu.memory_space<vmem>> -> memref<64xi32, #tpu.memory_space<vmem>>
        %dma_start3A_1019 = arith.constant 0 : i32
        %dma_start3A_1020 = arith.constant 0 : i32
        %dma_start3A_1021 = tpu.memref_slice %arg7[%dma_start3A_1019, %dma_start3A_1020] : memref<10000x128xf32, #tpu.memory_space<vmem_shared>> -> memref<10000x128xf32, #tpu.memory_space<vmem_shared>>
        tpu.enqueue_indirect_dma source(%dma_start3A_1015 : memref<64x128xf32, #tpu.memory_space<vmem>>) target(%dma_start3A_1021 : memref<10000x128xf32, #tpu.memory_space<vmem_shared>>) offsets(%dma_start3A_1018 : memref<64xi32, #tpu.memory_space<vmem>>) semaphore(%arg18 : memref<!tpu.dma_semaphore, #tpu.memory_space<semaphore_mem>>) {add = true}
      } else {
      }
      %mul3A_712 = arith.constant 6 : i32
      %mul3A_713 = arith.muli %scan3A_572, %mul3A_712 : i32
      %add3A_714 = arith.constant 2 : i32
      %add3A_715 = arith.addi %mul3A_713, %add3A_714 : i32
      %ge3A_716 = arith.constant 1 : i32
      %ge3A_717 = arith.cmpi sge, %add3A_715, %ge3A_716 : i32
      %sub3A_718 = arith.constant 1 : i32
      %sub3A_719 = arith.subi %add3A_715, %sub3A_718 : i32
      %mul3A_720 = arith.constant 16 : i32
      %mul3A_721 = arith.muli %mul3A_720, %sub3A_719 : i32
      %add3A_722 = arith.addi %arg1, %mul3A_721 : i32
      %lt3A_723 = arith.constant 1250 : i32
      %lt3A_724 = arith.cmpi slt, %add3A_722, %lt3A_723 : i32
      %and3A_725 = arith.andi %ge3A_717, %lt3A_724 : i1
      %sub3A_726 = arith.constant 1 : i32
      %sub3A_727 = arith.subi %add3A_715, %sub3A_726 : i32
      %convert_element_type3A_728 = arith.extui %and3A_725 : i1 to i32
      %cond3A_729 = arith.constant 0 : i32
      %cond3A_730 = arith.cmpi ne, %convert_element_type3A_728, %cond3A_729 : i32
      scf.if %cond3A_730 {
        %dma_wait3A_996 = arith.constant 1 : i32
        %dma_wait3A_997 = arith.constant 1 : i32
        %dma_wait3A_998 = arith.constant 1 : i32
        %dma_wait3A_999 = arith.constant 0 : i32
        %dma_wait3A_1000 = arith.constant 0 : i32
        %dma_wait3A_1001 = tpu.memref_slice %arg6[%dma_wait3A_996, %dma_wait3A_999, %dma_wait3A_1000] : memref<3x128x128xf32, #tpu.memory_space<vmem>> -> memref<1x64x128xf32, #tpu.memory_space<vmem>>
        %dma_wait3A_1002 = tpu.memref_squeeze %dma_wait3A_1001 : memref<1x64x128xf32, #tpu.memory_space<vmem>> -> memref<64x128xf32, #tpu.memory_space<vmem>>
        %dma_wait3A_1003 = arith.constant 0 : i32
        %dma_wait3A_1004 = tpu.memref_slice %arg5[%dma_wait3A_997, %dma_wait3A_998, %dma_wait3A_1003] : memref<6x2x128xi32, #tpu.memory_space<vmem>> -> memref<1x1x64xi32, #tpu.memory_space<vmem>>
        %dma_wait3A_1005 = tpu.memref_squeeze %dma_wait3A_1004 : memref<1x1x64xi32, #tpu.memory_space<vmem>> -> memref<64xi32, #tpu.memory_space<vmem>>
        %dma_wait3A_1006 = arith.constant 0 : i32
        %dma_wait3A_1007 = arith.constant 0 : i32
        %dma_wait3A_1008 = tpu.memref_slice %arg7[%dma_wait3A_1006, %dma_wait3A_1007] : memref<10000x128xf32, #tpu.memory_space<vmem_shared>> -> memref<10000x128xf32, #tpu.memory_space<vmem_shared>>
        tpu.wait_indirect_dma semaphore(%arg18 : memref<!tpu.dma_semaphore, #tpu.memory_space<semaphore_mem>>) src(%dma_wait3A_1002 : memref<64x128xf32, #tpu.memory_space<vmem>>) dst(%dma_wait3A_1008 : memref<10000x128xf32, #tpu.memory_space<vmem_shared>>)
        %dma_wait3A_1009 = arith.constant 1 : i32
        %dma_wait3A_1010 = arith.constant 1 : i32
        %dma_wait3A_1011 = arith.constant 1 : i32
        %dma_wait3A_1012 = arith.constant 64 : i32
        %dma_wait3A_1013 = arith.constant 0 : i32
        %dma_wait3A_1014 = tpu.memref_slice %arg6[%dma_wait3A_1009, %dma_wait3A_1012, %dma_wait3A_1013] : memref<3x128x128xf32, #tpu.memory_space<vmem>> -> memref<1x64x128xf32, #tpu.memory_space<vmem>>
        %dma_wait3A_1015 = tpu.memref_squeeze %dma_wait3A_1014 : memref<1x64x128xf32, #tpu.memory_space<vmem>> -> memref<64x128xf32, #tpu.memory_space<vmem>>
        %dma_wait3A_1016 = arith.constant 64 : i32
        %dma_wait3A_1017 = tpu.memref_slice %arg5[%dma_wait3A_1010, %dma_wait3A_1011, %dma_wait3A_1016] : memref<6x2x128xi32, #tpu.memory_space<vmem>> -> memref<1x1x64xi32, #tpu.memory_space<vmem>>
        %dma_wait3A_1018 = tpu.memref_squeeze %dma_wait3A_1017 : memref<1x1x64xi32, #tpu.memory_space<vmem>> -> memref<64xi32, #tpu.memory_space<vmem>>
        %dma_wait3A_1019 = arith.constant 0 : i32
        %dma_wait3A_1020 = arith.constant 0 : i32
        %dma_wait3A_1021 = tpu.memref_slice %arg7[%dma_wait3A_1019, %dma_wait3A_1020] : memref<10000x128xf32, #tpu.memory_space<vmem_shared>> -> memref<10000x128xf32, #tpu.memory_space<vmem_shared>>
        tpu.wait_indirect_dma semaphore(%arg18 : memref<!tpu.dma_semaphore, #tpu.memory_space<semaphore_mem>>) src(%dma_wait3A_1015 : memref<64x128xf32, #tpu.memory_space<vmem>>) dst(%dma_wait3A_1021 : memref<10000x128xf32, #tpu.memory_space<vmem_shared>>)
      } else {
      }
      %add3A_731 = arith.constant 2 : i32
      %add3A_732 = arith.addi %add3A_715, %add3A_731 : i32
      %mul3A_733 = arith.constant 16 : i32
      %mul3A_734 = arith.muli %mul3A_733, %add3A_732 : i32
      %add3A_735 = arith.addi %arg1, %mul3A_734 : i32
      %lt3A_736 = arith.constant 1250 : i32
      %lt3A_737 = arith.cmpi slt, %add3A_735, %lt3A_736 : i32
      %add3A_738 = arith.constant 2 : i32
      %add3A_739 = arith.addi %add3A_715, %add3A_738 : i32
      %convert_element_type3A_740 = arith.extui %lt3A_737 : i1 to i32
      %cond3A_741 = arith.constant 0 : i32
      %cond3A_742 = arith.cmpi ne, %convert_element_type3A_740, %cond3A_741 : i32
      scf.if %cond3A_742 {
        %mul3A_996 = arith.constant 16 : i32
        %mul3A_997 = arith.muli %mul3A_996, %add3A_739 : i32
        %add3A_998 = arith.addi %arg1, %mul3A_997 : i32
        %mul3A_999 = arith.constant 128 : i32
        %mul3A_1000 = arith.muli %add3A_998, %mul3A_999 : i32
        %dma_wait3A_1001 = arith.constant 0 : i32
        %dma_wait3A_1002 = arith.constant 4 : i32
        %dma_wait3A_1003 = arith.constant 0 : i32
        %dma_wait3A_1004 = arith.constant 0 : i32
        %dma_wait3A_1005 = tpu.memref_slice %arg5[%dma_wait3A_1002, %dma_wait3A_1003, %dma_wait3A_1004] : memref<6x2x128xi32, #tpu.memory_space<vmem>> -> memref<1x1x128xi32, #tpu.memory_space<vmem>>
        %dma_wait3A_1006 = tpu.memref_squeeze %dma_wait3A_1005 : memref<1x1x128xi32, #tpu.memory_space<vmem>> -> memref<128xi32, #tpu.memory_space<vmem>>
        %dma_wait3A_1007 = tpu.memref_slice %arg3[%dma_wait3A_1001, %mul3A_1000] : memref<2x160000xi32, #tpu.memory_space<hbm>> -> memref<1x128xi32, #tpu.memory_space<hbm>>
        %dma_wait3A_1008 = tpu.memref_squeeze %dma_wait3A_1007 : memref<1x128xi32, #tpu.memory_space<hbm>> -> memref<128xi32, #tpu.memory_space<hbm>>
        %dma_wait3A_1009 = arith.constant 0 : i32
        %dma_wait3A_1010 = tpu.memref_slice %arg5[%dma_wait3A_1002, %dma_wait3A_1003, %dma_wait3A_1009] : memref<6x2x128xi32, #tpu.memory_space<vmem>> -> memref<1x1x128xi32, #tpu.memory_space<vmem>>
        %dma_wait3A_1011 = tpu.memref_squeeze %dma_wait3A_1010 : memref<1x1x128xi32, #tpu.memory_space<vmem>> -> memref<128xi32, #tpu.memory_space<vmem>>
        %dma_wait3A_1012 = tpu.memref_slice %arg3[%dma_wait3A_1001, %mul3A_1000] : memref<2x160000xi32, #tpu.memory_space<hbm>> -> memref<1x128xi32, #tpu.memory_space<hbm>>
        %dma_wait3A_1013 = tpu.memref_squeeze %dma_wait3A_1012 : memref<1x128xi32, #tpu.memory_space<hbm>> -> memref<128xi32, #tpu.memory_space<hbm>>
        tpu.wait_dma2 semaphore(%arg12 : memref<!tpu.dma_semaphore, #tpu.memory_space<semaphore_mem>>) src(%dma_wait3A_1013 : memref<128xi32, #tpu.memory_space<hbm>>) dst(%dma_wait3A_1011 : memref<128xi32, #tpu.memory_space<vmem>>)
        %mul3A_1014 = arith.constant 16 : i32
        %mul3A_1015 = arith.muli %mul3A_1014, %add3A_739 : i32
        %add3A_1016 = arith.addi %arg1, %mul3A_1015 : i32
        %mul3A_1017 = arith.constant 128 : i32
        %mul3A_1018 = arith.muli %add3A_1016, %mul3A_1017 : i32
        %dma_wait3A_1019 = arith.constant 1 : i32
        %dma_wait3A_1020 = arith.constant 4 : i32
        %dma_wait3A_1021 = arith.constant 1 : i32
        %dma_wait3A_1022 = arith.constant 0 : i32
        %dma_wait3A_1023 = tpu.memref_slice %arg5[%dma_wait3A_1020, %dma_wait3A_1021, %dma_wait3A_1022] : memref<6x2x128xi32, #tpu.memory_space<vmem>> -> memref<1x1x128xi32, #tpu.memory_space<vmem>>
        %dma_wait3A_1024 = tpu.memref_squeeze %dma_wait3A_1023 : memref<1x1x128xi32, #tpu.memory_space<vmem>> -> memref<128xi32, #tpu.memory_space<vmem>>
        %dma_wait3A_1025 = tpu.memref_slice %arg3[%dma_wait3A_1019, %mul3A_1018] : memref<2x160000xi32, #tpu.memory_space<hbm>> -> memref<1x128xi32, #tpu.memory_space<hbm>>
        %dma_wait3A_1026 = tpu.memref_squeeze %dma_wait3A_1025 : memref<1x128xi32, #tpu.memory_space<hbm>> -> memref<128xi32, #tpu.memory_space<hbm>>
        %dma_wait3A_1027 = arith.constant 0 : i32
        %dma_wait3A_1028 = tpu.memref_slice %arg5[%dma_wait3A_1020, %dma_wait3A_1021, %dma_wait3A_1027] : memref<6x2x128xi32, #tpu.memory_space<vmem>> -> memref<1x1x128xi32, #tpu.memory_space<vmem>>
        %dma_wait3A_1029 = tpu.memref_squeeze %dma_wait3A_1028 : memref<1x1x128xi32, #tpu.memory_space<vmem>> -> memref<128xi32, #tpu.memory_space<vmem>>
        %dma_wait3A_1030 = tpu.memref_slice %arg3[%dma_wait3A_1019, %mul3A_1018] : memref<2x160000xi32, #tpu.memory_space<hbm>> -> memref<1x128xi32, #tpu.memory_space<hbm>>
        %dma_wait3A_1031 = tpu.memref_squeeze %dma_wait3A_1030 : memref<1x128xi32, #tpu.memory_space<hbm>> -> memref<128xi32, #tpu.memory_space<hbm>>
        tpu.wait_dma2 semaphore(%arg12 : memref<!tpu.dma_semaphore, #tpu.memory_space<semaphore_mem>>) src(%dma_wait3A_1031 : memref<128xi32, #tpu.memory_space<hbm>>) dst(%dma_wait3A_1029 : memref<128xi32, #tpu.memory_space<vmem>>)
        %get3A_1032 = arith.constant 4 : i32
        %get3A_1033 = arith.constant 0 : i32
        %get3A_1034 = arith.index_cast %get3A_1032 : i32 to index
        %get3A_1035 = arith.index_cast %get3A_1033 : i32 to index
        %get3A_1036 = arith.constant 0 : index
        %get3A_1037 = tpu.vector_load %arg5[%get3A_1034, %get3A_1035, %get3A_1036] {strides = array<i32>} : memref<6x2x128xi32, #tpu.memory_space<vmem>>, vector<1x1x16xi32>,
        %get3A_1038 = vector.shape_cast %get3A_1037 : vector<1x1x16xi32> to vector<16xi32>
        %mul3A_1039 = arith.constant 2 : i32
        %mul3A_1040 = vector.broadcast %mul3A_1039 : i32 to vector<16xi32>
        %mul3A_1041 = arith.muli %get3A_1038, %mul3A_1040 : vector<16xi32>
        %add3A_1042 = vector.broadcast %arg0 : i32 to vector<16xi32>
        %add3A_1043 = arith.addi %mul3A_1041, %add3A_1042 : vector<16xi32>
        %swap3A_1044 = arith.constant 4 : i32
        %swap3A_1045 = arith.constant 0 : i32
        %swap3A_1046 = arith.index_cast %swap3A_1044 : i32 to index
        %swap3A_1047 = arith.index_cast %swap3A_1045 : i32 to index
        %swap3A_1048 = arith.constant 0 : index
        %swap3A_1049 = tpu.vector_load %arg5[%swap3A_1046, %swap3A_1047, %swap3A_1048] {strides = array<i32>} : memref<6x2x128xi32, #tpu.memory_space<vmem>>, vector<1x1x16xi32>,
        %swap3A_1050 = vector.shape_cast %swap3A_1049 : vector<1x1x16xi32> to vector<16xi32>
        %swap3A_1051 = vector.shape_cast %add3A_1043 : vector<16xi32> to vector<1x1x16xi32>
        tpu.vector_store %arg5[%swap3A_1046, %swap3A_1047, %swap3A_1048], %swap3A_1051 {strides = array<i32>} : memref<6x2x128xi32, #tpu.memory_space<vmem>>, vector<1x1x16xi32>,
        %get3A_1052 = arith.constant 4 : i32
        %get3A_1053 = arith.constant 0 : i32
        %get3A_1054 = arith.index_cast %get3A_1052 : i32 to index
        %get3A_1055 = arith.index_cast %get3A_1053 : i32 to index
        %get3A_1056 = arith.constant 16 : index
        %get3A_1057 = tpu.vector_load %arg5[%get3A_1054, %get3A_1055, %get3A_1056] {strides = array<i32>} : memref<6x2x128xi32, #tpu.memory_space<vmem>>, vector<1x1x16xi32>,
        %get3A_1058 = vector.shape_cast %get3A_1057 : vector<1x1x16xi32> to vector<16xi32>
        %mul3A_1059 = arith.constant 2 : i32
        %mul3A_1060 = vector.broadcast %mul3A_1059 : i32 to vector<16xi32>
        %mul3A_1061 = arith.muli %get3A_1058, %mul3A_1060 : vector<16xi32>
        %add3A_1062 = vector.broadcast %arg0 : i32 to vector<16xi32>
        %add3A_1063 = arith.addi %mul3A_1061, %add3A_1062 : vector<16xi32>
        %swap3A_1064 = arith.constant 4 : i32
        %swap3A_1065 = arith.constant 0 : i32
        %swap3A_1066 = arith.index_cast %swap3A_1064 : i32 to index
        %swap3A_1067 = arith.index_cast %swap3A_1065 : i32 to index
        %swap3A_1068 = arith.constant 16 : index
        %swap3A_1069 = tpu.vector_load %arg5[%swap3A_1066, %swap3A_1067, %swap3A_1068] {strides = array<i32>} : memref<6x2x128xi32, #tpu.memory_space<vmem>>, vector<1x1x16xi32>,
        %swap3A_1070 = vector.shape_cast %swap3A_1069 : vector<1x1x16xi32> to vector<16xi32>
        %swap3A_1071 = vector.shape_cast %add3A_1063 : vector<16xi32> to vector<1x1x16xi32>
        tpu.vector_store %arg5[%swap3A_1066, %swap3A_1067, %swap3A_1068], %swap3A_1071 {strides = array<i32>} : memref<6x2x128xi32, #tpu.memory_space<vmem>>, vector<1x1x16xi32>,
        %get3A_1072 = arith.constant 4 : i32
        %get3A_1073 = arith.constant 0 : i32
        %get3A_1074 = arith.index_cast %get3A_1072 : i32 to index
        %get3A_1075 = arith.index_cast %get3A_1073 : i32 to index
        %get3A_1076 = arith.constant 32 : index
        %get3A_1077 = tpu.vector_load %arg5[%get3A_1074, %get3A_1075, %get3A_1076] {strides = array<i32>} : memref<6x2x128xi32, #tpu.memory_space<vmem>>, vector<1x1x16xi32>,
        %get3A_1078 = vector.shape_cast %get3A_1077 : vector<1x1x16xi32> to vector<16xi32>
        %mul3A_1079 = arith.constant 2 : i32
        %mul3A_1080 = vector.broadcast %mul3A_1079 : i32 to vector<16xi32>
        %mul3A_1081 = arith.muli %get3A_1078, %mul3A_1080 : vector<16xi32>
        %add3A_1082 = vector.broadcast %arg0 : i32 to vector<16xi32>
        %add3A_1083 = arith.addi %mul3A_1081, %add3A_1082 : vector<16xi32>
        %swap3A_1084 = arith.constant 4 : i32
        %swap3A_1085 = arith.constant 0 : i32
        %swap3A_1086 = arith.index_cast %swap3A_1084 : i32 to index
        %swap3A_1087 = arith.index_cast %swap3A_1085 : i32 to index
        %swap3A_1088 = arith.constant 32 : index
        %swap3A_1089 = tpu.vector_load %arg5[%swap3A_1086, %swap3A_1087, %swap3A_1088] {strides = array<i32>} : memref<6x2x128xi32, #tpu.memory_space<vmem>>, vector<1x1x16xi32>,
        %swap3A_1090 = vector.shape_cast %swap3A_1089 : vector<1x1x16xi32> to vector<16xi32>
        %swap3A_1091 = vector.shape_cast %add3A_1083 : vector<16xi32> to vector<1x1x16xi32>
        tpu.vector_store %arg5[%swap3A_1086, %swap3A_1087, %swap3A_1088], %swap3A_1091 {strides = array<i32>} : memref<6x2x128xi32, #tpu.memory_space<vmem>>, vector<1x1x16xi32>,
        %get3A_1092 = arith.constant 4 : i32
        %get3A_1093 = arith.constant 0 : i32
        %get3A_1094 = arith.index_cast %get3A_1092 : i32 to index
        %get3A_1095 = arith.index_cast %get3A_1093 : i32 to index
        %get3A_1096 = arith.constant 48 : index
        %get3A_1097 = tpu.vector_load %arg5[%get3A_1094, %get3A_1095, %get3A_1096] {strides = array<i32>} : memref<6x2x128xi32, #tpu.memory_space<vmem>>, vector<1x1x16xi32>,
        %get3A_1098 = vector.shape_cast %get3A_1097 : vector<1x1x16xi32> to vector<16xi32>
        %mul3A_1099 = arith.constant 2 : i32
        %mul3A_1100 = vector.broadcast %mul3A_1099 : i32 to vector<16xi32>
        %mul3A_1101 = arith.muli %get3A_1098, %mul3A_1100 : vector<16xi32>
        %add3A_1102 = vector.broadcast %arg0 : i32 to vector<16xi32>
        %add3A_1103 = arith.addi %mul3A_1101, %add3A_1102 : vector<16xi32>
        %swap3A_1104 = arith.constant 4 : i32
        %swap3A_1105 = arith.constant 0 : i32
        %swap3A_1106 = arith.index_cast %swap3A_1104 : i32 to index
        %swap3A_1107 = arith.index_cast %swap3A_1105 : i32 to index
        %swap3A_1108 = arith.constant 48 : index
        %swap3A_1109 = tpu.vector_load %arg5[%swap3A_1106, %swap3A_1107, %swap3A_1108] {strides = array<i32>} : memref<6x2x128xi32, #tpu.memory_space<vmem>>, vector<1x1x16xi32>,
        %swap3A_1110 = vector.shape_cast %swap3A_1109 : vector<1x1x16xi32> to vector<16xi32>
        %swap3A_1111 = vector.shape_cast %add3A_1103 : vector<16xi32> to vector<1x1x16xi32>
        tpu.vector_store %arg5[%swap3A_1106, %swap3A_1107, %swap3A_1108], %swap3A_1111 {strides = array<i32>} : memref<6x2x128xi32, #tpu.memory_space<vmem>>, vector<1x1x16xi32>,
        %get3A_1112 = arith.constant 4 : i32
        %get3A_1113 = arith.constant 0 : i32
        %get3A_1114 = arith.index_cast %get3A_1112 : i32 to index
        %get3A_1115 = arith.index_cast %get3A_1113 : i32 to index
        %get3A_1116 = arith.constant 64 : index
        %get3A_1117 = tpu.vector_load %arg5[%get3A_1114, %get3A_1115, %get3A_1116] {strides = array<i32>} : memref<6x2x128xi32, #tpu.memory_space<vmem>>, vector<1x1x16xi32>,
        %get3A_1118 = vector.shape_cast %get3A_1117 : vector<1x1x16xi32> to vector<16xi32>
        %mul3A_1119 = arith.constant 2 : i32
        %mul3A_1120 = vector.broadcast %mul3A_1119 : i32 to vector<16xi32>
        %mul3A_1121 = arith.muli %get3A_1118, %mul3A_1120 : vector<16xi32>
        %add3A_1122 = vector.broadcast %arg0 : i32 to vector<16xi32>
        %add3A_1123 = arith.addi %mul3A_1121, %add3A_1122 : vector<16xi32>
        %swap3A_1124 = arith.constant 4 : i32
        %swap3A_1125 = arith.constant 0 : i32
        %swap3A_1126 = arith.index_cast %swap3A_1124 : i32 to index
        %swap3A_1127 = arith.index_cast %swap3A_1125 : i32 to index
        %swap3A_1128 = arith.constant 64 : index
        %swap3A_1129 = tpu.vector_load %arg5[%swap3A_1126, %swap3A_1127, %swap3A_1128] {strides = array<i32>} : memref<6x2x128xi32, #tpu.memory_space<vmem>>, vector<1x1x16xi32>,
        %swap3A_1130 = vector.shape_cast %swap3A_1129 : vector<1x1x16xi32> to vector<16xi32>
        %swap3A_1131 = vector.shape_cast %add3A_1123 : vector<16xi32> to vector<1x1x16xi32>
        tpu.vector_store %arg5[%swap3A_1126, %swap3A_1127, %swap3A_1128], %swap3A_1131 {strides = array<i32>} : memref<6x2x128xi32, #tpu.memory_space<vmem>>, vector<1x1x16xi32>,
        %get3A_1132 = arith.constant 4 : i32
        %get3A_1133 = arith.constant 0 : i32
        %get3A_1134 = arith.index_cast %get3A_1132 : i32 to index
        %get3A_1135 = arith.index_cast %get3A_1133 : i32 to index
        %get3A_1136 = arith.constant 80 : index
        %get3A_1137 = tpu.vector_load %arg5[%get3A_1134, %get3A_1135, %get3A_1136] {strides = array<i32>} : memref<6x2x128xi32, #tpu.memory_space<vmem>>, vector<1x1x16xi32>,
        %get3A_1138 = vector.shape_cast %get3A_1137 : vector<1x1x16xi32> to vector<16xi32>
        %mul3A_1139 = arith.constant 2 : i32
        %mul3A_1140 = vector.broadcast %mul3A_1139 : i32 to vector<16xi32>
        %mul3A_1141 = arith.muli %get3A_1138, %mul3A_1140 : vector<16xi32>
        %add3A_1142 = vector.broadcast %arg0 : i32 to vector<16xi32>
        %add3A_1143 = arith.addi %mul3A_1141, %add3A_1142 : vector<16xi32>
        %swap3A_1144 = arith.constant 4 : i32
        %swap3A_1145 = arith.constant 0 : i32
        %swap3A_1146 = arith.index_cast %swap3A_1144 : i32 to index
        %swap3A_1147 = arith.index_cast %swap3A_1145 : i32 to index
        %swap3A_1148 = arith.constant 80 : index
        %swap3A_1149 = tpu.vector_load %arg5[%swap3A_1146, %swap3A_1147, %swap3A_1148] {strides = array<i32>} : memref<6x2x128xi32, #tpu.memory_space<vmem>>, vector<1x1x16xi32>,
        %swap3A_1150 = vector.shape_cast %swap3A_1149 : vector<1x1x16xi32> to vector<16xi32>
        %swap3A_1151 = vector.shape_cast %add3A_1143 : vector<16xi32> to vector<1x1x16xi32>
        tpu.vector_store %arg5[%swap3A_1146, %swap3A_1147, %swap3A_1148], %swap3A_1151 {strides = array<i32>} : memref<6x2x128xi32, #tpu.memory_space<vmem>>, vector<1x1x16xi32>,
        %get3A_1152 = arith.constant 4 : i32
        %get3A_1153 = arith.constant 0 : i32
        %get3A_1154 = arith.index_cast %get3A_1152 : i32 to index
        %get3A_1155 = arith.index_cast %get3A_1153 : i32 to index
        %get3A_1156 = arith.constant 96 : index
        %get3A_1157 = tpu.vector_load %arg5[%get3A_1154, %get3A_1155, %get3A_1156] {strides = array<i32>} : memref<6x2x128xi32, #tpu.memory_space<vmem>>, vector<1x1x16xi32>,
        %get3A_1158 = vector.shape_cast %get3A_1157 : vector<1x1x16xi32> to vector<16xi32>
        %mul3A_1159 = arith.constant 2 : i32
        %mul3A_1160 = vector.broadcast %mul3A_1159 : i32 to vector<16xi32>
        %mul3A_1161 = arith.muli %get3A_1158, %mul3A_1160 : vector<16xi32>
        %add3A_1162 = vector.broadcast %arg0 : i32 to vector<16xi32>
        %add3A_1163 = arith.addi %mul3A_1161, %add3A_1162 : vector<16xi32>
        %swap3A_1164 = arith.constant 4 : i32
        %swap3A_1165 = arith.constant 0 : i32
        %swap3A_1166 = arith.index_cast %swap3A_1164 : i32 to index
        %swap3A_1167 = arith.index_cast %swap3A_1165 : i32 to index
        %swap3A_1168 = arith.constant 96 : index
        %swap3A_1169 = tpu.vector_load %arg5[%swap3A_1166, %swap3A_1167, %swap3A_1168] {strides = array<i32>} : memref<6x2x128xi32, #tpu.memory_space<vmem>>, vector<1x1x16xi32>,
        %swap3A_1170 = vector.shape_cast %swap3A_1169 : vector<1x1x16xi32> to vector<16xi32>
        %swap3A_1171 = vector.shape_cast %add3A_1163 : vector<16xi32> to vector<1x1x16xi32>
        tpu.vector_store %arg5[%swap3A_1166, %swap3A_1167, %swap3A_1168], %swap3A_1171 {strides = array<i32>} : memref<6x2x128xi32, #tpu.memory_space<vmem>>, vector<1x1x16xi32>,
        %get3A_1172 = arith.constant 4 : i32
        %get3A_1173 = arith.constant 0 : i32
        %get3A_1174 = arith.index_cast %get3A_1172 : i32 to index
        %get3A_1175 = arith.index_cast %get3A_1173 : i32 to index
        %get3A_1176 = arith.constant 112 : index
        %get3A_1177 = tpu.vector_load %arg5[%get3A_1174, %get3A_1175, %get3A_1176] {strides = array<i32>} : memref<6x2x128xi32, #tpu.memory_space<vmem>>, vector<1x1x16xi32>,
        %get3A_1178 = vector.shape_cast %get3A_1177 : vector<1x1x16xi32> to vector<16xi32>
        %mul3A_1179 = arith.constant 2 : i32
        %mul3A_1180 = vector.broadcast %mul3A_1179 : i32 to vector<16xi32>
        %mul3A_1181 = arith.muli %get3A_1178, %mul3A_1180 : vector<16xi32>
        %add3A_1182 = vector.broadcast %arg0 : i32 to vector<16xi32>
        %add3A_1183 = arith.addi %mul3A_1181, %add3A_1182 : vector<16xi32>
        %swap3A_1184 = arith.constant 4 : i32
        %swap3A_1185 = arith.constant 0 : i32
        %swap3A_1186 = arith.index_cast %swap3A_1184 : i32 to index
        %swap3A_1187 = arith.index_cast %swap3A_1185 : i32 to index
        %swap3A_1188 = arith.constant 112 : index
        %swap3A_1189 = tpu.vector_load %arg5[%swap3A_1186, %swap3A_1187, %swap3A_1188] {strides = array<i32>} : memref<6x2x128xi32, #tpu.memory_space<vmem>>, vector<1x1x16xi32>,
        %swap3A_1190 = vector.shape_cast %swap3A_1189 : vector<1x1x16xi32> to vector<16xi32>
        %swap3A_1191 = vector.shape_cast %add3A_1183 : vector<16xi32> to vector<1x1x16xi32>
        tpu.vector_store %arg5[%swap3A_1186, %swap3A_1187, %swap3A_1188], %swap3A_1191 {strides = array<i32>} : memref<6x2x128xi32, #tpu.memory_space<vmem>>, vector<1x1x16xi32>,
      } else {
      }
      %add3A_743 = arith.constant 2 : i32
      %add3A_744 = arith.addi %add3A_715, %add3A_743 : i32
      %mul3A_745 = arith.constant 16 : i32
      %mul3A_746 = arith.muli %mul3A_745, %add3A_744 : i32
      %add3A_747 = arith.addi %arg1, %mul3A_746 : i32
      %lt3A_748 = arith.constant 1250 : i32
      %lt3A_749 = arith.cmpi slt, %add3A_747, %lt3A_748 : i32
      %add3A_750 = arith.constant 2 : i32
      %add3A_751 = arith.addi %add3A_715, %add3A_750 : i32
      %convert_element_type3A_752 = arith.extui %lt3A_749 : i1 to i32
      %cond3A_753 = arith.constant 0 : i32
      %cond3A_754 = arith.cmpi ne, %convert_element_type3A_752, %cond3A_753 : i32
      scf.if %cond3A_754 {
        %dma_start3A_996 = arith.constant 4 : i32
        %dma_start3A_997 = arith.constant 0 : i32
        %dma_start3A_998 = arith.constant 1 : i32
        %dma_start3A_999 = arith.constant 0 : i32
        %dma_start3A_1000 = arith.constant 0 : i32
        %dma_start3A_1001 = tpu.memref_slice %arg6[%dma_start3A_998, %dma_start3A_999, %dma_start3A_1000] : memref<3x128x128xf32, #tpu.memory_space<vmem>> -> memref<1x64x128xf32, #tpu.memory_space<vmem>>
        %dma_start3A_1002 = tpu.memref_squeeze %dma_start3A_1001 : memref<1x64x128xf32, #tpu.memory_space<vmem>> -> memref<64x128xf32, #tpu.memory_space<vmem>>
        %dma_start3A_1003 = arith.constant 0 : i32
        %dma_start3A_1004 = tpu.memref_slice %arg5[%dma_start3A_996, %dma_start3A_997, %dma_start3A_1003] : memref<6x2x128xi32, #tpu.memory_space<vmem>> -> memref<1x1x64xi32, #tpu.memory_space<vmem>>
        %dma_start3A_1005 = tpu.memref_squeeze %dma_start3A_1004 : memref<1x1x64xi32, #tpu.memory_space<vmem>> -> memref<64xi32, #tpu.memory_space<vmem>>
        %dma_start3A_1006 = arith.constant 0 : i32
        %dma_start3A_1007 = arith.constant 0 : i32
        %dma_start3A_1008 = tpu.memref_slice %arg2[%dma_start3A_1006, %dma_start3A_1007] : memref<20000x128xf32, #tpu.memory_space<hbm>> -> memref<20000x128xf32, #tpu.memory_space<hbm>>
        tpu.enqueue_indirect_dma source(%dma_start3A_1008 : memref<20000x128xf32, #tpu.memory_space<hbm>>) target(%dma_start3A_1002 : memref<64x128xf32, #tpu.memory_space<vmem>>) offsets(%dma_start3A_1005 : memref<64xi32, #tpu.memory_space<vmem>>) semaphore(%arg15 : memref<!tpu.dma_semaphore, #tpu.memory_space<semaphore_mem>>)
        %dma_start3A_1009 = arith.constant 4 : i32
        %dma_start3A_1010 = arith.constant 0 : i32
        %dma_start3A_1011 = arith.constant 1 : i32
        %dma_start3A_1012 = arith.constant 64 : i32
        %dma_start3A_1013 = arith.constant 0 : i32
        %dma_start3A_1014 = tpu.memref_slice %arg6[%dma_start3A_1011, %dma_start3A_1012, %dma_start3A_1013] : memref<3x128x128xf32, #tpu.memory_space<vmem>> -> memref<1x64x128xf32, #tpu.memory_space<vmem>>
        %dma_start3A_1015 = tpu.memref_squeeze %dma_start3A_1014 : memref<1x64x128xf32, #tpu.memory_space<vmem>> -> memref<64x128xf32, #tpu.memory_space<vmem>>
        %dma_start3A_1016 = arith.constant 64 : i32
        %dma_start3A_1017 = tpu.memref_slice %arg5[%dma_start3A_1009, %dma_start3A_1010, %dma_start3A_1016] : memref<6x2x128xi32, #tpu.memory_space<vmem>> -> memref<1x1x64xi32, #tpu.memory_space<vmem>>
        %dma_start3A_1018 = tpu.memref_squeeze %dma_start3A_1017 : memref<1x1x64xi32, #tpu.memory_space<vmem>> -> memref<64xi32, #tpu.memory_space<vmem>>
        %dma_start3A_1019 = arith.constant 0 : i32
        %dma_start3A_1020 = arith.constant 0 : i32
        %dma_start3A_1021 = tpu.memref_slice %arg2[%dma_start3A_1019, %dma_start3A_1020] : memref<20000x128xf32, #tpu.memory_space<hbm>> -> memref<20000x128xf32, #tpu.memory_space<hbm>>
        tpu.enqueue_indirect_dma source(%dma_start3A_1021 : memref<20000x128xf32, #tpu.memory_space<hbm>>) target(%dma_start3A_1015 : memref<64x128xf32, #tpu.memory_space<vmem>>) offsets(%dma_start3A_1018 : memref<64xi32, #tpu.memory_space<vmem>>) semaphore(%arg15 : memref<!tpu.dma_semaphore, #tpu.memory_space<semaphore_mem>>)
      } else {
      }
      %add3A_755 = arith.constant 3 : i32
      %add3A_756 = arith.addi %add3A_715, %add3A_755 : i32
      %mul3A_757 = arith.constant 16 : i32
      %mul3A_758 = arith.muli %mul3A_757, %add3A_756 : i32
      %add3A_759 = arith.addi %arg1, %mul3A_758 : i32
      %lt3A_760 = arith.constant 1250 : i32
      %lt3A_761 = arith.cmpi slt, %add3A_759, %lt3A_760 : i32
      %add3A_762 = arith.constant 3 : i32
      %add3A_763 = arith.addi %add3A_715, %add3A_762 : i32
      %convert_element_type3A_764 = arith.extui %lt3A_761 : i1 to i32
      %cond3A_765 = arith.constant 0 : i32
      %cond3A_766 = arith.cmpi ne, %convert_element_type3A_764, %cond3A_765 : i32
      scf.if %cond3A_766 {
        %mul3A_996 = arith.constant 16 : i32
        %mul3A_997 = arith.muli %mul3A_996, %add3A_763 : i32
        %add3A_998 = arith.addi %arg1, %mul3A_997 : i32
        %mul3A_999 = arith.constant 128 : i32
        %mul3A_1000 = arith.muli %add3A_998, %mul3A_999 : i32
        %dma_start3A_1001 = arith.constant 0 : i32
        %dma_start3A_1002 = arith.constant 5 : i32
        %dma_start3A_1003 = arith.constant 0 : i32
        %dma_start3A_1004 = arith.constant 0 : i32
        %dma_start3A_1005 = tpu.memref_slice %arg5[%dma_start3A_1002, %dma_start3A_1003, %dma_start3A_1004] : memref<6x2x128xi32, #tpu.memory_space<vmem>> -> memref<1x1x128xi32, #tpu.memory_space<vmem>>
        %dma_start3A_1006 = tpu.memref_squeeze %dma_start3A_1005 : memref<1x1x128xi32, #tpu.memory_space<vmem>> -> memref<128xi32, #tpu.memory_space<vmem>>
        %dma_start3A_1007 = tpu.memref_slice %arg3[%dma_start3A_1001, %mul3A_1000] : memref<2x160000xi32, #tpu.memory_space<hbm>> -> memref<1x128xi32, #tpu.memory_space<hbm>>
        %dma_start3A_1008 = tpu.memref_squeeze %dma_start3A_1007 : memref<1x128xi32, #tpu.memory_space<hbm>> -> memref<128xi32, #tpu.memory_space<hbm>>
        %dma_start3A_1009 = arith.constant 0 : i32
        %dma_start3A_1010 = tpu.memref_slice %arg5[%dma_start3A_1002, %dma_start3A_1003, %dma_start3A_1009] : memref<6x2x128xi32, #tpu.memory_space<vmem>> -> memref<1x1x128xi32, #tpu.memory_space<vmem>>
        %dma_start3A_1011 = tpu.memref_squeeze %dma_start3A_1010 : memref<1x1x128xi32, #tpu.memory_space<vmem>> -> memref<128xi32, #tpu.memory_space<vmem>>
        %dma_start3A_1012 = tpu.memref_slice %arg3[%dma_start3A_1001, %mul3A_1000] : memref<2x160000xi32, #tpu.memory_space<hbm>> -> memref<1x128xi32, #tpu.memory_space<hbm>>
        %dma_start3A_1013 = tpu.memref_squeeze %dma_start3A_1012 : memref<1x128xi32, #tpu.memory_space<hbm>> -> memref<128xi32, #tpu.memory_space<hbm>>
        tpu.enqueue_dma source(%dma_start3A_1013 : memref<128xi32, #tpu.memory_space<hbm>>) target(%dma_start3A_1011 : memref<128xi32, #tpu.memory_space<vmem>>) target_semaphore(%arg13 : memref<!tpu.dma_semaphore, #tpu.memory_space<semaphore_mem>>)
        %mul3A_1014 = arith.constant 16 : i32
        %mul3A_1015 = arith.muli %mul3A_1014, %add3A_763 : i32
        %add3A_1016 = arith.addi %arg1, %mul3A_1015 : i32
        %mul3A_1017 = arith.constant 128 : i32
        %mul3A_1018 = arith.muli %add3A_1016, %mul3A_1017 : i32
        %dma_start3A_1019 = arith.constant 1 : i32
        %dma_start3A_1020 = arith.constant 5 : i32
        %dma_start3A_1021 = arith.constant 1 : i32
        %dma_start3A_1022 = arith.constant 0 : i32
        %dma_start3A_1023 = tpu.memref_slice %arg5[%dma_start3A_1020, %dma_start3A_1021, %dma_start3A_1022] : memref<6x2x128xi32, #tpu.memory_space<vmem>> -> memref<1x1x128xi32, #tpu.memory_space<vmem>>
        %dma_start3A_1024 = tpu.memref_squeeze %dma_start3A_1023 : memref<1x1x128xi32, #tpu.memory_space<vmem>> -> memref<128xi32, #tpu.memory_space<vmem>>
        %dma_start3A_1025 = tpu.memref_slice %arg3[%dma_start3A_1019, %mul3A_1018] : memref<2x160000xi32, #tpu.memory_space<hbm>> -> memref<1x128xi32, #tpu.memory_space<hbm>>
        %dma_start3A_1026 = tpu.memref_squeeze %dma_start3A_1025 : memref<1x128xi32, #tpu.memory_space<hbm>> -> memref<128xi32, #tpu.memory_space<hbm>>
        %dma_start3A_1027 = arith.constant 0 : i32
        %dma_start3A_1028 = tpu.memref_slice %arg5[%dma_start3A_1020, %dma_start3A_1021, %dma_start3A_1027] : memref<6x2x128xi32, #tpu.memory_space<vmem>> -> memref<1x1x128xi32, #tpu.memory_space<vmem>>
        %dma_start3A_1029 = tpu.memref_squeeze %dma_start3A_1028 : memref<1x1x128xi32, #tpu.memory_space<vmem>> -> memref<128xi32, #tpu.memory_space<vmem>>
        %dma_start3A_1030 = tpu.memref_slice %arg3[%dma_start3A_1019, %mul3A_1018] : memref<2x160000xi32, #tpu.memory_space<hbm>> -> memref<1x128xi32, #tpu.memory_space<hbm>>
        %dma_start3A_1031 = tpu.memref_squeeze %dma_start3A_1030 : memref<1x128xi32, #tpu.memory_space<hbm>> -> memref<128xi32, #tpu.memory_space<hbm>>
        tpu.enqueue_dma source(%dma_start3A_1031 : memref<128xi32, #tpu.memory_space<hbm>>) target(%dma_start3A_1029 : memref<128xi32, #tpu.memory_space<vmem>>) target_semaphore(%arg13 : memref<!tpu.dma_semaphore, #tpu.memory_space<semaphore_mem>>)
      } else {
      }
      %mul3A_767 = arith.constant 16 : i32
      %mul3A_768 = arith.muli %mul3A_767, %add3A_715 : i32
      %add3A_769 = arith.addi %arg1, %mul3A_768 : i32
      %lt3A_770 = arith.constant 1250 : i32
      %lt3A_771 = arith.cmpi slt, %add3A_769, %lt3A_770 : i32
      %convert_element_type3A_772 = arith.extui %lt3A_771 : i1 to i32
      %cond3A_773 = arith.constant 0 : i32
      %cond3A_774 = arith.cmpi ne, %convert_element_type3A_772, %cond3A_773 : i32
      scf.if %cond3A_774 {
        %dma_wait3A_996 = arith.constant 2 : i32
        %dma_wait3A_997 = arith.constant 0 : i32
        %dma_wait3A_998 = arith.constant 2 : i32
        %dma_wait3A_999 = arith.constant 0 : i32
        %dma_wait3A_1000 = arith.constant 0 : i32
        %dma_wait3A_1001 = tpu.memref_slice %arg6[%dma_wait3A_998, %dma_wait3A_999, %dma_wait3A_1000] : memref<3x128x128xf32, #tpu.memory_space<vmem>> -> memref<1x64x128xf32, #tpu.memory_space<vmem>>
        %dma_wait3A_1002 = tpu.memref_squeeze %dma_wait3A_1001 : memref<1x64x128xf32, #tpu.memory_space<vmem>> -> memref<64x128xf32, #tpu.memory_space<vmem>>
        %dma_wait3A_1003 = arith.constant 0 : i32
        %dma_wait3A_1004 = tpu.memref_slice %arg5[%dma_wait3A_996, %dma_wait3A_997, %dma_wait3A_1003] : memref<6x2x128xi32, #tpu.memory_space<vmem>> -> memref<1x1x64xi32, #tpu.memory_space<vmem>>
        %dma_wait3A_1005 = tpu.memref_squeeze %dma_wait3A_1004 : memref<1x1x64xi32, #tpu.memory_space<vmem>> -> memref<64xi32, #tpu.memory_space<vmem>>
        %dma_wait3A_1006 = arith.constant 0 : i32
        %dma_wait3A_1007 = arith.constant 0 : i32
        %dma_wait3A_1008 = tpu.memref_slice %arg2[%dma_wait3A_1006, %dma_wait3A_1007] : memref<20000x128xf32, #tpu.memory_space<hbm>> -> memref<20000x128xf32, #tpu.memory_space<hbm>>
        tpu.wait_indirect_dma semaphore(%arg16 : memref<!tpu.dma_semaphore, #tpu.memory_space<semaphore_mem>>) src(%dma_wait3A_1008 : memref<20000x128xf32, #tpu.memory_space<hbm>>) dst(%dma_wait3A_1002 : memref<64x128xf32, #tpu.memory_space<vmem>>)
        %dma_wait3A_1009 = arith.constant 2 : i32
        %dma_wait3A_1010 = arith.constant 0 : i32
        %dma_wait3A_1011 = arith.constant 2 : i32
        %dma_wait3A_1012 = arith.constant 64 : i32
        %dma_wait3A_1013 = arith.constant 0 : i32
        %dma_wait3A_1014 = tpu.memref_slice %arg6[%dma_wait3A_1011, %dma_wait3A_1012, %dma_wait3A_1013] : memref<3x128x128xf32, #tpu.memory_space<vmem>> -> memref<1x64x128xf32, #tpu.memory_space<vmem>>
        %dma_wait3A_1015 = tpu.memref_squeeze %dma_wait3A_1014 : memref<1x64x128xf32, #tpu.memory_space<vmem>> -> memref<64x128xf32, #tpu.memory_space<vmem>>
        %dma_wait3A_1016 = arith.constant 64 : i32
        %dma_wait3A_1017 = tpu.memref_slice %arg5[%dma_wait3A_1009, %dma_wait3A_1010, %dma_wait3A_1016] : memref<6x2x128xi32, #tpu.memory_space<vmem>> -> memref<1x1x64xi32, #tpu.memory_space<vmem>>
        %dma_wait3A_1018 = tpu.memref_squeeze %dma_wait3A_1017 : memref<1x1x64xi32, #tpu.memory_space<vmem>> -> memref<64xi32, #tpu.memory_space<vmem>>
        %dma_wait3A_1019 = arith.constant 0 : i32
        %dma_wait3A_1020 = arith.constant 0 : i32
        %dma_wait3A_1021 = tpu.memref_slice %arg2[%dma_wait3A_1019, %dma_wait3A_1020] : memref<20000x128xf32, #tpu.memory_space<hbm>> -> memref<20000x128xf32, #tpu.memory_space<hbm>>
        tpu.wait_indirect_dma semaphore(%arg16 : memref<!tpu.dma_semaphore, #tpu.memory_space<semaphore_mem>>) src(%dma_wait3A_1021 : memref<20000x128xf32, #tpu.memory_space<hbm>>) dst(%dma_wait3A_1015 : memref<64x128xf32, #tpu.memory_space<vmem>>)
      } else {
      }
      %mul3A_775 = arith.constant 16 : i32
      %mul3A_776 = arith.muli %mul3A_775, %add3A_715 : i32
      %add3A_777 = arith.addi %arg1, %mul3A_776 : i32
      %lt3A_778 = arith.constant 1250 : i32
      %lt3A_779 = arith.cmpi slt, %add3A_777, %lt3A_778 : i32
      %convert_element_type3A_780 = arith.extui %lt3A_779 : i1 to i32
      %cond3A_781 = arith.constant 0 : i32
      %cond3A_782 = arith.cmpi ne, %convert_element_type3A_780, %cond3A_781 : i32
      scf.if %cond3A_782 {
        %dma_start3A_996 = arith.constant 2 : i32
        %dma_start3A_997 = arith.constant 2 : i32
        %dma_start3A_998 = arith.constant 1 : i32
        %dma_start3A_999 = arith.constant 0 : i32
        %dma_start3A_1000 = arith.constant 0 : i32
        %dma_start3A_1001 = tpu.memref_slice %arg6[%dma_start3A_996, %dma_start3A_999, %dma_start3A_1000] : memref<3x128x128xf32, #tpu.memory_space<vmem>> -> memref<1x64x128xf32, #tpu.memory_space<vmem>>
        %dma_start3A_1002 = tpu.memref_squeeze %dma_start3A_1001 : memref<1x64x128xf32, #tpu.memory_space<vmem>> -> memref<64x128xf32, #tpu.memory_space<vmem>>
        %dma_start3A_1003 = arith.constant 0 : i32
        %dma_start3A_1004 = tpu.memref_slice %arg5[%dma_start3A_997, %dma_start3A_998, %dma_start3A_1003] : memref<6x2x128xi32, #tpu.memory_space<vmem>> -> memref<1x1x64xi32, #tpu.memory_space<vmem>>
        %dma_start3A_1005 = tpu.memref_squeeze %dma_start3A_1004 : memref<1x1x64xi32, #tpu.memory_space<vmem>> -> memref<64xi32, #tpu.memory_space<vmem>>
        %dma_start3A_1006 = arith.constant 0 : i32
        %dma_start3A_1007 = arith.constant 0 : i32
        %dma_start3A_1008 = tpu.memref_slice %arg7[%dma_start3A_1006, %dma_start3A_1007] : memref<10000x128xf32, #tpu.memory_space<vmem_shared>> -> memref<10000x128xf32, #tpu.memory_space<vmem_shared>>
        tpu.enqueue_indirect_dma source(%dma_start3A_1002 : memref<64x128xf32, #tpu.memory_space<vmem>>) target(%dma_start3A_1008 : memref<10000x128xf32, #tpu.memory_space<vmem_shared>>) offsets(%dma_start3A_1005 : memref<64xi32, #tpu.memory_space<vmem>>) semaphore(%arg19 : memref<!tpu.dma_semaphore, #tpu.memory_space<semaphore_mem>>) {add = true}
        %dma_start3A_1009 = arith.constant 2 : i32
        %dma_start3A_1010 = arith.constant 2 : i32
        %dma_start3A_1011 = arith.constant 1 : i32
        %dma_start3A_1012 = arith.constant 64 : i32
        %dma_start3A_1013 = arith.constant 0 : i32
        %dma_start3A_1014 = tpu.memref_slice %arg6[%dma_start3A_1009, %dma_start3A_1012, %dma_start3A_1013] : memref<3x128x128xf32, #tpu.memory_space<vmem>> -> memref<1x64x128xf32, #tpu.memory_space<vmem>>
        %dma_start3A_1015 = tpu.memref_squeeze %dma_start3A_1014 : memref<1x64x128xf32, #tpu.memory_space<vmem>> -> memref<64x128xf32, #tpu.memory_space<vmem>>
        %dma_start3A_1016 = arith.constant 64 : i32
        %dma_start3A_1017 = tpu.memref_slice %arg5[%dma_start3A_1010, %dma_start3A_1011, %dma_start3A_1016] : memref<6x2x128xi32, #tpu.memory_space<vmem>> -> memref<1x1x64xi32, #tpu.memory_space<vmem>>
        %dma_start3A_1018 = tpu.memref_squeeze %dma_start3A_1017 : memref<1x1x64xi32, #tpu.memory_space<vmem>> -> memref<64xi32, #tpu.memory_space<vmem>>
        %dma_start3A_1019 = arith.constant 0 : i32
        %dma_start3A_1020 = arith.constant 0 : i32
        %dma_start3A_1021 = tpu.memref_slice %arg7[%dma_start3A_1019, %dma_start3A_1020] : memref<10000x128xf32, #tpu.memory_space<vmem_shared>> -> memref<10000x128xf32, #tpu.memory_space<vmem_shared>>
        tpu.enqueue_indirect_dma source(%dma_start3A_1015 : memref<64x128xf32, #tpu.memory_space<vmem>>) target(%dma_start3A_1021 : memref<10000x128xf32, #tpu.memory_space<vmem_shared>>) offsets(%dma_start3A_1018 : memref<64xi32, #tpu.memory_space<vmem>>) semaphore(%arg19 : memref<!tpu.dma_semaphore, #tpu.memory_space<semaphore_mem>>) {add = true}
      } else {
      }
      %mul3A_783 = arith.constant 6 : i32
      %mul3A_784 = arith.muli %scan3A_572, %mul3A_783 : i32
      %add3A_785 = arith.constant 3 : i32
      %add3A_786 = arith.addi %mul3A_784, %add3A_785 : i32
      %ge3A_787 = arith.constant 1 : i32
      %ge3A_788 = arith.cmpi sge, %add3A_786, %ge3A_787 : i32
      %sub3A_789 = arith.constant 1 : i32
      %sub3A_790 = arith.subi %add3A_786, %sub3A_789 : i32
      %mul3A_791 = arith.constant 16 : i32
      %mul3A_792 = arith.muli %mul3A_791, %sub3A_790 : i32
      %add3A_793 = arith.addi %arg1, %mul3A_792 : i32
      %lt3A_794 = arith.constant 1250 : i32
      %lt3A_795 = arith.cmpi slt, %add3A_793, %lt3A_794 : i32
      %and3A_796 = arith.andi %ge3A_788, %lt3A_795 : i1
      %sub3A_797 = arith.constant 1 : i32
      %sub3A_798 = arith.subi %add3A_786, %sub3A_797 : i32
      %convert_element_type3A_799 = arith.extui %and3A_796 : i1 to i32
      %cond3A_800 = arith.constant 0 : i32
      %cond3A_801 = arith.cmpi ne, %convert_element_type3A_799, %cond3A_800 : i32
      scf.if %cond3A_801 {
        %dma_wait3A_996 = arith.constant 2 : i32
        %dma_wait3A_997 = arith.constant 2 : i32
        %dma_wait3A_998 = arith.constant 1 : i32
        %dma_wait3A_999 = arith.constant 0 : i32
        %dma_wait3A_1000 = arith.constant 0 : i32
        %dma_wait3A_1001 = tpu.memref_slice %arg6[%dma_wait3A_996, %dma_wait3A_999, %dma_wait3A_1000] : memref<3x128x128xf32, #tpu.memory_space<vmem>> -> memref<1x64x128xf32, #tpu.memory_space<vmem>>
        %dma_wait3A_1002 = tpu.memref_squeeze %dma_wait3A_1001 : memref<1x64x128xf32, #tpu.memory_space<vmem>> -> memref<64x128xf32, #tpu.memory_space<vmem>>
        %dma_wait3A_1003 = arith.constant 0 : i32
        %dma_wait3A_1004 = tpu.memref_slice %arg5[%dma_wait3A_997, %dma_wait3A_998, %dma_wait3A_1003] : memref<6x2x128xi32, #tpu.memory_space<vmem>> -> memref<1x1x64xi32, #tpu.memory_space<vmem>>
        %dma_wait3A_1005 = tpu.memref_squeeze %dma_wait3A_1004 : memref<1x1x64xi32, #tpu.memory_space<vmem>> -> memref<64xi32, #tpu.memory_space<vmem>>
        %dma_wait3A_1006 = arith.constant 0 : i32
        %dma_wait3A_1007 = arith.constant 0 : i32
        %dma_wait3A_1008 = tpu.memref_slice %arg7[%dma_wait3A_1006, %dma_wait3A_1007] : memref<10000x128xf32, #tpu.memory_space<vmem_shared>> -> memref<10000x128xf32, #tpu.memory_space<vmem_shared>>
        tpu.wait_indirect_dma semaphore(%arg19 : memref<!tpu.dma_semaphore, #tpu.memory_space<semaphore_mem>>) src(%dma_wait3A_1002 : memref<64x128xf32, #tpu.memory_space<vmem>>) dst(%dma_wait3A_1008 : memref<10000x128xf32, #tpu.memory_space<vmem_shared>>)
        %dma_wait3A_1009 = arith.constant 2 : i32
        %dma_wait3A_1010 = arith.constant 2 : i32
        %dma_wait3A_1011 = arith.constant 1 : i32
        %dma_wait3A_1012 = arith.constant 64 : i32
        %dma_wait3A_1013 = arith.constant 0 : i32
        %dma_wait3A_1014 = tpu.memref_slice %arg6[%dma_wait3A_1009, %dma_wait3A_1012, %dma_wait3A_1013] : memref<3x128x128xf32, #tpu.memory_space<vmem>> -> memref<1x64x128xf32, #tpu.memory_space<vmem>>
        %dma_wait3A_1015 = tpu.memref_squeeze %dma_wait3A_1014 : memref<1x64x128xf32, #tpu.memory_space<vmem>> -> memref<64x128xf32, #tpu.memory_space<vmem>>
        %dma_wait3A_1016 = arith.constant 64 : i32
        %dma_wait3A_1017 = tpu.memref_slice %arg5[%dma_wait3A_1010, %dma_wait3A_1011, %dma_wait3A_1016] : memref<6x2x128xi32, #tpu.memory_space<vmem>> -> memref<1x1x64xi32, #tpu.memory_space<vmem>>
        %dma_wait3A_1018 = tpu.memref_squeeze %dma_wait3A_1017 : memref<1x1x64xi32, #tpu.memory_space<vmem>> -> memref<64xi32, #tpu.memory_space<vmem>>
        %dma_wait3A_1019 = arith.constant 0 : i32
        %dma_wait3A_1020 = arith.constant 0 : i32
        %dma_wait3A_1021 = tpu.memref_slice %arg7[%dma_wait3A_1019, %dma_wait3A_1020] : memref<10000x128xf32, #tpu.memory_space<vmem_shared>> -> memref<10000x128xf32, #tpu.memory_space<vmem_shared>>
        tpu.wait_indirect_dma semaphore(%arg19 : memref<!tpu.dma_semaphore, #tpu.memory_space<semaphore_mem>>) src(%dma_wait3A_1015 : memref<64x128xf32, #tpu.memory_space<vmem>>) dst(%dma_wait3A_1021 : memref<10000x128xf32, #tpu.memory_space<vmem_shared>>)
      } else {
      }
      %add3A_802 = arith.constant 2 : i32
      %add3A_803 = arith.addi %add3A_786, %add3A_802 : i32
      %mul3A_804 = arith.constant 16 : i32
      %mul3A_805 = arith.muli %mul3A_804, %add3A_803 : i32
      %add3A_806 = arith.addi %arg1, %mul3A_805 : i32
      %lt3A_807 = arith.constant 1250 : i32
      %lt3A_808 = arith.cmpi slt, %add3A_806, %lt3A_807 : i32
      %add3A_809 = arith.constant 2 : i32
      %add3A_810 = arith.addi %add3A_786, %add3A_809 : i32
      %convert_element_type3A_811 = arith.extui %lt3A_808 : i1 to i32
      %cond3A_812 = arith.constant 0 : i32
      %cond3A_813 = arith.cmpi ne, %convert_element_type3A_811, %cond3A_812 : i32
      scf.if %cond3A_813 {
        %mul3A_996 = arith.constant 16 : i32
        %mul3A_997 = arith.muli %mul3A_996, %add3A_810 : i32
        %add3A_998 = arith.addi %arg1, %mul3A_997 : i32
        %mul3A_999 = arith.constant 128 : i32
        %mul3A_1000 = arith.muli %add3A_998, %mul3A_999 : i32
        %dma_wait3A_1001 = arith.constant 0 : i32
        %dma_wait3A_1002 = arith.constant 5 : i32
        %dma_wait3A_1003 = arith.constant 0 : i32
        %dma_wait3A_1004 = arith.constant 0 : i32
        %dma_wait3A_1005 = tpu.memref_slice %arg5[%dma_wait3A_1002, %dma_wait3A_1003, %dma_wait3A_1004] : memref<6x2x128xi32, #tpu.memory_space<vmem>> -> memref<1x1x128xi32, #tpu.memory_space<vmem>>
        %dma_wait3A_1006 = tpu.memref_squeeze %dma_wait3A_1005 : memref<1x1x128xi32, #tpu.memory_space<vmem>> -> memref<128xi32, #tpu.memory_space<vmem>>
        %dma_wait3A_1007 = tpu.memref_slice %arg3[%dma_wait3A_1001, %mul3A_1000] : memref<2x160000xi32, #tpu.memory_space<hbm>> -> memref<1x128xi32, #tpu.memory_space<hbm>>
        %dma_wait3A_1008 = tpu.memref_squeeze %dma_wait3A_1007 : memref<1x128xi32, #tpu.memory_space<hbm>> -> memref<128xi32, #tpu.memory_space<hbm>>
        %dma_wait3A_1009 = arith.constant 0 : i32
        %dma_wait3A_1010 = tpu.memref_slice %arg5[%dma_wait3A_1002, %dma_wait3A_1003, %dma_wait3A_1009] : memref<6x2x128xi32, #tpu.memory_space<vmem>> -> memref<1x1x128xi32, #tpu.memory_space<vmem>>
        %dma_wait3A_1011 = tpu.memref_squeeze %dma_wait3A_1010 : memref<1x1x128xi32, #tpu.memory_space<vmem>> -> memref<128xi32, #tpu.memory_space<vmem>>
        %dma_wait3A_1012 = tpu.memref_slice %arg3[%dma_wait3A_1001, %mul3A_1000] : memref<2x160000xi32, #tpu.memory_space<hbm>> -> memref<1x128xi32, #tpu.memory_space<hbm>>
        %dma_wait3A_1013 = tpu.memref_squeeze %dma_wait3A_1012 : memref<1x128xi32, #tpu.memory_space<hbm>> -> memref<128xi32, #tpu.memory_space<hbm>>
        tpu.wait_dma2 semaphore(%arg13 : memref<!tpu.dma_semaphore, #tpu.memory_space<semaphore_mem>>) src(%dma_wait3A_1013 : memref<128xi32, #tpu.memory_space<hbm>>) dst(%dma_wait3A_1011 : memref<128xi32, #tpu.memory_space<vmem>>)
        %mul3A_1014 = arith.constant 16 : i32
        %mul3A_1015 = arith.muli %mul3A_1014, %add3A_810 : i32
        %add3A_1016 = arith.addi %arg1, %mul3A_1015 : i32
        %mul3A_1017 = arith.constant 128 : i32
        %mul3A_1018 = arith.muli %add3A_1016, %mul3A_1017 : i32
        %dma_wait3A_1019 = arith.constant 1 : i32
        %dma_wait3A_1020 = arith.constant 5 : i32
        %dma_wait3A_1021 = arith.constant 1 : i32
        %dma_wait3A_1022 = arith.constant 0 : i32
        %dma_wait3A_1023 = tpu.memref_slice %arg5[%dma_wait3A_1020, %dma_wait3A_1021, %dma_wait3A_1022] : memref<6x2x128xi32, #tpu.memory_space<vmem>> -> memref<1x1x128xi32, #tpu.memory_space<vmem>>
        %dma_wait3A_1024 = tpu.memref_squeeze %dma_wait3A_1023 : memref<1x1x128xi32, #tpu.memory_space<vmem>> -> memref<128xi32, #tpu.memory_space<vmem>>
        %dma_wait3A_1025 = tpu.memref_slice %arg3[%dma_wait3A_1019, %mul3A_1018] : memref<2x160000xi32, #tpu.memory_space<hbm>> -> memref<1x128xi32, #tpu.memory_space<hbm>>
        %dma_wait3A_1026 = tpu.memref_squeeze %dma_wait3A_1025 : memref<1x128xi32, #tpu.memory_space<hbm>> -> memref<128xi32, #tpu.memory_space<hbm>>
        %dma_wait3A_1027 = arith.constant 0 : i32
        %dma_wait3A_1028 = tpu.memref_slice %arg5[%dma_wait3A_1020, %dma_wait3A_1021, %dma_wait3A_1027] : memref<6x2x128xi32, #tpu.memory_space<vmem>> -> memref<1x1x128xi32, #tpu.memory_space<vmem>>
        %dma_wait3A_1029 = tpu.memref_squeeze %dma_wait3A_1028 : memref<1x1x128xi32, #tpu.memory_space<vmem>> -> memref<128xi32, #tpu.memory_space<vmem>>
        %dma_wait3A_1030 = tpu.memref_slice %arg3[%dma_wait3A_1019, %mul3A_1018] : memref<2x160000xi32, #tpu.memory_space<hbm>> -> memref<1x128xi32, #tpu.memory_space<hbm>>
        %dma_wait3A_1031 = tpu.memref_squeeze %dma_wait3A_1030 : memref<1x128xi32, #tpu.memory_space<hbm>> -> memref<128xi32, #tpu.memory_space<hbm>>
        tpu.wait_dma2 semaphore(%arg13 : memref<!tpu.dma_semaphore, #tpu.memory_space<semaphore_mem>>) src(%dma_wait3A_1031 : memref<128xi32, #tpu.memory_space<hbm>>) dst(%dma_wait3A_1029 : memref<128xi32, #tpu.memory_space<vmem>>)
        %get3A_1032 = arith.constant 5 : i32
        %get3A_1033 = arith.constant 0 : i32
        %get3A_1034 = arith.index_cast %get3A_1032 : i32 to index
        %get3A_1035 = arith.index_cast %get3A_1033 : i32 to index
        %get3A_1036 = arith.constant 0 : index
        %get3A_1037 = tpu.vector_load %arg5[%get3A_1034, %get3A_1035, %get3A_1036] {strides = array<i32>} : memref<6x2x128xi32, #tpu.memory_space<vmem>>, vector<1x1x16xi32>,
        %get3A_1038 = vector.shape_cast %get3A_1037 : vector<1x1x16xi32> to vector<16xi32>
        %mul3A_1039 = arith.constant 2 : i32
        %mul3A_1040 = vector.broadcast %mul3A_1039 : i32 to vector<16xi32>
        %mul3A_1041 = arith.muli %get3A_1038, %mul3A_1040 : vector<16xi32>
        %add3A_1042 = vector.broadcast %arg0 : i32 to vector<16xi32>
        %add3A_1043 = arith.addi %mul3A_1041, %add3A_1042 : vector<16xi32>
        %swap3A_1044 = arith.constant 5 : i32
        %swap3A_1045 = arith.constant 0 : i32
        %swap3A_1046 = arith.index_cast %swap3A_1044 : i32 to index
        %swap3A_1047 = arith.index_cast %swap3A_1045 : i32 to index
        %swap3A_1048 = arith.constant 0 : index
        %swap3A_1049 = tpu.vector_load %arg5[%swap3A_1046, %swap3A_1047, %swap3A_1048] {strides = array<i32>} : memref<6x2x128xi32, #tpu.memory_space<vmem>>, vector<1x1x16xi32>,
        %swap3A_1050 = vector.shape_cast %swap3A_1049 : vector<1x1x16xi32> to vector<16xi32>
        %swap3A_1051 = vector.shape_cast %add3A_1043 : vector<16xi32> to vector<1x1x16xi32>
        tpu.vector_store %arg5[%swap3A_1046, %swap3A_1047, %swap3A_1048], %swap3A_1051 {strides = array<i32>} : memref<6x2x128xi32, #tpu.memory_space<vmem>>, vector<1x1x16xi32>,
        %get3A_1052 = arith.constant 5 : i32
        %get3A_1053 = arith.constant 0 : i32
        %get3A_1054 = arith.index_cast %get3A_1052 : i32 to index
        %get3A_1055 = arith.index_cast %get3A_1053 : i32 to index
        %get3A_1056 = arith.constant 16 : index
        %get3A_1057 = tpu.vector_load %arg5[%get3A_1054, %get3A_1055, %get3A_1056] {strides = array<i32>} : memref<6x2x128xi32, #tpu.memory_space<vmem>>, vector<1x1x16xi32>,
        %get3A_1058 = vector.shape_cast %get3A_1057 : vector<1x1x16xi32> to vector<16xi32>
        %mul3A_1059 = arith.constant 2 : i32
        %mul3A_1060 = vector.broadcast %mul3A_1059 : i32 to vector<16xi32>
        %mul3A_1061 = arith.muli %get3A_1058, %mul3A_1060 : vector<16xi32>
        %add3A_1062 = vector.broadcast %arg0 : i32 to vector<16xi32>
        %add3A_1063 = arith.addi %mul3A_1061, %add3A_1062 : vector<16xi32>
        %swap3A_1064 = arith.constant 5 : i32
        %swap3A_1065 = arith.constant 0 : i32
        %swap3A_1066 = arith.index_cast %swap3A_1064 : i32 to index
        %swap3A_1067 = arith.index_cast %swap3A_1065 : i32 to index
        %swap3A_1068 = arith.constant 16 : index
        %swap3A_1069 = tpu.vector_load %arg5[%swap3A_1066, %swap3A_1067, %swap3A_1068] {strides = array<i32>} : memref<6x2x128xi32, #tpu.memory_space<vmem>>, vector<1x1x16xi32>,
        %swap3A_1070 = vector.shape_cast %swap3A_1069 : vector<1x1x16xi32> to vector<16xi32>
        %swap3A_1071 = vector.shape_cast %add3A_1063 : vector<16xi32> to vector<1x1x16xi32>
        tpu.vector_store %arg5[%swap3A_1066, %swap3A_1067, %swap3A_1068], %swap3A_1071 {strides = array<i32>} : memref<6x2x128xi32, #tpu.memory_space<vmem>>, vector<1x1x16xi32>,
        %get3A_1072 = arith.constant 5 : i32
        %get3A_1073 = arith.constant 0 : i32
        %get3A_1074 = arith.index_cast %get3A_1072 : i32 to index
        %get3A_1075 = arith.index_cast %get3A_1073 : i32 to index
        %get3A_1076 = arith.constant 32 : index
        %get3A_1077 = tpu.vector_load %arg5[%get3A_1074, %get3A_1075, %get3A_1076] {strides = array<i32>} : memref<6x2x128xi32, #tpu.memory_space<vmem>>, vector<1x1x16xi32>,
        %get3A_1078 = vector.shape_cast %get3A_1077 : vector<1x1x16xi32> to vector<16xi32>
        %mul3A_1079 = arith.constant 2 : i32
        %mul3A_1080 = vector.broadcast %mul3A_1079 : i32 to vector<16xi32>
        %mul3A_1081 = arith.muli %get3A_1078, %mul3A_1080 : vector<16xi32>
        %add3A_1082 = vector.broadcast %arg0 : i32 to vector<16xi32>
        %add3A_1083 = arith.addi %mul3A_1081, %add3A_1082 : vector<16xi32>
        %swap3A_1084 = arith.constant 5 : i32
        %swap3A_1085 = arith.constant 0 : i32
        %swap3A_1086 = arith.index_cast %swap3A_1084 : i32 to index
        %swap3A_1087 = arith.index_cast %swap3A_1085 : i32 to index
        %swap3A_1088 = arith.constant 32 : index
        %swap3A_1089 = tpu.vector_load %arg5[%swap3A_1086, %swap3A_1087, %swap3A_1088] {strides = array<i32>} : memref<6x2x128xi32, #tpu.memory_space<vmem>>, vector<1x1x16xi32>,
        %swap3A_1090 = vector.shape_cast %swap3A_1089 : vector<1x1x16xi32> to vector<16xi32>
        %swap3A_1091 = vector.shape_cast %add3A_1083 : vector<16xi32> to vector<1x1x16xi32>
        tpu.vector_store %arg5[%swap3A_1086, %swap3A_1087, %swap3A_1088], %swap3A_1091 {strides = array<i32>} : memref<6x2x128xi32, #tpu.memory_space<vmem>>, vector<1x1x16xi32>,
        %get3A_1092 = arith.constant 5 : i32
        %get3A_1093 = arith.constant 0 : i32
        %get3A_1094 = arith.index_cast %get3A_1092 : i32 to index
        %get3A_1095 = arith.index_cast %get3A_1093 : i32 to index
        %get3A_1096 = arith.constant 48 : index
        %get3A_1097 = tpu.vector_load %arg5[%get3A_1094, %get3A_1095, %get3A_1096] {strides = array<i32>} : memref<6x2x128xi32, #tpu.memory_space<vmem>>, vector<1x1x16xi32>,
        %get3A_1098 = vector.shape_cast %get3A_1097 : vector<1x1x16xi32> to vector<16xi32>
        %mul3A_1099 = arith.constant 2 : i32
        %mul3A_1100 = vector.broadcast %mul3A_1099 : i32 to vector<16xi32>
        %mul3A_1101 = arith.muli %get3A_1098, %mul3A_1100 : vector<16xi32>
        %add3A_1102 = vector.broadcast %arg0 : i32 to vector<16xi32>
        %add3A_1103 = arith.addi %mul3A_1101, %add3A_1102 : vector<16xi32>
        %swap3A_1104 = arith.constant 5 : i32
        %swap3A_1105 = arith.constant 0 : i32
        %swap3A_1106 = arith.index_cast %swap3A_1104 : i32 to index
        %swap3A_1107 = arith.index_cast %swap3A_1105 : i32 to index
        %swap3A_1108 = arith.constant 48 : index
        %swap3A_1109 = tpu.vector_load %arg5[%swap3A_1106, %swap3A_1107, %swap3A_1108] {strides = array<i32>} : memref<6x2x128xi32, #tpu.memory_space<vmem>>, vector<1x1x16xi32>,
        %swap3A_1110 = vector.shape_cast %swap3A_1109 : vector<1x1x16xi32> to vector<16xi32>
        %swap3A_1111 = vector.shape_cast %add3A_1103 : vector<16xi32> to vector<1x1x16xi32>
        tpu.vector_store %arg5[%swap3A_1106, %swap3A_1107, %swap3A_1108], %swap3A_1111 {strides = array<i32>} : memref<6x2x128xi32, #tpu.memory_space<vmem>>, vector<1x1x16xi32>,
        %get3A_1112 = arith.constant 5 : i32
        %get3A_1113 = arith.constant 0 : i32
        %get3A_1114 = arith.index_cast %get3A_1112 : i32 to index
        %get3A_1115 = arith.index_cast %get3A_1113 : i32 to index
        %get3A_1116 = arith.constant 64 : index
        %get3A_1117 = tpu.vector_load %arg5[%get3A_1114, %get3A_1115, %get3A_1116] {strides = array<i32>} : memref<6x2x128xi32, #tpu.memory_space<vmem>>, vector<1x1x16xi32>,
        %get3A_1118 = vector.shape_cast %get3A_1117 : vector<1x1x16xi32> to vector<16xi32>
        %mul3A_1119 = arith.constant 2 : i32
        %mul3A_1120 = vector.broadcast %mul3A_1119 : i32 to vector<16xi32>
        %mul3A_1121 = arith.muli %get3A_1118, %mul3A_1120 : vector<16xi32>
        %add3A_1122 = vector.broadcast %arg0 : i32 to vector<16xi32>
        %add3A_1123 = arith.addi %mul3A_1121, %add3A_1122 : vector<16xi32>
        %swap3A_1124 = arith.constant 5 : i32
        %swap3A_1125 = arith.constant 0 : i32
        %swap3A_1126 = arith.index_cast %swap3A_1124 : i32 to index
        %swap3A_1127 = arith.index_cast %swap3A_1125 : i32 to index
        %swap3A_1128 = arith.constant 64 : index
        %swap3A_1129 = tpu.vector_load %arg5[%swap3A_1126, %swap3A_1127, %swap3A_1128] {strides = array<i32>} : memref<6x2x128xi32, #tpu.memory_space<vmem>>, vector<1x1x16xi32>,
        %swap3A_1130 = vector.shape_cast %swap3A_1129 : vector<1x1x16xi32> to vector<16xi32>
        %swap3A_1131 = vector.shape_cast %add3A_1123 : vector<16xi32> to vector<1x1x16xi32>
        tpu.vector_store %arg5[%swap3A_1126, %swap3A_1127, %swap3A_1128], %swap3A_1131 {strides = array<i32>} : memref<6x2x128xi32, #tpu.memory_space<vmem>>, vector<1x1x16xi32>,
        %get3A_1132 = arith.constant 5 : i32
        %get3A_1133 = arith.constant 0 : i32
        %get3A_1134 = arith.index_cast %get3A_1132 : i32 to index
        %get3A_1135 = arith.index_cast %get3A_1133 : i32 to index
        %get3A_1136 = arith.constant 80 : index
        %get3A_1137 = tpu.vector_load %arg5[%get3A_1134, %get3A_1135, %get3A_1136] {strides = array<i32>} : memref<6x2x128xi32, #tpu.memory_space<vmem>>, vector<1x1x16xi32>,
        %get3A_1138 = vector.shape_cast %get3A_1137 : vector<1x1x16xi32> to vector<16xi32>
        %mul3A_1139 = arith.constant 2 : i32
        %mul3A_1140 = vector.broadcast %mul3A_1139 : i32 to vector<16xi32>
        %mul3A_1141 = arith.muli %get3A_1138, %mul3A_1140 : vector<16xi32>
        %add3A_1142 = vector.broadcast %arg0 : i32 to vector<16xi32>
        %add3A_1143 = arith.addi %mul3A_1141, %add3A_1142 : vector<16xi32>
        %swap3A_1144 = arith.constant 5 : i32
        %swap3A_1145 = arith.constant 0 : i32
        %swap3A_1146 = arith.index_cast %swap3A_1144 : i32 to index
        %swap3A_1147 = arith.index_cast %swap3A_1145 : i32 to index
        %swap3A_1148 = arith.constant 80 : index
        %swap3A_1149 = tpu.vector_load %arg5[%swap3A_1146, %swap3A_1147, %swap3A_1148] {strides = array<i32>} : memref<6x2x128xi32, #tpu.memory_space<vmem>>, vector<1x1x16xi32>,
        %swap3A_1150 = vector.shape_cast %swap3A_1149 : vector<1x1x16xi32> to vector<16xi32>
        %swap3A_1151 = vector.shape_cast %add3A_1143 : vector<16xi32> to vector<1x1x16xi32>
        tpu.vector_store %arg5[%swap3A_1146, %swap3A_1147, %swap3A_1148], %swap3A_1151 {strides = array<i32>} : memref<6x2x128xi32, #tpu.memory_space<vmem>>, vector<1x1x16xi32>,
        %get3A_1152 = arith.constant 5 : i32
        %get3A_1153 = arith.constant 0 : i32
        %get3A_1154 = arith.index_cast %get3A_1152 : i32 to index
        %get3A_1155 = arith.index_cast %get3A_1153 : i32 to index
        %get3A_1156 = arith.constant 96 : index
        %get3A_1157 = tpu.vector_load %arg5[%get3A_1154, %get3A_1155, %get3A_1156] {strides = array<i32>} : memref<6x2x128xi32, #tpu.memory_space<vmem>>, vector<1x1x16xi32>,
        %get3A_1158 = vector.shape_cast %get3A_1157 : vector<1x1x16xi32> to vector<16xi32>
        %mul3A_1159 = arith.constant 2 : i32
        %mul3A_1160 = vector.broadcast %mul3A_1159 : i32 to vector<16xi32>
        %mul3A_1161 = arith.muli %get3A_1158, %mul3A_1160 : vector<16xi32>
        %add3A_1162 = vector.broadcast %arg0 : i32 to vector<16xi32>
        %add3A_1163 = arith.addi %mul3A_1161, %add3A_1162 : vector<16xi32>
        %swap3A_1164 = arith.constant 5 : i32
        %swap3A_1165 = arith.constant 0 : i32
        %swap3A_1166 = arith.index_cast %swap3A_1164 : i32 to index
        %swap3A_1167 = arith.index_cast %swap3A_1165 : i32 to index
        %swap3A_1168 = arith.constant 96 : index
        %swap3A_1169 = tpu.vector_load %arg5[%swap3A_1166, %swap3A_1167, %swap3A_1168] {strides = array<i32>} : memref<6x2x128xi32, #tpu.memory_space<vmem>>, vector<1x1x16xi32>,
        %swap3A_1170 = vector.shape_cast %swap3A_1169 : vector<1x1x16xi32> to vector<16xi32>
        %swap3A_1171 = vector.shape_cast %add3A_1163 : vector<16xi32> to vector<1x1x16xi32>
        tpu.vector_store %arg5[%swap3A_1166, %swap3A_1167, %swap3A_1168], %swap3A_1171 {strides = array<i32>} : memref<6x2x128xi32, #tpu.memory_space<vmem>>, vector<1x1x16xi32>,
        %get3A_1172 = arith.constant 5 : i32
        %get3A_1173 = arith.constant 0 : i32
        %get3A_1174 = arith.index_cast %get3A_1172 : i32 to index
        %get3A_1175 = arith.index_cast %get3A_1173 : i32 to index
        %get3A_1176 = arith.constant 112 : index
        %get3A_1177 = tpu.vector_load %arg5[%get3A_1174, %get3A_1175, %get3A_1176] {strides = array<i32>} : memref<6x2x128xi32, #tpu.memory_space<vmem>>, vector<1x1x16xi32>,
        %get3A_1178 = vector.shape_cast %get3A_1177 : vector<1x1x16xi32> to vector<16xi32>
        %mul3A_1179 = arith.constant 2 : i32
        %mul3A_1180 = vector.broadcast %mul3A_1179 : i32 to vector<16xi32>
        %mul3A_1181 = arith.muli %get3A_1178, %mul3A_1180 : vector<16xi32>
        %add3A_1182 = vector.broadcast %arg0 : i32 to vector<16xi32>
        %add3A_1183 = arith.addi %mul3A_1181, %add3A_1182 : vector<16xi32>
        %swap3A_1184 = arith.constant 5 : i32
        %swap3A_1185 = arith.constant 0 : i32
        %swap3A_1186 = arith.index_cast %swap3A_1184 : i32 to index
        %swap3A_1187 = arith.index_cast %swap3A_1185 : i32 to index
        %swap3A_1188 = arith.constant 112 : index
        %swap3A_1189 = tpu.vector_load %arg5[%swap3A_1186, %swap3A_1187, %swap3A_1188] {strides = array<i32>} : memref<6x2x128xi32, #tpu.memory_space<vmem>>, vector<1x1x16xi32>,
        %swap3A_1190 = vector.shape_cast %swap3A_1189 : vector<1x1x16xi32> to vector<16xi32>
        %swap3A_1191 = vector.shape_cast %add3A_1183 : vector<16xi32> to vector<1x1x16xi32>
        tpu.vector_store %arg5[%swap3A_1186, %swap3A_1187, %swap3A_1188], %swap3A_1191 {strides = array<i32>} : memref<6x2x128xi32, #tpu.memory_space<vmem>>, vector<1x1x16xi32>,
      } else {
      }
      %add3A_814 = arith.constant 2 : i32
      %add3A_815 = arith.addi %add3A_786, %add3A_814 : i32
      %mul3A_816 = arith.constant 16 : i32
      %mul3A_817 = arith.muli %mul3A_816, %add3A_815 : i32
      %add3A_818 = arith.addi %arg1, %mul3A_817 : i32
      %lt3A_819 = arith.constant 1250 : i32
      %lt3A_820 = arith.cmpi slt, %add3A_818, %lt3A_819 : i32
      %add3A_821 = arith.constant 2 : i32
      %add3A_822 = arith.addi %add3A_786, %add3A_821 : i32
      %convert_element_type3A_823 = arith.extui %lt3A_820 : i1 to i32
      %cond3A_824 = arith.constant 0 : i32
      %cond3A_825 = arith.cmpi ne, %convert_element_type3A_823, %cond3A_824 : i32
      scf.if %cond3A_825 {
        %dma_start3A_996 = arith.constant 5 : i32
        %dma_start3A_997 = arith.constant 0 : i32
        %dma_start3A_998 = arith.constant 2 : i32
        %dma_start3A_999 = arith.constant 0 : i32
        %dma_start3A_1000 = arith.constant 0 : i32
        %dma_start3A_1001 = tpu.memref_slice %arg6[%dma_start3A_998, %dma_start3A_999, %dma_start3A_1000] : memref<3x128x128xf32, #tpu.memory_space<vmem>> -> memref<1x64x128xf32, #tpu.memory_space<vmem>>
        %dma_start3A_1002 = tpu.memref_squeeze %dma_start3A_1001 : memref<1x64x128xf32, #tpu.memory_space<vmem>> -> memref<64x128xf32, #tpu.memory_space<vmem>>
        %dma_start3A_1003 = arith.constant 0 : i32
        %dma_start3A_1004 = tpu.memref_slice %arg5[%dma_start3A_996, %dma_start3A_997, %dma_start3A_1003] : memref<6x2x128xi32, #tpu.memory_space<vmem>> -> memref<1x1x64xi32, #tpu.memory_space<vmem>>
        %dma_start3A_1005 = tpu.memref_squeeze %dma_start3A_1004 : memref<1x1x64xi32, #tpu.memory_space<vmem>> -> memref<64xi32, #tpu.memory_space<vmem>>
        %dma_start3A_1006 = arith.constant 0 : i32
        %dma_start3A_1007 = arith.constant 0 : i32
        %dma_start3A_1008 = tpu.memref_slice %arg2[%dma_start3A_1006, %dma_start3A_1007] : memref<20000x128xf32, #tpu.memory_space<hbm>> -> memref<20000x128xf32, #tpu.memory_space<hbm>>
        tpu.enqueue_indirect_dma source(%dma_start3A_1008 : memref<20000x128xf32, #tpu.memory_space<hbm>>) target(%dma_start3A_1002 : memref<64x128xf32, #tpu.memory_space<vmem>>) offsets(%dma_start3A_1005 : memref<64xi32, #tpu.memory_space<vmem>>) semaphore(%arg16 : memref<!tpu.dma_semaphore, #tpu.memory_space<semaphore_mem>>)
        %dma_start3A_1009 = arith.constant 5 : i32
        %dma_start3A_1010 = arith.constant 0 : i32
        %dma_start3A_1011 = arith.constant 2 : i32
        %dma_start3A_1012 = arith.constant 64 : i32
        %dma_start3A_1013 = arith.constant 0 : i32
        %dma_start3A_1014 = tpu.memref_slice %arg6[%dma_start3A_1011, %dma_start3A_1012, %dma_start3A_1013] : memref<3x128x128xf32, #tpu.memory_space<vmem>> -> memref<1x64x128xf32, #tpu.memory_space<vmem>>
        %dma_start3A_1015 = tpu.memref_squeeze %dma_start3A_1014 : memref<1x64x128xf32, #tpu.memory_space<vmem>> -> memref<64x128xf32, #tpu.memory_space<vmem>>
        %dma_start3A_1016 = arith.constant 64 : i32
        %dma_start3A_1017 = tpu.memref_slice %arg5[%dma_start3A_1009, %dma_start3A_1010, %dma_start3A_1016] : memref<6x2x128xi32, #tpu.memory_space<vmem>> -> memref<1x1x64xi32, #tpu.memory_space<vmem>>
        %dma_start3A_1018 = tpu.memref_squeeze %dma_start3A_1017 : memref<1x1x64xi32, #tpu.memory_space<vmem>> -> memref<64xi32, #tpu.memory_space<vmem>>
        %dma_start3A_1019 = arith.constant 0 : i32
        %dma_start3A_1020 = arith.constant 0 : i32
        %dma_start3A_1021 = tpu.memref_slice %arg2[%dma_start3A_1019, %dma_start3A_1020] : memref<20000x128xf32, #tpu.memory_space<hbm>> -> memref<20000x128xf32, #tpu.memory_space<hbm>>
        tpu.enqueue_indirect_dma source(%dma_start3A_1021 : memref<20000x128xf32, #tpu.memory_space<hbm>>) target(%dma_start3A_1015 : memref<64x128xf32, #tpu.memory_space<vmem>>) offsets(%dma_start3A_1018 : memref<64xi32, #tpu.memory_space<vmem>>) semaphore(%arg16 : memref<!tpu.dma_semaphore, #tpu.memory_space<semaphore_mem>>)
      } else {
      }
      %add3A_826 = arith.constant 3 : i32
      %add3A_827 = arith.addi %add3A_786, %add3A_826 : i32
      %mul3A_828 = arith.constant 16 : i32
      %mul3A_829 = arith.muli %mul3A_828, %add3A_827 : i32
      %add3A_830 = arith.addi %arg1, %mul3A_829 : i32
      %lt3A_831 = arith.constant 1250 : i32
      %lt3A_832 = arith.cmpi slt, %add3A_830, %lt3A_831 : i32
      %add3A_833 = arith.constant 3 : i32
      %add3A_834 = arith.addi %add3A_786, %add3A_833 : i32
      %convert_element_type3A_835 = arith.extui %lt3A_832 : i1 to i32
      %cond3A_836 = arith.constant 0 : i32
      %cond3A_837 = arith.cmpi ne, %convert_element_type3A_835, %cond3A_836 : i32
      scf.if %cond3A_837 {
        %mul3A_996 = arith.constant 16 : i32
        %mul3A_997 = arith.muli %mul3A_996, %add3A_834 : i32
        %add3A_998 = arith.addi %arg1, %mul3A_997 : i32
        %mul3A_999 = arith.constant 128 : i32
        %mul3A_1000 = arith.muli %add3A_998, %mul3A_999 : i32
        %dma_start3A_1001 = arith.constant 0 : i32
        %dma_start3A_1002 = arith.constant 0 : i32
        %dma_start3A_1003 = arith.constant 0 : i32
        %dma_start3A_1004 = arith.constant 0 : i32
        %dma_start3A_1005 = tpu.memref_slice %arg5[%dma_start3A_1002, %dma_start3A_1003, %dma_start3A_1004] : memref<6x2x128xi32, #tpu.memory_space<vmem>> -> memref<1x1x128xi32, #tpu.memory_space<vmem>>
        %dma_start3A_1006 = tpu.memref_squeeze %dma_start3A_1005 : memref<1x1x128xi32, #tpu.memory_space<vmem>> -> memref<128xi32, #tpu.memory_space<vmem>>
        %dma_start3A_1007 = tpu.memref_slice %arg3[%dma_start3A_1001, %mul3A_1000] : memref<2x160000xi32, #tpu.memory_space<hbm>> -> memref<1x128xi32, #tpu.memory_space<hbm>>
        %dma_start3A_1008 = tpu.memref_squeeze %dma_start3A_1007 : memref<1x128xi32, #tpu.memory_space<hbm>> -> memref<128xi32, #tpu.memory_space<hbm>>
        %dma_start3A_1009 = arith.constant 0 : i32
        %dma_start3A_1010 = tpu.memref_slice %arg5[%dma_start3A_1002, %dma_start3A_1003, %dma_start3A_1009] : memref<6x2x128xi32, #tpu.memory_space<vmem>> -> memref<1x1x128xi32, #tpu.memory_space<vmem>>
        %dma_start3A_1011 = tpu.memref_squeeze %dma_start3A_1010 : memref<1x1x128xi32, #tpu.memory_space<vmem>> -> memref<128xi32, #tpu.memory_space<vmem>>
        %dma_start3A_1012 = tpu.memref_slice %arg3[%dma_start3A_1001, %mul3A_1000] : memref<2x160000xi32, #tpu.memory_space<hbm>> -> memref<1x128xi32, #tpu.memory_space<hbm>>
        %dma_start3A_1013 = tpu.memref_squeeze %dma_start3A_1012 : memref<1x128xi32, #tpu.memory_space<hbm>> -> memref<128xi32, #tpu.memory_space<hbm>>
        tpu.enqueue_dma source(%dma_start3A_1013 : memref<128xi32, #tpu.memory_space<hbm>>) target(%dma_start3A_1011 : memref<128xi32, #tpu.memory_space<vmem>>) target_semaphore(%arg8 : memref<!tpu.dma_semaphore, #tpu.memory_space<semaphore_mem>>)
        %mul3A_1014 = arith.constant 16 : i32
        %mul3A_1015 = arith.muli %mul3A_1014, %add3A_834 : i32
        %add3A_1016 = arith.addi %arg1, %mul3A_1015 : i32
        %mul3A_1017 = arith.constant 128 : i32
        %mul3A_1018 = arith.muli %add3A_1016, %mul3A_1017 : i32
        %dma_start3A_1019 = arith.constant 1 : i32
        %dma_start3A_1020 = arith.constant 0 : i32
        %dma_start3A_1021 = arith.constant 1 : i32
        %dma_start3A_1022 = arith.constant 0 : i32
        %dma_start3A_1023 = tpu.memref_slice %arg5[%dma_start3A_1020, %dma_start3A_1021, %dma_start3A_1022] : memref<6x2x128xi32, #tpu.memory_space<vmem>> -> memref<1x1x128xi32, #tpu.memory_space<vmem>>
        %dma_start3A_1024 = tpu.memref_squeeze %dma_start3A_1023 : memref<1x1x128xi32, #tpu.memory_space<vmem>> -> memref<128xi32, #tpu.memory_space<vmem>>
        %dma_start3A_1025 = tpu.memref_slice %arg3[%dma_start3A_1019, %mul3A_1018] : memref<2x160000xi32, #tpu.memory_space<hbm>> -> memref<1x128xi32, #tpu.memory_space<hbm>>
        %dma_start3A_1026 = tpu.memref_squeeze %dma_start3A_1025 : memref<1x128xi32, #tpu.memory_space<hbm>> -> memref<128xi32, #tpu.memory_space<hbm>>
        %dma_start3A_1027 = arith.constant 0 : i32
        %dma_start3A_1028 = tpu.memref_slice %arg5[%dma_start3A_1020, %dma_start3A_1021, %dma_start3A_1027] : memref<6x2x128xi32, #tpu.memory_space<vmem>> -> memref<1x1x128xi32, #tpu.memory_space<vmem>>
        %dma_start3A_1029 = tpu.memref_squeeze %dma_start3A_1028 : memref<1x1x128xi32, #tpu.memory_space<vmem>> -> memref<128xi32, #tpu.memory_space<vmem>>
        %dma_start3A_1030 = tpu.memref_slice %arg3[%dma_start3A_1019, %mul3A_1018] : memref<2x160000xi32, #tpu.memory_space<hbm>> -> memref<1x128xi32, #tpu.memory_space<hbm>>
        %dma_start3A_1031 = tpu.memref_squeeze %dma_start3A_1030 : memref<1x128xi32, #tpu.memory_space<hbm>> -> memref<128xi32, #tpu.memory_space<hbm>>
        tpu.enqueue_dma source(%dma_start3A_1031 : memref<128xi32, #tpu.memory_space<hbm>>) target(%dma_start3A_1029 : memref<128xi32, #tpu.memory_space<vmem>>) target_semaphore(%arg8 : memref<!tpu.dma_semaphore, #tpu.memory_space<semaphore_mem>>)
      } else {
      }
      %mul3A_838 = arith.constant 16 : i32
      %mul3A_839 = arith.muli %mul3A_838, %add3A_786 : i32
      %add3A_840 = arith.addi %arg1, %mul3A_839 : i32
      %lt3A_841 = arith.constant 1250 : i32
      %lt3A_842 = arith.cmpi slt, %add3A_840, %lt3A_841 : i32
      %convert_element_type3A_843 = arith.extui %lt3A_842 : i1 to i32
      %cond3A_844 = arith.constant 0 : i32
      %cond3A_845 = arith.cmpi ne, %convert_element_type3A_843, %cond3A_844 : i32
      scf.if %cond3A_845 {
        %dma_wait3A_996 = arith.constant 3 : i32
        %dma_wait3A_997 = arith.constant 0 : i32
        %dma_wait3A_998 = arith.constant 0 : i32
        %dma_wait3A_999 = arith.constant 0 : i32
        %dma_wait3A_1000 = arith.constant 0 : i32
        %dma_wait3A_1001 = tpu.memref_slice %arg6[%dma_wait3A_998, %dma_wait3A_999, %dma_wait3A_1000] : memref<3x128x128xf32, #tpu.memory_space<vmem>> -> memref<1x64x128xf32, #tpu.memory_space<vmem>>
        %dma_wait3A_1002 = tpu.memref_squeeze %dma_wait3A_1001 : memref<1x64x128xf32, #tpu.memory_space<vmem>> -> memref<64x128xf32, #tpu.memory_space<vmem>>
        %dma_wait3A_1003 = arith.constant 0 : i32
        %dma_wait3A_1004 = tpu.memref_slice %arg5[%dma_wait3A_996, %dma_wait3A_997, %dma_wait3A_1003] : memref<6x2x128xi32, #tpu.memory_space<vmem>> -> memref<1x1x64xi32, #tpu.memory_space<vmem>>
        %dma_wait3A_1005 = tpu.memref_squeeze %dma_wait3A_1004 : memref<1x1x64xi32, #tpu.memory_space<vmem>> -> memref<64xi32, #tpu.memory_space<vmem>>
        %dma_wait3A_1006 = arith.constant 0 : i32
        %dma_wait3A_1007 = arith.constant 0 : i32
        %dma_wait3A_1008 = tpu.memref_slice %arg2[%dma_wait3A_1006, %dma_wait3A_1007] : memref<20000x128xf32, #tpu.memory_space<hbm>> -> memref<20000x128xf32, #tpu.memory_space<hbm>>
        tpu.wait_indirect_dma semaphore(%arg14 : memref<!tpu.dma_semaphore, #tpu.memory_space<semaphore_mem>>) src(%dma_wait3A_1008 : memref<20000x128xf32, #tpu.memory_space<hbm>>) dst(%dma_wait3A_1002 : memref<64x128xf32, #tpu.memory_space<vmem>>)
        %dma_wait3A_1009 = arith.constant 3 : i32
        %dma_wait3A_1010 = arith.constant 0 : i32
        %dma_wait3A_1011 = arith.constant 0 : i32
        %dma_wait3A_1012 = arith.constant 64 : i32
        %dma_wait3A_1013 = arith.constant 0 : i32
        %dma_wait3A_1014 = tpu.memref_slice %arg6[%dma_wait3A_1011, %dma_wait3A_1012, %dma_wait3A_1013] : memref<3x128x128xf32, #tpu.memory_space<vmem>> -> memref<1x64x128xf32, #tpu.memory_space<vmem>>
        %dma_wait3A_1015 = tpu.memref_squeeze %dma_wait3A_1014 : memref<1x64x128xf32, #tpu.memory_space<vmem>> -> memref<64x128xf32, #tpu.memory_space<vmem>>
        %dma_wait3A_1016 = arith.constant 64 : i32
        %dma_wait3A_1017 = tpu.memref_slice %arg5[%dma_wait3A_1009, %dma_wait3A_1010, %dma_wait3A_1016] : memref<6x2x128xi32, #tpu.memory_space<vmem>> -> memref<1x1x64xi32, #tpu.memory_space<vmem>>
        %dma_wait3A_1018 = tpu.memref_squeeze %dma_wait3A_1017 : memref<1x1x64xi32, #tpu.memory_space<vmem>> -> memref<64xi32, #tpu.memory_space<vmem>>
        %dma_wait3A_1019 = arith.constant 0 : i32
        %dma_wait3A_1020 = arith.constant 0 : i32
        %dma_wait3A_1021 = tpu.memref_slice %arg2[%dma_wait3A_1019, %dma_wait3A_1020] : memref<20000x128xf32, #tpu.memory_space<hbm>> -> memref<20000x128xf32, #tpu.memory_space<hbm>>
        tpu.wait_indirect_dma semaphore(%arg14 : memref<!tpu.dma_semaphore, #tpu.memory_space<semaphore_mem>>) src(%dma_wait3A_1021 : memref<20000x128xf32, #tpu.memory_space<hbm>>) dst(%dma_wait3A_1015 : memref<64x128xf32, #tpu.memory_space<vmem>>)
      } else {
      }
      %mul3A_846 = arith.constant 16 : i32
      %mul3A_847 = arith.muli %mul3A_846, %add3A_786 : i32
      %add3A_848 = arith.addi %arg1, %mul3A_847 : i32
      %lt3A_849 = arith.constant 1250 : i32
      %lt3A_850 = arith.cmpi slt, %add3A_848, %lt3A_849 : i32
      %convert_element_type3A_851 = arith.extui %lt3A_850 : i1 to i32
      %cond3A_852 = arith.constant 0 : i32
      %cond3A_853 = arith.cmpi ne, %convert_element_type3A_851, %cond3A_852 : i32
      scf.if %cond3A_853 {
        %dma_start3A_996 = arith.constant 0 : i32
        %dma_start3A_997 = arith.constant 3 : i32
        %dma_start3A_998 = arith.constant 1 : i32
        %dma_start3A_999 = arith.constant 0 : i32
        %dma_start3A_1000 = arith.constant 0 : i32
        %dma_start3A_1001 = tpu.memref_slice %arg6[%dma_start3A_996, %dma_start3A_999, %dma_start3A_1000] : memref<3x128x128xf32, #tpu.memory_space<vmem>> -> memref<1x64x128xf32, #tpu.memory_space<vmem>>
        %dma_start3A_1002 = tpu.memref_squeeze %dma_start3A_1001 : memref<1x64x128xf32, #tpu.memory_space<vmem>> -> memref<64x128xf32, #tpu.memory_space<vmem>>
        %dma_start3A_1003 = arith.constant 0 : i32
        %dma_start3A_1004 = tpu.memref_slice %arg5[%dma_start3A_997, %dma_start3A_998, %dma_start3A_1003] : memref<6x2x128xi32, #tpu.memory_space<vmem>> -> memref<1x1x64xi32, #tpu.memory_space<vmem>>
        %dma_start3A_1005 = tpu.memref_squeeze %dma_start3A_1004 : memref<1x1x64xi32, #tpu.memory_space<vmem>> -> memref<64xi32, #tpu.memory_space<vmem>>
        %dma_start3A_1006 = arith.constant 0 : i32
        %dma_start3A_1007 = arith.constant 0 : i32
        %dma_start3A_1008 = tpu.memref_slice %arg7[%dma_start3A_1006, %dma_start3A_1007] : memref<10000x128xf32, #tpu.memory_space<vmem_shared>> -> memref<10000x128xf32, #tpu.memory_space<vmem_shared>>
        tpu.enqueue_indirect_dma source(%dma_start3A_1002 : memref<64x128xf32, #tpu.memory_space<vmem>>) target(%dma_start3A_1008 : memref<10000x128xf32, #tpu.memory_space<vmem_shared>>) offsets(%dma_start3A_1005 : memref<64xi32, #tpu.memory_space<vmem>>) semaphore(%arg17 : memref<!tpu.dma_semaphore, #tpu.memory_space<semaphore_mem>>) {add = true}
        %dma_start3A_1009 = arith.constant 0 : i32
        %dma_start3A_1010 = arith.constant 3 : i32
        %dma_start3A_1011 = arith.constant 1 : i32
        %dma_start3A_1012 = arith.constant 64 : i32
        %dma_start3A_1013 = arith.constant 0 : i32
        %dma_start3A_1014 = tpu.memref_slice %arg6[%dma_start3A_1009, %dma_start3A_1012, %dma_start3A_1013] : memref<3x128x128xf32, #tpu.memory_space<vmem>> -> memref<1x64x128xf32, #tpu.memory_space<vmem>>
        %dma_start3A_1015 = tpu.memref_squeeze %dma_start3A_1014 : memref<1x64x128xf32, #tpu.memory_space<vmem>> -> memref<64x128xf32, #tpu.memory_space<vmem>>
        %dma_start3A_1016 = arith.constant 64 : i32
        %dma_start3A_1017 = tpu.memref_slice %arg5[%dma_start3A_1010, %dma_start3A_1011, %dma_start3A_1016] : memref<6x2x128xi32, #tpu.memory_space<vmem>> -> memref<1x1x64xi32, #tpu.memory_space<vmem>>
        %dma_start3A_1018 = tpu.memref_squeeze %dma_start3A_1017 : memref<1x1x64xi32, #tpu.memory_space<vmem>> -> memref<64xi32, #tpu.memory_space<vmem>>
        %dma_start3A_1019 = arith.constant 0 : i32
        %dma_start3A_1020 = arith.constant 0 : i32
        %dma_start3A_1021 = tpu.memref_slice %arg7[%dma_start3A_1019, %dma_start3A_1020] : memref<10000x128xf32, #tpu.memory_space<vmem_shared>> -> memref<10000x128xf32, #tpu.memory_space<vmem_shared>>
        tpu.enqueue_indirect_dma source(%dma_start3A_1015 : memref<64x128xf32, #tpu.memory_space<vmem>>) target(%dma_start3A_1021 : memref<10000x128xf32, #tpu.memory_space<vmem_shared>>) offsets(%dma_start3A_1018 : memref<64xi32, #tpu.memory_space<vmem>>) semaphore(%arg17 : memref<!tpu.dma_semaphore, #tpu.memory_space<semaphore_mem>>) {add = true}
      } else {
      }
      %mul3A_854 = arith.constant 6 : i32
      %mul3A_855 = arith.muli %scan3A_572, %mul3A_854 : i32
      %add3A_856 = arith.constant 4 : i32
      %add3A_857 = arith.addi %mul3A_855, %add3A_856 : i32
      %ge3A_858 = arith.constant 1 : i32
      %ge3A_859 = arith.cmpi sge, %add3A_857, %ge3A_858 : i32
      %sub3A_860 = arith.constant 1 : i32
      %sub3A_861 = arith.subi %add3A_857, %sub3A_860 : i32
      %mul3A_862 = arith.constant 16 : i32
      %mul3A_863 = arith.muli %mul3A_862, %sub3A_861 : i32
      %add3A_864 = arith.addi %arg1, %mul3A_863 : i32
      %lt3A_865 = arith.constant 1250 : i32
      %lt3A_866 = arith.cmpi slt, %add3A_864, %lt3A_865 : i32
      %and3A_867 = arith.andi %ge3A_859, %lt3A_866 : i1
      %sub3A_868 = arith.constant 1 : i32
      %sub3A_869 = arith.subi %add3A_857, %sub3A_868 : i32
      %convert_element_type3A_870 = arith.extui %and3A_867 : i1 to i32
      %cond3A_871 = arith.constant 0 : i32
      %cond3A_872 = arith.cmpi ne, %convert_element_type3A_870, %cond3A_871 : i32
      scf.if %cond3A_872 {
        %dma_wait3A_996 = arith.constant 0 : i32
        %dma_wait3A_997 = arith.constant 3 : i32
        %dma_wait3A_998 = arith.constant 1 : i32
        %dma_wait3A_999 = arith.constant 0 : i32
        %dma_wait3A_1000 = arith.constant 0 : i32
        %dma_wait3A_1001 = tpu.memref_slice %arg6[%dma_wait3A_996, %dma_wait3A_999, %dma_wait3A_1000] : memref<3x128x128xf32, #tpu.memory_space<vmem>> -> memref<1x64x128xf32, #tpu.memory_space<vmem>>
        %dma_wait3A_1002 = tpu.memref_squeeze %dma_wait3A_1001 : memref<1x64x128xf32, #tpu.memory_space<vmem>> -> memref<64x128xf32, #tpu.memory_space<vmem>>
        %dma_wait3A_1003 = arith.constant 0 : i32
        %dma_wait3A_1004 = tpu.memref_slice %arg5[%dma_wait3A_997, %dma_wait3A_998, %dma_wait3A_1003] : memref<6x2x128xi32, #tpu.memory_space<vmem>> -> memref<1x1x64xi32, #tpu.memory_space<vmem>>
        %dma_wait3A_1005 = tpu.memref_squeeze %dma_wait3A_1004 : memref<1x1x64xi32, #tpu.memory_space<vmem>> -> memref<64xi32, #tpu.memory_space<vmem>>
        %dma_wait3A_1006 = arith.constant 0 : i32
        %dma_wait3A_1007 = arith.constant 0 : i32
        %dma_wait3A_1008 = tpu.memref_slice %arg7[%dma_wait3A_1006, %dma_wait3A_1007] : memref<10000x128xf32, #tpu.memory_space<vmem_shared>> -> memref<10000x128xf32, #tpu.memory_space<vmem_shared>>
        tpu.wait_indirect_dma semaphore(%arg17 : memref<!tpu.dma_semaphore, #tpu.memory_space<semaphore_mem>>) src(%dma_wait3A_1002 : memref<64x128xf32, #tpu.memory_space<vmem>>) dst(%dma_wait3A_1008 : memref<10000x128xf32, #tpu.memory_space<vmem_shared>>)
        %dma_wait3A_1009 = arith.constant 0 : i32
        %dma_wait3A_1010 = arith.constant 3 : i32
        %dma_wait3A_1011 = arith.constant 1 : i32
        %dma_wait3A_1012 = arith.constant 64 : i32
        %dma_wait3A_1013 = arith.constant 0 : i32
        %dma_wait3A_1014 = tpu.memref_slice %arg6[%dma_wait3A_1009, %dma_wait3A_1012, %dma_wait3A_1013] : memref<3x128x128xf32, #tpu.memory_space<vmem>> -> memref<1x64x128xf32, #tpu.memory_space<vmem>>
        %dma_wait3A_1015 = tpu.memref_squeeze %dma_wait3A_1014 : memref<1x64x128xf32, #tpu.memory_space<vmem>> -> memref<64x128xf32, #tpu.memory_space<vmem>>
        %dma_wait3A_1016 = arith.constant 64 : i32
        %dma_wait3A_1017 = tpu.memref_slice %arg5[%dma_wait3A_1010, %dma_wait3A_1011, %dma_wait3A_1016] : memref<6x2x128xi32, #tpu.memory_space<vmem>> -> memref<1x1x64xi32, #tpu.memory_space<vmem>>
        %dma_wait3A_1018 = tpu.memref_squeeze %dma_wait3A_1017 : memref<1x1x64xi32, #tpu.memory_space<vmem>> -> memref<64xi32, #tpu.memory_space<vmem>>
        %dma_wait3A_1019 = arith.constant 0 : i32
        %dma_wait3A_1020 = arith.constant 0 : i32
        %dma_wait3A_1021 = tpu.memref_slice %arg7[%dma_wait3A_1019, %dma_wait3A_1020] : memref<10000x128xf32, #tpu.memory_space<vmem_shared>> -> memref<10000x128xf32, #tpu.memory_space<vmem_shared>>
        tpu.wait_indirect_dma semaphore(%arg17 : memref<!tpu.dma_semaphore, #tpu.memory_space<semaphore_mem>>) src(%dma_wait3A_1015 : memref<64x128xf32, #tpu.memory_space<vmem>>) dst(%dma_wait3A_1021 : memref<10000x128xf32, #tpu.memory_space<vmem_shared>>)
      } else {
      }
      %add3A_873 = arith.constant 2 : i32
      %add3A_874 = arith.addi %add3A_857, %add3A_873 : i32
      %mul3A_875 = arith.constant 16 : i32
      %mul3A_876 = arith.muli %mul3A_875, %add3A_874 : i32
      %add3A_877 = arith.addi %arg1, %mul3A_876 : i32
      %lt3A_878 = arith.constant 1250 : i32
      %lt3A_879 = arith.cmpi slt, %add3A_877, %lt3A_878 : i32
      %add3A_880 = arith.constant 2 : i32
      %add3A_881 = arith.addi %add3A_857, %add3A_880 : i32
      %convert_element_type3A_882 = arith.extui %lt3A_879 : i1 to i32
      %cond3A_883 = arith.constant 0 : i32
      %cond3A_884 = arith.cmpi ne, %convert_element_type3A_882, %cond3A_883 : i32
      scf.if %cond3A_884 {
        %mul3A_996 = arith.constant 16 : i32
        %mul3A_997 = arith.muli %mul3A_996, %add3A_881 : i32
        %add3A_998 = arith.addi %arg1, %mul3A_997 : i32
        %mul3A_999 = arith.constant 128 : i32
        %mul3A_1000 = arith.muli %add3A_998, %mul3A_999 : i32
        %dma_wait3A_1001 = arith.constant 0 : i32
        %dma_wait3A_1002 = arith.constant 0 : i32
        %dma_wait3A_1003 = arith.constant 0 : i32
        %dma_wait3A_1004 = arith.constant 0 : i32
        %dma_wait3A_1005 = tpu.memref_slice %arg5[%dma_wait3A_1002, %dma_wait3A_1003, %dma_wait3A_1004] : memref<6x2x128xi32, #tpu.memory_space<vmem>> -> memref<1x1x128xi32, #tpu.memory_space<vmem>>
        %dma_wait3A_1006 = tpu.memref_squeeze %dma_wait3A_1005 : memref<1x1x128xi32, #tpu.memory_space<vmem>> -> memref<128xi32, #tpu.memory_space<vmem>>
        %dma_wait3A_1007 = tpu.memref_slice %arg3[%dma_wait3A_1001, %mul3A_1000] : memref<2x160000xi32, #tpu.memory_space<hbm>> -> memref<1x128xi32, #tpu.memory_space<hbm>>
        %dma_wait3A_1008 = tpu.memref_squeeze %dma_wait3A_1007 : memref<1x128xi32, #tpu.memory_space<hbm>> -> memref<128xi32, #tpu.memory_space<hbm>>
        %dma_wait3A_1009 = arith.constant 0 : i32
        %dma_wait3A_1010 = tpu.memref_slice %arg5[%dma_wait3A_1002, %dma_wait3A_1003, %dma_wait3A_1009] : memref<6x2x128xi32, #tpu.memory_space<vmem>> -> memref<1x1x128xi32, #tpu.memory_space<vmem>>
        %dma_wait3A_1011 = tpu.memref_squeeze %dma_wait3A_1010 : memref<1x1x128xi32, #tpu.memory_space<vmem>> -> memref<128xi32, #tpu.memory_space<vmem>>
        %dma_wait3A_1012 = tpu.memref_slice %arg3[%dma_wait3A_1001, %mul3A_1000] : memref<2x160000xi32, #tpu.memory_space<hbm>> -> memref<1x128xi32, #tpu.memory_space<hbm>>
        %dma_wait3A_1013 = tpu.memref_squeeze %dma_wait3A_1012 : memref<1x128xi32, #tpu.memory_space<hbm>> -> memref<128xi32, #tpu.memory_space<hbm>>
        tpu.wait_dma2 semaphore(%arg8 : memref<!tpu.dma_semaphore, #tpu.memory_space<semaphore_mem>>) src(%dma_wait3A_1013 : memref<128xi32, #tpu.memory_space<hbm>>) dst(%dma_wait3A_1011 : memref<128xi32, #tpu.memory_space<vmem>>)
        %mul3A_1014 = arith.constant 16 : i32
        %mul3A_1015 = arith.muli %mul3A_1014, %add3A_881 : i32
        %add3A_1016 = arith.addi %arg1, %mul3A_1015 : i32
        %mul3A_1017 = arith.constant 128 : i32
        %mul3A_1018 = arith.muli %add3A_1016, %mul3A_1017 : i32
        %dma_wait3A_1019 = arith.constant 1 : i32
        %dma_wait3A_1020 = arith.constant 0 : i32
        %dma_wait3A_1021 = arith.constant 1 : i32
        %dma_wait3A_1022 = arith.constant 0 : i32
        %dma_wait3A_1023 = tpu.memref_slice %arg5[%dma_wait3A_1020, %dma_wait3A_1021, %dma_wait3A_1022] : memref<6x2x128xi32, #tpu.memory_space<vmem>> -> memref<1x1x128xi32, #tpu.memory_space<vmem>>
        %dma_wait3A_1024 = tpu.memref_squeeze %dma_wait3A_1023 : memref<1x1x128xi32, #tpu.memory_space<vmem>> -> memref<128xi32, #tpu.memory_space<vmem>>
        %dma_wait3A_1025 = tpu.memref_slice %arg3[%dma_wait3A_1019, %mul3A_1018] : memref<2x160000xi32, #tpu.memory_space<hbm>> -> memref<1x128xi32, #tpu.memory_space<hbm>>
        %dma_wait3A_1026 = tpu.memref_squeeze %dma_wait3A_1025 : memref<1x128xi32, #tpu.memory_space<hbm>> -> memref<128xi32, #tpu.memory_space<hbm>>
        %dma_wait3A_1027 = arith.constant 0 : i32
        %dma_wait3A_1028 = tpu.memref_slice %arg5[%dma_wait3A_1020, %dma_wait3A_1021, %dma_wait3A_1027] : memref<6x2x128xi32, #tpu.memory_space<vmem>> -> memref<1x1x128xi32, #tpu.memory_space<vmem>>
        %dma_wait3A_1029 = tpu.memref_squeeze %dma_wait3A_1028 : memref<1x1x128xi32, #tpu.memory_space<vmem>> -> memref<128xi32, #tpu.memory_space<vmem>>
        %dma_wait3A_1030 = tpu.memref_slice %arg3[%dma_wait3A_1019, %mul3A_1018] : memref<2x160000xi32, #tpu.memory_space<hbm>> -> memref<1x128xi32, #tpu.memory_space<hbm>>
        %dma_wait3A_1031 = tpu.memref_squeeze %dma_wait3A_1030 : memref<1x128xi32, #tpu.memory_space<hbm>> -> memref<128xi32, #tpu.memory_space<hbm>>
        tpu.wait_dma2 semaphore(%arg8 : memref<!tpu.dma_semaphore, #tpu.memory_space<semaphore_mem>>) src(%dma_wait3A_1031 : memref<128xi32, #tpu.memory_space<hbm>>) dst(%dma_wait3A_1029 : memref<128xi32, #tpu.memory_space<vmem>>)
        %get3A_1032 = arith.constant 0 : i32
        %get3A_1033 = arith.constant 0 : i32
        %get3A_1034 = arith.index_cast %get3A_1032 : i32 to index
        %get3A_1035 = arith.index_cast %get3A_1033 : i32 to index
        %get3A_1036 = arith.constant 0 : index
        %get3A_1037 = tpu.vector_load %arg5[%get3A_1034, %get3A_1035, %get3A_1036] {strides = array<i32>} : memref<6x2x128xi32, #tpu.memory_space<vmem>>, vector<1x1x16xi32>,
        %get3A_1038 = vector.shape_cast %get3A_1037 : vector<1x1x16xi32> to vector<16xi32>
        %mul3A_1039 = arith.constant 2 : i32
        %mul3A_1040 = vector.broadcast %mul3A_1039 : i32 to vector<16xi32>
        %mul3A_1041 = arith.muli %get3A_1038, %mul3A_1040 : vector<16xi32>
        %add3A_1042 = vector.broadcast %arg0 : i32 to vector<16xi32>
        %add3A_1043 = arith.addi %mul3A_1041, %add3A_1042 : vector<16xi32>
        %swap3A_1044 = arith.constant 0 : i32
        %swap3A_1045 = arith.constant 0 : i32
        %swap3A_1046 = arith.index_cast %swap3A_1044 : i32 to index
        %swap3A_1047 = arith.index_cast %swap3A_1045 : i32 to index
        %swap3A_1048 = arith.constant 0 : index
        %swap3A_1049 = tpu.vector_load %arg5[%swap3A_1046, %swap3A_1047, %swap3A_1048] {strides = array<i32>} : memref<6x2x128xi32, #tpu.memory_space<vmem>>, vector<1x1x16xi32>,
        %swap3A_1050 = vector.shape_cast %swap3A_1049 : vector<1x1x16xi32> to vector<16xi32>
        %swap3A_1051 = vector.shape_cast %add3A_1043 : vector<16xi32> to vector<1x1x16xi32>
        tpu.vector_store %arg5[%swap3A_1046, %swap3A_1047, %swap3A_1048], %swap3A_1051 {strides = array<i32>} : memref<6x2x128xi32, #tpu.memory_space<vmem>>, vector<1x1x16xi32>,
        %get3A_1052 = arith.constant 0 : i32
        %get3A_1053 = arith.constant 0 : i32
        %get3A_1054 = arith.index_cast %get3A_1052 : i32 to index
        %get3A_1055 = arith.index_cast %get3A_1053 : i32 to index
        %get3A_1056 = arith.constant 16 : index
        %get3A_1057 = tpu.vector_load %arg5[%get3A_1054, %get3A_1055, %get3A_1056] {strides = array<i32>} : memref<6x2x128xi32, #tpu.memory_space<vmem>>, vector<1x1x16xi32>,
        %get3A_1058 = vector.shape_cast %get3A_1057 : vector<1x1x16xi32> to vector<16xi32>
        %mul3A_1059 = arith.constant 2 : i32
        %mul3A_1060 = vector.broadcast %mul3A_1059 : i32 to vector<16xi32>
        %mul3A_1061 = arith.muli %get3A_1058, %mul3A_1060 : vector<16xi32>
        %add3A_1062 = vector.broadcast %arg0 : i32 to vector<16xi32>
        %add3A_1063 = arith.addi %mul3A_1061, %add3A_1062 : vector<16xi32>
        %swap3A_1064 = arith.constant 0 : i32
        %swap3A_1065 = arith.constant 0 : i32
        %swap3A_1066 = arith.index_cast %swap3A_1064 : i32 to index
        %swap3A_1067 = arith.index_cast %swap3A_1065 : i32 to index
        %swap3A_1068 = arith.constant 16 : index
        %swap3A_1069 = tpu.vector_load %arg5[%swap3A_1066, %swap3A_1067, %swap3A_1068] {strides = array<i32>} : memref<6x2x128xi32, #tpu.memory_space<vmem>>, vector<1x1x16xi32>,
        %swap3A_1070 = vector.shape_cast %swap3A_1069 : vector<1x1x16xi32> to vector<16xi32>
        %swap3A_1071 = vector.shape_cast %add3A_1063 : vector<16xi32> to vector<1x1x16xi32>
        tpu.vector_store %arg5[%swap3A_1066, %swap3A_1067, %swap3A_1068], %swap3A_1071 {strides = array<i32>} : memref<6x2x128xi32, #tpu.memory_space<vmem>>, vector<1x1x16xi32>,
        %get3A_1072 = arith.constant 0 : i32
        %get3A_1073 = arith.constant 0 : i32
        %get3A_1074 = arith.index_cast %get3A_1072 : i32 to index
        %get3A_1075 = arith.index_cast %get3A_1073 : i32 to index
        %get3A_1076 = arith.constant 32 : index
        %get3A_1077 = tpu.vector_load %arg5[%get3A_1074, %get3A_1075, %get3A_1076] {strides = array<i32>} : memref<6x2x128xi32, #tpu.memory_space<vmem>>, vector<1x1x16xi32>,
        %get3A_1078 = vector.shape_cast %get3A_1077 : vector<1x1x16xi32> to vector<16xi32>
        %mul3A_1079 = arith.constant 2 : i32
        %mul3A_1080 = vector.broadcast %mul3A_1079 : i32 to vector<16xi32>
        %mul3A_1081 = arith.muli %get3A_1078, %mul3A_1080 : vector<16xi32>
        %add3A_1082 = vector.broadcast %arg0 : i32 to vector<16xi32>
        %add3A_1083 = arith.addi %mul3A_1081, %add3A_1082 : vector<16xi32>
        %swap3A_1084 = arith.constant 0 : i32
        %swap3A_1085 = arith.constant 0 : i32
        %swap3A_1086 = arith.index_cast %swap3A_1084 : i32 to index
        %swap3A_1087 = arith.index_cast %swap3A_1085 : i32 to index
        %swap3A_1088 = arith.constant 32 : index
        %swap3A_1089 = tpu.vector_load %arg5[%swap3A_1086, %swap3A_1087, %swap3A_1088] {strides = array<i32>} : memref<6x2x128xi32, #tpu.memory_space<vmem>>, vector<1x1x16xi32>,
        %swap3A_1090 = vector.shape_cast %swap3A_1089 : vector<1x1x16xi32> to vector<16xi32>
        %swap3A_1091 = vector.shape_cast %add3A_1083 : vector<16xi32> to vector<1x1x16xi32>
        tpu.vector_store %arg5[%swap3A_1086, %swap3A_1087, %swap3A_1088], %swap3A_1091 {strides = array<i32>} : memref<6x2x128xi32, #tpu.memory_space<vmem>>, vector<1x1x16xi32>,
        %get3A_1092 = arith.constant 0 : i32
        %get3A_1093 = arith.constant 0 : i32
        %get3A_1094 = arith.index_cast %get3A_1092 : i32 to index
        %get3A_1095 = arith.index_cast %get3A_1093 : i32 to index
        %get3A_1096 = arith.constant 48 : index
        %get3A_1097 = tpu.vector_load %arg5[%get3A_1094, %get3A_1095, %get3A_1096] {strides = array<i32>} : memref<6x2x128xi32, #tpu.memory_space<vmem>>, vector<1x1x16xi32>,
        %get3A_1098 = vector.shape_cast %get3A_1097 : vector<1x1x16xi32> to vector<16xi32>
        %mul3A_1099 = arith.constant 2 : i32
        %mul3A_1100 = vector.broadcast %mul3A_1099 : i32 to vector<16xi32>
        %mul3A_1101 = arith.muli %get3A_1098, %mul3A_1100 : vector<16xi32>
        %add3A_1102 = vector.broadcast %arg0 : i32 to vector<16xi32>
        %add3A_1103 = arith.addi %mul3A_1101, %add3A_1102 : vector<16xi32>
        %swap3A_1104 = arith.constant 0 : i32
        %swap3A_1105 = arith.constant 0 : i32
        %swap3A_1106 = arith.index_cast %swap3A_1104 : i32 to index
        %swap3A_1107 = arith.index_cast %swap3A_1105 : i32 to index
        %swap3A_1108 = arith.constant 48 : index
        %swap3A_1109 = tpu.vector_load %arg5[%swap3A_1106, %swap3A_1107, %swap3A_1108] {strides = array<i32>} : memref<6x2x128xi32, #tpu.memory_space<vmem>>, vector<1x1x16xi32>,
        %swap3A_1110 = vector.shape_cast %swap3A_1109 : vector<1x1x16xi32> to vector<16xi32>
        %swap3A_1111 = vector.shape_cast %add3A_1103 : vector<16xi32> to vector<1x1x16xi32>
        tpu.vector_store %arg5[%swap3A_1106, %swap3A_1107, %swap3A_1108], %swap3A_1111 {strides = array<i32>} : memref<6x2x128xi32, #tpu.memory_space<vmem>>, vector<1x1x16xi32>,
        %get3A_1112 = arith.constant 0 : i32
        %get3A_1113 = arith.constant 0 : i32
        %get3A_1114 = arith.index_cast %get3A_1112 : i32 to index
        %get3A_1115 = arith.index_cast %get3A_1113 : i32 to index
        %get3A_1116 = arith.constant 64 : index
        %get3A_1117 = tpu.vector_load %arg5[%get3A_1114, %get3A_1115, %get3A_1116] {strides = array<i32>} : memref<6x2x128xi32, #tpu.memory_space<vmem>>, vector<1x1x16xi32>,
        %get3A_1118 = vector.shape_cast %get3A_1117 : vector<1x1x16xi32> to vector<16xi32>
        %mul3A_1119 = arith.constant 2 : i32
        %mul3A_1120 = vector.broadcast %mul3A_1119 : i32 to vector<16xi32>
        %mul3A_1121 = arith.muli %get3A_1118, %mul3A_1120 : vector<16xi32>
        %add3A_1122 = vector.broadcast %arg0 : i32 to vector<16xi32>
        %add3A_1123 = arith.addi %mul3A_1121, %add3A_1122 : vector<16xi32>
        %swap3A_1124 = arith.constant 0 : i32
        %swap3A_1125 = arith.constant 0 : i32
        %swap3A_1126 = arith.index_cast %swap3A_1124 : i32 to index
        %swap3A_1127 = arith.index_cast %swap3A_1125 : i32 to index
        %swap3A_1128 = arith.constant 64 : index
        %swap3A_1129 = tpu.vector_load %arg5[%swap3A_1126, %swap3A_1127, %swap3A_1128] {strides = array<i32>} : memref<6x2x128xi32, #tpu.memory_space<vmem>>, vector<1x1x16xi32>,
        %swap3A_1130 = vector.shape_cast %swap3A_1129 : vector<1x1x16xi32> to vector<16xi32>
        %swap3A_1131 = vector.shape_cast %add3A_1123 : vector<16xi32> to vector<1x1x16xi32>
        tpu.vector_store %arg5[%swap3A_1126, %swap3A_1127, %swap3A_1128], %swap3A_1131 {strides = array<i32>} : memref<6x2x128xi32, #tpu.memory_space<vmem>>, vector<1x1x16xi32>,
        %get3A_1132 = arith.constant 0 : i32
        %get3A_1133 = arith.constant 0 : i32
        %get3A_1134 = arith.index_cast %get3A_1132 : i32 to index
        %get3A_1135 = arith.index_cast %get3A_1133 : i32 to index
        %get3A_1136 = arith.constant 80 : index
        %get3A_1137 = tpu.vector_load %arg5[%get3A_1134, %get3A_1135, %get3A_1136] {strides = array<i32>} : memref<6x2x128xi32, #tpu.memory_space<vmem>>, vector<1x1x16xi32>,
        %get3A_1138 = vector.shape_cast %get3A_1137 : vector<1x1x16xi32> to vector<16xi32>
        %mul3A_1139 = arith.constant 2 : i32
        %mul3A_1140 = vector.broadcast %mul3A_1139 : i32 to vector<16xi32>
        %mul3A_1141 = arith.muli %get3A_1138, %mul3A_1140 : vector<16xi32>
        %add3A_1142 = vector.broadcast %arg0 : i32 to vector<16xi32>
        %add3A_1143 = arith.addi %mul3A_1141, %add3A_1142 : vector<16xi32>
        %swap3A_1144 = arith.constant 0 : i32
        %swap3A_1145 = arith.constant 0 : i32
        %swap3A_1146 = arith.index_cast %swap3A_1144 : i32 to index
        %swap3A_1147 = arith.index_cast %swap3A_1145 : i32 to index
        %swap3A_1148 = arith.constant 80 : index
        %swap3A_1149 = tpu.vector_load %arg5[%swap3A_1146, %swap3A_1147, %swap3A_1148] {strides = array<i32>} : memref<6x2x128xi32, #tpu.memory_space<vmem>>, vector<1x1x16xi32>,
        %swap3A_1150 = vector.shape_cast %swap3A_1149 : vector<1x1x16xi32> to vector<16xi32>
        %swap3A_1151 = vector.shape_cast %add3A_1143 : vector<16xi32> to vector<1x1x16xi32>
        tpu.vector_store %arg5[%swap3A_1146, %swap3A_1147, %swap3A_1148], %swap3A_1151 {strides = array<i32>} : memref<6x2x128xi32, #tpu.memory_space<vmem>>, vector<1x1x16xi32>,
        %get3A_1152 = arith.constant 0 : i32
        %get3A_1153 = arith.constant 0 : i32
        %get3A_1154 = arith.index_cast %get3A_1152 : i32 to index
        %get3A_1155 = arith.index_cast %get3A_1153 : i32 to index
        %get3A_1156 = arith.constant 96 : index
        %get3A_1157 = tpu.vector_load %arg5[%get3A_1154, %get3A_1155, %get3A_1156] {strides = array<i32>} : memref<6x2x128xi32, #tpu.memory_space<vmem>>, vector<1x1x16xi32>,
        %get3A_1158 = vector.shape_cast %get3A_1157 : vector<1x1x16xi32> to vector<16xi32>
        %mul3A_1159 = arith.constant 2 : i32
        %mul3A_1160 = vector.broadcast %mul3A_1159 : i32 to vector<16xi32>
        %mul3A_1161 = arith.muli %get3A_1158, %mul3A_1160 : vector<16xi32>
        %add3A_1162 = vector.broadcast %arg0 : i32 to vector<16xi32>
        %add3A_1163 = arith.addi %mul3A_1161, %add3A_1162 : vector<16xi32>
        %swap3A_1164 = arith.constant 0 : i32
        %swap3A_1165 = arith.constant 0 : i32
        %swap3A_1166 = arith.index_cast %swap3A_1164 : i32 to index
        %swap3A_1167 = arith.index_cast %swap3A_1165 : i32 to index
        %swap3A_1168 = arith.constant 96 : index
        %swap3A_1169 = tpu.vector_load %arg5[%swap3A_1166, %swap3A_1167, %swap3A_1168] {strides = array<i32>} : memref<6x2x128xi32, #tpu.memory_space<vmem>>, vector<1x1x16xi32>,
        %swap3A_1170 = vector.shape_cast %swap3A_1169 : vector<1x1x16xi32> to vector<16xi32>
        %swap3A_1171 = vector.shape_cast %add3A_1163 : vector<16xi32> to vector<1x1x16xi32>
        tpu.vector_store %arg5[%swap3A_1166, %swap3A_1167, %swap3A_1168], %swap3A_1171 {strides = array<i32>} : memref<6x2x128xi32, #tpu.memory_space<vmem>>, vector<1x1x16xi32>,
        %get3A_1172 = arith.constant 0 : i32
        %get3A_1173 = arith.constant 0 : i32
        %get3A_1174 = arith.index_cast %get3A_1172 : i32 to index
        %get3A_1175 = arith.index_cast %get3A_1173 : i32 to index
        %get3A_1176 = arith.constant 112 : index
        %get3A_1177 = tpu.vector_load %arg5[%get3A_1174, %get3A_1175, %get3A_1176] {strides = array<i32>} : memref<6x2x128xi32, #tpu.memory_space<vmem>>, vector<1x1x16xi32>,
        %get3A_1178 = vector.shape_cast %get3A_1177 : vector<1x1x16xi32> to vector<16xi32>
        %mul3A_1179 = arith.constant 2 : i32
        %mul3A_1180 = vector.broadcast %mul3A_1179 : i32 to vector<16xi32>
        %mul3A_1181 = arith.muli %get3A_1178, %mul3A_1180 : vector<16xi32>
        %add3A_1182 = vector.broadcast %arg0 : i32 to vector<16xi32>
        %add3A_1183 = arith.addi %mul3A_1181, %add3A_1182 : vector<16xi32>
        %swap3A_1184 = arith.constant 0 : i32
        %swap3A_1185 = arith.constant 0 : i32
        %swap3A_1186 = arith.index_cast %swap3A_1184 : i32 to index
        %swap3A_1187 = arith.index_cast %swap3A_1185 : i32 to index
        %swap3A_1188 = arith.constant 112 : index
        %swap3A_1189 = tpu.vector_load %arg5[%swap3A_1186, %swap3A_1187, %swap3A_1188] {strides = array<i32>} : memref<6x2x128xi32, #tpu.memory_space<vmem>>, vector<1x1x16xi32>,
        %swap3A_1190 = vector.shape_cast %swap3A_1189 : vector<1x1x16xi32> to vector<16xi32>
        %swap3A_1191 = vector.shape_cast %add3A_1183 : vector<16xi32> to vector<1x1x16xi32>
        tpu.vector_store %arg5[%swap3A_1186, %swap3A_1187, %swap3A_1188], %swap3A_1191 {strides = array<i32>} : memref<6x2x128xi32, #tpu.memory_space<vmem>>, vector<1x1x16xi32>,
      } else {
      }
      %add3A_885 = arith.constant 2 : i32
      %add3A_886 = arith.addi %add3A_857, %add3A_885 : i32
      %mul3A_887 = arith.constant 16 : i32
      %mul3A_888 = arith.muli %mul3A_887, %add3A_886 : i32
      %add3A_889 = arith.addi %arg1, %mul3A_888 : i32
      %lt3A_890 = arith.constant 1250 : i32
      %lt3A_891 = arith.cmpi slt, %add3A_889, %lt3A_890 : i32
      %add3A_892 = arith.constant 2 : i32
      %add3A_893 = arith.addi %add3A_857, %add3A_892 : i32
      %convert_element_type3A_894 = arith.extui %lt3A_891 : i1 to i32
      %cond3A_895 = arith.constant 0 : i32
      %cond3A_896 = arith.cmpi ne, %convert_element_type3A_894, %cond3A_895 : i32
      scf.if %cond3A_896 {
        %dma_start3A_996 = arith.constant 0 : i32
        %dma_start3A_997 = arith.constant 0 : i32
        %dma_start3A_998 = arith.constant 0 : i32
        %dma_start3A_999 = arith.constant 0 : i32
        %dma_start3A_1000 = arith.constant 0 : i32
        %dma_start3A_1001 = tpu.memref_slice %arg6[%dma_start3A_998, %dma_start3A_999, %dma_start3A_1000] : memref<3x128x128xf32, #tpu.memory_space<vmem>> -> memref<1x64x128xf32, #tpu.memory_space<vmem>>
        %dma_start3A_1002 = tpu.memref_squeeze %dma_start3A_1001 : memref<1x64x128xf32, #tpu.memory_space<vmem>> -> memref<64x128xf32, #tpu.memory_space<vmem>>
        %dma_start3A_1003 = arith.constant 0 : i32
        %dma_start3A_1004 = tpu.memref_slice %arg5[%dma_start3A_996, %dma_start3A_997, %dma_start3A_1003] : memref<6x2x128xi32, #tpu.memory_space<vmem>> -> memref<1x1x64xi32, #tpu.memory_space<vmem>>
        %dma_start3A_1005 = tpu.memref_squeeze %dma_start3A_1004 : memref<1x1x64xi32, #tpu.memory_space<vmem>> -> memref<64xi32, #tpu.memory_space<vmem>>
        %dma_start3A_1006 = arith.constant 0 : i32
        %dma_start3A_1007 = arith.constant 0 : i32
        %dma_start3A_1008 = tpu.memref_slice %arg2[%dma_start3A_1006, %dma_start3A_1007] : memref<20000x128xf32, #tpu.memory_space<hbm>> -> memref<20000x128xf32, #tpu.memory_space<hbm>>
        tpu.enqueue_indirect_dma source(%dma_start3A_1008 : memref<20000x128xf32, #tpu.memory_space<hbm>>) target(%dma_start3A_1002 : memref<64x128xf32, #tpu.memory_space<vmem>>) offsets(%dma_start3A_1005 : memref<64xi32, #tpu.memory_space<vmem>>) semaphore(%arg14 : memref<!tpu.dma_semaphore, #tpu.memory_space<semaphore_mem>>)
        %dma_start3A_1009 = arith.constant 0 : i32
        %dma_start3A_1010 = arith.constant 0 : i32
        %dma_start3A_1011 = arith.constant 0 : i32
        %dma_start3A_1012 = arith.constant 64 : i32
        %dma_start3A_1013 = arith.constant 0 : i32
        %dma_start3A_1014 = tpu.memref_slice %arg6[%dma_start3A_1011, %dma_start3A_1012, %dma_start3A_1013] : memref<3x128x128xf32, #tpu.memory_space<vmem>> -> memref<1x64x128xf32, #tpu.memory_space<vmem>>
        %dma_start3A_1015 = tpu.memref_squeeze %dma_start3A_1014 : memref<1x64x128xf32, #tpu.memory_space<vmem>> -> memref<64x128xf32, #tpu.memory_space<vmem>>
        %dma_start3A_1016 = arith.constant 64 : i32
        %dma_start3A_1017 = tpu.memref_slice %arg5[%dma_start3A_1009, %dma_start3A_1010, %dma_start3A_1016] : memref<6x2x128xi32, #tpu.memory_space<vmem>> -> memref<1x1x64xi32, #tpu.memory_space<vmem>>
        %dma_start3A_1018 = tpu.memref_squeeze %dma_start3A_1017 : memref<1x1x64xi32, #tpu.memory_space<vmem>> -> memref<64xi32, #tpu.memory_space<vmem>>
        %dma_start3A_1019 = arith.constant 0 : i32
        %dma_start3A_1020 = arith.constant 0 : i32
        %dma_start3A_1021 = tpu.memref_slice %arg2[%dma_start3A_1019, %dma_start3A_1020] : memref<20000x128xf32, #tpu.memory_space<hbm>> -> memref<20000x128xf32, #tpu.memory_space<hbm>>
        tpu.enqueue_indirect_dma source(%dma_start3A_1021 : memref<20000x128xf32, #tpu.memory_space<hbm>>) target(%dma_start3A_1015 : memref<64x128xf32, #tpu.memory_space<vmem>>) offsets(%dma_start3A_1018 : memref<64xi32, #tpu.memory_space<vmem>>) semaphore(%arg14 : memref<!tpu.dma_semaphore, #tpu.memory_space<semaphore_mem>>)
      } else {
      }
      %add3A_897 = arith.constant 3 : i32
      %add3A_898 = arith.addi %add3A_857, %add3A_897 : i32
      %mul3A_899 = arith.constant 16 : i32
      %mul3A_900 = arith.muli %mul3A_899, %add3A_898 : i32
      %add3A_901 = arith.addi %arg1, %mul3A_900 : i32
      %lt3A_902 = arith.constant 1250 : i32
      %lt3A_903 = arith.cmpi slt, %add3A_901, %lt3A_902 : i32
      %add3A_904 = arith.constant 3 : i32
      %add3A_905 = arith.addi %add3A_857, %add3A_904 : i32
      %convert_element_type3A_906 = arith.extui %lt3A_903 : i1 to i32
      %cond3A_907 = arith.constant 0 : i32
      %cond3A_908 = arith.cmpi ne, %convert_element_type3A_906, %cond3A_907 : i32
      scf.if %cond3A_908 {
        %mul3A_996 = arith.constant 16 : i32
        %mul3A_997 = arith.muli %mul3A_996, %add3A_905 : i32
        %add3A_998 = arith.addi %arg1, %mul3A_997 : i32
        %mul3A_999 = arith.constant 128 : i32
        %mul3A_1000 = arith.muli %add3A_998, %mul3A_999 : i32
        %dma_start3A_1001 = arith.constant 0 : i32
        %dma_start3A_1002 = arith.constant 1 : i32
        %dma_start3A_1003 = arith.constant 0 : i32
        %dma_start3A_1004 = arith.constant 0 : i32
        %dma_start3A_1005 = tpu.memref_slice %arg5[%dma_start3A_1002, %dma_start3A_1003, %dma_start3A_1004] : memref<6x2x128xi32, #tpu.memory_space<vmem>> -> memref<1x1x128xi32, #tpu.memory_space<vmem>>
        %dma_start3A_1006 = tpu.memref_squeeze %dma_start3A_1005 : memref<1x1x128xi32, #tpu.memory_space<vmem>> -> memref<128xi32, #tpu.memory_space<vmem>>
        %dma_start3A_1007 = tpu.memref_slice %arg3[%dma_start3A_1001, %mul3A_1000] : memref<2x160000xi32, #tpu.memory_space<hbm>> -> memref<1x128xi32, #tpu.memory_space<hbm>>
        %dma_start3A_1008 = tpu.memref_squeeze %dma_start3A_1007 : memref<1x128xi32, #tpu.memory_space<hbm>> -> memref<128xi32, #tpu.memory_space<hbm>>
        %dma_start3A_1009 = arith.constant 0 : i32
        %dma_start3A_1010 = tpu.memref_slice %arg5[%dma_start3A_1002, %dma_start3A_1003, %dma_start3A_1009] : memref<6x2x128xi32, #tpu.memory_space<vmem>> -> memref<1x1x128xi32, #tpu.memory_space<vmem>>
        %dma_start3A_1011 = tpu.memref_squeeze %dma_start3A_1010 : memref<1x1x128xi32, #tpu.memory_space<vmem>> -> memref<128xi32, #tpu.memory_space<vmem>>
        %dma_start3A_1012 = tpu.memref_slice %arg3[%dma_start3A_1001, %mul3A_1000] : memref<2x160000xi32, #tpu.memory_space<hbm>> -> memref<1x128xi32, #tpu.memory_space<hbm>>
        %dma_start3A_1013 = tpu.memref_squeeze %dma_start3A_1012 : memref<1x128xi32, #tpu.memory_space<hbm>> -> memref<128xi32, #tpu.memory_space<hbm>>
        tpu.enqueue_dma source(%dma_start3A_1013 : memref<128xi32, #tpu.memory_space<hbm>>) target(%dma_start3A_1011 : memref<128xi32, #tpu.memory_space<vmem>>) target_semaphore(%arg9 : memref<!tpu.dma_semaphore, #tpu.memory_space<semaphore_mem>>)
        %mul3A_1014 = arith.constant 16 : i32
        %mul3A_1015 = arith.muli %mul3A_1014, %add3A_905 : i32
        %add3A_1016 = arith.addi %arg1, %mul3A_1015 : i32
        %mul3A_1017 = arith.constant 128 : i32
        %mul3A_1018 = arith.muli %add3A_1016, %mul3A_1017 : i32
        %dma_start3A_1019 = arith.constant 1 : i32
        %dma_start3A_1020 = arith.constant 1 : i32
        %dma_start3A_1021 = arith.constant 1 : i32
        %dma_start3A_1022 = arith.constant 0 : i32
        %dma_start3A_1023 = tpu.memref_slice %arg5[%dma_start3A_1020, %dma_start3A_1021, %dma_start3A_1022] : memref<6x2x128xi32, #tpu.memory_space<vmem>> -> memref<1x1x128xi32, #tpu.memory_space<vmem>>
        %dma_start3A_1024 = tpu.memref_squeeze %dma_start3A_1023 : memref<1x1x128xi32, #tpu.memory_space<vmem>> -> memref<128xi32, #tpu.memory_space<vmem>>
        %dma_start3A_1025 = tpu.memref_slice %arg3[%dma_start3A_1019, %mul3A_1018] : memref<2x160000xi32, #tpu.memory_space<hbm>> -> memref<1x128xi32, #tpu.memory_space<hbm>>
        %dma_start3A_1026 = tpu.memref_squeeze %dma_start3A_1025 : memref<1x128xi32, #tpu.memory_space<hbm>> -> memref<128xi32, #tpu.memory_space<hbm>>
        %dma_start3A_1027 = arith.constant 0 : i32
        %dma_start3A_1028 = tpu.memref_slice %arg5[%dma_start3A_1020, %dma_start3A_1021, %dma_start3A_1027] : memref<6x2x128xi32, #tpu.memory_space<vmem>> -> memref<1x1x128xi32, #tpu.memory_space<vmem>>
        %dma_start3A_1029 = tpu.memref_squeeze %dma_start3A_1028 : memref<1x1x128xi32, #tpu.memory_space<vmem>> -> memref<128xi32, #tpu.memory_space<vmem>>
        %dma_start3A_1030 = tpu.memref_slice %arg3[%dma_start3A_1019, %mul3A_1018] : memref<2x160000xi32, #tpu.memory_space<hbm>> -> memref<1x128xi32, #tpu.memory_space<hbm>>
        %dma_start3A_1031 = tpu.memref_squeeze %dma_start3A_1030 : memref<1x128xi32, #tpu.memory_space<hbm>> -> memref<128xi32, #tpu.memory_space<hbm>>
        tpu.enqueue_dma source(%dma_start3A_1031 : memref<128xi32, #tpu.memory_space<hbm>>) target(%dma_start3A_1029 : memref<128xi32, #tpu.memory_space<vmem>>) target_semaphore(%arg9 : memref<!tpu.dma_semaphore, #tpu.memory_space<semaphore_mem>>)
      } else {
      }
      %mul3A_909 = arith.constant 16 : i32
      %mul3A_910 = arith.muli %mul3A_909, %add3A_857 : i32
      %add3A_911 = arith.addi %arg1, %mul3A_910 : i32
      %lt3A_912 = arith.constant 1250 : i32
      %lt3A_913 = arith.cmpi slt, %add3A_911, %lt3A_912 : i32
      %convert_element_type3A_914 = arith.extui %lt3A_913 : i1 to i32
      %cond3A_915 = arith.constant 0 : i32
      %cond3A_916 = arith.cmpi ne, %convert_element_type3A_914, %cond3A_915 : i32
      scf.if %cond3A_916 {
        %dma_wait3A_996 = arith.constant 4 : i32
        %dma_wait3A_997 = arith.constant 0 : i32
        %dma_wait3A_998 = arith.constant 1 : i32
        %dma_wait3A_999 = arith.constant 0 : i32
        %dma_wait3A_1000 = arith.constant 0 : i32
        %dma_wait3A_1001 = tpu.memref_slice %arg6[%dma_wait3A_998, %dma_wait3A_999, %dma_wait3A_1000] : memref<3x128x128xf32, #tpu.memory_space<vmem>> -> memref<1x64x128xf32, #tpu.memory_space<vmem>>
        %dma_wait3A_1002 = tpu.memref_squeeze %dma_wait3A_1001 : memref<1x64x128xf32, #tpu.memory_space<vmem>> -> memref<64x128xf32, #tpu.memory_space<vmem>>
        %dma_wait3A_1003 = arith.constant 0 : i32
        %dma_wait3A_1004 = tpu.memref_slice %arg5[%dma_wait3A_996, %dma_wait3A_997, %dma_wait3A_1003] : memref<6x2x128xi32, #tpu.memory_space<vmem>> -> memref<1x1x64xi32, #tpu.memory_space<vmem>>
        %dma_wait3A_1005 = tpu.memref_squeeze %dma_wait3A_1004 : memref<1x1x64xi32, #tpu.memory_space<vmem>> -> memref<64xi32, #tpu.memory_space<vmem>>
        %dma_wait3A_1006 = arith.constant 0 : i32
        %dma_wait3A_1007 = arith.constant 0 : i32
        %dma_wait3A_1008 = tpu.memref_slice %arg2[%dma_wait3A_1006, %dma_wait3A_1007] : memref<20000x128xf32, #tpu.memory_space<hbm>> -> memref<20000x128xf32, #tpu.memory_space<hbm>>
        tpu.wait_indirect_dma semaphore(%arg15 : memref<!tpu.dma_semaphore, #tpu.memory_space<semaphore_mem>>) src(%dma_wait3A_1008 : memref<20000x128xf32, #tpu.memory_space<hbm>>) dst(%dma_wait3A_1002 : memref<64x128xf32, #tpu.memory_space<vmem>>)
        %dma_wait3A_1009 = arith.constant 4 : i32
        %dma_wait3A_1010 = arith.constant 0 : i32
        %dma_wait3A_1011 = arith.constant 1 : i32
        %dma_wait3A_1012 = arith.constant 64 : i32
        %dma_wait3A_1013 = arith.constant 0 : i32
        %dma_wait3A_1014 = tpu.memref_slice %arg6[%dma_wait3A_1011, %dma_wait3A_1012, %dma_wait3A_1013] : memref<3x128x128xf32, #tpu.memory_space<vmem>> -> memref<1x64x128xf32, #tpu.memory_space<vmem>>
        %dma_wait3A_1015 = tpu.memref_squeeze %dma_wait3A_1014 : memref<1x64x128xf32, #tpu.memory_space<vmem>> -> memref<64x128xf32, #tpu.memory_space<vmem>>
        %dma_wait3A_1016 = arith.constant 64 : i32
        %dma_wait3A_1017 = tpu.memref_slice %arg5[%dma_wait3A_1009, %dma_wait3A_1010, %dma_wait3A_1016] : memref<6x2x128xi32, #tpu.memory_space<vmem>> -> memref<1x1x64xi32, #tpu.memory_space<vmem>>
        %dma_wait3A_1018 = tpu.memref_squeeze %dma_wait3A_1017 : memref<1x1x64xi32, #tpu.memory_space<vmem>> -> memref<64xi32, #tpu.memory_space<vmem>>
        %dma_wait3A_1019 = arith.constant 0 : i32
        %dma_wait3A_1020 = arith.constant 0 : i32
        %dma_wait3A_1021 = tpu.memref_slice %arg2[%dma_wait3A_1019, %dma_wait3A_1020] : memref<20000x128xf32, #tpu.memory_space<hbm>> -> memref<20000x128xf32, #tpu.memory_space<hbm>>
        tpu.wait_indirect_dma semaphore(%arg15 : memref<!tpu.dma_semaphore, #tpu.memory_space<semaphore_mem>>) src(%dma_wait3A_1021 : memref<20000x128xf32, #tpu.memory_space<hbm>>) dst(%dma_wait3A_1015 : memref<64x128xf32, #tpu.memory_space<vmem>>)
      } else {
      }
      %mul3A_917 = arith.constant 16 : i32
      %mul3A_918 = arith.muli %mul3A_917, %add3A_857 : i32
      %add3A_919 = arith.addi %arg1, %mul3A_918 : i32
      %lt3A_920 = arith.constant 1250 : i32
      %lt3A_921 = arith.cmpi slt, %add3A_919, %lt3A_920 : i32
      %convert_element_type3A_922 = arith.extui %lt3A_921 : i1 to i32
      %cond3A_923 = arith.constant 0 : i32
      %cond3A_924 = arith.cmpi ne, %convert_element_type3A_922, %cond3A_923 : i32
      scf.if %cond3A_924 {
        %dma_start3A_996 = arith.constant 1 : i32
        %dma_start3A_997 = arith.constant 4 : i32
        %dma_start3A_998 = arith.constant 1 : i32
        %dma_start3A_999 = arith.constant 0 : i32
        %dma_start3A_1000 = arith.constant 0 : i32
        %dma_start3A_1001 = tpu.memref_slice %arg6[%dma_start3A_996, %dma_start3A_999, %dma_start3A_1000] : memref<3x128x128xf32, #tpu.memory_space<vmem>> -> memref<1x64x128xf32, #tpu.memory_space<vmem>>
        %dma_start3A_1002 = tpu.memref_squeeze %dma_start3A_1001 : memref<1x64x128xf32, #tpu.memory_space<vmem>> -> memref<64x128xf32, #tpu.memory_space<vmem>>
        %dma_start3A_1003 = arith.constant 0 : i32
        %dma_start3A_1004 = tpu.memref_slice %arg5[%dma_start3A_997, %dma_start3A_998, %dma_start3A_1003] : memref<6x2x128xi32, #tpu.memory_space<vmem>> -> memref<1x1x64xi32, #tpu.memory_space<vmem>>
        %dma_start3A_1005 = tpu.memref_squeeze %dma_start3A_1004 : memref<1x1x64xi32, #tpu.memory_space<vmem>> -> memref<64xi32, #tpu.memory_space<vmem>>
        %dma_start3A_1006 = arith.constant 0 : i32
        %dma_start3A_1007 = arith.constant 0 : i32
        %dma_start3A_1008 = tpu.memref_slice %arg7[%dma_start3A_1006, %dma_start3A_1007] : memref<10000x128xf32, #tpu.memory_space<vmem_shared>> -> memref<10000x128xf32, #tpu.memory_space<vmem_shared>>
        tpu.enqueue_indirect_dma source(%dma_start3A_1002 : memref<64x128xf32, #tpu.memory_space<vmem>>) target(%dma_start3A_1008 : memref<10000x128xf32, #tpu.memory_space<vmem_shared>>) offsets(%dma_start3A_1005 : memref<64xi32, #tpu.memory_space<vmem>>) semaphore(%arg18 : memref<!tpu.dma_semaphore, #tpu.memory_space<semaphore_mem>>) {add = true}
        %dma_start3A_1009 = arith.constant 1 : i32
        %dma_start3A_1010 = arith.constant 4 : i32
        %dma_start3A_1011 = arith.constant 1 : i32
        %dma_start3A_1012 = arith.constant 64 : i32
        %dma_start3A_1013 = arith.constant 0 : i32
        %dma_start3A_1014 = tpu.memref_slice %arg6[%dma_start3A_1009, %dma_start3A_1012, %dma_start3A_1013] : memref<3x128x128xf32, #tpu.memory_space<vmem>> -> memref<1x64x128xf32, #tpu.memory_space<vmem>>
        %dma_start3A_1015 = tpu.memref_squeeze %dma_start3A_1014 : memref<1x64x128xf32, #tpu.memory_space<vmem>> -> memref<64x128xf32, #tpu.memory_space<vmem>>
        %dma_start3A_1016 = arith.constant 64 : i32
        %dma_start3A_1017 = tpu.memref_slice %arg5[%dma_start3A_1010, %dma_start3A_1011, %dma_start3A_1016] : memref<6x2x128xi32, #tpu.memory_space<vmem>> -> memref<1x1x64xi32, #tpu.memory_space<vmem>>
        %dma_start3A_1018 = tpu.memref_squeeze %dma_start3A_1017 : memref<1x1x64xi32, #tpu.memory_space<vmem>> -> memref<64xi32, #tpu.memory_space<vmem>>
        %dma_start3A_1019 = arith.constant 0 : i32
        %dma_start3A_1020 = arith.constant 0 : i32
        %dma_start3A_1021 = tpu.memref_slice %arg7[%dma_start3A_1019, %dma_start3A_1020] : memref<10000x128xf32, #tpu.memory_space<vmem_shared>> -> memref<10000x128xf32, #tpu.memory_space<vmem_shared>>
        tpu.enqueue_indirect_dma source(%dma_start3A_1015 : memref<64x128xf32, #tpu.memory_space<vmem>>) target(%dma_start3A_1021 : memref<10000x128xf32, #tpu.memory_space<vmem_shared>>) offsets(%dma_start3A_1018 : memref<64xi32, #tpu.memory_space<vmem>>) semaphore(%arg18 : memref<!tpu.dma_semaphore, #tpu.memory_space<semaphore_mem>>) {add = true}
      } else {
      }
      %mul3A_925 = arith.constant 6 : i32
      %mul3A_926 = arith.muli %scan3A_572, %mul3A_925 : i32
      %add3A_927 = arith.constant 5 : i32
      %add3A_928 = arith.addi %mul3A_926, %add3A_927 : i32
      %ge3A_929 = arith.constant 1 : i32
      %ge3A_930 = arith.cmpi sge, %add3A_928, %ge3A_929 : i32
      %sub3A_931 = arith.constant 1 : i32
      %sub3A_932 = arith.subi %add3A_928, %sub3A_931 : i32
      %mul3A_933 = arith.constant 16 : i32
      %mul3A_934 = arith.muli %mul3A_933, %sub3A_932 : i32
      %add3A_935 = arith.addi %arg1, %mul3A_934 : i32
      %lt3A_936 = arith.constant 1250 : i32
      %lt3A_937 = arith.cmpi slt, %add3A_935, %lt3A_936 : i32
      %and3A_938 = arith.andi %ge3A_930, %lt3A_937 : i1
      %sub3A_939 = arith.constant 1 : i32
      %sub3A_940 = arith.subi %add3A_928, %sub3A_939 : i32
      %convert_element_type3A_941 = arith.extui %and3A_938 : i1 to i32
      %cond3A_942 = arith.constant 0 : i32
      %cond3A_943 = arith.cmpi ne, %convert_element_type3A_941, %cond3A_942 : i32
      scf.if %cond3A_943 {
        %dma_wait3A_996 = arith.constant 1 : i32
        %dma_wait3A_997 = arith.constant 4 : i32
        %dma_wait3A_998 = arith.constant 1 : i32
        %dma_wait3A_999 = arith.constant 0 : i32
        %dma_wait3A_1000 = arith.constant 0 : i32
        %dma_wait3A_1001 = tpu.memref_slice %arg6[%dma_wait3A_996, %dma_wait3A_999, %dma_wait3A_1000] : memref<3x128x128xf32, #tpu.memory_space<vmem>> -> memref<1x64x128xf32, #tpu.memory_space<vmem>>
        %dma_wait3A_1002 = tpu.memref_squeeze %dma_wait3A_1001 : memref<1x64x128xf32, #tpu.memory_space<vmem>> -> memref<64x128xf32, #tpu.memory_space<vmem>>
        %dma_wait3A_1003 = arith.constant 0 : i32
        %dma_wait3A_1004 = tpu.memref_slice %arg5[%dma_wait3A_997, %dma_wait3A_998, %dma_wait3A_1003] : memref<6x2x128xi32, #tpu.memory_space<vmem>> -> memref<1x1x64xi32, #tpu.memory_space<vmem>>
        %dma_wait3A_1005 = tpu.memref_squeeze %dma_wait3A_1004 : memref<1x1x64xi32, #tpu.memory_space<vmem>> -> memref<64xi32, #tpu.memory_space<vmem>>
        %dma_wait3A_1006 = arith.constant 0 : i32
        %dma_wait3A_1007 = arith.constant 0 : i32
        %dma_wait3A_1008 = tpu.memref_slice %arg7[%dma_wait3A_1006, %dma_wait3A_1007] : memref<10000x128xf32, #tpu.memory_space<vmem_shared>> -> memref<10000x128xf32, #tpu.memory_space<vmem_shared>>
        tpu.wait_indirect_dma semaphore(%arg18 : memref<!tpu.dma_semaphore, #tpu.memory_space<semaphore_mem>>) src(%dma_wait3A_1002 : memref<64x128xf32, #tpu.memory_space<vmem>>) dst(%dma_wait3A_1008 : memref<10000x128xf32, #tpu.memory_space<vmem_shared>>)
        %dma_wait3A_1009 = arith.constant 1 : i32
        %dma_wait3A_1010 = arith.constant 4 : i32
        %dma_wait3A_1011 = arith.constant 1 : i32
        %dma_wait3A_1012 = arith.constant 64 : i32
        %dma_wait3A_1013 = arith.constant 0 : i32
        %dma_wait3A_1014 = tpu.memref_slice %arg6[%dma_wait3A_1009, %dma_wait3A_1012, %dma_wait3A_1013] : memref<3x128x128xf32, #tpu.memory_space<vmem>> -> memref<1x64x128xf32, #tpu.memory_space<vmem>>
        %dma_wait3A_1015 = tpu.memref_squeeze %dma_wait3A_1014 : memref<1x64x128xf32, #tpu.memory_space<vmem>> -> memref<64x128xf32, #tpu.memory_space<vmem>>
        %dma_wait3A_1016 = arith.constant 64 : i32
        %dma_wait3A_1017 = tpu.memref_slice %arg5[%dma_wait3A_1010, %dma_wait3A_1011, %dma_wait3A_1016] : memref<6x2x128xi32, #tpu.memory_space<vmem>> -> memref<1x1x64xi32, #tpu.memory_space<vmem>>
        %dma_wait3A_1018 = tpu.memref_squeeze %dma_wait3A_1017 : memref<1x1x64xi32, #tpu.memory_space<vmem>> -> memref<64xi32, #tpu.memory_space<vmem>>
        %dma_wait3A_1019 = arith.constant 0 : i32
        %dma_wait3A_1020 = arith.constant 0 : i32
        %dma_wait3A_1021 = tpu.memref_slice %arg7[%dma_wait3A_1019, %dma_wait3A_1020] : memref<10000x128xf32, #tpu.memory_space<vmem_shared>> -> memref<10000x128xf32, #tpu.memory_space<vmem_shared>>
        tpu.wait_indirect_dma semaphore(%arg18 : memref<!tpu.dma_semaphore, #tpu.memory_space<semaphore_mem>>) src(%dma_wait3A_1015 : memref<64x128xf32, #tpu.memory_space<vmem>>) dst(%dma_wait3A_1021 : memref<10000x128xf32, #tpu.memory_space<vmem_shared>>)
      } else {
      }
      %add3A_944 = arith.constant 2 : i32
      %add3A_945 = arith.addi %add3A_928, %add3A_944 : i32
      %mul3A_946 = arith.constant 16 : i32
      %mul3A_947 = arith.muli %mul3A_946, %add3A_945 : i32
      %add3A_948 = arith.addi %arg1, %mul3A_947 : i32
      %lt3A_949 = arith.constant 1250 : i32
      %lt3A_950 = arith.cmpi slt, %add3A_948, %lt3A_949 : i32
      %add3A_951 = arith.constant 2 : i32
      %add3A_952 = arith.addi %add3A_928, %add3A_951 : i32
      %convert_element_type3A_953 = arith.extui %lt3A_950 : i1 to i32
      %cond3A_954 = arith.constant 0 : i32
      %cond3A_955 = arith.cmpi ne, %convert_element_type3A_953, %cond3A_954 : i32
      scf.if %cond3A_955 {
        %mul3A_996 = arith.constant 16 : i32
        %mul3A_997 = arith.muli %mul3A_996, %add3A_952 : i32
        %add3A_998 = arith.addi %arg1, %mul3A_997 : i32
        %mul3A_999 = arith.constant 128 : i32
        %mul3A_1000 = arith.muli %add3A_998, %mul3A_999 : i32
        %dma_wait3A_1001 = arith.constant 0 : i32
        %dma_wait3A_1002 = arith.constant 1 : i32
        %dma_wait3A_1003 = arith.constant 0 : i32
        %dma_wait3A_1004 = arith.constant 0 : i32
        %dma_wait3A_1005 = tpu.memref_slice %arg5[%dma_wait3A_1002, %dma_wait3A_1003, %dma_wait3A_1004] : memref<6x2x128xi32, #tpu.memory_space<vmem>> -> memref<1x1x128xi32, #tpu.memory_space<vmem>>
        %dma_wait3A_1006 = tpu.memref_squeeze %dma_wait3A_1005 : memref<1x1x128xi32, #tpu.memory_space<vmem>> -> memref<128xi32, #tpu.memory_space<vmem>>
        %dma_wait3A_1007 = tpu.memref_slice %arg3[%dma_wait3A_1001, %mul3A_1000] : memref<2x160000xi32, #tpu.memory_space<hbm>> -> memref<1x128xi32, #tpu.memory_space<hbm>>
        %dma_wait3A_1008 = tpu.memref_squeeze %dma_wait3A_1007 : memref<1x128xi32, #tpu.memory_space<hbm>> -> memref<128xi32, #tpu.memory_space<hbm>>
        %dma_wait3A_1009 = arith.constant 0 : i32
        %dma_wait3A_1010 = tpu.memref_slice %arg5[%dma_wait3A_1002, %dma_wait3A_1003, %dma_wait3A_1009] : memref<6x2x128xi32, #tpu.memory_space<vmem>> -> memref<1x1x128xi32, #tpu.memory_space<vmem>>
        %dma_wait3A_1011 = tpu.memref_squeeze %dma_wait3A_1010 : memref<1x1x128xi32, #tpu.memory_space<vmem>> -> memref<128xi32, #tpu.memory_space<vmem>>
        %dma_wait3A_1012 = tpu.memref_slice %arg3[%dma_wait3A_1001, %mul3A_1000] : memref<2x160000xi32, #tpu.memory_space<hbm>> -> memref<1x128xi32, #tpu.memory_space<hbm>>
        %dma_wait3A_1013 = tpu.memref_squeeze %dma_wait3A_1012 : memref<1x128xi32, #tpu.memory_space<hbm>> -> memref<128xi32, #tpu.memory_space<hbm>>
        tpu.wait_dma2 semaphore(%arg9 : memref<!tpu.dma_semaphore, #tpu.memory_space<semaphore_mem>>) src(%dma_wait3A_1013 : memref<128xi32, #tpu.memory_space<hbm>>) dst(%dma_wait3A_1011 : memref<128xi32, #tpu.memory_space<vmem>>)
        %mul3A_1014 = arith.constant 16 : i32
        %mul3A_1015 = arith.muli %mul3A_1014, %add3A_952 : i32
        %add3A_1016 = arith.addi %arg1, %mul3A_1015 : i32
        %mul3A_1017 = arith.constant 128 : i32
        %mul3A_1018 = arith.muli %add3A_1016, %mul3A_1017 : i32
        %dma_wait3A_1019 = arith.constant 1 : i32
        %dma_wait3A_1020 = arith.constant 1 : i32
        %dma_wait3A_1021 = arith.constant 1 : i32
        %dma_wait3A_1022 = arith.constant 0 : i32
        %dma_wait3A_1023 = tpu.memref_slice %arg5[%dma_wait3A_1020, %dma_wait3A_1021, %dma_wait3A_1022] : memref<6x2x128xi32, #tpu.memory_space<vmem>> -> memref<1x1x128xi32, #tpu.memory_space<vmem>>
        %dma_wait3A_1024 = tpu.memref_squeeze %dma_wait3A_1023 : memref<1x1x128xi32, #tpu.memory_space<vmem>> -> memref<128xi32, #tpu.memory_space<vmem>>
        %dma_wait3A_1025 = tpu.memref_slice %arg3[%dma_wait3A_1019, %mul3A_1018] : memref<2x160000xi32, #tpu.memory_space<hbm>> -> memref<1x128xi32, #tpu.memory_space<hbm>>
        %dma_wait3A_1026 = tpu.memref_squeeze %dma_wait3A_1025 : memref<1x128xi32, #tpu.memory_space<hbm>> -> memref<128xi32, #tpu.memory_space<hbm>>
        %dma_wait3A_1027 = arith.constant 0 : i32
        %dma_wait3A_1028 = tpu.memref_slice %arg5[%dma_wait3A_1020, %dma_wait3A_1021, %dma_wait3A_1027] : memref<6x2x128xi32, #tpu.memory_space<vmem>> -> memref<1x1x128xi32, #tpu.memory_space<vmem>>
        %dma_wait3A_1029 = tpu.memref_squeeze %dma_wait3A_1028 : memref<1x1x128xi32, #tpu.memory_space<vmem>> -> memref<128xi32, #tpu.memory_space<vmem>>
        %dma_wait3A_1030 = tpu.memref_slice %arg3[%dma_wait3A_1019, %mul3A_1018] : memref<2x160000xi32, #tpu.memory_space<hbm>> -> memref<1x128xi32, #tpu.memory_space<hbm>>
        %dma_wait3A_1031 = tpu.memref_squeeze %dma_wait3A_1030 : memref<1x128xi32, #tpu.memory_space<hbm>> -> memref<128xi32, #tpu.memory_space<hbm>>
        tpu.wait_dma2 semaphore(%arg9 : memref<!tpu.dma_semaphore, #tpu.memory_space<semaphore_mem>>) src(%dma_wait3A_1031 : memref<128xi32, #tpu.memory_space<hbm>>) dst(%dma_wait3A_1029 : memref<128xi32, #tpu.memory_space<vmem>>)
        %get3A_1032 = arith.constant 1 : i32
        %get3A_1033 = arith.constant 0 : i32
        %get3A_1034 = arith.index_cast %get3A_1032 : i32 to index
        %get3A_1035 = arith.index_cast %get3A_1033 : i32 to index
        %get3A_1036 = arith.constant 0 : index
        %get3A_1037 = tpu.vector_load %arg5[%get3A_1034, %get3A_1035, %get3A_1036] {strides = array<i32>} : memref<6x2x128xi32, #tpu.memory_space<vmem>>, vector<1x1x16xi32>,
        %get3A_1038 = vector.shape_cast %get3A_1037 : vector<1x1x16xi32> to vector<16xi32>
        %mul3A_1039 = arith.constant 2 : i32
        %mul3A_1040 = vector.broadcast %mul3A_1039 : i32 to vector<16xi32>
        %mul3A_1041 = arith.muli %get3A_1038, %mul3A_1040 : vector<16xi32>
        %add3A_1042 = vector.broadcast %arg0 : i32 to vector<16xi32>
        %add3A_1043 = arith.addi %mul3A_1041, %add3A_1042 : vector<16xi32>
        %swap3A_1044 = arith.constant 1 : i32
        %swap3A_1045 = arith.constant 0 : i32
        %swap3A_1046 = arith.index_cast %swap3A_1044 : i32 to index
        %swap3A_1047 = arith.index_cast %swap3A_1045 : i32 to index
        %swap3A_1048 = arith.constant 0 : index
        %swap3A_1049 = tpu.vector_load %arg5[%swap3A_1046, %swap3A_1047, %swap3A_1048] {strides = array<i32>} : memref<6x2x128xi32, #tpu.memory_space<vmem>>, vector<1x1x16xi32>,
        %swap3A_1050 = vector.shape_cast %swap3A_1049 : vector<1x1x16xi32> to vector<16xi32>
        %swap3A_1051 = vector.shape_cast %add3A_1043 : vector<16xi32> to vector<1x1x16xi32>
        tpu.vector_store %arg5[%swap3A_1046, %swap3A_1047, %swap3A_1048], %swap3A_1051 {strides = array<i32>} : memref<6x2x128xi32, #tpu.memory_space<vmem>>, vector<1x1x16xi32>,
        %get3A_1052 = arith.constant 1 : i32
        %get3A_1053 = arith.constant 0 : i32
        %get3A_1054 = arith.index_cast %get3A_1052 : i32 to index
        %get3A_1055 = arith.index_cast %get3A_1053 : i32 to index
        %get3A_1056 = arith.constant 16 : index
        %get3A_1057 = tpu.vector_load %arg5[%get3A_1054, %get3A_1055, %get3A_1056] {strides = array<i32>} : memref<6x2x128xi32, #tpu.memory_space<vmem>>, vector<1x1x16xi32>,
        %get3A_1058 = vector.shape_cast %get3A_1057 : vector<1x1x16xi32> to vector<16xi32>
        %mul3A_1059 = arith.constant 2 : i32
        %mul3A_1060 = vector.broadcast %mul3A_1059 : i32 to vector<16xi32>
        %mul3A_1061 = arith.muli %get3A_1058, %mul3A_1060 : vector<16xi32>
        %add3A_1062 = vector.broadcast %arg0 : i32 to vector<16xi32>
        %add3A_1063 = arith.addi %mul3A_1061, %add3A_1062 : vector<16xi32>
        %swap3A_1064 = arith.constant 1 : i32
        %swap3A_1065 = arith.constant 0 : i32
        %swap3A_1066 = arith.index_cast %swap3A_1064 : i32 to index
        %swap3A_1067 = arith.index_cast %swap3A_1065 : i32 to index
        %swap3A_1068 = arith.constant 16 : index
        %swap3A_1069 = tpu.vector_load %arg5[%swap3A_1066, %swap3A_1067, %swap3A_1068] {strides = array<i32>} : memref<6x2x128xi32, #tpu.memory_space<vmem>>, vector<1x1x16xi32>,
        %swap3A_1070 = vector.shape_cast %swap3A_1069 : vector<1x1x16xi32> to vector<16xi32>
        %swap3A_1071 = vector.shape_cast %add3A_1063 : vector<16xi32> to vector<1x1x16xi32>
        tpu.vector_store %arg5[%swap3A_1066, %swap3A_1067, %swap3A_1068], %swap3A_1071 {strides = array<i32>} : memref<6x2x128xi32, #tpu.memory_space<vmem>>, vector<1x1x16xi32>,
        %get3A_1072 = arith.constant 1 : i32
        %get3A_1073 = arith.constant 0 : i32
        %get3A_1074 = arith.index_cast %get3A_1072 : i32 to index
        %get3A_1075 = arith.index_cast %get3A_1073 : i32 to index
        %get3A_1076 = arith.constant 32 : index
        %get3A_1077 = tpu.vector_load %arg5[%get3A_1074, %get3A_1075, %get3A_1076] {strides = array<i32>} : memref<6x2x128xi32, #tpu.memory_space<vmem>>, vector<1x1x16xi32>,
        %get3A_1078 = vector.shape_cast %get3A_1077 : vector<1x1x16xi32> to vector<16xi32>
        %mul3A_1079 = arith.constant 2 : i32
        %mul3A_1080 = vector.broadcast %mul3A_1079 : i32 to vector<16xi32>
        %mul3A_1081 = arith.muli %get3A_1078, %mul3A_1080 : vector<16xi32>
        %add3A_1082 = vector.broadcast %arg0 : i32 to vector<16xi32>
        %add3A_1083 = arith.addi %mul3A_1081, %add3A_1082 : vector<16xi32>
        %swap3A_1084 = arith.constant 1 : i32
        %swap3A_1085 = arith.constant 0 : i32
        %swap3A_1086 = arith.index_cast %swap3A_1084 : i32 to index
        %swap3A_1087 = arith.index_cast %swap3A_1085 : i32 to index
        %swap3A_1088 = arith.constant 32 : index
        %swap3A_1089 = tpu.vector_load %arg5[%swap3A_1086, %swap3A_1087, %swap3A_1088] {strides = array<i32>} : memref<6x2x128xi32, #tpu.memory_space<vmem>>, vector<1x1x16xi32>,
        %swap3A_1090 = vector.shape_cast %swap3A_1089 : vector<1x1x16xi32> to vector<16xi32>
        %swap3A_1091 = vector.shape_cast %add3A_1083 : vector<16xi32> to vector<1x1x16xi32>
        tpu.vector_store %arg5[%swap3A_1086, %swap3A_1087, %swap3A_1088], %swap3A_1091 {strides = array<i32>} : memref<6x2x128xi32, #tpu.memory_space<vmem>>, vector<1x1x16xi32>,
        %get3A_1092 = arith.constant 1 : i32
        %get3A_1093 = arith.constant 0 : i32
        %get3A_1094 = arith.index_cast %get3A_1092 : i32 to index
        %get3A_1095 = arith.index_cast %get3A_1093 : i32 to index
        %get3A_1096 = arith.constant 48 : index
        %get3A_1097 = tpu.vector_load %arg5[%get3A_1094, %get3A_1095, %get3A_1096] {strides = array<i32>} : memref<6x2x128xi32, #tpu.memory_space<vmem>>, vector<1x1x16xi32>,
        %get3A_1098 = vector.shape_cast %get3A_1097 : vector<1x1x16xi32> to vector<16xi32>
        %mul3A_1099 = arith.constant 2 : i32
        %mul3A_1100 = vector.broadcast %mul3A_1099 : i32 to vector<16xi32>
        %mul3A_1101 = arith.muli %get3A_1098, %mul3A_1100 : vector<16xi32>
        %add3A_1102 = vector.broadcast %arg0 : i32 to vector<16xi32>
        %add3A_1103 = arith.addi %mul3A_1101, %add3A_1102 : vector<16xi32>
        %swap3A_1104 = arith.constant 1 : i32
        %swap3A_1105 = arith.constant 0 : i32
        %swap3A_1106 = arith.index_cast %swap3A_1104 : i32 to index
        %swap3A_1107 = arith.index_cast %swap3A_1105 : i32 to index
        %swap3A_1108 = arith.constant 48 : index
        %swap3A_1109 = tpu.vector_load %arg5[%swap3A_1106, %swap3A_1107, %swap3A_1108] {strides = array<i32>} : memref<6x2x128xi32, #tpu.memory_space<vmem>>, vector<1x1x16xi32>,
        %swap3A_1110 = vector.shape_cast %swap3A_1109 : vector<1x1x16xi32> to vector<16xi32>
        %swap3A_1111 = vector.shape_cast %add3A_1103 : vector<16xi32> to vector<1x1x16xi32>
        tpu.vector_store %arg5[%swap3A_1106, %swap3A_1107, %swap3A_1108], %swap3A_1111 {strides = array<i32>} : memref<6x2x128xi32, #tpu.memory_space<vmem>>, vector<1x1x16xi32>,
        %get3A_1112 = arith.constant 1 : i32
        %get3A_1113 = arith.constant 0 : i32
        %get3A_1114 = arith.index_cast %get3A_1112 : i32 to index
        %get3A_1115 = arith.index_cast %get3A_1113 : i32 to index
        %get3A_1116 = arith.constant 64 : index
        %get3A_1117 = tpu.vector_load %arg5[%get3A_1114, %get3A_1115, %get3A_1116] {strides = array<i32>} : memref<6x2x128xi32, #tpu.memory_space<vmem>>, vector<1x1x16xi32>,
        %get3A_1118 = vector.shape_cast %get3A_1117 : vector<1x1x16xi32> to vector<16xi32>
        %mul3A_1119 = arith.constant 2 : i32
        %mul3A_1120 = vector.broadcast %mul3A_1119 : i32 to vector<16xi32>
        %mul3A_1121 = arith.muli %get3A_1118, %mul3A_1120 : vector<16xi32>
        %add3A_1122 = vector.broadcast %arg0 : i32 to vector<16xi32>
        %add3A_1123 = arith.addi %mul3A_1121, %add3A_1122 : vector<16xi32>
        %swap3A_1124 = arith.constant 1 : i32
        %swap3A_1125 = arith.constant 0 : i32
        %swap3A_1126 = arith.index_cast %swap3A_1124 : i32 to index
        %swap3A_1127 = arith.index_cast %swap3A_1125 : i32 to index
        %swap3A_1128 = arith.constant 64 : index
        %swap3A_1129 = tpu.vector_load %arg5[%swap3A_1126, %swap3A_1127, %swap3A_1128] {strides = array<i32>} : memref<6x2x128xi32, #tpu.memory_space<vmem>>, vector<1x1x16xi32>,
        %swap3A_1130 = vector.shape_cast %swap3A_1129 : vector<1x1x16xi32> to vector<16xi32>
        %swap3A_1131 = vector.shape_cast %add3A_1123 : vector<16xi32> to vector<1x1x16xi32>
        tpu.vector_store %arg5[%swap3A_1126, %swap3A_1127, %swap3A_1128], %swap3A_1131 {strides = array<i32>} : memref<6x2x128xi32, #tpu.memory_space<vmem>>, vector<1x1x16xi32>,
        %get3A_1132 = arith.constant 1 : i32
        %get3A_1133 = arith.constant 0 : i32
        %get3A_1134 = arith.index_cast %get3A_1132 : i32 to index
        %get3A_1135 = arith.index_cast %get3A_1133 : i32 to index
        %get3A_1136 = arith.constant 80 : index
        %get3A_1137 = tpu.vector_load %arg5[%get3A_1134, %get3A_1135, %get3A_1136] {strides = array<i32>} : memref<6x2x128xi32, #tpu.memory_space<vmem>>, vector<1x1x16xi32>,
        %get3A_1138 = vector.shape_cast %get3A_1137 : vector<1x1x16xi32> to vector<16xi32>
        %mul3A_1139 = arith.constant 2 : i32
        %mul3A_1140 = vector.broadcast %mul3A_1139 : i32 to vector<16xi32>
        %mul3A_1141 = arith.muli %get3A_1138, %mul3A_1140 : vector<16xi32>
        %add3A_1142 = vector.broadcast %arg0 : i32 to vector<16xi32>
        %add3A_1143 = arith.addi %mul3A_1141, %add3A_1142 : vector<16xi32>
        %swap3A_1144 = arith.constant 1 : i32
        %swap3A_1145 = arith.constant 0 : i32
        %swap3A_1146 = arith.index_cast %swap3A_1144 : i32 to index
        %swap3A_1147 = arith.index_cast %swap3A_1145 : i32 to index
        %swap3A_1148 = arith.constant 80 : index
        %swap3A_1149 = tpu.vector_load %arg5[%swap3A_1146, %swap3A_1147, %swap3A_1148] {strides = array<i32>} : memref<6x2x128xi32, #tpu.memory_space<vmem>>, vector<1x1x16xi32>,
        %swap3A_1150 = vector.shape_cast %swap3A_1149 : vector<1x1x16xi32> to vector<16xi32>
        %swap3A_1151 = vector.shape_cast %add3A_1143 : vector<16xi32> to vector<1x1x16xi32>
        tpu.vector_store %arg5[%swap3A_1146, %swap3A_1147, %swap3A_1148], %swap3A_1151 {strides = array<i32>} : memref<6x2x128xi32, #tpu.memory_space<vmem>>, vector<1x1x16xi32>,
        %get3A_1152 = arith.constant 1 : i32
        %get3A_1153 = arith.constant 0 : i32
        %get3A_1154 = arith.index_cast %get3A_1152 : i32 to index
        %get3A_1155 = arith.index_cast %get3A_1153 : i32 to index
        %get3A_1156 = arith.constant 96 : index
        %get3A_1157 = tpu.vector_load %arg5[%get3A_1154, %get3A_1155, %get3A_1156] {strides = array<i32>} : memref<6x2x128xi32, #tpu.memory_space<vmem>>, vector<1x1x16xi32>,
        %get3A_1158 = vector.shape_cast %get3A_1157 : vector<1x1x16xi32> to vector<16xi32>
        %mul3A_1159 = arith.constant 2 : i32
        %mul3A_1160 = vector.broadcast %mul3A_1159 : i32 to vector<16xi32>
        %mul3A_1161 = arith.muli %get3A_1158, %mul3A_1160 : vector<16xi32>
        %add3A_1162 = vector.broadcast %arg0 : i32 to vector<16xi32>
        %add3A_1163 = arith.addi %mul3A_1161, %add3A_1162 : vector<16xi32>
        %swap3A_1164 = arith.constant 1 : i32
        %swap3A_1165 = arith.constant 0 : i32
        %swap3A_1166 = arith.index_cast %swap3A_1164 : i32 to index
        %swap3A_1167 = arith.index_cast %swap3A_1165 : i32 to index
        %swap3A_1168 = arith.constant 96 : index
        %swap3A_1169 = tpu.vector_load %arg5[%swap3A_1166, %swap3A_1167, %swap3A_1168] {strides = array<i32>} : memref<6x2x128xi32, #tpu.memory_space<vmem>>, vector<1x1x16xi32>,
        %swap3A_1170 = vector.shape_cast %swap3A_1169 : vector<1x1x16xi32> to vector<16xi32>
        %swap3A_1171 = vector.shape_cast %add3A_1163 : vector<16xi32> to vector<1x1x16xi32>
        tpu.vector_store %arg5[%swap3A_1166, %swap3A_1167, %swap3A_1168], %swap3A_1171 {strides = array<i32>} : memref<6x2x128xi32, #tpu.memory_space<vmem>>, vector<1x1x16xi32>,
        %get3A_1172 = arith.constant 1 : i32
        %get3A_1173 = arith.constant 0 : i32
        %get3A_1174 = arith.index_cast %get3A_1172 : i32 to index
        %get3A_1175 = arith.index_cast %get3A_1173 : i32 to index
        %get3A_1176 = arith.constant 112 : index
        %get3A_1177 = tpu.vector_load %arg5[%get3A_1174, %get3A_1175, %get3A_1176] {strides = array<i32>} : memref<6x2x128xi32, #tpu.memory_space<vmem>>, vector<1x1x16xi32>,
        %get3A_1178 = vector.shape_cast %get3A_1177 : vector<1x1x16xi32> to vector<16xi32>
        %mul3A_1179 = arith.constant 2 : i32
        %mul3A_1180 = vector.broadcast %mul3A_1179 : i32 to vector<16xi32>
        %mul3A_1181 = arith.muli %get3A_1178, %mul3A_1180 : vector<16xi32>
        %add3A_1182 = vector.broadcast %arg0 : i32 to vector<16xi32>
        %add3A_1183 = arith.addi %mul3A_1181, %add3A_1182 : vector<16xi32>
        %swap3A_1184 = arith.constant 1 : i32
        %swap3A_1185 = arith.constant 0 : i32
        %swap3A_1186 = arith.index_cast %swap3A_1184 : i32 to index
        %swap3A_1187 = arith.index_cast %swap3A_1185 : i32 to index
        %swap3A_1188 = arith.constant 112 : index
        %swap3A_1189 = tpu.vector_load %arg5[%swap3A_1186, %swap3A_1187, %swap3A_1188] {strides = array<i32>} : memref<6x2x128xi32, #tpu.memory_space<vmem>>, vector<1x1x16xi32>,
        %swap3A_1190 = vector.shape_cast %swap3A_1189 : vector<1x1x16xi32> to vector<16xi32>
        %swap3A_1191 = vector.shape_cast %add3A_1183 : vector<16xi32> to vector<1x1x16xi32>
        tpu.vector_store %arg5[%swap3A_1186, %swap3A_1187, %swap3A_1188], %swap3A_1191 {strides = array<i32>} : memref<6x2x128xi32, #tpu.memory_space<vmem>>, vector<1x1x16xi32>,
      } else {
      }
      %add3A_956 = arith.constant 2 : i32
      %add3A_957 = arith.addi %add3A_928, %add3A_956 : i32
      %mul3A_958 = arith.constant 16 : i32
      %mul3A_959 = arith.muli %mul3A_958, %add3A_957 : i32
      %add3A_960 = arith.addi %arg1, %mul3A_959 : i32
      %lt3A_961 = arith.constant 1250 : i32
      %lt3A_962 = arith.cmpi slt, %add3A_960, %lt3A_961 : i32
      %add3A_963 = arith.constant 2 : i32
      %add3A_964 = arith.addi %add3A_928, %add3A_963 : i32
      %convert_element_type3A_965 = arith.extui %lt3A_962 : i1 to i32
      %cond3A_966 = arith.constant 0 : i32
      %cond3A_967 = arith.cmpi ne, %convert_element_type3A_965, %cond3A_966 : i32
      scf.if %cond3A_967 {
        %dma_start3A_996 = arith.constant 1 : i32
        %dma_start3A_997 = arith.constant 0 : i32
        %dma_start3A_998 = arith.constant 1 : i32
        %dma_start3A_999 = arith.constant 0 : i32
        %dma_start3A_1000 = arith.constant 0 : i32
        %dma_start3A_1001 = tpu.memref_slice %arg6[%dma_start3A_998, %dma_start3A_999, %dma_start3A_1000] : memref<3x128x128xf32, #tpu.memory_space<vmem>> -> memref<1x64x128xf32, #tpu.memory_space<vmem>>
        %dma_start3A_1002 = tpu.memref_squeeze %dma_start3A_1001 : memref<1x64x128xf32, #tpu.memory_space<vmem>> -> memref<64x128xf32, #tpu.memory_space<vmem>>
        %dma_start3A_1003 = arith.constant 0 : i32
        %dma_start3A_1004 = tpu.memref_slice %arg5[%dma_start3A_996, %dma_start3A_997, %dma_start3A_1003] : memref<6x2x128xi32, #tpu.memory_space<vmem>> -> memref<1x1x64xi32, #tpu.memory_space<vmem>>
        %dma_start3A_1005 = tpu.memref_squeeze %dma_start3A_1004 : memref<1x1x64xi32, #tpu.memory_space<vmem>> -> memref<64xi32, #tpu.memory_space<vmem>>
        %dma_start3A_1006 = arith.constant 0 : i32
        %dma_start3A_1007 = arith.constant 0 : i32
        %dma_start3A_1008 = tpu.memref_slice %arg2[%dma_start3A_1006, %dma_start3A_1007] : memref<20000x128xf32, #tpu.memory_space<hbm>> -> memref<20000x128xf32, #tpu.memory_space<hbm>>
        tpu.enqueue_indirect_dma source(%dma_start3A_1008 : memref<20000x128xf32, #tpu.memory_space<hbm>>) target(%dma_start3A_1002 : memref<64x128xf32, #tpu.memory_space<vmem>>) offsets(%dma_start3A_1005 : memref<64xi32, #tpu.memory_space<vmem>>) semaphore(%arg15 : memref<!tpu.dma_semaphore, #tpu.memory_space<semaphore_mem>>)
        %dma_start3A_1009 = arith.constant 1 : i32
        %dma_start3A_1010 = arith.constant 0 : i32
        %dma_start3A_1011 = arith.constant 1 : i32
        %dma_start3A_1012 = arith.constant 64 : i32
        %dma_start3A_1013 = arith.constant 0 : i32
        %dma_start3A_1014 = tpu.memref_slice %arg6[%dma_start3A_1011, %dma_start3A_1012, %dma_start3A_1013] : memref<3x128x128xf32, #tpu.memory_space<vmem>> -> memref<1x64x128xf32, #tpu.memory_space<vmem>>
        %dma_start3A_1015 = tpu.memref_squeeze %dma_start3A_1014 : memref<1x64x128xf32, #tpu.memory_space<vmem>> -> memref<64x128xf32, #tpu.memory_space<vmem>>
        %dma_start3A_1016 = arith.constant 64 : i32
        %dma_start3A_1017 = tpu.memref_slice %arg5[%dma_start3A_1009, %dma_start3A_1010, %dma_start3A_1016] : memref<6x2x128xi32, #tpu.memory_space<vmem>> -> memref<1x1x64xi32, #tpu.memory_space<vmem>>
        %dma_start3A_1018 = tpu.memref_squeeze %dma_start3A_1017 : memref<1x1x64xi32, #tpu.memory_space<vmem>> -> memref<64xi32, #tpu.memory_space<vmem>>
        %dma_start3A_1019 = arith.constant 0 : i32
        %dma_start3A_1020 = arith.constant 0 : i32
        %dma_start3A_1021 = tpu.memref_slice %arg2[%dma_start3A_1019, %dma_start3A_1020] : memref<20000x128xf32, #tpu.memory_space<hbm>> -> memref<20000x128xf32, #tpu.memory_space<hbm>>
        tpu.enqueue_indirect_dma source(%dma_start3A_1021 : memref<20000x128xf32, #tpu.memory_space<hbm>>) target(%dma_start3A_1015 : memref<64x128xf32, #tpu.memory_space<vmem>>) offsets(%dma_start3A_1018 : memref<64xi32, #tpu.memory_space<vmem>>) semaphore(%arg15 : memref<!tpu.dma_semaphore, #tpu.memory_space<semaphore_mem>>)
      } else {
      }
      %add3A_968 = arith.constant 3 : i32
      %add3A_969 = arith.addi %add3A_928, %add3A_968 : i32
      %mul3A_970 = arith.constant 16 : i32
      %mul3A_971 = arith.muli %mul3A_970, %add3A_969 : i32
      %add3A_972 = arith.addi %arg1, %mul3A_971 : i32
      %lt3A_973 = arith.constant 1250 : i32
      %lt3A_974 = arith.cmpi slt, %add3A_972, %lt3A_973 : i32
      %add3A_975 = arith.constant 3 : i32
      %add3A_976 = arith.addi %add3A_928, %add3A_975 : i32
      %convert_element_type3A_977 = arith.extui %lt3A_974 : i1 to i32
      %cond3A_978 = arith.constant 0 : i32
      %cond3A_979 = arith.cmpi ne, %convert_element_type3A_977, %cond3A_978 : i32
      scf.if %cond3A_979 {
        %mul3A_996 = arith.constant 16 : i32
        %mul3A_997 = arith.muli %mul3A_996, %add3A_976 : i32
        %add3A_998 = arith.addi %arg1, %mul3A_997 : i32
        %mul3A_999 = arith.constant 128 : i32
        %mul3A_1000 = arith.muli %add3A_998, %mul3A_999 : i32
        %dma_start3A_1001 = arith.constant 0 : i32
        %dma_start3A_1002 = arith.constant 2 : i32
        %dma_start3A_1003 = arith.constant 0 : i32
        %dma_start3A_1004 = arith.constant 0 : i32
        %dma_start3A_1005 = tpu.memref_slice %arg5[%dma_start3A_1002, %dma_start3A_1003, %dma_start3A_1004] : memref<6x2x128xi32, #tpu.memory_space<vmem>> -> memref<1x1x128xi32, #tpu.memory_space<vmem>>
        %dma_start3A_1006 = tpu.memref_squeeze %dma_start3A_1005 : memref<1x1x128xi32, #tpu.memory_space<vmem>> -> memref<128xi32, #tpu.memory_space<vmem>>
        %dma_start3A_1007 = tpu.memref_slice %arg3[%dma_start3A_1001, %mul3A_1000] : memref<2x160000xi32, #tpu.memory_space<hbm>> -> memref<1x128xi32, #tpu.memory_space<hbm>>
        %dma_start3A_1008 = tpu.memref_squeeze %dma_start3A_1007 : memref<1x128xi32, #tpu.memory_space<hbm>> -> memref<128xi32, #tpu.memory_space<hbm>>
        %dma_start3A_1009 = arith.constant 0 : i32
        %dma_start3A_1010 = tpu.memref_slice %arg5[%dma_start3A_1002, %dma_start3A_1003, %dma_start3A_1009] : memref<6x2x128xi32, #tpu.memory_space<vmem>> -> memref<1x1x128xi32, #tpu.memory_space<vmem>>
        %dma_start3A_1011 = tpu.memref_squeeze %dma_start3A_1010 : memref<1x1x128xi32, #tpu.memory_space<vmem>> -> memref<128xi32, #tpu.memory_space<vmem>>
        %dma_start3A_1012 = tpu.memref_slice %arg3[%dma_start3A_1001, %mul3A_1000] : memref<2x160000xi32, #tpu.memory_space<hbm>> -> memref<1x128xi32, #tpu.memory_space<hbm>>
        %dma_start3A_1013 = tpu.memref_squeeze %dma_start3A_1012 : memref<1x128xi32, #tpu.memory_space<hbm>> -> memref<128xi32, #tpu.memory_space<hbm>>
        tpu.enqueue_dma source(%dma_start3A_1013 : memref<128xi32, #tpu.memory_space<hbm>>) target(%dma_start3A_1011 : memref<128xi32, #tpu.memory_space<vmem>>) target_semaphore(%arg10 : memref<!tpu.dma_semaphore, #tpu.memory_space<semaphore_mem>>)
        %mul3A_1014 = arith.constant 16 : i32
        %mul3A_1015 = arith.muli %mul3A_1014, %add3A_976 : i32
        %add3A_1016 = arith.addi %arg1, %mul3A_1015 : i32
        %mul3A_1017 = arith.constant 128 : i32
        %mul3A_1018 = arith.muli %add3A_1016, %mul3A_1017 : i32
        %dma_start3A_1019 = arith.constant 1 : i32
        %dma_start3A_1020 = arith.constant 2 : i32
        %dma_start3A_1021 = arith.constant 1 : i32
        %dma_start3A_1022 = arith.constant 0 : i32
        %dma_start3A_1023 = tpu.memref_slice %arg5[%dma_start3A_1020, %dma_start3A_1021, %dma_start3A_1022] : memref<6x2x128xi32, #tpu.memory_space<vmem>> -> memref<1x1x128xi32, #tpu.memory_space<vmem>>
        %dma_start3A_1024 = tpu.memref_squeeze %dma_start3A_1023 : memref<1x1x128xi32, #tpu.memory_space<vmem>> -> memref<128xi32, #tpu.memory_space<vmem>>
        %dma_start3A_1025 = tpu.memref_slice %arg3[%dma_start3A_1019, %mul3A_1018] : memref<2x160000xi32, #tpu.memory_space<hbm>> -> memref<1x128xi32, #tpu.memory_space<hbm>>
        %dma_start3A_1026 = tpu.memref_squeeze %dma_start3A_1025 : memref<1x128xi32, #tpu.memory_space<hbm>> -> memref<128xi32, #tpu.memory_space<hbm>>
        %dma_start3A_1027 = arith.constant 0 : i32
        %dma_start3A_1028 = tpu.memref_slice %arg5[%dma_start3A_1020, %dma_start3A_1021, %dma_start3A_1027] : memref<6x2x128xi32, #tpu.memory_space<vmem>> -> memref<1x1x128xi32, #tpu.memory_space<vmem>>
        %dma_start3A_1029 = tpu.memref_squeeze %dma_start3A_1028 : memref<1x1x128xi32, #tpu.memory_space<vmem>> -> memref<128xi32, #tpu.memory_space<vmem>>
        %dma_start3A_1030 = tpu.memref_slice %arg3[%dma_start3A_1019, %mul3A_1018] : memref<2x160000xi32, #tpu.memory_space<hbm>> -> memref<1x128xi32, #tpu.memory_space<hbm>>
        %dma_start3A_1031 = tpu.memref_squeeze %dma_start3A_1030 : memref<1x128xi32, #tpu.memory_space<hbm>> -> memref<128xi32, #tpu.memory_space<hbm>>
        tpu.enqueue_dma source(%dma_start3A_1031 : memref<128xi32, #tpu.memory_space<hbm>>) target(%dma_start3A_1029 : memref<128xi32, #tpu.memory_space<vmem>>) target_semaphore(%arg10 : memref<!tpu.dma_semaphore, #tpu.memory_space<semaphore_mem>>)
      } else {
      }
      %mul3A_980 = arith.constant 16 : i32
      %mul3A_981 = arith.muli %mul3A_980, %add3A_928 : i32
      %add3A_982 = arith.addi %arg1, %mul3A_981 : i32
      %lt3A_983 = arith.constant 1250 : i32
      %lt3A_984 = arith.cmpi slt, %add3A_982, %lt3A_983 : i32
      %convert_element_type3A_985 = arith.extui %lt3A_984 : i1 to i32
      %cond3A_986 = arith.constant 0 : i32
      %cond3A_987 = arith.cmpi ne, %convert_element_type3A_985, %cond3A_986 : i32
      scf.if %cond3A_987 {
        %dma_wait3A_996 = arith.constant 5 : i32
        %dma_wait3A_997 = arith.constant 0 : i32
        %dma_wait3A_998 = arith.constant 2 : i32
        %dma_wait3A_999 = arith.constant 0 : i32
        %dma_wait3A_1000 = arith.constant 0 : i32
        %dma_wait3A_1001 = tpu.memref_slice %arg6[%dma_wait3A_998, %dma_wait3A_999, %dma_wait3A_1000] : memref<3x128x128xf32, #tpu.memory_space<vmem>> -> memref<1x64x128xf32, #tpu.memory_space<vmem>>
        %dma_wait3A_1002 = tpu.memref_squeeze %dma_wait3A_1001 : memref<1x64x128xf32, #tpu.memory_space<vmem>> -> memref<64x128xf32, #tpu.memory_space<vmem>>
        %dma_wait3A_1003 = arith.constant 0 : i32
        %dma_wait3A_1004 = tpu.memref_slice %arg5[%dma_wait3A_996, %dma_wait3A_997, %dma_wait3A_1003] : memref<6x2x128xi32, #tpu.memory_space<vmem>> -> memref<1x1x64xi32, #tpu.memory_space<vmem>>
        %dma_wait3A_1005 = tpu.memref_squeeze %dma_wait3A_1004 : memref<1x1x64xi32, #tpu.memory_space<vmem>> -> memref<64xi32, #tpu.memory_space<vmem>>
        %dma_wait3A_1006 = arith.constant 0 : i32
        %dma_wait3A_1007 = arith.constant 0 : i32
        %dma_wait3A_1008 = tpu.memref_slice %arg2[%dma_wait3A_1006, %dma_wait3A_1007] : memref<20000x128xf32, #tpu.memory_space<hbm>> -> memref<20000x128xf32, #tpu.memory_space<hbm>>
        tpu.wait_indirect_dma semaphore(%arg16 : memref<!tpu.dma_semaphore, #tpu.memory_space<semaphore_mem>>) src(%dma_wait3A_1008 : memref<20000x128xf32, #tpu.memory_space<hbm>>) dst(%dma_wait3A_1002 : memref<64x128xf32, #tpu.memory_space<vmem>>)
        %dma_wait3A_1009 = arith.constant 5 : i32
        %dma_wait3A_1010 = arith.constant 0 : i32
        %dma_wait3A_1011 = arith.constant 2 : i32
        %dma_wait3A_1012 = arith.constant 64 : i32
        %dma_wait3A_1013 = arith.constant 0 : i32
        %dma_wait3A_1014 = tpu.memref_slice %arg6[%dma_wait3A_1011, %dma_wait3A_1012, %dma_wait3A_1013] : memref<3x128x128xf32, #tpu.memory_space<vmem>> -> memref<1x64x128xf32, #tpu.memory_space<vmem>>
        %dma_wait3A_1015 = tpu.memref_squeeze %dma_wait3A_1014 : memref<1x64x128xf32, #tpu.memory_space<vmem>> -> memref<64x128xf32, #tpu.memory_space<vmem>>
        %dma_wait3A_1016 = arith.constant 64 : i32
        %dma_wait3A_1017 = tpu.memref_slice %arg5[%dma_wait3A_1009, %dma_wait3A_1010, %dma_wait3A_1016] : memref<6x2x128xi32, #tpu.memory_space<vmem>> -> memref<1x1x64xi32, #tpu.memory_space<vmem>>
        %dma_wait3A_1018 = tpu.memref_squeeze %dma_wait3A_1017 : memref<1x1x64xi32, #tpu.memory_space<vmem>> -> memref<64xi32, #tpu.memory_space<vmem>>
        %dma_wait3A_1019 = arith.constant 0 : i32
        %dma_wait3A_1020 = arith.constant 0 : i32
        %dma_wait3A_1021 = tpu.memref_slice %arg2[%dma_wait3A_1019, %dma_wait3A_1020] : memref<20000x128xf32, #tpu.memory_space<hbm>> -> memref<20000x128xf32, #tpu.memory_space<hbm>>
        tpu.wait_indirect_dma semaphore(%arg16 : memref<!tpu.dma_semaphore, #tpu.memory_space<semaphore_mem>>) src(%dma_wait3A_1021 : memref<20000x128xf32, #tpu.memory_space<hbm>>) dst(%dma_wait3A_1015 : memref<64x128xf32, #tpu.memory_space<vmem>>)
      } else {
      }
      %mul3A_988 = arith.constant 16 : i32
      %mul3A_989 = arith.muli %mul3A_988, %add3A_928 : i32
      %add3A_990 = arith.addi %arg1, %mul3A_989 : i32
      %lt3A_991 = arith.constant 1250 : i32
      %lt3A_992 = arith.cmpi slt, %add3A_990, %lt3A_991 : i32
      %convert_element_type3A_993 = arith.extui %lt3A_992 : i1 to i32
      %cond3A_994 = arith.constant 0 : i32
      %cond3A_995 = arith.cmpi ne, %convert_element_type3A_993, %cond3A_994 : i32
      scf.if %cond3A_995 {
        %dma_start3A_996 = arith.constant 2 : i32
        %dma_start3A_997 = arith.constant 5 : i32
        %dma_start3A_998 = arith.constant 1 : i32
        %dma_start3A_999 = arith.constant 0 : i32
        %dma_start3A_1000 = arith.constant 0 : i32
        %dma_start3A_1001 = tpu.memref_slice %arg6[%dma_start3A_996, %dma_start3A_999, %dma_start3A_1000] : memref<3x128x128xf32, #tpu.memory_space<vmem>> -> memref<1x64x128xf32, #tpu.memory_space<vmem>>
        %dma_start3A_1002 = tpu.memref_squeeze %dma_start3A_1001 : memref<1x64x128xf32, #tpu.memory_space<vmem>> -> memref<64x128xf32, #tpu.memory_space<vmem>>
        %dma_start3A_1003 = arith.constant 0 : i32
        %dma_start3A_1004 = tpu.memref_slice %arg5[%dma_start3A_997, %dma_start3A_998, %dma_start3A_1003] : memref<6x2x128xi32, #tpu.memory_space<vmem>> -> memref<1x1x64xi32, #tpu.memory_space<vmem>>
        %dma_start3A_1005 = tpu.memref_squeeze %dma_start3A_1004 : memref<1x1x64xi32, #tpu.memory_space<vmem>> -> memref<64xi32, #tpu.memory_space<vmem>>
        %dma_start3A_1006 = arith.constant 0 : i32
        %dma_start3A_1007 = arith.constant 0 : i32
        %dma_start3A_1008 = tpu.memref_slice %arg7[%dma_start3A_1006, %dma_start3A_1007] : memref<10000x128xf32, #tpu.memory_space<vmem_shared>> -> memref<10000x128xf32, #tpu.memory_space<vmem_shared>>
        tpu.enqueue_indirect_dma source(%dma_start3A_1002 : memref<64x128xf32, #tpu.memory_space<vmem>>) target(%dma_start3A_1008 : memref<10000x128xf32, #tpu.memory_space<vmem_shared>>) offsets(%dma_start3A_1005 : memref<64xi32, #tpu.memory_space<vmem>>) semaphore(%arg19 : memref<!tpu.dma_semaphore, #tpu.memory_space<semaphore_mem>>) {add = true}
        %dma_start3A_1009 = arith.constant 2 : i32
        %dma_start3A_1010 = arith.constant 5 : i32
        %dma_start3A_1011 = arith.constant 1 : i32
        %dma_start3A_1012 = arith.constant 64 : i32
        %dma_start3A_1013 = arith.constant 0 : i32
        %dma_start3A_1014 = tpu.memref_slice %arg6[%dma_start3A_1009, %dma_start3A_1012, %dma_start3A_1013] : memref<3x128x128xf32, #tpu.memory_space<vmem>> -> memref<1x64x128xf32, #tpu.memory_space<vmem>>
        %dma_start3A_1015 = tpu.memref_squeeze %dma_start3A_1014 : memref<1x64x128xf32, #tpu.memory_space<vmem>> -> memref<64x128xf32, #tpu.memory_space<vmem>>
        %dma_start3A_1016 = arith.constant 64 : i32
        %dma_start3A_1017 = tpu.memref_slice %arg5[%dma_start3A_1010, %dma_start3A_1011, %dma_start3A_1016] : memref<6x2x128xi32, #tpu.memory_space<vmem>> -> memref<1x1x64xi32, #tpu.memory_space<vmem>>
        %dma_start3A_1018 = tpu.memref_squeeze %dma_start3A_1017 : memref<1x1x64xi32, #tpu.memory_space<vmem>> -> memref<64xi32, #tpu.memory_space<vmem>>
        %dma_start3A_1019 = arith.constant 0 : i32
        %dma_start3A_1020 = arith.constant 0 : i32
        %dma_start3A_1021 = tpu.memref_slice %arg7[%dma_start3A_1019, %dma_start3A_1020] : memref<10000x128xf32, #tpu.memory_space<vmem_shared>> -> memref<10000x128xf32, #tpu.memory_space<vmem_shared>>
        tpu.enqueue_indirect_dma source(%dma_start3A_1015 : memref<64x128xf32, #tpu.memory_space<vmem>>) target(%dma_start3A_1021 : memref<10000x128xf32, #tpu.memory_space<vmem_shared>>) offsets(%dma_start3A_1018 : memref<64xi32, #tpu.memory_space<vmem>>) semaphore(%arg19 : memref<!tpu.dma_semaphore, #tpu.memory_space<semaphore_mem>>) {add = true}
      } else {
      }
    }
    %scan3A_565 = arith.constant 14 : i32
    %barrier3A_566 = arith.constant 0 : index
    tpu.barrier barrier_id(%barrier3A_566)
    "tpu.region"() ({
      %run_scoped3A_572 = tpu.sem_alloc : memref<!tpu.dma_semaphore, #tpu.memory_space<semaphore_mem>>
      %dma_start3A_573 = arith.constant 0 : i32
      %dma_start3A_574 = tpu.memref_slice %arg4[%arg0, %mul3A_105, %dma_start3A_573] : memref<2x10000x128xf32, #tpu.memory_space<hbm>> -> memref<1x624x128xf32, #tpu.memory_space<hbm>>
      %dma_start3A_575 = tpu.memref_squeeze %dma_start3A_574 : memref<1x624x128xf32, #tpu.memory_space<hbm>> -> memref<624x128xf32, #tpu.memory_space<hbm>>
      %dma_start3A_576 = arith.constant 0 : i32
      %dma_start3A_577 = tpu.memref_slice %arg7[%mul3A_105, %dma_start3A_576] : memref<10000x128xf32, #tpu.memory_space<vmem_shared>> -> memref<624x128xf32, #tpu.memory_space<vmem_shared>>
      tpu.enqueue_dma source(%dma_start3A_577 : memref<624x128xf32, #tpu.memory_space<vmem_shared>>) target(%dma_start3A_575 : memref<624x128xf32, #tpu.memory_space<hbm>>) target_semaphore(%run_scoped3A_572 : memref<!tpu.dma_semaphore, #tpu.memory_space<semaphore_mem>>)
      %dma_wait3A_578 = arith.constant 0 : i32
      %dma_wait3A_579 = tpu.memref_slice %arg4[%arg0, %mul3A_105, %dma_wait3A_578] : memref<2x10000x128xf32, #tpu.memory_space<hbm>> -> memref<1x624x128xf32, #tpu.memory_space<hbm>>
      %dma_wait3A_580 = tpu.memref_squeeze %dma_wait3A_579 : memref<1x624x128xf32, #tpu.memory_space<hbm>> -> memref<624x128xf32, #tpu.memory_space<hbm>>
      %dma_wait3A_581 = arith.constant 0 : i32
      %dma_wait3A_582 = tpu.memref_slice %arg7[%mul3A_105, %dma_wait3A_581] : memref<10000x128xf32, #tpu.memory_space<vmem_shared>> -> memref<624x128xf32, #tpu.memory_space<vmem_shared>>
      tpu.wait_dma2 semaphore(%run_scoped3A_572 : memref<!tpu.dma_semaphore, #tpu.memory_space<semaphore_mem>>) src(%dma_wait3A_582 : memref<624x128xf32, #tpu.memory_space<vmem_shared>>) dst(%dma_wait3A_580 : memref<624x128xf32, #tpu.memory_space<hbm>>)
      tpu.yield
    }) : () -> ()
    %eq3A_567 = arith.constant 15 : i32
    %eq3A_568 = arith.cmpi eq, %arg1, %eq3A_567 : i32
    %convert_element_type3A_569 = arith.extui %eq3A_568 : i1 to i32
    %cond3A_570 = arith.constant 0 : i32
    %cond3A_571 = arith.cmpi ne, %convert_element_type3A_569, %cond3A_570 : i32
    scf.if %cond3A_571 {
      "tpu.region"() ({
        %run_scoped3A_572 = tpu.sem_alloc : memref<!tpu.dma_semaphore, #tpu.memory_space<semaphore_mem>>
        %dma_start3A_573 = arith.constant 9984 : i32
        %dma_start3A_574 = arith.constant 0 : i32
        %dma_start3A_575 = tpu.memref_slice %arg4[%arg0, %dma_start3A_573, %dma_start3A_574] : memref<2x10000x128xf32, #tpu.memory_space<hbm>> -> memref<1x16x128xf32, #tpu.memory_space<hbm>>
        %dma_start3A_576 = tpu.memref_squeeze %dma_start3A_575 : memref<1x16x128xf32, #tpu.memory_space<hbm>> -> memref<16x128xf32, #tpu.memory_space<hbm>>
        %dma_start3A_577 = arith.constant 9984 : i32
        %dma_start3A_578 = arith.constant 0 : i32
        %dma_start3A_579 = tpu.memref_slice %arg7[%dma_start3A_577, %dma_start3A_578] : memref<10000x128xf32, #tpu.memory_space<vmem_shared>> -> memref<16x128xf32, #tpu.memory_space<vmem_shared>>
        tpu.enqueue_dma source(%dma_start3A_579 : memref<16x128xf32, #tpu.memory_space<vmem_shared>>) target(%dma_start3A_576 : memref<16x128xf32, #tpu.memory_space<hbm>>) target_semaphore(%run_scoped3A_572 : memref<!tpu.dma_semaphore, #tpu.memory_space<semaphore_mem>>)
        %dma_wait3A_580 = arith.constant 9984 : i32
        %dma_wait3A_581 = arith.constant 0 : i32
        %dma_wait3A_582 = tpu.memref_slice %arg4[%arg0, %dma_wait3A_580, %dma_wait3A_581] : memref<2x10000x128xf32, #tpu.memory_space<hbm>> -> memref<1x16x128xf32, #tpu.memory_space<hbm>>
        %dma_wait3A_583 = tpu.memref_squeeze %dma_wait3A_582 : memref<1x16x128xf32, #tpu.memory_space<hbm>> -> memref<16x128xf32, #tpu.memory_space<hbm>>
        %dma_wait3A_584 = arith.constant 9984 : i32
        %dma_wait3A_585 = arith.constant 0 : i32
        %dma_wait3A_586 = tpu.memref_slice %arg7[%dma_wait3A_584, %dma_wait3A_585] : memref<10000x128xf32, #tpu.memory_space<vmem_shared>> -> memref<16x128xf32, #tpu.memory_space<vmem_shared>>
        tpu.wait_dma2 semaphore(%run_scoped3A_572 : memref<!tpu.dma_semaphore, #tpu.memory_space<semaphore_mem>>) src(%dma_wait3A_586 : memref<16x128xf32, #tpu.memory_space<vmem_shared>>) dst(%dma_wait3A_583 : memref<16x128xf32, #tpu.memory_space<hbm>>)
        tpu.yield
      }) : () -> ()
    } else {
    }
    return
  }
}

module attributes {stable_mosaic.version = 14 : i64} {
  func.func @_mlp_body(%arg0: i32, %arg1: memref<2000x256xf32, #tpu.memory_space<vmem>>, %arg2: memref<2x2000x128xf32, #tpu.memory_space<vmem>>, %arg3: memref<256x256xf32, #tpu.memory_space<vmem>>, %arg4: memref<1x256xf32, #tpu.memory_space<vmem>>, %arg5: memref<256x256xf32, #tpu.memory_space<vmem>>, %arg6: memref<1x256xf32, #tpu.memory_space<vmem>>, %arg7: memref<2000x256xf32, #tpu.memory_space<vmem>>) attributes {dimension_semantics = [#tpu.dimension_semantics<arbitrary>], iteration_bounds = array<i64: 5>, scalar_prefetch = 0 : i64, scratch_operands = 0 : i64, tpu.core_type = #tpu.core_type<tc>, window_params = [{transform_indices = @transform_0, window_bounds = array<i64: 2000, 256>}, {transform_indices = @transform_1, window_bounds = array<i64: 2, 2000, 128>}, {pipeline_mode = #tpu.pipeline_mode<synchronous>, transform_indices = @transform_2, window_bounds = array<i64: 256, 256>}, {pipeline_mode = #tpu.pipeline_mode<synchronous>, transform_indices = @transform_3, window_bounds = array<i64: 1, 256>}, {pipeline_mode = #tpu.pipeline_mode<synchronous>, transform_indices = @transform_4, window_bounds = array<i64: 256, 256>}, {pipeline_mode = #tpu.pipeline_mode<synchronous>, transform_indices = @transform_5, window_bounds = array<i64: 1, 256>}, {transform_indices = @transform_6, window_bounds = array<i64: 2000, 256>}]} {
    %get3A = arith.constant 0 : index
    %get3A_0 = arith.constant 0 : index
    %get3A_1 = vector.load %arg1[%get3A, %get3A_0] : memref<2000x256xf32, #tpu.memory_space<vmem>>, vector<2000x256xf32>
    %get3A_2 = arith.constant 0 : index
    %get3A_3 = arith.constant 0 : index
    %get3A_4 = arith.constant 0 : index
    %get3A_5 = vector.load %arg2[%get3A_2, %get3A_3, %get3A_4] : memref<2x2000x128xf32, #tpu.memory_space<vmem>>, vector<1x2000x128xf32>
    %get3A_6 = vector.shape_cast %get3A_5 : vector<1x2000x128xf32> to vector<2000x128xf32>
    %get3A_7 = arith.constant 1 : index
    %get3A_8 = arith.constant 0 : index
    %get3A_9 = arith.constant 0 : index
    %get3A_10 = vector.load %arg2[%get3A_7, %get3A_8, %get3A_9] : memref<2x2000x128xf32, #tpu.memory_space<vmem>>, vector<1x2000x128xf32>
    %get3A_11 = vector.shape_cast %get3A_10 : vector<1x2000x128xf32> to vector<2000x128xf32>
    %concatenate3A = tpu.concatenate %get3A_6, %get3A_11 in 1 : vector<2000x128xf32>, vector<2000x128xf32> -> vector<2000x256xf32>
    %add3A = arith.addf %get3A_1, %concatenate3A : vector<2000x256xf32>
    %get3A_12 = arith.constant 0 : index
    %get3A_13 = arith.constant 0 : index
    %get3A_14 = vector.load %arg3[%get3A_12, %get3A_13] : memref<256x256xf32, #tpu.memory_space<vmem>>, vector<256x256xf32>
    %dot_general3A = arith.constant dense<0.000000e+00> : vector<2000x256xf32>
    %dot_general3A_15 = tpu.matmul %add3A, %get3A_14, %dot_general3A {dimension_numbers = #tpu.dot_dimension_numbers<[1], [1], [0], [0], [0, 0, 1, 0], [], []>, transpose_lhs_hint = false} : vector<2000x256xf32>, vector<256x256xf32>, vector<2000x256xf32> -> vector<2000x256xf32>
    %get3A_16 = arith.constant 0 : index
    %get3A_17 = arith.constant 0 : index
    %get3A_18 = vector.load %arg4[%get3A_16, %get3A_17] : memref<1x256xf32, #tpu.memory_space<vmem>>, vector<1x256xf32>
    %add3A_19 = vector.broadcast %get3A_18 : vector<1x256xf32> to vector<2000x256xf32>
    %add3A_20 = arith.addf %dot_general3A_15, %add3A_19 : vector<2000x256xf32>
    %max3A = arith.constant 0.000000e+00 : f32
    %max3A_21 = vector.broadcast %max3A : f32 to vector<2000x256xf32>
    %max3A_22 = arith.maximumf %add3A_20, %max3A_21 : vector<2000x256xf32>
    %get3A_23 = arith.constant 0 : index
    %get3A_24 = arith.constant 0 : index
    %get3A_25 = vector.load %arg5[%get3A_23, %get3A_24] : memref<256x256xf32, #tpu.memory_space<vmem>>, vector<256x256xf32>
    %dot_general3A_26 = arith.constant dense<0.000000e+00> : vector<2000x256xf32>
    %dot_general3A_27 = tpu.matmul %max3A_22, %get3A_25, %dot_general3A_26 {dimension_numbers = #tpu.dot_dimension_numbers<[1], [1], [0], [0], [0, 0, 1, 0], [], []>, transpose_lhs_hint = false} : vector<2000x256xf32>, vector<256x256xf32>, vector<2000x256xf32> -> vector<2000x256xf32>
    %get3A_28 = arith.constant 0 : index
    %get3A_29 = arith.constant 0 : index
    %get3A_30 = vector.load %arg6[%get3A_28, %get3A_29] : memref<1x256xf32, #tpu.memory_space<vmem>>, vector<1x256xf32>
    %add3A_31 = vector.broadcast %get3A_30 : vector<1x256xf32> to vector<2000x256xf32>
    %add3A_32 = arith.addf %dot_general3A_27, %add3A_31 : vector<2000x256xf32>
    %swap3A = arith.constant 0 : index
    %swap3A_33 = arith.constant 0 : index
    %swap3A_34 = vector.load %arg7[%swap3A, %swap3A_33] : memref<2000x256xf32, #tpu.memory_space<vmem>>, vector<2000x256xf32>
    tpu.vector_store %arg7[%swap3A, %swap3A_33], %add3A_32 {strides = array<i32>} : memref<2000x256xf32, #tpu.memory_space<vmem>>, vector<2000x256xf32>,
    return
  }
  func.func @transform_0(%arg0: i32) -> (i32, i32) {
    %c0_i32 = arith.constant 0 : i32
    %c0_i32_0 = arith.constant 0 : i32
    return %arg0, %c0_i32 : i32, i32
  }
  func.func @transform_1(%arg0: i32) -> (i32, i32, i32) {
    %c0_i32 = arith.constant 0 : i32
    %c0_i32_0 = arith.constant 0 : i32
    %c0_i32_1 = arith.constant 0 : i32
    return %c0_i32, %arg0, %c0_i32_0 : i32, i32, i32
  }
  func.func @transform_2(%arg0: i32) -> (i32, i32) {
    %c0_i32 = arith.constant 0 : i32
    %c0_i32_0 = arith.constant 0 : i32
    %c0_i32_1 = arith.constant 0 : i32
    return %c0_i32, %c0_i32_0 : i32, i32
  }
  func.func @transform_3(%arg0: i32) -> (i32, i32) {
    %c0_i32 = arith.constant 0 : i32
    %c0_i32_0 = arith.constant 0 : i32
    %c0_i32_1 = arith.constant 0 : i32
    return %c0_i32, %c0_i32_0 : i32, i32
  }
  func.func @transform_4(%arg0: i32) -> (i32, i32) {
    %c0_i32 = arith.constant 0 : i32
    %c0_i32_0 = arith.constant 0 : i32
    %c0_i32_1 = arith.constant 0 : i32
    return %c0_i32, %c0_i32_0 : i32, i32
  }
  func.func @transform_5(%arg0: i32) -> (i32, i32) {
    %c0_i32 = arith.constant 0 : i32
    %c0_i32_0 = arith.constant 0 : i32
    %c0_i32_1 = arith.constant 0 : i32
    return %c0_i32, %c0_i32_0 : i32, i32
  }
  func.func @transform_6(%arg0: i32) -> (i32, i32) {
    %c0_i32 = arith.constant 0 : i32
    %c0_i32_0 = arith.constant 0 : i32
    return %arg0, %c0_i32 : i32, i32
  }
}

</mosaic_0001>

<sc_bundles>
// kernel: kernel.4.cloned.1.call-start
scs
__scs_entry_jumppad:
0x0: {  	(pc) =	sbr.rel $0x88, $3  }
0x1: {  	(tag) =	ssettag $0x0;
	lr =	simm.s32 $0x1  }
0x2: {  	[smem:$0x3F9B] =	sst lr;
	_ =	strace $0xD0000000  }
0x3: {  	_ = 	snop  }
0x4: {  	_ = 	snop  }
0x5: {  	_ = 	snop  }
0x6: {  	_ = 	snop  }
0x7: {  	_ = 	snop  }
__scs_overlays_trampoline_lowered:
0x8: {  	[smem:$0x3FAA] =	sst s0  }
0x9: {  	[smem:$0x3FAB] =	sst s1  }
0xa: {  	[smem:$0x3FAC] =	sst s2  }
0xb: {  	[smem:$0x3FAD] =	sst s3  }
0xc: {  	[smem:$0x3FAE] =	sst s4  }
0xd: {  	[smem:$0x3FAF] =	sst s5  }
0xe: {  	[smem:$0x3FB0] =	sst s6  }
0xf: {  	[smem:$0x3FB1] =	sst s7  }
0x10: {  	[smem:$0x3FB2] =	sst s8  }
0x11: {  	[smem:$0x3FB3] =	sst s9;
	s0 =	simm.s32 @!p0 $0x0  }
0x12: {  	s1 =	sld [smem:$0x3F99];
	s0 =	simm.s32 @p0 $0x1  }
0x13: {  	[smem:$0x3FB4] =	sst s0;
	s0 =	simm.s32 @!p1 $0x0  }
0x14: {  	s2 =	sld [smem:$0x3F98];
	s0 =	simm.s32 @p1 $0x1  }
0x15: {  	[smem:$0x3FB5] =	sst s0;
	s0 =	simm.s32 @!p2 $0x0  }
0x16: {  	s3 =	sld [smem:$0x3FDB];
	s0 =	simm.s32 @p2 $0x1  }
0x17: {  	s4 =	simm.s32 $0x1BF5;
	[smem:$0x3FB7] =	sst s0  }
0x18: {  	s0 =	sld [smem:$0x3F9A];
	_ =	swait.ge [sflag:s4], $0x0  }
0x19: {  	s7 =	sld [smem:$0x3F9B]  }
0x1a: {  	s8 =	sadd.s32 $0xFFFFE003, lr  }
0x1b: {  	s9 =	sadd.s32 $0xFFFFFEF7, lr;
	s5 =	simm.s32 $0xFFFFFFFF;
	p2 =	slt.u32 s8, $0xFFFFF086  }
0x1c: {  	p1 =	slt.u32 s9, $0xF7A;
	s5 =	simm.s32 @!p2 $0x0  }
0x1d: {  	s5 =	simm.s32 @p1 $0x1;
	p0 =	seq.s32 s7, s2  }
0x1e: {  	s7 =	smul.u32 @!p0 $0xF7A, s2;
	p2 =	seq.s32 @!p0 s5, $0x0  }
0x1f: {  	s9 =	smul.u32 $0xF7A, s1;
	s8 =	simm.s32 @!p0 $0x1BF5;
	p2 =	por !p2, p0  }
0x20: {  	[sflag:s8] =	ssyncset.s32 @!p0 $0xFFFFF086;
	s6 =	sadd.s32 @!p0 s3, s7;
	s7 =	simm.s32 @!p0 $0x108  }
0x21: {  	s3 =	sadd.s32 s3, s9;
	s6 =	sadd.s32 @!p0 $0x88, s6;
	s7 =	simm.s32 @p2 $0x1082  }
0x22: {  	[simem:s7], [sflag:s8] =	dma.local @!p0 [hbm:s6], $0xF7A  }
0x23: {  	s9 =	sor.u32 $0xD0000000, s2;
	s6 =	simm.s32 $0x108;
	_ =	swait.ge @!p0 [sflag:s8], $0x0  }
0x24: {  	s3 =	sadd.s32 $0x88, s3;
	s6 =	simm.s32 @!p1 $0x1082;
	[sflag:s4] =	ssyncset.s32 $0xFFFFF086  }
0x25: {  	[simem:s6], [sflag:s4] =	dma.local [hbm:s3], $0xF7A  }
0x26: {  	[smem:$0x3F9B] =	sst s1;
	(tag) =	ssettag s2;
	_ =	strace s9  }
0x27: {  	s1 =	sld [smem:$0x3FAB]  }
0x28: {  	s2 =	sld [smem:$0x3FAC]  }
0x29: {  	s4 =	sld [smem:$0x3FAE]  }
0x2a: {  	p0 =	seq.s32 s5, $0x0;
	s5 =	sld [smem:$0x3FAF]  }
0x2b: {  	s6 =	sld [smem:$0x3FB0]  }
0x2c: {  	s7 =	sld [smem:$0x3FB1]  }
0x2d: {  	s3 =	simm.s32 $0x108;
	s8 =	sld [smem:$0x3FB2]  }
0x2e: {  	s3 =	simm.s32 @!p0 $0x1082;
	s9 =	sld [smem:$0x3FB3]  }
0x2f: {  	lr =	sadd.s32 s0, s3;
	s0 =	sld [smem:$0x3FAA]  }
0x30: {  	s3 =	sld [smem:$0x3FAD]  }
0x31: {  	[smem:$0x3FB6] =	sst s10  }
0x32: {  	s10 =	sld [smem:$0x3FB4];
	_ =	sdelay $0x3  }
0x33: {  	p0 =	seq.s32 s10, $0x1;
	s10 =	sld [smem:$0x3FB6];
	_ =	sdelay $0x3  }
0x34: {  	[smem:$0x3FB6] =	sst s10  }
0x35: {  	s10 =	sld [smem:$0x3FB5];
	_ =	sdelay $0x3  }
0x36: {  	p1 =	seq.s32 s10, $0x1;
	s10 =	sld [smem:$0x3FB6];
	_ =	sdelay $0x3  }
0x37: {  	[smem:$0x3FB6] =	sst s10  }
0x38: {  	s10 =	sld [smem:$0x3FB7]  }
0x39: {  	_ = 	snop;
	(pc) =	sbr.ind lr, $3  }
0x3a: {  	_ = 	snop  }
0x3b: {  	_ = 	snop  }
0x3c: {  	p2 =	seq.s32 s10, $0x1;
	s10 =	sld [smem:$0x3FB6]  }
0x3d: {  	_ =	shalt  }
0x3e: {  	_ =	shalt  }
0x3f: {  	_ =	shalt  }
0x40: {  	_ =	shalt  }
0x41: {  	_ =	shalt  }
0x42: {  	_ =	shalt  }
0x43: {  	_ =	shalt  }
0x44: {  	_ =	shalt  }
0x45: {  	_ =	shalt  }
0x46: {  	_ =	shalt  }
0x47: {  	_ =	shalt  }
0x48: {  	_ =	shalt  }
0x49: {  	_ =	shalt  }
0x4a: {  	_ =	shalt  }
0x4b: {  	_ =	shalt  }
0x4c: {  	_ =	shalt  }
0x4d: {  	_ =	shalt  }
0x4e: {  	_ =	shalt  }
0x4f: {  	_ =	shalt  }
0x50: {  	_ =	shalt  }
0x51: {  	_ =	shalt  }
0x52: {  	_ =	shalt  }
0x53: {  	_ =	shalt  }
0x54: {  	_ =	shalt  }
0x55: {  	_ =	shalt  }
0x56: {  	_ =	shalt  }
0x57: {  	_ =	shalt  }
0x58: {  	_ =	shalt  }
0x59: {  	_ =	shalt  }
0x5a: {  	_ =	shalt  }
0x5b: {  	_ =	shalt  }
0x5c: {  	_ =	shalt  }
0x5d: {  	_ =	shalt  }
0x5e: {  	_ =	shalt  }
0x5f: {  	_ =	shalt  }
0x60: {  	_ =	shalt  }
0x61: {  	_ =	shalt  }
0x62: {  	_ =	shalt  }
0x63: {  	_ =	shalt  }
0x64: {  	_ =	shalt  }
0x65: {  	_ =	shalt  }
0x66: {  	_ =	shalt  }
0x67: {  	_ =	shalt  }
0x68: {  	_ =	shalt  }
0x69: {  	_ =	shalt  }
0x6a: {  	_ =	shalt  }
0x6b: {  	_ =	shalt  }
0x6c: {  	_ =	shalt  }
0x6d: {  	_ =	shalt  }
0x6e: {  	_ =	shalt  }
0x6f: {  	_ =	shalt  }
0x70: {  	_ =	shalt  }
0x71: {  	_ =	shalt  }
0x72: {  	_ =	shalt  }
0x73: {  	_ =	shalt  }
0x74: {  	_ =	shalt  }
0x75: {  	_ =	shalt  }
0x76: {  	_ =	shalt  }
0x77: {  	_ =	shalt  }
0x78: {  	_ =	shalt  }
0x79: {  	_ =	shalt  }
0x7a: {  	_ =	shalt  }
0x7b: {  	_ =	shalt  }
0x7c: {  	_ =	shalt  }
0x7d: {  	_ =	shalt  }
0x7e: {  	_ =	shalt  }
0x7f: {  	_ =	shalt  }
0x80: {  	_ =	shalt  }
0x81: {  	_ =	shalt  }
0x82: {  	_ =	shalt  }
0x83: {  	_ =	shalt  }
0x84: {  	_ =	shalt  }
0x85: {  	_ =	shalt  }
0x86: {  	_ =	shalt  }
0x87: {  	_ =	shalt  }
.Lfunc_end0:
.L_simem_size_0:
called_computation_lowered:
.L_overlay_start_0:
0x88: {  	s2 =	sld [smem:$0x3FD9]  }
0x89: {  	s3 =	sld [smem:$0x3FFE];
	_ =	sdelay $0x1  }
0x8a: {  	s1 =	srdreg.scid  }
0x8b: {  	s0 =	sand.u32 $0x1, s1  }
0x8c: {  	s17 =	sshll.u32 s0, $0xA;
	s2 =	sadd.s32 s3, s2  }
0x8d: {  	s2 =	sadd.s32 s2, s17  }
0x8e: {  	[smem:$0x3FC2] =	sst s2  }
0x8f: {  	_ = 	snop  }
0x90: {  	s2 =	sld [smem:$0x3FC8]  }
0x91: {  	s18 =	sld [smem:$0x3FD0];
	(tm) =	ssettm $0x1  }
0x92: {  	s4 =	sld [smem:$0x3FFB];
	_ =	sdelay $0x3  }
0x93: {  	_ =	strace s4  }
0x94: {  	s4 =	sld [smem:$0x3FFC];
	_ =	sdelay $0x3  }
0x95: {  	_ =	strace s4  }
0x96: {  	s4 =	sld [smem:$0x3FFD];
	_ =	sdelay $0x3  }
0x97: {  	_ =	strace s4  }
0x98: {  	_ =	strace $0x8FFFFFFF  }
0x99: {  	s19 =	sld [smem:$0x3FDB];
	_ =	sdelay $0x1  }
0x9a: {  	s5 =	simm.s32 $_scs_section_size  }
0x9b: {  	s6 =	simm.s32 $_size__tile_overlayer_lowered;
	s7 =	simm.s32 $_tile_overlayer_lowered  }
0x9c: {  	s22 =	simm.s32 $0x1BFF;
	s21 =	sshll.u32 s7, $0x1;
	s4 =	sadd.s32 s5, s19  }
0x9d: {  	s8 =	simm.s32 $0x0;
	s20 =	sshll.u32 s6, $0x1;
	s6 =	sadd.s32 s21, s4  }
0x9e: {  	[timem:s8], [sflag:s22] =	dma.local [hbm:s6], s20  }
0x9f: {  	_ =	swait.ge [sflag:s22], s20  }
0xa0: {  	s5 =	ssub.s32 $0x0, s20;
	[sflag:s22] =	ssyncset.done $0x0  }
0xa1: {  	[sflag:s22] =	ssyncadd.s32 s5;
	_ =	sdelay $0x1  }
0xa2: {  	s23 =	simm.s32 $0x1B8B  }
0xa3: {  	_ =	swait.ge [sflag:s23], $0x1  }
0xa4: {  	[sflag:s23] =	ssyncset.done $0x0  }
0xa5: {  	s25 =	simm.s32 $0x1B8E;
	s24 =	sld [smem:$0x3FFE];
	[sflag:s23] =	ssyncadd.s32 $0xFFFFFFFF  }
0xa6: {  	s26 =	simm.s32 $execute0_lowered;
	[smem:$0x3FD2] =	sst s25  }
0xa7: {  	s6 =	sshll.u32 s26, $0x1;
	_ =	strace $0x80000046;
	[dreg:$0x1] =	wrdreg $0xFFFFFFFF  }
0xa8: {  	s28 =	simm.s32 $_size_execute0_lowered;
	s4 =	sadd.s32 s4, s6;
	[dreg:$0x0] =	wrdreg $0x0  }
0xa9: {  	s6 =	sshll.u32 s28, $0x1;
	[dreg:$0x2] =	wrdreg s4  }
0xaa: {  	[dreg:$0x3] =	wrdreg s6  }
0xab: {  	[dreg:$0x4] =	wrdreg $0xC0  }
0xac: {  	_ =	task [dreg:s8], $0x5FFFF  }
0xad: {  	[dreg:$0x1] =	wrdreg $0xFFFFFFFF  }
0xae: {  	[dreg:$0x0] =	wrdreg $0x60  }
0xaf: {  	[dreg:$0x2] =	wrdreg s18  }
0xb0: {  	[dreg:$0x3] =	wrdreg s2  }
0xb1: {  	[dreg:$0x4] =	wrdreg s24  }
0xb2: {  	[dreg:$0x5] =	wrdreg $0xC6000  }
0xb3: {  	[dreg:$0x6] =	wrdreg $0x9  }
0xb4: {  	_ =	task.clear_ibuf [dreg:s8], $0x7FFFF;
	_ =	strace $0x90000046  }
0xb5: {  	s29 =	simm.s32 $0x9;
	_ =	strace $0x80000048  }
0xb6: {  	_ =	swait.ge [sflag:s29], $0x1  }
0xb7: {  	[sflag:s29] =	ssyncadd.s32 $0xFFFFFFFF  }
0xb8: {  	_ =	strace $0x90000048  }
0xb9: {  	_ =	sfence  }
0xba: {  	s30 =	sld [smem:$0x0];
	_ =	sdelay $0x2  }
0xbb: {  	s31 =	sshll.u32 s1, $0xD;
	s1 =	sshrl.u32 s1, $0x2  }
0xbc: {  	s3 =	sand.u32 $0x4000, s31;
	s1 =	sadd.s32 s1, s30  }
0xbd: {  	s0 =	sor.u32 s3, s0;
	s1 =	sshll.u32 s1, $0x11  }
0xbe: {  	s0 =	sor.u32 s1, s0  }
0xbf: {  	s0 =	sadd.s32 $0x8F2B, s0  }
0xc0: {  	[sflag:s0] =	ssyncadd.remote.s32 $0x1  }
0xc1: {  	_ =	sfence.sel $0xFFFF  }
0xc2: {  	[dreg:$0x0] =	wrdreg $0xFFFFFFFF;
	(pc) =	sbr.abs _section_cstart, $3  }
0xc3: {  	[dreg:$0x1] =	wrdreg $0xFFFFFFFF  }
0xc4: {  	_ =	task.clear_ibuf [dreg:s8], $0x2FFFF;
	_ =	strace $0x9FFFFFFF  }
0xc5: {  	(tm) =	ssettm $0x7FFFFFFF  }
tec
execute0_lowered:
.L_overlay_start_1:
0x0: {  	(tag) =	ssettag $0x1  }
0x1: {  	s1 =	rddreg [dreg:$0x0]  }
0x2: {  	s0 =	rddreg [dreg:$0x1]  }
0x3: {  	s6 =	rddreg [dreg:$0x2]  }
0x4: {  	s2 =	rddreg [dreg:$0x3]  }
0x5: {  	s4 =	simm.s32 $0x0;
	s5 =	srdreg.scid;
	s3 =	stileid.u32  }
0x6: {  	s28 =	simm.s32 $0x1;
	s29 =	simm.s32 $0x40;
	s31 =	simm.s32 $0x2  }
0x7: {  	[smem:$0x7FF] =	sst s4;
	s7 =	sand.u32 $0x1, s5;
	s13 =	sshll.u32 s3, $0x5  }
0x8: {  	s14 =	smul.u32 $0x4E000, s3;
	s6 =	sadd.s32 $0x1A00, s6;
	s23 =	ssub.s32 $0x4C2, s3  }
0x9: {  	s10 =	smul.u32 $0x13800, s3;
	s24 =	ssub.s32 $0x4E2, s3;
	s26 =	ssub.s32 $0x4D2, s3  }
0xa: {  	p0 =	sne.s32 s3, $0xF;
	_ =	strace $0x80000047;
	[dreg:$0x5] =	wrdreg s23  }
0xb: {  	s8 =	ssub.s32 $0x2, s7;
	s5 =	sadd.s32 s0, s13;
	[dreg:$0x6] =	wrdreg s24  }
0xc: {  	s21 =	smul.u32 $0x138800, s7;
	[dreg:$0x7] =	wrdreg s26;
	s15 =	sadd.s32 $0x10, s5  }
0xd: {  	s26 =	simm.s32 $0xD;
	s16 =	sadd.s32 $0x200, s5;
	[dreg:$0x8] =	wrdreg s15  }
0xe: {  	s23 =	simm.s32 $0x0;
	s17 =	sadd.s32 $0x210, s5;
	[dreg:$0x9] =	wrdreg s16  }
0xf: {  	s0 =	sshrl.u32 s14, $0x2;
	s18 =	sadd.s32 $0x400, s5;
	[dreg:$0xa] =	wrdreg s17  }
0x10: {  	s19 =	sadd.s32 $0x410, s5;
	[dreg:$0xb] =	wrdreg s18;
	s11 =	sadd.s32 s0, s2  }
0x11: {  	s9 =	sshrl.u32 s8, $0x1;
	[dreg:$0xc] =	wrdreg s19;
	s0 =	sadd.s32 $0x4000, s11  }
0x12: {  	s8 =	ssub.s32 s8, s9;
	s20 =	sadd.s32 $0x8000, s11;
	[dreg:$0xd] =	wrdreg s0  }
0x13: {  	s25 =	sadd.s32 s10, s21;
	s22 =	sadd.s32 $0xC000, s11;
	[dreg:$0xe] =	wrdreg s20  }
0x14: {  	s12 =	sadd.s32 $0x10000, s11;
	s9 =	sshrl.u32 s25, $0x3;
	[dreg:$0xf] =	wrdreg s22  }
0x15: {  	s30 =	smax.u32 s8, $0x1;
	[dreg:$0x10] =	wrdreg s12;
	s0 =	sshrl.u32 s21, $0x3  }
0x16: {  	s9 =	sadd.s32 s6, s9;
	[dreg:$0x13] =	wrdreg s30;
	s0 =	sadd.s32 s6, s0  }
0x17: {  	s16 =	sadd.s32 $0x138000, s2;
	[dreg:$0x11] =	wrdreg s9;
	s0 =	sadd.s32 $0x27000, s0  }
0x18: {  	v1 =	vimm.f32 $0.0e+00;
	v0 =	vmov s7;
	s8 =	simm.s32 $0x100;
	s25 =	simm.s32 $0x600;
	[dreg:$0x12] =	wrdreg s0  }
.LBB2_1:
0x19: {  	[tilespmem:s4], [sflag:$0x1] =	stream.linear.gather [hbm4b:s5+s4], $0x80, $0x38;
	[tilespmem:$0x1FE80] =	vst v63  }
0x1a: {  	s0 =	rddreg [dreg:$0x8]  }
0x1b: {  	s6 =	simm.s32 $0x80;
	s18 =	rddreg [dreg:$0x9]  }
0x1c: {  	[tilespmem:s6], [sflag:$0x1] =	stream.linear.gather [hbm4b:s0+s4], $0x80, $0x38;
	[tilespmem:$0x1FE80] =	vst v63  }
0x1d: {  	s19 =	rddreg [dreg:$0xa]  }
0x1e: {  	[tilespmem:s8], [sflag:$0x2] =	stream.linear.gather [hbm4b:s18+s4], $0x80, $0x38;
	[tilespmem:$0x1FE80] =	vst v63  }
0x1f: {  	s20 =	simm.s32 $0x180;
	s21 =	rddreg [dreg:$0xb]  }
0x20: {  	[tilespmem:s20], [sflag:$0x2] =	stream.linear.gather [hbm4b:s19+s4], $0x80, $0x38;
	[tilespmem:$0x1FE80] =	vst v63  }
0x21: {  	s22 =	simm.s32 $0x200;
	s24 =	rddreg [dreg:$0xc]  }
0x22: {  	[tilespmem:s22], [sflag:$0x3] =	stream.linear.gather [hbm4b:s21+s4], $0x80, $0x38;
	[tilespmem:$0x1FE80] =	vst v63  }
0x23: {  	s30 =	simm.s32 $0x280;
	s0 =	simm.s32 $0x0;
	s6 =	simm.s32 $0x200  }
0x24: {  	[tilespmem:s30], [sflag:$0x3] =	stream.linear.gather [hbm4b:s24+s4], $0x80, $0x38;
	[tilespmem:$0x1FE80] =	vst v63  }
.LBB2_2:
0x25: {  	p1 =	sne.s32 s6, $0xFE00;
	[tilespmem:s0+$0x670] =	vst v1  }
0x26: {  	[tilespmem:s0+$0x600] =	vst v1  }
0x27: {  	[tilespmem:s0+$0x610] =	vst v1  }
.Ltmp0:
0x28: {  	[tilespmem:s0+$0x620] =	vst v1;
	(pc) =	sbr.rel @p1 .LBB2_2-.Ltmp0, $4  }
0x29: {  	[tilespmem:s0+$0x630] =	vst v1  }
0x2a: {  	[tilespmem:s0+$0x640] =	vst v1  }
0x2b: {  	[tilespmem:s0+$0x650] =	vst v1  }
0x2c: {  	[tilespmem:s0+$0x660] =	vst v1;
	s0 =	sshra.s32 s6, $0x2;
	s6 =	sadd.s32 $0x200, s6  }
0x2d: {  	[tilespmem:s0+$0x670] =	vst v1  }
0x2e: {  	[tilespmem:s0+$0x600] =	vst v1  }
0x2f: {  	[tilespmem:s0+$0x610] =	vst v1  }
0x30: {  	[tilespmem:s0+$0x620] =	vst v1  }
0x31: {  	[tilespmem:s0+$0x630] =	vst v1  }
0x32: {  	[tilespmem:s0+$0x640] =	vst v1  }
0x33: {  	[tilespmem:s0+$0x650] =	vst v1  }
0x34: {  	[tilespmem:s0+$0x660] =	vst v1  }
0x35: {  	[spmem:s11] =	stream.linear.scatter [tilespmem:s25], [sflag:$0xD], $0x4000, $0x38;
	[tilespmem:$0x1FE80] =	vst v63  }
0x36: {  	_ =	swait.ge [sflag:s26], $0x4000  }
0x37: {  	[sflag:s26] =	ssyncset.done $0x0  }
0x38: {  	s15 =	rddreg [dreg:$0xd];
	[sflag:s26] =	ssyncadd.s32 $0xFFFFC000  }
0x39: {  	[spmem:s15] =	stream.linear.scatter [tilespmem:s25], [sflag:$0xD], $0x4000, $0x38;
	[tilespmem:$0x1FE80] =	vst v63  }
0x3a: {  	_ =	swait.ge [sflag:s26], $0x4000  }
0x3b: {  	[sflag:s26] =	ssyncset.done $0x0  }
0x3c: {  	s17 =	rddreg [dreg:$0xe];
	[sflag:s26] =	ssyncadd.s32 $0xFFFFC000  }
0x3d: {  	[spmem:s17] =	stream.linear.scatter [tilespmem:s25], [sflag:$0xD], $0x4000, $0x38;
	[tilespmem:$0x1FE80] =	vst v63  }
0x3e: {  	_ =	swait.ge [sflag:s26], $0x4000  }
0x3f: {  	[sflag:s26] =	ssyncset.done $0x0  }
0x40: {  	s18 =	rddreg [dreg:$0xf];
	[sflag:s26] =	ssyncadd.s32 $0xFFFFC000  }
0x41: {  	[spmem:s18] =	stream.linear.scatter [tilespmem:s25], [sflag:$0xD], $0x4000, $0x38;
	[tilespmem:$0x1FE80] =	vst v63  }
0x42: {  	_ =	swait.ge [sflag:s26], $0x4000  }
0x43: {  	[sflag:s26] =	ssyncset.done $0x0  }
0x44: {  	s19 =	rddreg [dreg:$0x10];
	[sflag:s26] =	ssyncadd.s32 $0xFFFFC000  }
0x45: {  	[spmem:s19] =	stream.linear.scatter [tilespmem:s25], [sflag:$0xD], $0x3800, $0x38;
	[tilespmem:$0x1FE80] =	vst v63  }
0x46: {  	_ =	swait.ge [sflag:s26], $0x3800  }
0x47: {  	[sflag:s26] =	ssyncset.done $0x0  }
0x48: {  	s0 =	simm.s32 @!p0 $0x600;
	[sflag:s26] =	ssyncadd.s32 $0xFFFFC800  }
0x49: {  	[spmem:s16] =	stream.linear.scatter @!p0 [tilespmem:s0], [sflag:$0xD], $0x800, $0x38;
	[tilespmem:$0x1FE80] =	vst v63  }
0x4a: {  	s0 =	simm.s32 @!p0 $0xD  }
0x4b: {  	_ =	swait.ge @!p0 [sflag:s0], $0x800  }
0x4c: {  	[sflag:s0] =	ssyncset.done @!p0 $0x0  }
0x4d: {  	[sflag:s0] =	ssyncadd.s32 @!p0 $0xFFFFF800  }
0x4e: {  	[bflag:$0x0] =	sbarrier.arrive $0xFFFF  }
0x4f: {  	_ =	swait.ge [sflag:s28], $0x80  }
0x50: {  	[sflag:s28] =	ssyncset.done $0x0  }
0x51: {  	[sflag:s28] =	ssyncadd.s32 $0xFFFFFF80  }
0x52: {  	_ =	swait.ge [sflag:s28], $0x80  }
0x53: {  	[sflag:s28] =	ssyncset.done $0x0  }
0x54: {  	[sflag:s28] =	ssyncadd.s32 $0xFFFFFF80  }
0x55: {  	v2 =	vld [tilespmem:$0x0]  }
0x56: {  	v3 =	vld [tilespmem:$0x10]  }
0x57: {  	v4 =	vld [tilespmem:$0x20]  }
0x58: {  	v5 =	vld [tilespmem:$0x30]  }
0x59: {  	v6 =	vld [tilespmem:$0x40]  }
0x5a: {  	v7 =	vld [tilespmem:$0x50];
	v2 =	vshll.u32 v2, $0x1  }
0x5b: {  	v8 =	vld [tilespmem:$0x60];
	v3 =	vshll.u32 v3, $0x1;
	v2 =	vor.u32 v0, v2  }
0x5c: {  	v57 =	vld [tilespmem:$0x70];
	[tilespmem:$0x0] =	vst v2;
	v2 =	vor.u32 v0, v3;
	v3 =	vshll.u32 v4, $0x1  }
0x5d: {  	[tilespmem:$0x10] =	vst v2;
	v2 =	vor.u32 v0, v3;
	v3 =	vshll.u32 v5, $0x1  }
0x5e: {  	[tilespmem:$0x20] =	vst v2;
	v2 =	vor.u32 v0, v3;
	v3 =	vshll.u32 v6, $0x1  }
0x5f: {  	[tilespmem:$0x30] =	vst v2;
	v2 =	vor.u32 v0, v3;
	v3 =	vshll.u32 v7, $0x1  }
0x60: {  	[tilespmem:$0x40] =	vst v2;
	v2 =	vor.u32 v0, v3;
	v3 =	vshll.u32 v8, $0x1  }
0x61: {  	[tilespmem:$0x50] =	vst v2;
	v2 =	vor.u32 v0, v3;
	v3 =	vshll.u32 v57, $0x1  }
0x62: {  	[tilespmem:$0x60] =	vst v2;
	v2 =	vor.u32 v0, v3  }
0x63: {  	s24 =	simm.s32 $0x0;
	[tilespmem:$0x70] =	vst v2  }
0x64: {  	[tilespmem:s25], [sflag:$0x7] =	stream.indirect.gather [hbm4b:s1+s29], $0x80, s24, s29, $0xb8;
	[tilespmem:$0x1FE80] =	vst v63  }
0x65: {  	s20 =	simm.s32 $0x2600  }
0x66: {  	[tilespmem:s20], [sflag:$0x7] =	stream.indirect.gather [hbm4b:s1+s29], $0x80, s29, s29, $0xb8;
	[tilespmem:$0x1FE80] =	vst v63  }
0x67: {  	_ =	swait.ge [sflag:s31], $0x80  }
0x68: {  	[sflag:s31] =	ssyncset.done $0x0  }
0x69: {  	[sflag:s31] =	ssyncadd.s32 $0xFFFFFF80  }
0x6a: {  	_ =	swait.ge [sflag:s31], $0x80  }
0x6b: {  	[sflag:s31] =	ssyncset.done $0x0  }
0x6c: {  	[sflag:s31] =	ssyncadd.s32 $0xFFFFFF80  }
0x6d: {  	v2 =	vld [tilespmem:$0x100]  }
0x6e: {  	v3 =	vld [tilespmem:$0x110]  }
0x6f: {  	v58 =	vld [tilespmem:$0x120]  }
0x70: {  	v59 =	vld [tilespmem:$0x130]  }
0x71: {  	v60 =	vld [tilespmem:$0x140]  }
0x72: {  	v61 =	vld [tilespmem:$0x150];
	v2 =	vshll.u32 v2, $0x1  }
0x73: {  	v62 =	vld [tilespmem:$0x160];
	v3 =	vshll.u32 v3, $0x1;
	v2 =	vor.u32 v0, v2  }
0x74: {  	v63 =	vld [tilespmem:$0x170];
	[tilespmem:$0x100] =	vst v2;
	v2 =	vor.u32 v0, v3;
	v3 =	vshll.u32 v58, $0x1  }
0x75: {  	[tilespmem:$0x110] =	vst v2;
	v2 =	vor.u32 v0, v3;
	v3 =	vshll.u32 v59, $0x1  }
0x76: {  	[tilespmem:$0x120] =	vst v2;
	v2 =	vor.u32 v0, v3;
	v3 =	vshll.u32 v60, $0x1  }
0x77: {  	[tilespmem:$0x130] =	vst v2;
	v2 =	vor.u32 v0, v3;
	v3 =	vshll.u32 v61, $0x1  }
0x78: {  	[tilespmem:$0x140] =	vst v2;
	v2 =	vor.u32 v0, v3;
	v3 =	vshll.u32 v62, $0x1  }
0x79: {  	[tilespmem:$0x150] =	vst v2;
	v2 =	vor.u32 v0, v3;
	v3 =	vshll.u32 v63, $0x1  }
0x7a: {  	[tilespmem:$0x160] =	vst v2;
	v2 =	vor.u32 v0, v3  }
0x7b: {  	s21 =	simm.s32 $0x4600;
	[tilespmem:$0x170] =	vst v2  }
0x7c: {  	[tilespmem:s21], [sflag:$0x8] =	stream.indirect.gather [hbm4b:s1+s29], $0x80, s8, s29, $0xb8;
	[tilespmem:$0x1FE80] =	vst v63  }
0x7d: {  	s22 =	simm.s32 $0x140;
	s6 =	simm.s32 $0x6600;
	s30 =	simm.s32 $0x0  }
0x7e: {  	[tilespmem:s6], [sflag:$0x8] =	stream.indirect.gather [hbm4b:s1+s29], $0x80, s22, s29, $0xb8;
	[tilespmem:$0x1FE80] =	vst v63  }
.LBB2_4:
0x7f: {  	p1 =	seq.s32 s30, $0x0  }
0x80: {  	s0 =	simm.s32 @!p1 $0xC  }
0x81: {  	_ =	swait.ge @!p1 [sflag:s0], $0x2000  }
0x82: {  	[sflag:s0] =	ssyncset.done @!p1 $0x0  }
0x83: {  	[sflag:s0] =	ssyncadd.s32 @!p1 $0xFFFFE000  }
0x84: {  	_ =	swait.ge @!p1 [sflag:s0], $0x2000  }
0x85: {  	s6 =	rddreg [dreg:$0x5]  }
0x86: {  	[sflag:s0] =	ssyncset.done @!p1 $0x0;
	p4 =	sge.u32 s24, s6  }
0x87: {  	[sflag:s0] =	ssyncadd.s32 @!p1 $0xFFFFE000;
	s0 =	simm.s32 @!p4 $0x3  }
0x88: {  	_ =	swait.ge @!p4 [sflag:s0], $0x80  }
0x89: {  	[sflag:s0] =	ssyncset.done @!p4 $0x0  }
0x8a: {  	[sflag:s0] =	ssyncadd.s32 @!p4 $0xFFFFFF80  }
0x8b: {  	_ =	swait.ge @!p4 [sflag:s0], $0x80  }
0x8c: {  	[sflag:s0] =	ssyncset.done @!p4 $0x0  }
0x8d: {  	[sflag:s0] =	ssyncadd.s32 @!p4 $0xFFFFFF80  }
0x8e: {  	v2 =	vld @!p4 [tilespmem:$0x200]  }
0x8f: {  	v3 =	vld @!p4 [tilespmem:$0x210]  }
0x90: {  	v4 =	vld @!p4 [tilespmem:$0x220]  }
0x91: {  	v5 =	vld @!p4 [tilespmem:$0x230]  }
0x92: {  	v6 =	vld @!p4 [tilespmem:$0x240]  }
0x93: {  	v7 =	vld @!p4 [tilespmem:$0x250];
	v2 =	vshll.u32 @!p4 v2, $0x1  }
0x94: {  	v8 =	vld @!p4 [tilespmem:$0x260];
	v3 =	vshll.u32 @!p4 v3, $0x1;
	v2 =	vor.u32 @!p4 v0, v2  }
0x95: {  	[tilespmem:$0x200] =	vst @!p4 v2;
	v2 =	vor.u32 @!p4 v0, v3;
	v3 =	vshll.u32 @!p4 v4, $0x1;
	v4 =	vld @!p4 [tilespmem:$0x270]  }
0x96: {  	[tilespmem:$0x210] =	vst @!p4 v2;
	v2 =	vor.u32 @!p4 v0, v3;
	v3 =	vshll.u32 @!p4 v5, $0x1  }
0x97: {  	[tilespmem:$0x220] =	vst @!p4 v2;
	v2 =	vor.u32 @!p4 v0, v3;
	v3 =	vshll.u32 @!p4 v6, $0x1  }
0x98: {  	[tilespmem:$0x230] =	vst @!p4 v2;
	v2 =	vor.u32 @!p4 v0, v3;
	v3 =	vshll.u32 @!p4 v7, $0x1  }
0x99: {  	[tilespmem:$0x240] =	vst @!p4 v2;
	v2 =	vor.u32 @!p4 v0, v3;
	v3 =	vshll.u32 @!p4 v8, $0x1  }
0x9a: {  	[tilespmem:$0x250] =	vst @!p4 v2;
	v2 =	vor.u32 @!p4 v0, v3;
	v3 =	vshll.u32 @!p4 v4, $0x1  }
0x9b: {  	[tilespmem:$0x260] =	vst @!p4 v2;
	v2 =	vor.u32 @!p4 v0, v3  }
0x9c: {  	s7 =	simm.s32 @!p4 $0x40;
	s8 =	simm.s32 @!p4 $0x8600;
	s0 =	simm.s32 @!p4 $0x200;
	[tilespmem:$0x270] =	vst @!p4 v2  }
0x9d: {  	[tilespmem:s8], [sflag:$0x9] =	stream.indirect.gather @!p4 [hbm4b:s1+s7], $0x80, s0, s7, $0xb8;
	[tilespmem:$0x1FE80] =	vst v63  }
0x9e: {  	s9 =	simm.s32 @!p4 $0xA600;
	s0 =	simm.s32 @!p4 $0x240  }
0x9f: {  	[tilespmem:s9], [sflag:$0x9] =	stream.indirect.gather @!p4 [hbm4b:s1+s7], $0x80, s0, s7, $0xb8;
	[tilespmem:$0x1FE80] =	vst v63  }
0xa0: {  	s0 =	sadd.s32 s24, s3  }
0xa1: {  	s17 =	sadd.s32 $0x30, s0  }
0xa2: {  	p1 =	sgt.u32 s17, $0x4E1  }
0xa3: {  	s18 =	rddreg [dreg:$0x6];
	s10 =	sadd.s32 @!p1 s30, s5  }
0xa4: {  	s13 =	simm.s32 @!p1 $0x0;
	s6 =	simm.s32 @!p1 $0x300;
	s12 =	sadd.s32 @!p1 $0x600, s10  }
0xa5: {  	[tilespmem:s6], [sflag:$0x4] =	stream.linear.gather @!p1 [hbm4b:s12+s13], $0x80, $0x38;
	[tilespmem:$0x1FE80] =	vst v63  }
0xa6: {  	p2 =	sge.u32 s24, s18;
	s20 =	simm.s32 @!p1 $0x380;
	s10 =	sadd.s32 @!p1 $0x610, s10  }
0xa7: {  	[tilespmem:s20], [sflag:$0x4] =	stream.linear.gather @!p1 [hbm4b:s10+s13], $0x80, $0x38;
	[tilespmem:$0x1FE80] =	vst v63  }
0xa8: {  	s10 =	simm.s32 @!p2 $0x7  }
0xa9: {  	_ =	swait.ge @!p2 [sflag:s10], $0x2000  }
0xaa: {  	[sflag:s10] =	ssyncset.done @!p2 $0x0  }
0xab: {  	[sflag:s10] =	ssyncadd.s32 @!p2 $0xFFFFE000  }
0xac: {  	_ =	swait.ge @!p2 [sflag:s10], $0x2000  }
0xad: {  	s12 =	simm.s32 @!p2 $0x80;
	[sflag:s10] =	ssyncset.done @!p2 $0x0  }
0xae: {  	s13 =	simm.s32 @!p2 $0x600;
	[sflag:s10] =	ssyncadd.s32 @!p2 $0xFFFFE000;
	s10 =	simm.s32 @!p2 $0x40  }
0xaf: {  	[spmem:s2] =	stream.indirect.scatter.add.f32 @!p2 [tilespmem:s13], [sflag:$0xA], $0x80, s12, s10, $0xb8;
	[tilespmem:$0x1FE80] =	vst v63  }
0xb0: {  	s12 =	simm.s32 @!p2 $0xC0;
	s13 =	simm.s32 @!p2 $0x2600  }
0xb1: {  	[spmem:s2] =	stream.indirect.scatter.add.f32 @!p2 [tilespmem:s13], [sflag:$0xA], $0x80, s12, s10, $0xb8;
	[tilespmem:$0x1FE80] =	vst v63  }
0xb2: {  	s10 =	simm.s32 @!p2 $0xA  }
0xb3: {  	_ =	swait.ge @!p2 [sflag:s10], $0x2000  }
0xb4: {  	[sflag:s10] =	ssyncset.done @!p2 $0x0  }
0xb5: {  	[sflag:s10] =	ssyncadd.s32 @!p2 $0xFFFFE000  }
0xb6: {  	_ =	swait.ge @!p2 [sflag:s10], $0x2000  }
0xb7: {  	[sflag:s10] =	ssyncset.done @!p2 $0x0  }
0xb8: {  	[sflag:s10] =	ssyncadd.s32 @!p2 $0xFFFFE000;
	s10 =	simm.s32 @!p1 $0x4  }
0xb9: {  	_ =	swait.ge @!p1 [sflag:s10], $0x80  }
0xba: {  	[sflag:s10] =	ssyncset.done @!p1 $0x0  }
0xbb: {  	[sflag:s10] =	ssyncadd.s32 @!p1 $0xFFFFFF80  }
0xbc: {  	_ =	swait.ge @!p1 [sflag:s10], $0x80  }
0xbd: {  	[sflag:s10] =	ssyncset.done @!p1 $0x0  }
0xbe: {  	[sflag:s10] =	ssyncadd.s32 @!p1 $0xFFFFFF80  }
0xbf: {  	v2 =	vld @!p1 [tilespmem:$0x300]  }
0xc0: {  	v3 =	vld @!p1 [tilespmem:$0x310]  }
0xc1: {  	v4 =	vld @!p1 [tilespmem:$0x320]  }
0xc2: {  	v5 =	vld @!p1 [tilespmem:$0x330]  }
0xc3: {  	v6 =	vld @!p1 [tilespmem:$0x340]  }
0xc4: {  	v7 =	vld @!p1 [tilespmem:$0x350];
	v2 =	vshll.u32 @!p1 v2, $0x1  }
0xc5: {  	v8 =	vld @!p1 [tilespmem:$0x360];
	v3 =	vshll.u32 @!p1 v3, $0x1;
	v2 =	vor.u32 @!p1 v0, v2  }
0xc6: {  	[tilespmem:$0x300] =	vst @!p1 v2;
	v2 =	vor.u32 @!p1 v0, v3;
	v3 =	vshll.u32 @!p1 v4, $0x1;
	v4 =	vld @!p1 [tilespmem:$0x370]  }
0xc7: {  	[tilespmem:$0x310] =	vst @!p1 v2;
	v2 =	vor.u32 @!p1 v0, v3;
	v3 =	vshll.u32 @!p1 v5, $0x1  }
0xc8: {  	[tilespmem:$0x320] =	vst @!p1 v2;
	v2 =	vor.u32 @!p1 v0, v3;
	v3 =	vshll.u32 @!p1 v6, $0x1  }
0xc9: {  	[tilespmem:$0x330] =	vst @!p1 v2;
	v2 =	vor.u32 @!p1 v0, v3;
	v3 =	vshll.u32 @!p1 v7, $0x1  }
0xca: {  	[tilespmem:$0x340] =	vst @!p1 v2;
	v2 =	vor.u32 @!p1 v0, v3;
	v3 =	vshll.u32 @!p1 v8, $0x1  }
0xcb: {  	[tilespmem:$0x350] =	vst @!p1 v2;
	v2 =	vor.u32 @!p1 v0, v3;
	v3 =	vshll.u32 @!p1 v4, $0x1  }
0xcc: {  	s19 =	sadd.s32 $0x40, s0;
	s12 =	simm.s32 @!p1 $0x600;
	[tilespmem:$0x360] =	vst @!p1 v2;
	v2 =	vor.u32 @!p1 v0, v3  }
0xcd: {  	s13 =	simm.s32 @!p1 $0x2600;
	p2 =	sgt.u32 s19, $0x4E1;
	s10 =	simm.s32 @!p1 $0x40;
	[tilespmem:$0x370] =	vst @!p1 v2  }
0xce: {  	[tilespmem:s12], [sflag:$0x7] =	stream.indirect.gather @!p1 [hbm4b:s1+s10], $0x80, s6, s10, $0xb8;
	[tilespmem:$0x1FE80] =	vst v63  }
0xcf: {  	s14 =	sadd.s32 @!p2 s30, s5;
	s17 =	simm.s32 @!p2 $0x0;
	s6 =	simm.s32 @!p1 $0x340  }
0xd0: {  	[tilespmem:s13], [sflag:$0x7] =	stream.indirect.gather @!p1 [hbm4b:s1+s10], $0x80, s6, s10, $0xb8;
	[tilespmem:$0x1FE80] =	vst v63  }
0xd1: {  	s15 =	sadd.s32 @!p2 $0x800, s14;
	s21 =	rddreg [dreg:$0x7];
	s6 =	simm.s32 @!p2 $0x400  }
0xd2: {  	[tilespmem:s6], [sflag:$0x5] =	stream.linear.gather @!p2 [hbm4b:s15+s17], $0x80, $0x38;
	[tilespmem:$0x1FE80] =	vst v63  }
0xd3: {  	s22 =	simm.s32 @!p2 $0x480;
	s14 =	sadd.s32 @!p2 $0x810, s14;
	p3 =	sge.u32 s24, s21  }
0xd4: {  	[tilespmem:s22], [sflag:$0x5] =	stream.linear.gather @!p2 [hbm4b:s14+s17], $0x80, $0x38;
	[tilespmem:$0x1FE80] =	vst v63  }
0xd5: {  	s14 =	simm.s32 @!p3 $0x8  }
0xd6: {  	_ =	swait.ge @!p3 [sflag:s14], $0x2000  }
0xd7: {  	[sflag:s14] =	ssyncset.done @!p3 $0x0  }
0xd8: {  	[sflag:s14] =	ssyncadd.s32 @!p3 $0xFFFFE000  }
0xd9: {  	_ =	swait.ge @!p3 [sflag:s14], $0x2000  }
0xda: {  	s15 =	simm.s32 @!p3 $0x180;
	[sflag:s14] =	ssyncset.done @!p3 $0x0  }
0xdb: {  	s17 =	simm.s32 @!p3 $0x4600;
	[sflag:s14] =	ssyncadd.s32 @!p3 $0xFFFFE000;
	s14 =	simm.s32 @!p3 $0x40  }
0xdc: {  	[spmem:s2] =	stream.indirect.scatter.add.f32 @!p3 [tilespmem:s17], [sflag:$0xB], $0x80, s15, s14, $0xb8;
	[tilespmem:$0x1FE80] =	vst v63  }
0xdd: {  	s15 =	simm.s32 @!p3 $0x1C0;
	s17 =	simm.s32 @!p3 $0x6600  }
0xde: {  	[spmem:s2] =	stream.indirect.scatter.add.f32 @!p3 [tilespmem:s17], [sflag:$0xB], $0x80, s15, s14, $0xb8;
	[tilespmem:$0x1FE80] =	vst v63  }
0xdf: {  	s14 =	simm.s32 @!p3 $0xB  }
0xe0: {  	_ =	swait.ge @!p3 [sflag:s14], $0x2000  }
0xe1: {  	[sflag:s14] =	ssyncset.done @!p3 $0x0  }
0xe2: {  	[sflag:s14] =	ssyncadd.s32 @!p3 $0xFFFFE000  }
0xe3: {  	_ =	swait.ge @!p3 [sflag:s14], $0x2000  }
0xe4: {  	[sflag:s14] =	ssyncset.done @!p3 $0x0  }
0xe5: {  	[sflag:s14] =	ssyncadd.s32 @!p3 $0xFFFFE000;
	s14 =	simm.s32 @!p2 $0x5  }
0xe6: {  	_ =	swait.ge @!p2 [sflag:s14], $0x80  }
0xe7: {  	[sflag:s14] =	ssyncset.done @!p2 $0x0  }
0xe8: {  	[sflag:s14] =	ssyncadd.s32 @!p2 $0xFFFFFF80  }
0xe9: {  	_ =	swait.ge @!p2 [sflag:s14], $0x80  }
0xea: {  	[sflag:s14] =	ssyncset.done @!p2 $0x0  }
0xeb: {  	[sflag:s14] =	ssyncadd.s32 @!p2 $0xFFFFFF80  }
0xec: {  	v2 =	vld @!p2 [tilespmem:$0x400]  }
0xed: {  	v3 =	vld @!p2 [tilespmem:$0x410]  }
0xee: {  	v4 =	vld @!p2 [tilespmem:$0x420]  }
0xef: {  	v5 =	vld @!p2 [tilespmem:$0x430]  }
0xf0: {  	v6 =	vld @!p2 [tilespmem:$0x440]  }
0xf1: {  	v7 =	vld @!p2 [tilespmem:$0x450];
	v2 =	vshll.u32 @!p2 v2, $0x1  }
0xf2: {  	v8 =	vld @!p2 [tilespmem:$0x460];
	v3 =	vshll.u32 @!p2 v3, $0x1;
	v2 =	vor.u32 @!p2 v0, v2  }
0xf3: {  	[tilespmem:$0x400] =	vst @!p2 v2;
	v2 =	vor.u32 @!p2 v0, v3;
	v3 =	vshll.u32 @!p2 v4, $0x1;
	v4 =	vld @!p2 [tilespmem:$0x470]  }
0xf4: {  	[tilespmem:$0x410] =	vst @!p2 v2;
	v2 =	vor.u32 @!p2 v0, v3;
	v3 =	vshll.u32 @!p2 v5, $0x1  }
0xf5: {  	[tilespmem:$0x420] =	vst @!p2 v2;
	v2 =	vor.u32 @!p2 v0, v3;
	v3 =	vshll.u32 @!p2 v6, $0x1  }
0xf6: {  	[tilespmem:$0x430] =	vst @!p2 v2;
	v2 =	vor.u32 @!p2 v0, v3;
	v3 =	vshll.u32 @!p2 v7, $0x1  }
0xf7: {  	[tilespmem:$0x440] =	vst @!p2 v2;
	v2 =	vor.u32 @!p2 v0, v3;
	v3 =	vshll.u32 @!p2 v8, $0x1  }
0xf8: {  	[tilespmem:$0x450] =	vst @!p2 v2;
	v2 =	vor.u32 @!p2 v0, v3;
	v3 =	vshll.u32 @!p2 v4, $0x1  }
0xf9: {  	[tilespmem:$0x460] =	vst @!p2 v2;
	v2 =	vor.u32 @!p2 v0, v3  }
0xfa: {  	s18 =	sadd.s32 $0x50, s0;
	s15 =	simm.s32 @!p2 $0x4600;
	s14 =	simm.s32 @!p2 $0x40;
	[tilespmem:$0x470] =	vst @!p2 v2  }
0xfb: {  	[tilespmem:s15], [sflag:$0x8] =	stream.indirect.gather @!p2 [hbm4b:s1+s14], $0x80, s6, s14, $0xb8;
	[tilespmem:$0x1FE80] =	vst v63  }
0xfc: {  	s21 =	simm.s32 @!p2 $0x6600;
	p3 =	sgt.u32 s18, $0x4E1;
	s6 =	simm.s32 @!p2 $0x440  }
0xfd: {  	[tilespmem:s21], [sflag:$0x8] =	stream.indirect.gather @!p2 [hbm4b:s1+s14], $0x80, s6, s14, $0xb8;
	[tilespmem:$0x1FE80] =	vst v63  }
0xfe: {  	s6 =	sadd.s32 @!p3 s30, s5  }
0xff: {  	s19 =	simm.s32 @!p3 $0x0;
	s17 =	simm.s32 @!p3 $0x500;
	s18 =	sadd.s32 @!p3 $0xA00, s6  }
0x100: {  	[tilespmem:s17], [sflag:$0x6] =	stream.linear.gather @!p3 [hbm4b:s18+s19], $0x80, $0x38;
	[tilespmem:$0x1FE80] =	vst v63  }
0x101: {  	s18 =	sadd.s32 @!p3 $0xA10, s6;
	s6 =	simm.s32 @!p3 $0x580  }
0x102: {  	[tilespmem:s6], [sflag:$0x6] =	stream.linear.gather @!p3 [hbm4b:s18+s19], $0x80, $0x38;
	[tilespmem:$0x1FE80] =	vst v63  }
0x103: {  	s18 =	simm.s32 @!p4 $0x9  }
0x104: {  	_ =	swait.ge @!p4 [sflag:s18], $0x2000  }
0x105: {  	[sflag:s18] =	ssyncset.done @!p4 $0x0  }
0x106: {  	[sflag:s18] =	ssyncadd.s32 @!p4 $0xFFFFE000  }
0x107: {  	_ =	swait.ge @!p4 [sflag:s18], $0x2000  }
0x108: {  	[sflag:s18] =	ssyncset.done @!p4 $0x0  }
0x109: {  	[sflag:s18] =	ssyncadd.s32 @!p4 $0xFFFFE000;
	s18 =	simm.s32 @!p4 $0x280  }
0x10a: {  	[spmem:s2] =	stream.indirect.scatter.add.f32 @!p4 [tilespmem:s8], [sflag:$0xC], $0x80, s18, s7, $0xb8;
	[tilespmem:$0x1FE80] =	vst v63  }
0x10b: {  	s8 =	simm.s32 @!p4 $0x2C0  }
0x10c: {  	[spmem:s2] =	stream.indirect.scatter.add.f32 @!p4 [tilespmem:s9], [sflag:$0xC], $0x80, s8, s7, $0xb8;
	[tilespmem:$0x1FE80] =	vst v63  }
0x10d: {  	s7 =	simm.s32 @!p4 $0xC  }
0x10e: {  	_ =	swait.ge @!p4 [sflag:s7], $0x2000  }
0x10f: {  	[sflag:s7] =	ssyncset.done @!p4 $0x0  }
0x110: {  	[sflag:s7] =	ssyncadd.s32 @!p4 $0xFFFFE000  }
0x111: {  	_ =	swait.ge @!p4 [sflag:s7], $0x2000  }
0x112: {  	[sflag:s7] =	ssyncset.done @!p4 $0x0  }
0x113: {  	[sflag:s7] =	ssyncadd.s32 @!p4 $0xFFFFE000;
	s7 =	simm.s32 @!p3 $0x6  }
0x114: {  	_ =	swait.ge @!p3 [sflag:s7], $0x80  }
0x115: {  	[sflag:s7] =	ssyncset.done @!p3 $0x0  }
0x116: {  	[sflag:s7] =	ssyncadd.s32 @!p3 $0xFFFFFF80  }
0x117: {  	_ =	swait.ge @!p3 [sflag:s7], $0x80  }
0x118: {  	[sflag:s7] =	ssyncset.done @!p3 $0x0  }
0x119: {  	[sflag:s7] =	ssyncadd.s32 @!p3 $0xFFFFFF80  }
0x11a: {  	v2 =	vld @!p3 [tilespmem:$0x500]  }
0x11b: {  	v3 =	vld @!p3 [tilespmem:$0x510]  }
0x11c: {  	v4 =	vld @!p3 [tilespmem:$0x520]  }
0x11d: {  	v5 =	vld @!p3 [tilespmem:$0x530]  }
0x11e: {  	v6 =	vld @!p3 [tilespmem:$0x540]  }
0x11f: {  	v7 =	vld @!p3 [tilespmem:$0x550];
	v2 =	vshll.u32 @!p3 v2, $0x1  }
0x120: {  	v8 =	vld @!p3 [tilespmem:$0x560];
	v3 =	vshll.u32 @!p3 v3, $0x1;
	v2 =	vor.u32 @!p3 v0, v2  }
0x121: {  	[tilespmem:$0x500] =	vst @!p3 v2;
	v2 =	vor.u32 @!p3 v0, v3;
	v3 =	vshll.u32 @!p3 v4, $0x1;
	v4 =	vld @!p3 [tilespmem:$0x570]  }
0x122: {  	[tilespmem:$0x510] =	vst @!p3 v2;
	v2 =	vor.u32 @!p3 v0, v3;
	v3 =	vshll.u32 @!p3 v5, $0x1  }
0x123: {  	[tilespmem:$0x520] =	vst @!p3 v2;
	v2 =	vor.u32 @!p3 v0, v3;
	v3 =	vshll.u32 @!p3 v6, $0x1  }
0x124: {  	[tilespmem:$0x530] =	vst @!p3 v2;
	v2 =	vor.u32 @!p3 v0, v3;
	v3 =	vshll.u32 @!p3 v7, $0x1  }
0x125: {  	[tilespmem:$0x540] =	vst @!p3 v2;
	v2 =	vor.u32 @!p3 v0, v3;
	v3 =	vshll.u32 @!p3 v8, $0x1  }
0x126: {  	[tilespmem:$0x550] =	vst @!p3 v2;
	v2 =	vor.u32 @!p3 v0, v3;
	v3 =	vshll.u32 @!p3 v4, $0x1  }
0x127: {  	s19 =	sadd.s32 $0x60, s0;
	[tilespmem:$0x560] =	vst @!p3 v2;
	v2 =	vor.u32 @!p3 v0, v3  }
0x128: {  	s8 =	simm.s32 @!p3 $0x8600;
	p4 =	sgt.u32 s19, $0x4E1;
	s7 =	simm.s32 @!p3 $0x40;
	[tilespmem:$0x570] =	vst @!p3 v2  }
0x129: {  	[tilespmem:s8], [sflag:$0x9] =	stream.indirect.gather @!p3 [hbm4b:s1+s7], $0x80, s17, s7, $0xb8;
	[tilespmem:$0x1FE80] =	vst v63  }
0x12a: {  	s9 =	simm.s32 @!p3 $0xA600;
	s18 =	sadd.s32 @!p4 s30, s5;
	s17 =	simm.s32 @!p3 $0x540  }
0x12b: {  	[tilespmem:s9], [sflag:$0x9] =	stream.indirect.gather @!p3 [hbm4b:s1+s7], $0x80, s17, s7, $0xb8;
	[tilespmem:$0x1FE80] =	vst v63  }
0x12c: {  	s19 =	sadd.s32 @!p4 $0xC00, s18;
	s17 =	simm.s32 @!p4 $0x0  }
0x12d: {  	[tilespmem:s17], [sflag:$0x1] =	stream.linear.gather @!p4 [hbm4b:s19+s17], $0x80, $0x38;
	[tilespmem:$0x1FE80] =	vst v63  }
0x12e: {  	s18 =	sadd.s32 @!p4 $0xC10, s18;
	s19 =	simm.s32 @!p4 $0x80  }
0x12f: {  	[tilespmem:s19], [sflag:$0x1] =	stream.linear.gather @!p4 [hbm4b:s18+s17], $0x80, $0x38;
	[tilespmem:$0x1FE80] =	vst v63  }
0x130: {  	s18 =	simm.s32 @!p1 $0x7  }
0x131: {  	_ =	swait.ge @!p1 [sflag:s18], $0x2000  }
0x132: {  	[sflag:s18] =	ssyncset.done @!p1 $0x0  }
0x133: {  	[sflag:s18] =	ssyncadd.s32 @!p1 $0xFFFFE000  }
0x134: {  	_ =	swait.ge @!p1 [sflag:s18], $0x2000  }
0x135: {  	[sflag:s18] =	ssyncset.done @!p1 $0x0  }
0x136: {  	[sflag:s18] =	ssyncadd.s32 @!p1 $0xFFFFE000  }
0x137: {  	[spmem:s2] =	stream.indirect.scatter.add.f32 @!p1 [tilespmem:s12], [sflag:$0xA], $0x80, s20, s10, $0xb8;
	[tilespmem:$0x1FE80] =	vst v63  }
0x138: {  	s12 =	simm.s32 @!p1 $0x3C0  }
0x139: {  	[spmem:s2] =	stream.indirect.scatter.add.f32 @!p1 [tilespmem:s13], [sflag:$0xA], $0x80, s12, s10, $0xb8;
	[tilespmem:$0x1FE80] =	vst v63  }
0x13a: {  	s10 =	simm.s32 @!p1 $0xA  }
0x13b: {  	_ =	swait.ge @!p1 [sflag:s10], $0x2000  }
0x13c: {  	[sflag:s10] =	ssyncset.done @!p1 $0x0  }
0x13d: {  	[sflag:s10] =	ssyncadd.s32 @!p1 $0xFFFFE000  }
0x13e: {  	_ =	swait.ge @!p1 [sflag:s10], $0x2000  }
0x13f: {  	[sflag:s10] =	ssyncset.done @!p1 $0x0  }
0x140: {  	[sflag:s10] =	ssyncadd.s32 @!p1 $0xFFFFE000;
	s10 =	simm.s32 @!p4 $0x1  }
0x141: {  	_ =	swait.ge @!p4 [sflag:s10], $0x80  }
0x142: {  	[sflag:s10] =	ssyncset.done @!p4 $0x0  }
0x143: {  	[sflag:s10] =	ssyncadd.s32 @!p4 $0xFFFFFF80  }
0x144: {  	_ =	swait.ge @!p4 [sflag:s10], $0x80  }
0x145: {  	[sflag:s10] =	ssyncset.done @!p4 $0x0  }
0x146: {  	[sflag:s10] =	ssyncadd.s32 @!p4 $0xFFFFFF80  }
0x147: {  	v2 =	vld @!p4 [tilespmem:$0x0]  }
0x148: {  	v3 =	vld @!p4 [tilespmem:$0x10]  }
0x149: {  	v4 =	vld @!p4 [tilespmem:$0x20]  }
0x14a: {  	v5 =	vld @!p4 [tilespmem:$0x30]  }
0x14b: {  	v6 =	vld @!p4 [tilespmem:$0x40]  }
0x14c: {  	v7 =	vld @!p4 [tilespmem:$0x50];
	v2 =	vshll.u32 @!p4 v2, $0x1  }
0x14d: {  	v8 =	vld @!p4 [tilespmem:$0x60];
	v3 =	vshll.u32 @!p4 v3, $0x1;
	v2 =	vor.u32 @!p4 v0, v2  }
0x14e: {  	[tilespmem:$0x0] =	vst @!p4 v2;
	v2 =	vor.u32 @!p4 v0, v3;
	v3 =	vshll.u32 @!p4 v4, $0x1;
	v4 =	vld @!p4 [tilespmem:$0x70]  }
0x14f: {  	[tilespmem:$0x10] =	vst @!p4 v2;
	v2 =	vor.u32 @!p4 v0, v3;
	v3 =	vshll.u32 @!p4 v5, $0x1  }
0x150: {  	[tilespmem:$0x20] =	vst @!p4 v2;
	v2 =	vor.u32 @!p4 v0, v3;
	v3 =	vshll.u32 @!p4 v6, $0x1  }
0x151: {  	[tilespmem:$0x30] =	vst @!p4 v2;
	v2 =	vor.u32 @!p4 v0, v3;
	v3 =	vshll.u32 @!p4 v7, $0x1  }
0x152: {  	[tilespmem:$0x40] =	vst @!p4 v2;
	v2 =	vor.u32 @!p4 v0, v3;
	v3 =	vshll.u32 @!p4 v8, $0x1  }
0x153: {  	[tilespmem:$0x50] =	vst @!p4 v2;
	v2 =	vor.u32 @!p4 v0, v3;
	v3 =	vshll.u32 @!p4 v4, $0x1  }
0x154: {  	[tilespmem:$0x60] =	vst @!p4 v2;
	v2 =	vor.u32 @!p4 v0, v3  }
0x155: {  	s20 =	sadd.s32 $0x70, s0;
	s12 =	simm.s32 @!p4 $0x600;
	s10 =	simm.s32 @!p4 $0x40;
	[tilespmem:$0x70] =	vst @!p4 v2  }
0x156: {  	[tilespmem:s12], [sflag:$0x7] =	stream.indirect.gather @!p4 [hbm4b:s1+s10], $0x80, s17, s10, $0xb8;
	[tilespmem:$0x1FE80] =	vst v63  }
0x157: {  	p1 =	sgt.u32 s20, $0x4E1;
	s12 =	simm.s32 @!p4 $0x2600  }
0x158: {  	[tilespmem:s12], [sflag:$0x7] =	stream.indirect.gather @!p4 [hbm4b:s1+s10], $0x80, s10, s10, $0xb8;
	[tilespmem:$0x1FE80] =	vst v63  }
0x159: {  	s12 =	sadd.s32 @!p1 s30, s5  }
0x15a: {  	s17 =	simm.s32 @!p1 $0x0;
	s10 =	simm.s32 @!p1 $0x100;
	s13 =	sadd.s32 @!p1 $0xE00, s12  }
0x15b: {  	[tilespmem:s10], [sflag:$0x2] =	stream.linear.gather @!p1 [hbm4b:s13+s17], $0x80, $0x38;
	[tilespmem:$0x1FE80] =	vst v63  }
0x15c: {  	s12 =	sadd.s32 @!p1 $0xE10, s12;
	s13 =	simm.s32 @!p1 $0x180  }
0x15d: {  	[tilespmem:s13], [sflag:$0x2] =	stream.linear.gather @!p1 [hbm4b:s12+s17], $0x80, $0x38;
	[tilespmem:$0x1FE80] =	vst v63  }
0x15e: {  	s12 =	simm.s32 @!p2 $0x8  }
0x15f: {  	_ =	swait.ge @!p2 [sflag:s12], $0x2000  }
0x160: {  	[sflag:s12] =	ssyncset.done @!p2 $0x0  }
0x161: {  	[sflag:s12] =	ssyncadd.s32 @!p2 $0xFFFFE000  }
0x162: {  	_ =	swait.ge @!p2 [sflag:s12], $0x2000  }
0x163: {  	[sflag:s12] =	ssyncset.done @!p2 $0x0  }
0x164: {  	[sflag:s12] =	ssyncadd.s32 @!p2 $0xFFFFE000  }
0x165: {  	[spmem:s2] =	stream.indirect.scatter.add.f32 @!p2 [tilespmem:s15], [sflag:$0xB], $0x80, s22, s14, $0xb8;
	[tilespmem:$0x1FE80] =	vst v63  }
0x166: {  	s12 =	simm.s32 @!p2 $0x4C0  }
0x167: {  	[spmem:s2] =	stream.indirect.scatter.add.f32 @!p2 [tilespmem:s21], [sflag:$0xB], $0x80, s12, s14, $0xb8;
	[tilespmem:$0x1FE80] =	vst v63  }
0x168: {  	s12 =	simm.s32 @!p2 $0xB  }
0x169: {  	_ =	swait.ge @!p2 [sflag:s12], $0x2000  }
0x16a: {  	[sflag:s12] =	ssyncset.done @!p2 $0x0  }
0x16b: {  	[sflag:s12] =	ssyncadd.s32 @!p2 $0xFFFFE000  }
0x16c: {  	_ =	swait.ge @!p2 [sflag:s12], $0x2000  }
0x16d: {  	[sflag:s12] =	ssyncset.done @!p2 $0x0  }
0x16e: {  	[sflag:s12] =	ssyncadd.s32 @!p2 $0xFFFFE000;
	s12 =	simm.s32 @!p1 $0x2  }
0x16f: {  	_ =	swait.ge @!p1 [sflag:s12], $0x80  }
0x170: {  	[sflag:s12] =	ssyncset.done @!p1 $0x0  }
0x171: {  	[sflag:s12] =	ssyncadd.s32 @!p1 $0xFFFFFF80  }
0x172: {  	_ =	swait.ge @!p1 [sflag:s12], $0x80  }
0x173: {  	[sflag:s12] =	ssyncset.done @!p1 $0x0  }
0x174: {  	[sflag:s12] =	ssyncadd.s32 @!p1 $0xFFFFFF80  }
0x175: {  	v2 =	vld @!p1 [tilespmem:$0x100]  }
0x176: {  	v3 =	vld @!p1 [tilespmem:$0x110]  }
0x177: {  	v4 =	vld @!p1 [tilespmem:$0x120]  }
0x178: {  	v5 =	vld @!p1 [tilespmem:$0x130]  }
0x179: {  	v6 =	vld @!p1 [tilespmem:$0x140]  }
0x17a: {  	v7 =	vld @!p1 [tilespmem:$0x150];
	v2 =	vshll.u32 @!p1 v2, $0x1  }
0x17b: {  	v8 =	vld @!p1 [tilespmem:$0x160];
	v3 =	vshll.u32 @!p1 v3, $0x1;
	v2 =	vor.u32 @!p1 v0, v2  }
0x17c: {  	[tilespmem:$0x100] =	vst @!p1 v2;
	v2 =	vor.u32 @!p1 v0, v3;
	v3 =	vshll.u32 @!p1 v4, $0x1;
	v4 =	vld @!p1 [tilespmem:$0x170]  }
0x17d: {  	[tilespmem:$0x110] =	vst @!p1 v2;
	v2 =	vor.u32 @!p1 v0, v3;
	v3 =	vshll.u32 @!p1 v5, $0x1  }
0x17e: {  	[tilespmem:$0x120] =	vst @!p1 v2;
	v2 =	vor.u32 @!p1 v0, v3;
	v3 =	vshll.u32 @!p1 v6, $0x1  }
0x17f: {  	[tilespmem:$0x130] =	vst @!p1 v2;
	v2 =	vor.u32 @!p1 v0, v3;
	v3 =	vshll.u32 @!p1 v7, $0x1  }
0x180: {  	[tilespmem:$0x140] =	vst @!p1 v2;
	v2 =	vor.u32 @!p1 v0, v3;
	v3 =	vshll.u32 @!p1 v8, $0x1  }
0x181: {  	[tilespmem:$0x150] =	vst @!p1 v2;
	v2 =	vor.u32 @!p1 v0, v3;
	v3 =	vshll.u32 @!p1 v4, $0x1  }
0x182: {  	[tilespmem:$0x160] =	vst @!p1 v2;
	v2 =	vor.u32 @!p1 v0, v3  }
0x183: {  	s13 =	simm.s32 @!p1 $0x4600;
	s12 =	simm.s32 @!p1 $0x40;
	[tilespmem:$0x170] =	vst @!p1 v2  }
0x184: {  	[tilespmem:s13], [sflag:$0x8] =	stream.indirect.gather @!p1 [hbm4b:s1+s12], $0x80, s10, s12, $0xb8;
	[tilespmem:$0x1FE80] =	vst v63  }
0x185: {  	s0 =	sadd.s32 $0x80, s0;
	s10 =	simm.s32 @!p1 $0x140;
	s13 =	simm.s32 @!p1 $0x6600  }
0x186: {  	[tilespmem:s13], [sflag:$0x8] =	stream.indirect.gather @!p1 [hbm4b:s1+s12], $0x80, s10, s12, $0xb8;
	[tilespmem:$0x1FE80] =	vst v63  }
0x187: {  	p1 =	sgt.u32 s0, $0x4E1  }
0x188: {  	s0 =	sadd.s32 @!p1 s30, s5  }
0x189: {  	s12 =	simm.s32 @!p1 $0x0;
	s13 =	simm.s32 @!p1 $0x200;
	s10 =	sadd.s32 @!p1 $0x1000, s0  }
0x18a: {  	[tilespmem:s13], [sflag:$0x3] =	stream.linear.gather @!p1 [hbm4b:s10+s12], $0x80, $0x38;
	[tilespmem:$0x1FE80] =	vst v63  }
0x18b: {  	s0 =	sadd.s32 @!p1 $0x1010, s0;
	s10 =	simm.s32 @!p1 $0x280  }
0x18c: {  	[tilespmem:s10], [sflag:$0x3] =	stream.linear.gather @!p1 [hbm4b:s0+s12], $0x80, $0x38;
	[tilespmem:$0x1FE80] =	vst v63  }
0x18d: {  	s0 =	simm.s32 @!p3 $0x9  }
0x18e: {  	_ =	swait.ge @!p3 [sflag:s0], $0x2000  }
0x18f: {  	[sflag:s0] =	ssyncset.done @!p3 $0x0  }
0x190: {  	s30 =	sadd.s32 $0xC00, s30;
	[sflag:s0] =	ssyncadd.s32 @!p3 $0xFFFFE000  }
0x191: {  	p1 =	sne.s32 s30, $0xA800;
	_ =	swait.ge @!p3 [sflag:s0], $0x2000  }
.Ltmp1:
0x192: {  	[sflag:s0] =	ssyncset.done @!p3 $0x0;
	(pc) =	sbr.rel @p1 .LBB2_4-.Ltmp1, $4  }
0x193: {  	[sflag:s0] =	ssyncadd.s32 @!p3 $0xFFFFE000  }
0x194: {  	[spmem:s2] =	stream.indirect.scatter.add.f32 @!p3 [tilespmem:s8], [sflag:$0xC], $0x80, s6, s7, $0xb8;
	[tilespmem:$0x1FE80] =	vst v63  }
0x195: {  	s24 =	sadd.s32 $0x60, s24;
	s0 =	simm.s32 @!p3 $0x5C0  }
0x196: {  	[spmem:s2] =	stream.indirect.scatter.add.f32 @!p3 [tilespmem:s9], [sflag:$0xC], $0x80, s0, s7, $0xb8;
	[tilespmem:$0x1FE80] =	vst v63  }
0x197: {  	s0 =	sshll.u32 s3, $0x6;
	[bflag:$0x0] =	sbarrier.arrive $0xFFFF  }
0x198: {  	s6 =	sshrl.u32 s11, $0x3;
	s0 =	sor.u32 $0x1C0D, s0;
	s7 =	rddreg [dreg:$0x11]  }
0x199: {  	[hbm:s7], [sflag:s0] =	dma.local [spmem:s6], $0x2700  }
0x19a: {  	_ =	swait.ge [sflag:s26], $0x2700  }
0x19b: {  	[sflag:s26] =	ssyncset.done $0x0  }
0x19c: {  	s6 =	sshrl.u32 @!p0 s16, $0x3;
	s7 =	rddreg [dreg:$0x12];
	[sflag:s26] =	ssyncadd.s32 $0xFFFFD900  }
0x19d: {  	[hbm:s7], [sflag:s0] =	dma.local @!p0 [spmem:s6], $0x100  }
0x19e: {  	s0 =	simm.s32 @!p0 $0xD  }
0x19f: {  	_ =	swait.ge @!p0 [sflag:s0], $0x100  }
0x1a0: {  	s23 =	sadd.s32 $0x1, s23;
	s30 =	rddreg [dreg:$0x13]  }
0x1a1: {  	p1 =	sne.s32 s23, s30  }
.Ltmp2:
0x1a2: {  	_ = 	snop;
	(pc) =	sbr.rel @p1 .LBB2_1-.Ltmp2, $3  }
0x1a3: {  	_ =	sdelay $0x1  }
0x1a4: {  	[sflag:s0] =	ssyncset.done @!p0 $0x0  }
0x1a5: {  	s8 =	simm.s32 $0x100;
	[sflag:s0] =	ssyncadd.s32 @!p0 $0xFFFFFF00  }
0x1a6: {  	_ =	sfence.sel $0x180000  }
0x1a7: {  	[bflag:$0x0] =	sbarrier.arrive $0xFFFF  }
0x1a8: {  	_ =	strace $0x90000047  }
0x1a9: {  	[bflag:$0x2] =	sbarrier.arrive $0xFFFF  }
0x1aa: {  	p0 =	sne.s32 s3, $0x0;
	s0 =	rddreg [dreg:$0x4]  }
0x1ab: {  	s0 =	sadd.s32 @!p0 $0x100000, s0  }
0x1ac: {  	[sflag:s0] =	ssyncadd.tile.s32 @!p0 $0x1;
	_ =	shalt  }
.Lfunc_end2:
_tile_overlayer_lowered:
.L_overlay_start_2:
0x1ad: {  	(tag) =	ssettag $0x2  }
0x1ae: {  	s0 =	rddreg [dreg:$0x0];
	s2 =	stileid.u32  }
0x1af: {  	s1 =	rddreg [dreg:$0x1];
	p0 =	sne.s32 s2, $0x0  }
0x1b0: {  	s3 =	rddreg [dreg:$0x2];
	[bflag:$0x3] =	sbarrier.arrive $0xFFFF;
	s2 =	simm.s32 @!p0 $0x1C0D  }
0x1b1: {  	[timem:s3], [sflag:s2] =	dma.local @!p0 [hbm:s0], s1  }
0x1b2: {  	s0 =	simm.s32 @!p0 $0xD  }
0x1b3: {  	_ =	swait.ge @!p0 [sflag:s0], s1  }
0x1b4: {  	s1 =	ssub.s32 @!p0 $0x0, s1;
	[sflag:s0] =	ssyncset.done @!p0 $0x0  }
0x1b5: {  	[sflag:s0] =	ssyncadd.s32 @!p0 s1  }
0x1b6: {  	[bflag:$0x3] =	sbarrier.arrive $0xFFFF  }
0x1b7: {  	_ =	shalt  }

</sc_bundles>
